<compile_context>
chip_gen: v7x
topology: tpu7x:2x2x1
jax: 0.10.2.dev20260603
libtpu: 0.0.44.dev20260713+nightly
codegen_flags: <defaults>
</compile_context>

<pallas_src>
import functools

import jax
import jax.numpy as jnp
from jax import lax
from jax.experimental import pallas as pl
from jax.experimental.pallas import tpu as pltpu
from jax.experimental.pallas import tpu_sc as plsc

N = 10000
E = 320000
D = 128
R = 64

NC = 2
NS = 16
NW = NC * NS
EPW = E // NW
C = 40
NCH = EPW // C
ROUNDS = 10
NCR = NCH // ROUNDS
CH = 80
RH = 25
NCRH = (EPW // CH) // RH
GROUPS = [(0, 16), (1, 16), (2, 8)]
NPT = N // NS
HPT = (N * R) // NS

_mesh = plsc.VectorSubcoreMesh(core_axis_name="c", subcore_axis_name="s",
                               num_cores=NC, num_subcores=NS)

_GDN = lax.GatherDimensionNumbers(offset_dims=(), collapsed_slice_dims=(0,),
                                  start_index_map=(0,))


def _lane_splat(vec, j):
    idx = jnp.full((16, 1), j, jnp.int32)
    return lax.gather(vec, idx, _GDN, (1,),
                      mode=lax.GatherScatterMode.PROMISE_IN_BOUNDS)


H2 = (N // 2) * R


@functools.partial(
    pl.kernel,
    out_type=[jax.ShapeDtypeStruct((H2 + 8,), jnp.float32),
              jax.ShapeDtypeStruct((H2 + 8,), jnp.float32)],
    mesh=_mesh,
    scratch_types=[
        pltpu.MemorySpace.VMEM((NCRH, CH), jnp.int32),
        pltpu.MemorySpace.VMEM((NCRH, CH), jnp.int32),
        pltpu.MemorySpace.VMEM((NCRH, CH), jnp.int32),
        pltpu.MemorySpace.VMEM((CH,), jnp.float32),
        pltpu.MemorySpace.VMEM((2000,), jnp.float32),
        pltpu.MemorySpace.VMEM_SHARED((H2 + 8,), jnp.float32),
    ],
)
def _sc_hist(tgt_h, rel_h, h0_out, h1_out, idx_t, idx_r, keyb, ones_v,
             zbuf, hist_sh):
    c = lax.axis_index("c")
    s = lax.axis_index("s")
    z16 = jnp.zeros((16,), jnp.float32)

    def zb(i, _):
        zbuf[pl.ds(16 * i, 16)] = z16
        return 0

    lax.fori_loop(0, 125, zb, 0)
    hpt = H2 // NS
    for i in range(hpt // 2000):
        pltpu.sync_copy(zbuf, hist_sh.at[pl.ds(s * hpt + i * 2000, 2000)])

    @pl.when(s == 0)
    def _():
        pltpu.sync_copy(zbuf.at[pl.ds(0, 8)], hist_sh.at[pl.ds(H2, 8)])

    for i in range(CH // 16):
        ones_v[pl.ds(16 * i, 16)] = jnp.full((16,), 1.0, jnp.float32)

    plsc.subcore_barrier()
    lo = c * H2
    for h in range(NC):
        wid_h = s * NC + h

        def round_body(r, _):
            pltpu.sync_copy(tgt_h.at[wid_h, r], idx_t)
            pltpu.sync_copy(rel_h.at[wid_h, r], idx_r)

            def key_body(k, _):
                for sub in range(CH // 16):
                    sl = pl.ds(16 * sub, 16)
                    key = idx_t[k, sl] * R + idx_r[k, sl] - lo
                    ok = jnp.logical_and(key >= 0, key < H2)
                    keyb[k, sl] = jnp.where(ok, key, H2)
                return 0

            lax.fori_loop(0, NCRH, key_body, 0)

            def scat_body(k, _):
                pltpu.sync_copy(ones_v, hist_sh.at[keyb.at[k]], add=True)
                return 0

            lax.fori_loop(0, NCRH, scat_body, 0)
            return 0

        lax.fori_loop(0, RH, round_body, 0)
    plsc.subcore_barrier()

    @pl.when(jnp.logical_and(s == 0, c == 0))
    def _():
        pltpu.sync_copy(hist_sh, h0_out)

    @pl.when(jnp.logical_and(s == 0, c == 1))
    def _():
        pltpu.sync_copy(hist_sh, h1_out)


_ATT0, _M0, _EX0 = 0, 128, 224


@functools.partial(
    pl.kernel,
    out_type=[
        jax.ShapeDtypeStruct((N, D), jnp.float32),
        jax.ShapeDtypeStruct((N, D), jnp.float32),
        jax.ShapeDtypeStruct((N,), jnp.float32),
        jax.ShapeDtypeStruct((N,), jnp.float32),
    ],
    mesh=_mesh,
    compiler_params=pltpu.CompilerParams(needs_layout_passes=False),
    scratch_types=[
        pltpu.MemorySpace.VMEM((NCR, C), jnp.int32),
        pltpu.MemorySpace.VMEM((NCR, C), jnp.int32),
        pltpu.MemorySpace.VMEM((NCR, C), jnp.int32),
        pltpu.MemorySpace.VMEM((2, C, D), jnp.float32),
        pltpu.MemorySpace.VMEM((C, D), jnp.float32),
        pltpu.MemorySpace.VMEM((C, D), jnp.float32),
        pltpu.MemorySpace.VMEM((320,), jnp.float32),
        pltpu.MemorySpace.VMEM((768,), jnp.float32),
        pltpu.MemorySpace.VMEM_SHARED((N, D), jnp.float32),
        pltpu.MemorySpace.VMEM_SHARED((N,), jnp.float32),
        pltpu.SemaphoreType.DMA((2,)),
        pltpu.SemaphoreType.DMA,
        pltpu.SemaphoreType.DMA((2,)),
    ],
)
def _sc_edges(src_h, tgt_h, rel_h, xl_h, xr_h, rw_h, m_h, att_h,
              acc0_out, acc1_out, den0_out, den1_out,
              idx_s, idx_t, idx_r, xlb, xrb, rwb, small_v, at_t,
              acc_sh, den_sh, semg, semx, sems):
    c = lax.axis_index("c")
    s = lax.axis_index("s")
    wid = s * NC + c
    z16 = jnp.zeros((16,), jnp.float32)

    def zrow(rr, _):
        for q in range(D // 16):
            xlb[0, rr, pl.ds(16 * q, 16)] = z16
        return 0

    lax.fori_loop(0, C, zrow, 0)
    for q in range(256 // 16):
        at_t[pl.ds(16 * q, 16)] = z16
    for i in range(NPT // C):
        pltpu.sync_copy(xlb.at[0], acc_sh.at[pl.ds(s * NPT + i * C, C)])
    pltpu.sync_copy(xlb.at[0, pl.ds(0, NPT - (NPT // C) * C)],
                    acc_sh.at[pl.ds(s * NPT + (NPT // C) * C,
                                    NPT - (NPT // C) * C)])

    @pl.when(s == 0)
    def _():
        zsrc = at_t.at[pl.ds(0, 256)]
        for i in range(N // 256):
            pltpu.sync_copy(zsrc, den_sh.at[pl.ds(i * 256, 256)])
        pltpu.sync_copy(at_t.at[pl.ds(0, N - (N // 256) * 256)],
                        den_sh.at[pl.ds((N // 256) * 256,
                                        N - (N // 256) * 256)])

    pltpu.sync_copy(att_h, small_v.at[pl.ds(_ATT0, D)])
    plsc.subcore_barrier()

    att_regs = [small_v[pl.ds(16 * cc, 16)] for cc in range(D // 16)]
    iota16 = lax.iota(jnp.int32, 16)

    def issue_xlm(k, p):
        pltpu.async_copy(xl_h.at[idx_s.at[k]], xlb.at[p], semg.at[p])
        pltpu.async_copy(m_h.at[idx_t.at[k]],
                         small_v.at[pl.ds(_M0 + 48 * p, C)], semg.at[p])

    def wait_xlm(p):
        pltpu.make_async_copy(xl_h.at[idx_s.at[0]], xlb.at[p], semg.at[p]).wait()
        pltpu.make_async_copy(m_h.at[idx_t.at[0]],
                              small_v.at[pl.ds(_M0 + 48 * p, C)],
                              semg.at[p]).wait()

    def issue_xr(k):
        pltpu.async_copy(xr_h.at[idx_t.at[k]], xrb, semx)
        pltpu.async_copy(rw_h.at[idx_r.at[k]], rwb, semx)

    def wait_xr():
        pltpu.make_async_copy(xr_h.at[idx_t.at[0]], xrb, semx).wait()
        pltpu.make_async_copy(rw_h.at[idx_r.at[0]], rwb, semx).wait()

    def issue_scatters(k, p):
        pltpu.async_copy(xlb.at[p], acc_sh.at[idx_t.at[k]], sems.at[p], add=True)
        pltpu.async_copy(small_v.at[pl.ds(_EX0 + 48 * p, C)],
                         den_sh.at[idx_t.at[k]], sems.at[p], add=True)

    def wait_scatters(p):
        pltpu.make_async_copy(xlb.at[p], acc_sh.at[idx_t.at[0]], sems.at[p]).wait()
        pltpu.make_async_copy(small_v.at[pl.ds(_EX0 + 48 * p, C)],
                              den_sh.at[idx_t.at[0]], sems.at[p]).wait()

    def compute_alpha(p):
        def edge(j, _):
            part = None
            for cc in range(D // 16):
                sl = pl.ds(16 * cc, 16)
                v = xlb[p, j, sl] + xrb[j, sl] + rwb[j, sl]
                lr = jnp.maximum(v, 0.2 * v)
                t = lr * att_regs[cc]
                part = t if part is None else part + t
            at_t[pl.ds(j * 16, 16)] = part
            return 0

        lax.fori_loop(0, C, edge, 0)
        for g, nj in GROUPS:
            g16 = g * 16
            asum = None
            for i in range(16):
                col = plsc.load_gather(at_t, [(iota16 + g16) * 16 + i])
                asum = col if asum is None else asum + col
            ex16 = jnp.exp(asum - small_v[pl.ds(_M0 + 48 * p + g16, 16)])
            small_v[pl.ds(_EX0 + 48 * p + g16, 16)] = ex16

    def compute_scale(p):
        def edge(j, _):
            exj = plsc.load_gather(
                small_v, [jnp.full((16,), _EX0, jnp.int32) + 48 * p + j])
            for cc in range(D // 16):
                sl = pl.ds(16 * cc, 16)
                xlb[p, j, sl] = xlb[p, j, sl] * exj
            return 0

        lax.fori_loop(0, C, edge, 0)

    def chunk_body(k, p):
        @pl.when(k + 1 < NCR)
        def _():
            @pl.when(k >= 1)
            def _():
                wait_scatters(1 - p)
            issue_xlm(k + 1, 1 - p)

        wait_xlm(p)
        wait_xr()
        compute_alpha(p)

        @pl.when(k + 1 < NCR)
        def _():
            issue_xr(k + 1)

        compute_scale(p)
        issue_scatters(k, p)

    def round_body(r, _):
        @pl.when(r > 0)
        def _():
            wait_scatters(0)
            wait_scatters(1)

        pltpu.sync_copy(src_h.at[wid, r], idx_s)
        pltpu.sync_copy(tgt_h.at[wid, r], idx_t)
        pltpu.sync_copy(rel_h.at[wid, r], idx_r)
        issue_xlm(0, 0)
        issue_xr(0)

        def chunk(k, _):
            chunk_body(k, lax.rem(k, 2))
            return 0

        lax.fori_loop(0, NCR, chunk, 0)
        return 0

    lax.fori_loop(0, ROUNDS, round_body, 0)
    wait_scatters(0)
    wait_scatters(1)
    plsc.subcore_barrier()

    @pl.when(jnp.logical_and(s == 0, c == 0))
    def _():
        pltpu.sync_copy(acc_sh, acc0_out)
        pltpu.sync_copy(den_sh, den0_out)

    @pl.when(jnp.logical_and(s == 0, c == 1))
    def _():
        pltpu.sync_copy(acc_sh, acc1_out)
        pltpu.sync_copy(den_sh, den1_out)


BN = 1000
NB = N // BN
_HI = lax.Precision.HIGHEST


def _k2a_body(x_ref, wl_ref, bl_ref, wr_ref, br_ref, we_ref, att_ref,
              rel_ref, wblk_ref, bblk_ref,
              xl_ref, xr_ref, b3_ref, maxa_ref, c3_ref, relw_ref, relo_ref):
    i = pl.program_id(0)
    att = att_ref[0, :]
    xb = x_ref[...]
    xl = jnp.dot(xb, wl_ref[...], precision=_HI,
                 preferred_element_type=jnp.float32) + bl_ref[0, :]
    xr = jnp.dot(xb, wr_ref[...], precision=_HI,
                 preferred_element_type=jnp.float32) + br_ref[0, :]
    xl_ref[...] = xl
    xr_ref[...] = xr
    avl = xl * att
    a_vec = jnp.sum(jnp.maximum(avl, 0.2 * avl), axis=1)
    avr = xr * att
    b_vec = jnp.sum(jnp.maximum(avr, 0.2 * avr), axis=1)
    b3_ref[...] = b_vec.reshape(1, 1, BN)
    maxa_ref[...] = jnp.broadcast_to(jnp.max(a_vec), (1, 1, 1))

    @pl.when(i == 0)
    def _():
        relw = jnp.dot(rel_ref[...], we_ref[...], precision=_HI,
                       preferred_element_type=jnp.float32)
        relw_ref[...] = relw
        avc = relw * att
        c3_ref[...] = jnp.sum(jnp.maximum(avc, 0.2 * avc), axis=1).reshape(1, 1, R)
        relo_ref[...] = jnp.dot(jnp.maximum(relw, 0.0), wblk_ref[...],
                                precision=_HI,
                                preferred_element_type=jnp.float32) + bblk_ref[0, :]


def _k2b_body(xl_ref, xr_ref, hist_ref, relw_ref, att_ref, b3_ref,
              maxa_ref, c3_ref,
              m3_ref, exl_ref):
    att = att_ref[0, :]
    histb = hist_ref[...]
    deg = jnp.sum(histb, axis=1)
    loopw = jnp.dot(histb, relw_ref[...], precision=_HI,
                    preferred_element_type=jnp.float32) / \
        jnp.maximum(deg, 1.0)[:, None]
    v = xl_ref[...] + xr_ref[...] + loopw
    lr = jnp.maximum(v, 0.2 * v)
    alpha_loop = jnp.sum(lr * att, axis=1)
    bound = b3_ref[0, 0, :] + jnp.max(maxa_ref[...]) + jnp.max(c3_ref[...])
    m = jnp.maximum(bound, alpha_loop)
    m3_ref[...] = m.reshape(1, 1, BN)
    exl_ref[...] = jnp.exp(alpha_loop - m).reshape(1, 1, BN)


def _k4_body(a0_ref, a1_ref, d0_ref, d1_ref, exl_ref, xl_ref, bias_ref,
             out_ref):
    exl = exl_ref[0, 0, :]
    den = d0_ref[0, 0, :] + d1_ref[0, 0, :] + exl
    accs = a0_ref[...] + a1_ref[...]
    out_ref[...] = (accs + exl[:, None] * xl_ref[...]) / den[:, None] \
        + bias_ref[0, :]


def kernel(x, edge_index, relations, relation_index,
           W_l, b_l, W_r, b_r, W_edge, att, bias_conv, W_blk, b_blk):
    f32 = jnp.float32
    src3 = edge_index[0].reshape(NW, ROUNDS, NCR, C)
    tgt3 = edge_index[1].reshape(NW, ROUNDS, NCR, C)
    rel3 = relation_index.reshape(NW, ROUNDS, NCR, C)
    tgt3h = edge_index[1].reshape(NW, RH, NCRH, CH)
    rel3h = relation_index.reshape(NW, RH, NCRH, CH)
    att2 = att.reshape(1, D)

    h0, h1 = _sc_hist(tgt3h, rel3h)
    hist = jnp.concatenate([h0[:H2], h1[:H2]]).reshape(N, R)

    full = lambda shp: pl.BlockSpec(shp, lambda i: tuple(0 for _ in shp))
    xl, xr, b3, maxa, c3, relw, relo = pl.pallas_call(
        _k2a_body,
        grid=(NB,),
        in_specs=[
            pl.BlockSpec((BN, D), lambda i: (i, 0)),
            full((D, D)), full((1, D)), full((D, D)), full((1, D)),
            full((D, D)), full((1, D)), full((R, D)), full((D, D)),
            full((1, D)),
        ],
        out_specs=[
            pl.BlockSpec((BN, D), lambda i: (i, 0)),
            pl.BlockSpec((BN, D), lambda i: (i, 0)),
            pl.BlockSpec((1, 1, BN), lambda i: (i, 0, 0)),
            pl.BlockSpec((1, 1, 1), lambda i: (i, 0, 0)),
            full((1, 1, R)), full((R, D)), full((R, D)),
        ],
        out_shape=[
            jax.ShapeDtypeStruct((N, D), f32),
            jax.ShapeDtypeStruct((N, D), f32),
            jax.ShapeDtypeStruct((NB, 1, BN), f32),
            jax.ShapeDtypeStruct((NB, 1, 1), f32),
            jax.ShapeDtypeStruct((1, 1, R), f32),
            jax.ShapeDtypeStruct((R, D), f32),
            jax.ShapeDtypeStruct((R, D), f32),
        ],
    )(x, W_l, b_l.reshape(1, D), W_r, b_r.reshape(1, D), W_edge, att2,
      relations, W_blk, b_blk.reshape(1, D))

    m3, exl3 = pl.pallas_call(
        _k2b_body,
        grid=(NB,),
        in_specs=[
            pl.BlockSpec((BN, D), lambda i: (i, 0)),
            pl.BlockSpec((BN, D), lambda i: (i, 0)),
            pl.BlockSpec((BN, R), lambda i: (i, 0)),
            full((R, D)), full((1, D)),
            pl.BlockSpec((1, 1, BN), lambda i: (i, 0, 0)),
            full((NB, 1, 1)), full((1, 1, R)),
        ],
        out_specs=[
            pl.BlockSpec((1, 1, BN), lambda i: (i, 0, 0)),
            pl.BlockSpec((1, 1, BN), lambda i: (i, 0, 0)),
        ],
        out_shape=[
            jax.ShapeDtypeStruct((NB, 1, BN), f32),
            jax.ShapeDtypeStruct((NB, 1, BN), f32),
        ],
    )(xl, xr, hist, relw, att2, b3, maxa, c3)

    m = m3.reshape(N)
    acc0, acc1, den0, den1 = _sc_edges(
        src3, tgt3, rel3, xl, xr, relw, m, att)

    out = pl.pallas_call(
        _k4_body,
        grid=(NB,),
        in_specs=[
            pl.BlockSpec((BN, D), lambda i: (i, 0)),
            pl.BlockSpec((BN, D), lambda i: (i, 0)),
            pl.BlockSpec((1, 1, BN), lambda i: (i, 0, 0)),
            pl.BlockSpec((1, 1, BN), lambda i: (i, 0, 0)),
            pl.BlockSpec((1, 1, BN), lambda i: (i, 0, 0)),
            pl.BlockSpec((BN, D), lambda i: (i, 0)),
            full((1, D)),
        ],
        out_specs=pl.BlockSpec((BN, D), lambda i: (i, 0)),
        out_shape=jax.ShapeDtypeStruct((N, D), f32),
    )(acc0, acc1, den0.reshape(NB, 1, BN), den1.reshape(NB, 1, BN), exl3, xl,
      bias_conv.reshape(1, D))

    return (out, relo)

# --- scband reference (transcript-rebuilt; emitter-appended) ---
"""Pipeline reference for scband-graph-encoder-31301721653959 (READ-ONLY COPY).

The authoritative reference and input builder live on the scoring server;
editing this copy changes nothing except your own understanding.
"""

import jax, jax.numpy as jnp
import numpy as np

N = 10000
E = 320000
D = 128
R = 64


def setup_inputs(seed: int = 0) -> dict:
    key = jax.random.key(seed)
    ks = jax.random.split(key, 16)
    s = 1.0 / np.sqrt(D)
    return {
        "x": jax.random.normal(ks[0], (N, D), jnp.float32),
        "edge_index": jax.random.randint(ks[1], (2, E), 0, N, jnp.int32),
        "relations": jax.random.normal(ks[2], (R, D), jnp.float32),
        "relation_index": jax.random.randint(ks[3], (E,), 0, R, jnp.int32),
        # GATv2Conv params (heads=1, out=128, edge_dim=128, concat=False)
        "W_l": jax.random.normal(ks[4], (D, D), jnp.float32) * s,
        "b_l": jnp.zeros((D,), jnp.float32),
        "W_r": jax.random.normal(ks[5], (D, D), jnp.float32) * s,
        "b_r": jnp.zeros((D,), jnp.float32),
        "W_edge": jax.random.normal(ks[6], (D, D), jnp.float32) * s,
        "att": jax.random.normal(ks[7], (D,), jnp.float32) * s,
        "bias_conv": jnp.zeros((D,), jnp.float32),
        # GATBlock.lin_edge params
        "W_blk": jax.random.normal(ks[8], (D, D), jnp.float32) * s,
        "b_blk": jnp.zeros((D,), jnp.float32),
    }


def reference(x, edge_index, relations, relation_index,
              W_l, b_l, W_r, b_r, W_edge, att, bias_conv, W_blk, b_blk):
    src = edge_index[0]
    tgt = edge_index[1]
    # edge_attr = relations[relation_index]  (gather)
    edge_attr = jnp.take(relations, relation_index, axis=0)

    # add self loops with fill_value='mean': per-node mean of incoming edge_attr
    deg = jax.ops.segment_sum(jnp.ones((E,), jnp.float32), tgt, num_segments=N)
    loop_attr = jax.ops.segment_sum(edge_attr, tgt, num_segments=N) / jnp.clip(deg, 1.0)[:, None]
    loop = jnp.arange(N, dtype=src.dtype)
    src_f = jnp.concatenate([src, loop])
    tgt_f = jnp.concatenate([tgt, loop])
    ea = jnp.concatenate([edge_attr, loop_attr], axis=0)

    # GATv2: x_l = lin_l(x), x_r = lin_r(x)
    x_l = x @ W_l + b_l
    x_r = x @ W_r + b_r

    # message: e = leaky_relu(x_j + x_i + lin_edge(edge_attr)); alpha = e . att
    e = jnp.take(x_l, src_f, axis=0) + jnp.take(x_r, tgt_f, axis=0) + ea @ W_edge
    e = jax.nn.leaky_relu(e, 0.2)
    alpha = e @ att  # [E+N]

    # softmax over edges grouped by target node
    amax = jax.ops.segment_max(alpha, tgt_f, num_segments=N)
    amax = jax.lax.stop_gradient(amax)
    ex = jnp.exp(alpha - jnp.take(amax, tgt_f, axis=0))
    denom = jax.ops.segment_sum(ex, tgt_f, num_segments=N)
    a = ex / jnp.take(denom, tgt_f, axis=0)

    # aggregate: out[j] = sum_e a_e * x_l[src_e]; heads=1, concat=False -> mean == identity
    out = jax.ops.segment_sum(a[:, None] * jnp.take(x_l, src_f, axis=0), tgt_f, num_segments=N)
    out = out + bias_conv  # dropout in eval mode (identity)

    # relations branch: conv.lin_edge -> relu -> block lin_edge
    rel = jax.nn.relu(relations @ W_edge)
    rel = rel @ W_blk + b_blk
    return (out, rel)

if __name__ == "__main__":
    import jax
    _d = setup_inputs()
    print(jax.jit(kernel)(*tuple(_d.values())))

</pallas_src>

<mosaic_0001>
#map = affine_map<(d0, d1) -> (0, 0, 0, 0)>
#map1 = affine_map<(d0, d1) -> (0)>
module attributes {stable_mosaic.version = 14 : i64} {
  func.func @_sc_hist(%arg0: i32, %arg1: i32, %arg2: memref<32x25x5x80xi32, #tpu.memory_space<hbm>>, %arg3: memref<32x25x5x80xi32, #tpu.memory_space<hbm>>, %arg4: memref<320008xf32, #tpu.memory_space<hbm>>, %arg5: memref<320008xf32, #tpu.memory_space<hbm>>, %arg6: memref<5x80xi32, #tpu.memory_space<vmem>>, %arg7: memref<5x80xi32, #tpu.memory_space<vmem>>, %arg8: memref<5x80xi32, #tpu.memory_space<vmem>>, %arg9: memref<80xf32, #tpu.memory_space<vmem>>, %arg10: memref<2000xf32, #tpu.memory_space<vmem>>, %arg11: memref<320008xf32, #tpu.memory_space<vmem_shared>>) attributes {dimension_semantics = [#tpu.dimension_semantics<core_parallel>, #tpu.dimension_semantics<subcore_parallel>], iteration_bounds = array<i64: 2, 16>, scalar_prefetch = 0 : i64, scratch_operands = 6 : i64, tpu.core_type = #tpu.core_type<sc_vector_subcore>, window_params = [{transform_indices = #map}, {transform_indices = #map}, {transform_indices = #map1}, {transform_indices = #map1}]} {
    %broadcast_in_dim3A = arith.constant 0.000000e+00 : f32
    %broadcast_in_dim3A_0 = vector.broadcast %broadcast_in_dim3A : f32 to vector<16xf32>
    %scan3A = arith.constant 0 : i32
    %scan3A_1 = arith.constant 0 : i32
    %scan3A_2 = arith.constant 125 : i32
    %scan3A_3 = arith.addi %scan3A_1, %scan3A_2 : i32
    %scan3A_4 = arith.constant 1 : i32
    %scan3A_5 = scf.for %scan3A_116 = %scan3A_1 to %scan3A_3 step %scan3A_4 iter_args(%scan3A_117 = %scan3A) -> (i32)  : i32 {
      %mul3A_118 = arith.constant 16 : i32
      %mul3A_119 = arith.muli %mul3A_118, %scan3A_116 : i32
      %swap3A_120 = arith.index_cast %mul3A_119 : i32 to index
      %swap3A_121 = tpu.vector_load %arg10[%swap3A_120] {strides = array<i32>} : memref<2000xf32, #tpu.memory_space<vmem>>, vector<16xf32>,
      %swap3A_122 = vector.shape_cast %swap3A_121 : vector<16xf32> to vector<16xf32>
      %swap3A_123 = vector.shape_cast %broadcast_in_dim3A_0 : vector<16xf32> to vector<16xf32>
      tpu.vector_store %arg10[%swap3A_120], %swap3A_123 {strides = array<i32>} : memref<2000xf32, #tpu.memory_space<vmem>>, vector<16xf32>,
      %scan3A_124 = arith.constant 0 : i32
      scf.yield %scan3A_124 : i32
    }
    %scan3A_6 = arith.constant 125 : i32
    %mul3A = arith.constant 20000 : i32
    %mul3A_7 = arith.muli %arg1, %mul3A : i32
    %add3A = arith.constant 0 : i32
    %add3A_8 = arith.addi %mul3A_7, %add3A : i32
    "tpu.region"() ({
      %run_scoped3A = tpu.sem_alloc : memref<!tpu.dma_semaphore, #tpu.memory_space<semaphore_mem>>
      %dma_start3A = tpu.memref_slice %arg11[%add3A_8] : memref<320008xf32, #tpu.memory_space<vmem_shared>> -> memref<2000xf32, #tpu.memory_space<vmem_shared>>
      %dma_start3A_116 = tpu.memref_slice %arg11[%add3A_8] : memref<320008xf32, #tpu.memory_space<vmem_shared>> -> memref<2000xf32, #tpu.memory_space<vmem_shared>>
      tpu.enqueue_dma source(%arg10 : memref<2000xf32, #tpu.memory_space<vmem>>) target(%dma_start3A_116 : memref<2000xf32, #tpu.memory_space<vmem_shared>>) target_semaphore(%run_scoped3A : memref<!tpu.dma_semaphore, #tpu.memory_space<semaphore_mem>>)
      %dma_wait3A = tpu.memref_slice %arg11[%add3A_8] : memref<320008xf32, #tpu.memory_space<vmem_shared>> -> memref<2000xf32, #tpu.memory_space<vmem_shared>>
      %dma_wait3A_117 = tpu.memref_slice %arg11[%add3A_8] : memref<320008xf32, #tpu.memory_space<vmem_shared>> -> memref<2000xf32, #tpu.memory_space<vmem_shared>>
      tpu.wait_dma2 semaphore(%run_scoped3A : memref<!tpu.dma_semaphore, #tpu.memory_space<semaphore_mem>>) src(%arg10 : memref<2000xf32, #tpu.memory_space<vmem>>) dst(%dma_wait3A_117 : memref<2000xf32, #tpu.memory_space<vmem_shared>>)
      tpu.yield
    }) : () -> ()
    %mul3A_9 = arith.constant 20000 : i32
    %mul3A_10 = arith.muli %arg1, %mul3A_9 : i32
    %add3A_11 = arith.constant 2000 : i32
    %add3A_12 = arith.addi %mul3A_10, %add3A_11 : i32
    "tpu.region"() ({
      %run_scoped3A = tpu.sem_alloc : memref<!tpu.dma_semaphore, #tpu.memory_space<semaphore_mem>>
      %dma_start3A = tpu.memref_slice %arg11[%add3A_12] : memref<320008xf32, #tpu.memory_space<vmem_shared>> -> memref<2000xf32, #tpu.memory_space<vmem_shared>>
      %dma_start3A_116 = tpu.memref_slice %arg11[%add3A_12] : memref<320008xf32, #tpu.memory_space<vmem_shared>> -> memref<2000xf32, #tpu.memory_space<vmem_shared>>
      tpu.enqueue_dma source(%arg10 : memref<2000xf32, #tpu.memory_space<vmem>>) target(%dma_start3A_116 : memref<2000xf32, #tpu.memory_space<vmem_shared>>) target_semaphore(%run_scoped3A : memref<!tpu.dma_semaphore, #tpu.memory_space<semaphore_mem>>)
      %dma_wait3A = tpu.memref_slice %arg11[%add3A_12] : memref<320008xf32, #tpu.memory_space<vmem_shared>> -> memref<2000xf32, #tpu.memory_space<vmem_shared>>
      %dma_wait3A_117 = tpu.memref_slice %arg11[%add3A_12] : memref<320008xf32, #tpu.memory_space<vmem_shared>> -> memref<2000xf32, #tpu.memory_space<vmem_shared>>
      tpu.wait_dma2 semaphore(%run_scoped3A : memref<!tpu.dma_semaphore, #tpu.memory_space<semaphore_mem>>) src(%arg10 : memref<2000xf32, #tpu.memory_space<vmem>>) dst(%dma_wait3A_117 : memref<2000xf32, #tpu.memory_space<vmem_shared>>)
      tpu.yield
    }) : () -> ()
    %mul3A_13 = arith.constant 20000 : i32
    %mul3A_14 = arith.muli %arg1, %mul3A_13 : i32
    %add3A_15 = arith.constant 4000 : i32
    %add3A_16 = arith.addi %mul3A_14, %add3A_15 : i32
    "tpu.region"() ({
      %run_scoped3A = tpu.sem_alloc : memref<!tpu.dma_semaphore, #tpu.memory_space<semaphore_mem>>
      %dma_start3A = tpu.memref_slice %arg11[%add3A_16] : memref<320008xf32, #tpu.memory_space<vmem_shared>> -> memref<2000xf32, #tpu.memory_space<vmem_shared>>
      %dma_start3A_116 = tpu.memref_slice %arg11[%add3A_16] : memref<320008xf32, #tpu.memory_space<vmem_shared>> -> memref<2000xf32, #tpu.memory_space<vmem_shared>>
      tpu.enqueue_dma source(%arg10 : memref<2000xf32, #tpu.memory_space<vmem>>) target(%dma_start3A_116 : memref<2000xf32, #tpu.memory_space<vmem_shared>>) target_semaphore(%run_scoped3A : memref<!tpu.dma_semaphore, #tpu.memory_space<semaphore_mem>>)
      %dma_wait3A = tpu.memref_slice %arg11[%add3A_16] : memref<320008xf32, #tpu.memory_space<vmem_shared>> -> memref<2000xf32, #tpu.memory_space<vmem_shared>>
      %dma_wait3A_117 = tpu.memref_slice %arg11[%add3A_16] : memref<320008xf32, #tpu.memory_space<vmem_shared>> -> memref<2000xf32, #tpu.memory_space<vmem_shared>>
      tpu.wait_dma2 semaphore(%run_scoped3A : memref<!tpu.dma_semaphore, #tpu.memory_space<semaphore_mem>>) src(%arg10 : memref<2000xf32, #tpu.memory_space<vmem>>) dst(%dma_wait3A_117 : memref<2000xf32, #tpu.memory_space<vmem_shared>>)
      tpu.yield
    }) : () -> ()
    %mul3A_17 = arith.constant 20000 : i32
    %mul3A_18 = arith.muli %arg1, %mul3A_17 : i32
    %add3A_19 = arith.constant 6000 : i32
    %add3A_20 = arith.addi %mul3A_18, %add3A_19 : i32
    "tpu.region"() ({
      %run_scoped3A = tpu.sem_alloc : memref<!tpu.dma_semaphore, #tpu.memory_space<semaphore_mem>>
      %dma_start3A = tpu.memref_slice %arg11[%add3A_20] : memref<320008xf32, #tpu.memory_space<vmem_shared>> -> memref<2000xf32, #tpu.memory_space<vmem_shared>>
      %dma_start3A_116 = tpu.memref_slice %arg11[%add3A_20] : memref<320008xf32, #tpu.memory_space<vmem_shared>> -> memref<2000xf32, #tpu.memory_space<vmem_shared>>
      tpu.enqueue_dma source(%arg10 : memref<2000xf32, #tpu.memory_space<vmem>>) target(%dma_start3A_116 : memref<2000xf32, #tpu.memory_space<vmem_shared>>) target_semaphore(%run_scoped3A : memref<!tpu.dma_semaphore, #tpu.memory_space<semaphore_mem>>)
      %dma_wait3A = tpu.memref_slice %arg11[%add3A_20] : memref<320008xf32, #tpu.memory_space<vmem_shared>> -> memref<2000xf32, #tpu.memory_space<vmem_shared>>
      %dma_wait3A_117 = tpu.memref_slice %arg11[%add3A_20] : memref<320008xf32, #tpu.memory_space<vmem_shared>> -> memref<2000xf32, #tpu.memory_space<vmem_shared>>
      tpu.wait_dma2 semaphore(%run_scoped3A : memref<!tpu.dma_semaphore, #tpu.memory_space<semaphore_mem>>) src(%arg10 : memref<2000xf32, #tpu.memory_space<vmem>>) dst(%dma_wait3A_117 : memref<2000xf32, #tpu.memory_space<vmem_shared>>)
      tpu.yield
    }) : () -> ()
    %mul3A_21 = arith.constant 20000 : i32
    %mul3A_22 = arith.muli %arg1, %mul3A_21 : i32
    %add3A_23 = arith.constant 8000 : i32
    %add3A_24 = arith.addi %mul3A_22, %add3A_23 : i32
    "tpu.region"() ({
      %run_scoped3A = tpu.sem_alloc : memref<!tpu.dma_semaphore, #tpu.memory_space<semaphore_mem>>
      %dma_start3A = tpu.memref_slice %arg11[%add3A_24] : memref<320008xf32, #tpu.memory_space<vmem_shared>> -> memref<2000xf32, #tpu.memory_space<vmem_shared>>
      %dma_start3A_116 = tpu.memref_slice %arg11[%add3A_24] : memref<320008xf32, #tpu.memory_space<vmem_shared>> -> memref<2000xf32, #tpu.memory_space<vmem_shared>>
      tpu.enqueue_dma source(%arg10 : memref<2000xf32, #tpu.memory_space<vmem>>) target(%dma_start3A_116 : memref<2000xf32, #tpu.memory_space<vmem_shared>>) target_semaphore(%run_scoped3A : memref<!tpu.dma_semaphore, #tpu.memory_space<semaphore_mem>>)
      %dma_wait3A = tpu.memref_slice %arg11[%add3A_24] : memref<320008xf32, #tpu.memory_space<vmem_shared>> -> memref<2000xf32, #tpu.memory_space<vmem_shared>>
      %dma_wait3A_117 = tpu.memref_slice %arg11[%add3A_24] : memref<320008xf32, #tpu.memory_space<vmem_shared>> -> memref<2000xf32, #tpu.memory_space<vmem_shared>>
      tpu.wait_dma2 semaphore(%run_scoped3A : memref<!tpu.dma_semaphore, #tpu.memory_space<semaphore_mem>>) src(%arg10 : memref<2000xf32, #tpu.memory_space<vmem>>) dst(%dma_wait3A_117 : memref<2000xf32, #tpu.memory_space<vmem_shared>>)
      tpu.yield
    }) : () -> ()
    %mul3A_25 = arith.constant 20000 : i32
    %mul3A_26 = arith.muli %arg1, %mul3A_25 : i32
    %add3A_27 = arith.constant 10000 : i32
    %add3A_28 = arith.addi %mul3A_26, %add3A_27 : i32
    "tpu.region"() ({
      %run_scoped3A = tpu.sem_alloc : memref<!tpu.dma_semaphore, #tpu.memory_space<semaphore_mem>>
      %dma_start3A = tpu.memref_slice %arg11[%add3A_28] : memref<320008xf32, #tpu.memory_space<vmem_shared>> -> memref<2000xf32, #tpu.memory_space<vmem_shared>>
      %dma_start3A_116 = tpu.memref_slice %arg11[%add3A_28] : memref<320008xf32, #tpu.memory_space<vmem_shared>> -> memref<2000xf32, #tpu.memory_space<vmem_shared>>
      tpu.enqueue_dma source(%arg10 : memref<2000xf32, #tpu.memory_space<vmem>>) target(%dma_start3A_116 : memref<2000xf32, #tpu.memory_space<vmem_shared>>) target_semaphore(%run_scoped3A : memref<!tpu.dma_semaphore, #tpu.memory_space<semaphore_mem>>)
      %dma_wait3A = tpu.memref_slice %arg11[%add3A_28] : memref<320008xf32, #tpu.memory_space<vmem_shared>> -> memref<2000xf32, #tpu.memory_space<vmem_shared>>
      %dma_wait3A_117 = tpu.memref_slice %arg11[%add3A_28] : memref<320008xf32, #tpu.memory_space<vmem_shared>> -> memref<2000xf32, #tpu.memory_space<vmem_shared>>
      tpu.wait_dma2 semaphore(%run_scoped3A : memref<!tpu.dma_semaphore, #tpu.memory_space<semaphore_mem>>) src(%arg10 : memref<2000xf32, #tpu.memory_space<vmem>>) dst(%dma_wait3A_117 : memref<2000xf32, #tpu.memory_space<vmem_shared>>)
      tpu.yield
    }) : () -> ()
    %mul3A_29 = arith.constant 20000 : i32
    %mul3A_30 = arith.muli %arg1, %mul3A_29 : i32
    %add3A_31 = arith.constant 12000 : i32
    %add3A_32 = arith.addi %mul3A_30, %add3A_31 : i32
    "tpu.region"() ({
      %run_scoped3A = tpu.sem_alloc : memref<!tpu.dma_semaphore, #tpu.memory_space<semaphore_mem>>
      %dma_start3A = tpu.memref_slice %arg11[%add3A_32] : memref<320008xf32, #tpu.memory_space<vmem_shared>> -> memref<2000xf32, #tpu.memory_space<vmem_shared>>
      %dma_start3A_116 = tpu.memref_slice %arg11[%add3A_32] : memref<320008xf32, #tpu.memory_space<vmem_shared>> -> memref<2000xf32, #tpu.memory_space<vmem_shared>>
      tpu.enqueue_dma source(%arg10 : memref<2000xf32, #tpu.memory_space<vmem>>) target(%dma_start3A_116 : memref<2000xf32, #tpu.memory_space<vmem_shared>>) target_semaphore(%run_scoped3A : memref<!tpu.dma_semaphore, #tpu.memory_space<semaphore_mem>>)
      %dma_wait3A = tpu.memref_slice %arg11[%add3A_32] : memref<320008xf32, #tpu.memory_space<vmem_shared>> -> memref<2000xf32, #tpu.memory_space<vmem_shared>>
      %dma_wait3A_117 = tpu.memref_slice %arg11[%add3A_32] : memref<320008xf32, #tpu.memory_space<vmem_shared>> -> memref<2000xf32, #tpu.memory_space<vmem_shared>>
      tpu.wait_dma2 semaphore(%run_scoped3A : memref<!tpu.dma_semaphore, #tpu.memory_space<semaphore_mem>>) src(%arg10 : memref<2000xf32, #tpu.memory_space<vmem>>) dst(%dma_wait3A_117 : memref<2000xf32, #tpu.memory_space<vmem_shared>>)
      tpu.yield
    }) : () -> ()
    %mul3A_33 = arith.constant 20000 : i32
    %mul3A_34 = arith.muli %arg1, %mul3A_33 : i32
    %add3A_35 = arith.constant 14000 : i32
    %add3A_36 = arith.addi %mul3A_34, %add3A_35 : i32
    "tpu.region"() ({
      %run_scoped3A = tpu.sem_alloc : memref<!tpu.dma_semaphore, #tpu.memory_space<semaphore_mem>>
      %dma_start3A = tpu.memref_slice %arg11[%add3A_36] : memref<320008xf32, #tpu.memory_space<vmem_shared>> -> memref<2000xf32, #tpu.memory_space<vmem_shared>>
      %dma_start3A_116 = tpu.memref_slice %arg11[%add3A_36] : memref<320008xf32, #tpu.memory_space<vmem_shared>> -> memref<2000xf32, #tpu.memory_space<vmem_shared>>
      tpu.enqueue_dma source(%arg10 : memref<2000xf32, #tpu.memory_space<vmem>>) target(%dma_start3A_116 : memref<2000xf32, #tpu.memory_space<vmem_shared>>) target_semaphore(%run_scoped3A : memref<!tpu.dma_semaphore, #tpu.memory_space<semaphore_mem>>)
      %dma_wait3A = tpu.memref_slice %arg11[%add3A_36] : memref<320008xf32, #tpu.memory_space<vmem_shared>> -> memref<2000xf32, #tpu.memory_space<vmem_shared>>
      %dma_wait3A_117 = tpu.memref_slice %arg11[%add3A_36] : memref<320008xf32, #tpu.memory_space<vmem_shared>> -> memref<2000xf32, #tpu.memory_space<vmem_shared>>
      tpu.wait_dma2 semaphore(%run_scoped3A : memref<!tpu.dma_semaphore, #tpu.memory_space<semaphore_mem>>) src(%arg10 : memref<2000xf32, #tpu.memory_space<vmem>>) dst(%dma_wait3A_117 : memref<2000xf32, #tpu.memory_space<vmem_shared>>)
      tpu.yield
    }) : () -> ()
    %mul3A_37 = arith.constant 20000 : i32
    %mul3A_38 = arith.muli %arg1, %mul3A_37 : i32
    %add3A_39 = arith.constant 16000 : i32
    %add3A_40 = arith.addi %mul3A_38, %add3A_39 : i32
    "tpu.region"() ({
      %run_scoped3A = tpu.sem_alloc : memref<!tpu.dma_semaphore, #tpu.memory_space<semaphore_mem>>
      %dma_start3A = tpu.memref_slice %arg11[%add3A_40] : memref<320008xf32, #tpu.memory_space<vmem_shared>> -> memref<2000xf32, #tpu.memory_space<vmem_shared>>
      %dma_start3A_116 = tpu.memref_slice %arg11[%add3A_40] : memref<320008xf32, #tpu.memory_space<vmem_shared>> -> memref<2000xf32, #tpu.memory_space<vmem_shared>>
      tpu.enqueue_dma source(%arg10 : memref<2000xf32, #tpu.memory_space<vmem>>) target(%dma_start3A_116 : memref<2000xf32, #tpu.memory_space<vmem_shared>>) target_semaphore(%run_scoped3A : memref<!tpu.dma_semaphore, #tpu.memory_space<semaphore_mem>>)
      %dma_wait3A = tpu.memref_slice %arg11[%add3A_40] : memref<320008xf32, #tpu.memory_space<vmem_shared>> -> memref<2000xf32, #tpu.memory_space<vmem_shared>>
      %dma_wait3A_117 = tpu.memref_slice %arg11[%add3A_40] : memref<320008xf32, #tpu.memory_space<vmem_shared>> -> memref<2000xf32, #tpu.memory_space<vmem_shared>>
      tpu.wait_dma2 semaphore(%run_scoped3A : memref<!tpu.dma_semaphore, #tpu.memory_space<semaphore_mem>>) src(%arg10 : memref<2000xf32, #tpu.memory_space<vmem>>) dst(%dma_wait3A_117 : memref<2000xf32, #tpu.memory_space<vmem_shared>>)
      tpu.yield
    }) : () -> ()
    %mul3A_41 = arith.constant 20000 : i32
    %mul3A_42 = arith.muli %arg1, %mul3A_41 : i32
    %add3A_43 = arith.constant 18000 : i32
    %add3A_44 = arith.addi %mul3A_42, %add3A_43 : i32
    "tpu.region"() ({
      %run_scoped3A = tpu.sem_alloc : memref<!tpu.dma_semaphore, #tpu.memory_space<semaphore_mem>>
      %dma_start3A = tpu.memref_slice %arg11[%add3A_44] : memref<320008xf32, #tpu.memory_space<vmem_shared>> -> memref<2000xf32, #tpu.memory_space<vmem_shared>>
      %dma_start3A_116 = tpu.memref_slice %arg11[%add3A_44] : memref<320008xf32, #tpu.memory_space<vmem_shared>> -> memref<2000xf32, #tpu.memory_space<vmem_shared>>
      tpu.enqueue_dma source(%arg10 : memref<2000xf32, #tpu.memory_space<vmem>>) target(%dma_start3A_116 : memref<2000xf32, #tpu.memory_space<vmem_shared>>) target_semaphore(%run_scoped3A : memref<!tpu.dma_semaphore, #tpu.memory_space<semaphore_mem>>)
      %dma_wait3A = tpu.memref_slice %arg11[%add3A_44] : memref<320008xf32, #tpu.memory_space<vmem_shared>> -> memref<2000xf32, #tpu.memory_space<vmem_shared>>
      %dma_wait3A_117 = tpu.memref_slice %arg11[%add3A_44] : memref<320008xf32, #tpu.memory_space<vmem_shared>> -> memref<2000xf32, #tpu.memory_space<vmem_shared>>
      tpu.wait_dma2 semaphore(%run_scoped3A : memref<!tpu.dma_semaphore, #tpu.memory_space<semaphore_mem>>) src(%arg10 : memref<2000xf32, #tpu.memory_space<vmem>>) dst(%dma_wait3A_117 : memref<2000xf32, #tpu.memory_space<vmem_shared>>)
      tpu.yield
    }) : () -> ()
    %eq3A = arith.constant 0 : i32
    %eq3A_45 = arith.cmpi eq, %arg1, %eq3A : i32
    %convert_element_type3A = arith.extui %eq3A_45 : i1 to i32
    %cond3A = arith.constant 0 : i32
    %cond3A_46 = arith.cmpi ne, %convert_element_type3A, %cond3A : i32
    scf.if %cond3A_46 {
      "tpu.region"() ({
        %run_scoped3A = tpu.sem_alloc : memref<!tpu.dma_semaphore, #tpu.memory_space<semaphore_mem>>
        %dma_start3A = arith.constant 0 : i32
        %dma_start3A_116 = tpu.memref_slice %arg10[%dma_start3A] : memref<2000xf32, #tpu.memory_space<vmem>> -> memref<8xf32, #tpu.memory_space<vmem>>
        %dma_start3A_117 = arith.constant 320000 : i32
        %dma_start3A_118 = tpu.memref_slice %arg11[%dma_start3A_117] : memref<320008xf32, #tpu.memory_space<vmem_shared>> -> memref<8xf32, #tpu.memory_space<vmem_shared>>
        %dma_start3A_119 = arith.constant 320000 : i32
        %dma_start3A_120 = tpu.memref_slice %arg11[%dma_start3A_119] : memref<320008xf32, #tpu.memory_space<vmem_shared>> -> memref<8xf32, #tpu.memory_space<vmem_shared>>
        %dma_start3A_121 = arith.constant 0 : i32
        %dma_start3A_122 = tpu.memref_slice %arg10[%dma_start3A_121] : memref<2000xf32, #tpu.memory_space<vmem>> -> memref<8xf32, #tpu.memory_space<vmem>>
        tpu.enqueue_dma source(%dma_start3A_122 : memref<8xf32, #tpu.memory_space<vmem>>) target(%dma_start3A_120 : memref<8xf32, #tpu.memory_space<vmem_shared>>) target_semaphore(%run_scoped3A : memref<!tpu.dma_semaphore, #tpu.memory_space<semaphore_mem>>)
        %dma_wait3A = arith.constant 0 : i32
        %dma_wait3A_123 = tpu.memref_slice %arg10[%dma_wait3A] : memref<2000xf32, #tpu.memory_space<vmem>> -> memref<8xf32, #tpu.memory_space<vmem>>
        %dma_wait3A_124 = arith.constant 320000 : i32
        %dma_wait3A_125 = tpu.memref_slice %arg11[%dma_wait3A_124] : memref<320008xf32, #tpu.memory_space<vmem_shared>> -> memref<8xf32, #tpu.memory_space<vmem_shared>>
        %dma_wait3A_126 = arith.constant 320000 : i32
        %dma_wait3A_127 = tpu.memref_slice %arg11[%dma_wait3A_126] : memref<320008xf32, #tpu.memory_space<vmem_shared>> -> memref<8xf32, #tpu.memory_space<vmem_shared>>
        %dma_wait3A_128 = arith.constant 0 : i32
        %dma_wait3A_129 = tpu.memref_slice %arg10[%dma_wait3A_128] : memref<2000xf32, #tpu.memory_space<vmem>> -> memref<8xf32, #tpu.memory_space<vmem>>
        tpu.wait_dma2 semaphore(%run_scoped3A : memref<!tpu.dma_semaphore, #tpu.memory_space<semaphore_mem>>) src(%dma_wait3A_129 : memref<8xf32, #tpu.memory_space<vmem>>) dst(%dma_wait3A_127 : memref<8xf32, #tpu.memory_space<vmem_shared>>)
        tpu.yield
      }) : () -> ()
    } else {
    }
    %broadcast_in_dim3A_47 = arith.constant 1.000000e+00 : f32
    %broadcast_in_dim3A_48 = vector.broadcast %broadcast_in_dim3A_47 : f32 to vector<16xf32>
    %swap3A = arith.constant 0 : index
    %swap3A_49 = tpu.vector_load %arg9[%swap3A] {strides = array<i32>} : memref<80xf32, #tpu.memory_space<vmem>>, vector<16xf32>,
    %swap3A_50 = vector.shape_cast %swap3A_49 : vector<16xf32> to vector<16xf32>
    %swap3A_51 = vector.shape_cast %broadcast_in_dim3A_48 : vector<16xf32> to vector<16xf32>
    tpu.vector_store %arg9[%swap3A], %swap3A_51 {strides = array<i32>} : memref<80xf32, #tpu.memory_space<vmem>>, vector<16xf32>,
    %broadcast_in_dim3A_52 = arith.constant 1.000000e+00 : f32
    %broadcast_in_dim3A_53 = vector.broadcast %broadcast_in_dim3A_52 : f32 to vector<16xf32>
    %swap3A_54 = arith.constant 16 : index
    %swap3A_55 = tpu.vector_load %arg9[%swap3A_54] {strides = array<i32>} : memref<80xf32, #tpu.memory_space<vmem>>, vector<16xf32>,
    %swap3A_56 = vector.shape_cast %swap3A_55 : vector<16xf32> to vector<16xf32>
    %swap3A_57 = vector.shape_cast %broadcast_in_dim3A_53 : vector<16xf32> to vector<16xf32>
    tpu.vector_store %arg9[%swap3A_54], %swap3A_57 {strides = array<i32>} : memref<80xf32, #tpu.memory_space<vmem>>, vector<16xf32>,
    %broadcast_in_dim3A_58 = arith.constant 1.000000e+00 : f32
    %broadcast_in_dim3A_59 = vector.broadcast %broadcast_in_dim3A_58 : f32 to vector<16xf32>
    %swap3A_60 = arith.constant 32 : index
    %swap3A_61 = tpu.vector_load %arg9[%swap3A_60] {strides = array<i32>} : memref<80xf32, #tpu.memory_space<vmem>>, vector<16xf32>,
    %swap3A_62 = vector.shape_cast %swap3A_61 : vector<16xf32> to vector<16xf32>
    %swap3A_63 = vector.shape_cast %broadcast_in_dim3A_59 : vector<16xf32> to vector<16xf32>
    tpu.vector_store %arg9[%swap3A_60], %swap3A_63 {strides = array<i32>} : memref<80xf32, #tpu.memory_space<vmem>>, vector<16xf32>,
    %broadcast_in_dim3A_64 = arith.constant 1.000000e+00 : f32
    %broadcast_in_dim3A_65 = vector.broadcast %broadcast_in_dim3A_64 : f32 to vector<16xf32>
    %swap3A_66 = arith.constant 48 : index
    %swap3A_67 = tpu.vector_load %arg9[%swap3A_66] {strides = array<i32>} : memref<80xf32, #tpu.memory_space<vmem>>, vector<16xf32>,
    %swap3A_68 = vector.shape_cast %swap3A_67 : vector<16xf32> to vector<16xf32>
    %swap3A_69 = vector.shape_cast %broadcast_in_dim3A_65 : vector<16xf32> to vector<16xf32>
    tpu.vector_store %arg9[%swap3A_66], %swap3A_69 {strides = array<i32>} : memref<80xf32, #tpu.memory_space<vmem>>, vector<16xf32>,
    %broadcast_in_dim3A_70 = arith.constant 1.000000e+00 : f32
    %broadcast_in_dim3A_71 = vector.broadcast %broadcast_in_dim3A_70 : f32 to vector<16xf32>
    %swap3A_72 = arith.constant 64 : index
    %swap3A_73 = tpu.vector_load %arg9[%swap3A_72] {strides = array<i32>} : memref<80xf32, #tpu.memory_space<vmem>>, vector<16xf32>,
    %swap3A_74 = vector.shape_cast %swap3A_73 : vector<16xf32> to vector<16xf32>
    %swap3A_75 = vector.shape_cast %broadcast_in_dim3A_71 : vector<16xf32> to vector<16xf32>
    tpu.vector_store %arg9[%swap3A_72], %swap3A_75 {strides = array<i32>} : memref<80xf32, #tpu.memory_space<vmem>>, vector<16xf32>,
    %barrier3A = arith.constant 0 : index
    tpu.barrier barrier_id(%barrier3A)
    %mul3A_76 = arith.constant 320000 : i32
    %mul3A_77 = arith.muli %arg0, %mul3A_76 : i32
    %mul3A_78 = arith.constant 2 : i32
    %mul3A_79 = arith.muli %arg1, %mul3A_78 : i32
    %add3A_80 = arith.constant 0 : i32
    %add3A_81 = arith.addi %mul3A_79, %add3A_80 : i32
    %scan3A_82 = arith.constant 0 : i32
    %scan3A_83 = arith.constant 0 : i32
    %scan3A_84 = arith.constant 25 : i32
    %scan3A_85 = arith.addi %scan3A_83, %scan3A_84 : i32
    %scan3A_86 = arith.constant 1 : i32
    %scan3A_87 = scf.for %scan3A_116 = %scan3A_83 to %scan3A_85 step %scan3A_86 iter_args(%scan3A_117 = %scan3A_82) -> (i32)  : i32 {
      "tpu.region"() ({
        %run_scoped3A = tpu.sem_alloc : memref<!tpu.dma_semaphore, #tpu.memory_space<semaphore_mem>>
        %dma_start3A = arith.constant 0 : i32
        %dma_start3A_133 = arith.constant 0 : i32
        %dma_start3A_134 = tpu.memref_slice %arg2[%add3A_81, %scan3A_116, %dma_start3A, %dma_start3A_133] : memref<32x25x5x80xi32, #tpu.memory_space<hbm>> -> memref<1x1x5x80xi32, #tpu.memory_space<hbm>>
        %dma_start3A_135 = tpu.memref_squeeze %dma_start3A_134 : memref<1x1x5x80xi32, #tpu.memory_space<hbm>> -> memref<5x80xi32, #tpu.memory_space<hbm>>
        %dma_start3A_136 = arith.constant 0 : i32
        %dma_start3A_137 = arith.constant 0 : i32
        %dma_start3A_138 = tpu.memref_slice %arg2[%add3A_81, %scan3A_116, %dma_start3A_136, %dma_start3A_137] : memref<32x25x5x80xi32, #tpu.memory_space<hbm>> -> memref<1x1x5x80xi32, #tpu.memory_space<hbm>>
        %dma_start3A_139 = tpu.memref_squeeze %dma_start3A_138 : memref<1x1x5x80xi32, #tpu.memory_space<hbm>> -> memref<5x80xi32, #tpu.memory_space<hbm>>
        tpu.enqueue_dma source(%dma_start3A_139 : memref<5x80xi32, #tpu.memory_space<hbm>>) target(%arg6 : memref<5x80xi32, #tpu.memory_space<vmem>>) target_semaphore(%run_scoped3A : memref<!tpu.dma_semaphore, #tpu.memory_space<semaphore_mem>>)
        %dma_wait3A = arith.constant 0 : i32
        %dma_wait3A_140 = arith.constant 0 : i32
        %dma_wait3A_141 = tpu.memref_slice %arg2[%add3A_81, %scan3A_116, %dma_wait3A, %dma_wait3A_140] : memref<32x25x5x80xi32, #tpu.memory_space<hbm>> -> memref<1x1x5x80xi32, #tpu.memory_space<hbm>>
        %dma_wait3A_142 = tpu.memref_squeeze %dma_wait3A_141 : memref<1x1x5x80xi32, #tpu.memory_space<hbm>> -> memref<5x80xi32, #tpu.memory_space<hbm>>
        %dma_wait3A_143 = arith.constant 0 : i32
        %dma_wait3A_144 = arith.constant 0 : i32
        %dma_wait3A_145 = tpu.memref_slice %arg2[%add3A_81, %scan3A_116, %dma_wait3A_143, %dma_wait3A_144] : memref<32x25x5x80xi32, #tpu.memory_space<hbm>> -> memref<1x1x5x80xi32, #tpu.memory_space<hbm>>
        %dma_wait3A_146 = tpu.memref_squeeze %dma_wait3A_145 : memref<1x1x5x80xi32, #tpu.memory_space<hbm>> -> memref<5x80xi32, #tpu.memory_space<hbm>>
        tpu.wait_dma2 semaphore(%run_scoped3A : memref<!tpu.dma_semaphore, #tpu.memory_space<semaphore_mem>>) src(%dma_wait3A_146 : memref<5x80xi32, #tpu.memory_space<hbm>>) dst(%arg6 : memref<5x80xi32, #tpu.memory_space<vmem>>)
        tpu.yield
      }) : () -> ()
      "tpu.region"() ({
        %run_scoped3A = tpu.sem_alloc : memref<!tpu.dma_semaphore, #tpu.memory_space<semaphore_mem>>
        %dma_start3A = arith.constant 0 : i32
        %dma_start3A_133 = arith.constant 0 : i32
        %dma_start3A_134 = tpu.memref_slice %arg3[%add3A_81, %scan3A_116, %dma_start3A, %dma_start3A_133] : memref<32x25x5x80xi32, #tpu.memory_space<hbm>> -> memref<1x1x5x80xi32, #tpu.memory_space<hbm>>
        %dma_start3A_135 = tpu.memref_squeeze %dma_start3A_134 : memref<1x1x5x80xi32, #tpu.memory_space<hbm>> -> memref<5x80xi32, #tpu.memory_space<hbm>>
        %dma_start3A_136 = arith.constant 0 : i32
        %dma_start3A_137 = arith.constant 0 : i32
        %dma_start3A_138 = tpu.memref_slice %arg3[%add3A_81, %scan3A_116, %dma_start3A_136, %dma_start3A_137] : memref<32x25x5x80xi32, #tpu.memory_space<hbm>> -> memref<1x1x5x80xi32, #tpu.memory_space<hbm>>
        %dma_start3A_139 = tpu.memref_squeeze %dma_start3A_138 : memref<1x1x5x80xi32, #tpu.memory_space<hbm>> -> memref<5x80xi32, #tpu.memory_space<hbm>>
        tpu.enqueue_dma source(%dma_start3A_139 : memref<5x80xi32, #tpu.memory_space<hbm>>) target(%arg7 : memref<5x80xi32, #tpu.memory_space<vmem>>) target_semaphore(%run_scoped3A : memref<!tpu.dma_semaphore, #tpu.memory_space<semaphore_mem>>)
        %dma_wait3A = arith.constant 0 : i32
        %dma_wait3A_140 = arith.constant 0 : i32
        %dma_wait3A_141 = tpu.memref_slice %arg3[%add3A_81, %scan3A_116, %dma_wait3A, %dma_wait3A_140] : memref<32x25x5x80xi32, #tpu.memory_space<hbm>> -> memref<1x1x5x80xi32, #tpu.memory_space<hbm>>
        %dma_wait3A_142 = tpu.memref_squeeze %dma_wait3A_141 : memref<1x1x5x80xi32, #tpu.memory_space<hbm>> -> memref<5x80xi32, #tpu.memory_space<hbm>>
        %dma_wait3A_143 = arith.constant 0 : i32
        %dma_wait3A_144 = arith.constant 0 : i32
        %dma_wait3A_145 = tpu.memref_slice %arg3[%add3A_81, %scan3A_116, %dma_wait3A_143, %dma_wait3A_144] : memref<32x25x5x80xi32, #tpu.memory_space<hbm>> -> memref<1x1x5x80xi32, #tpu.memory_space<hbm>>
        %dma_wait3A_146 = tpu.memref_squeeze %dma_wait3A_145 : memref<1x1x5x80xi32, #tpu.memory_space<hbm>> -> memref<5x80xi32, #tpu.memory_space<hbm>>
        tpu.wait_dma2 semaphore(%run_scoped3A : memref<!tpu.dma_semaphore, #tpu.memory_space<semaphore_mem>>) src(%dma_wait3A_146 : memref<5x80xi32, #tpu.memory_space<hbm>>) dst(%arg7 : memref<5x80xi32, #tpu.memory_space<vmem>>)
        tpu.yield
      }) : () -> ()
      %scan3A_118 = arith.constant 0 : i32
      %scan3A_119 = arith.constant 0 : i32
      %scan3A_120 = arith.constant 5 : i32
      %scan3A_121 = arith.addi %scan3A_119, %scan3A_120 : i32
      %scan3A_122 = arith.constant 1 : i32
      %scan3A_123 = scf.for %scan3A_133 = %scan3A_119 to %scan3A_121 step %scan3A_122 iter_args(%scan3A_134 = %scan3A_118) -> (i32)  : i32 {
        %get3A = arith.index_cast %scan3A_133 : i32 to index
        %get3A_135 = arith.constant 0 : index
        %get3A_136 = tpu.vector_load %arg6[%get3A, %get3A_135] {strides = array<i32>} : memref<5x80xi32, #tpu.memory_space<vmem>>, vector<1x16xi32>,
        %get3A_137 = vector.shape_cast %get3A_136 : vector<1x16xi32> to vector<16xi32>
        %mul3A_138 = arith.constant 64 : i32
        %mul3A_139 = vector.broadcast %mul3A_138 : i32 to vector<16xi32>
        %mul3A_140 = arith.muli %get3A_137, %mul3A_139 : vector<16xi32>
        %get3A_141 = arith.index_cast %scan3A_133 : i32 to index
        %get3A_142 = arith.constant 0 : index
        %get3A_143 = tpu.vector_load %arg7[%get3A_141, %get3A_142] {strides = array<i32>} : memref<5x80xi32, #tpu.memory_space<vmem>>, vector<1x16xi32>,
        %get3A_144 = vector.shape_cast %get3A_143 : vector<1x16xi32> to vector<16xi32>
        %add3A_145 = arith.addi %mul3A_140, %get3A_144 : vector<16xi32>
        %sub3A = vector.broadcast %mul3A_77 : i32 to vector<16xi32>
        %sub3A_146 = arith.subi %add3A_145, %sub3A : vector<16xi32>
        %ge3A = arith.constant 0 : i32
        %ge3A_147 = vector.broadcast %ge3A : i32 to vector<16xi32>
        %ge3A_148 = arith.cmpi sge, %sub3A_146, %ge3A_147 : vector<16xi32>
        %lt3A = arith.constant 320000 : i32
        %lt3A_149 = vector.broadcast %lt3A : i32 to vector<16xi32>
        %lt3A_150 = arith.cmpi slt, %sub3A_146, %lt3A_149 : vector<16xi32>
        %and3A_151 = arith.andi %ge3A_148, %lt3A_150 : vector<16xi1>
        %jit3A = arith.constant 320000 : i32
        %broadcast_in_dim3A_152 = vector.broadcast %jit3A : i32 to vector<16xi32>
        %select_n3A = arith.select %and3A_151, %sub3A_146, %broadcast_in_dim3A_152 : vector<16xi1>, vector<16xi32>
        %swap3A_153 = arith.index_cast %scan3A_133 : i32 to index
        %swap3A_154 = arith.constant 0 : index
        %swap3A_155 = tpu.vector_load %arg8[%swap3A_153, %swap3A_154] {strides = array<i32>} : memref<5x80xi32, #tpu.memory_space<vmem>>, vector<1x16xi32>,
        %swap3A_156 = vector.shape_cast %swap3A_155 : vector<1x16xi32> to vector<16xi32>
        %swap3A_157 = vector.shape_cast %select_n3A : vector<16xi32> to vector<1x16xi32>
        tpu.vector_store %arg8[%swap3A_153, %swap3A_154], %swap3A_157 {strides = array<i32>} : memref<5x80xi32, #tpu.memory_space<vmem>>, vector<1x16xi32>,
        %get3A_158 = arith.index_cast %scan3A_133 : i32 to index
        %get3A_159 = arith.constant 16 : index
        %get3A_160 = tpu.vector_load %arg6[%get3A_158, %get3A_159] {strides = array<i32>} : memref<5x80xi32, #tpu.memory_space<vmem>>, vector<1x16xi32>,
        %get3A_161 = vector.shape_cast %get3A_160 : vector<1x16xi32> to vector<16xi32>
        %mul3A_162 = arith.constant 64 : i32
        %mul3A_163 = vector.broadcast %mul3A_162 : i32 to vector<16xi32>
        %mul3A_164 = arith.muli %get3A_161, %mul3A_163 : vector<16xi32>
        %get3A_165 = arith.index_cast %scan3A_133 : i32 to index
        %get3A_166 = arith.constant 16 : index
        %get3A_167 = tpu.vector_load %arg7[%get3A_165, %get3A_166] {strides = array<i32>} : memref<5x80xi32, #tpu.memory_space<vmem>>, vector<1x16xi32>,
        %get3A_168 = vector.shape_cast %get3A_167 : vector<1x16xi32> to vector<16xi32>
        %add3A_169 = arith.addi %mul3A_164, %get3A_168 : vector<16xi32>
        %sub3A_170 = vector.broadcast %mul3A_77 : i32 to vector<16xi32>
        %sub3A_171 = arith.subi %add3A_169, %sub3A_170 : vector<16xi32>
        %ge3A_172 = arith.constant 0 : i32
        %ge3A_173 = vector.broadcast %ge3A_172 : i32 to vector<16xi32>
        %ge3A_174 = arith.cmpi sge, %sub3A_171, %ge3A_173 : vector<16xi32>
        %lt3A_175 = arith.constant 320000 : i32
        %lt3A_176 = vector.broadcast %lt3A_175 : i32 to vector<16xi32>
        %lt3A_177 = arith.cmpi slt, %sub3A_171, %lt3A_176 : vector<16xi32>
        %and3A_178 = arith.andi %ge3A_174, %lt3A_177 : vector<16xi1>
        %jit3A_179 = arith.constant 320000 : i32
        %broadcast_in_dim3A_180 = vector.broadcast %jit3A_179 : i32 to vector<16xi32>
        %select_n3A_181 = arith.select %and3A_178, %sub3A_171, %broadcast_in_dim3A_180 : vector<16xi1>, vector<16xi32>
        %swap3A_182 = arith.index_cast %scan3A_133 : i32 to index
        %swap3A_183 = arith.constant 16 : index
        %swap3A_184 = tpu.vector_load %arg8[%swap3A_182, %swap3A_183] {strides = array<i32>} : memref<5x80xi32, #tpu.memory_space<vmem>>, vector<1x16xi32>,
        %swap3A_185 = vector.shape_cast %swap3A_184 : vector<1x16xi32> to vector<16xi32>
        %swap3A_186 = vector.shape_cast %select_n3A_181 : vector<16xi32> to vector<1x16xi32>
        tpu.vector_store %arg8[%swap3A_182, %swap3A_183], %swap3A_186 {strides = array<i32>} : memref<5x80xi32, #tpu.memory_space<vmem>>, vector<1x16xi32>,
        %get3A_187 = arith.index_cast %scan3A_133 : i32 to index
        %get3A_188 = arith.constant 32 : index
        %get3A_189 = tpu.vector_load %arg6[%get3A_187, %get3A_188] {strides = array<i32>} : memref<5x80xi32, #tpu.memory_space<vmem>>, vector<1x16xi32>,
        %get3A_190 = vector.shape_cast %get3A_189 : vector<1x16xi32> to vector<16xi32>
        %mul3A_191 = arith.constant 64 : i32
        %mul3A_192 = vector.broadcast %mul3A_191 : i32 to vector<16xi32>
        %mul3A_193 = arith.muli %get3A_190, %mul3A_192 : vector<16xi32>
        %get3A_194 = arith.index_cast %scan3A_133 : i32 to index
        %get3A_195 = arith.constant 32 : index
        %get3A_196 = tpu.vector_load %arg7[%get3A_194, %get3A_195] {strides = array<i32>} : memref<5x80xi32, #tpu.memory_space<vmem>>, vector<1x16xi32>,
        %get3A_197 = vector.shape_cast %get3A_196 : vector<1x16xi32> to vector<16xi32>
        %add3A_198 = arith.addi %mul3A_193, %get3A_197 : vector<16xi32>
        %sub3A_199 = vector.broadcast %mul3A_77 : i32 to vector<16xi32>
        %sub3A_200 = arith.subi %add3A_198, %sub3A_199 : vector<16xi32>
        %ge3A_201 = arith.constant 0 : i32
        %ge3A_202 = vector.broadcast %ge3A_201 : i32 to vector<16xi32>
        %ge3A_203 = arith.cmpi sge, %sub3A_200, %ge3A_202 : vector<16xi32>
        %lt3A_204 = arith.constant 320000 : i32
        %lt3A_205 = vector.broadcast %lt3A_204 : i32 to vector<16xi32>
        %lt3A_206 = arith.cmpi slt, %sub3A_200, %lt3A_205 : vector<16xi32>
        %and3A_207 = arith.andi %ge3A_203, %lt3A_206 : vector<16xi1>
        %jit3A_208 = arith.constant 320000 : i32
        %broadcast_in_dim3A_209 = vector.broadcast %jit3A_208 : i32 to vector<16xi32>
        %select_n3A_210 = arith.select %and3A_207, %sub3A_200, %broadcast_in_dim3A_209 : vector<16xi1>, vector<16xi32>
        %swap3A_211 = arith.index_cast %scan3A_133 : i32 to index
        %swap3A_212 = arith.constant 32 : index
        %swap3A_213 = tpu.vector_load %arg8[%swap3A_211, %swap3A_212] {strides = array<i32>} : memref<5x80xi32, #tpu.memory_space<vmem>>, vector<1x16xi32>,
        %swap3A_214 = vector.shape_cast %swap3A_213 : vector<1x16xi32> to vector<16xi32>
        %swap3A_215 = vector.shape_cast %select_n3A_210 : vector<16xi32> to vector<1x16xi32>
        tpu.vector_store %arg8[%swap3A_211, %swap3A_212], %swap3A_215 {strides = array<i32>} : memref<5x80xi32, #tpu.memory_space<vmem>>, vector<1x16xi32>,
        %get3A_216 = arith.index_cast %scan3A_133 : i32 to index
        %get3A_217 = arith.constant 48 : index
        %get3A_218 = tpu.vector_load %arg6[%get3A_216, %get3A_217] {strides = array<i32>} : memref<5x80xi32, #tpu.memory_space<vmem>>, vector<1x16xi32>,
        %get3A_219 = vector.shape_cast %get3A_218 : vector<1x16xi32> to vector<16xi32>
        %mul3A_220 = arith.constant 64 : i32
        %mul3A_221 = vector.broadcast %mul3A_220 : i32 to vector<16xi32>
        %mul3A_222 = arith.muli %get3A_219, %mul3A_221 : vector<16xi32>
        %get3A_223 = arith.index_cast %scan3A_133 : i32 to index
        %get3A_224 = arith.constant 48 : index
        %get3A_225 = tpu.vector_load %arg7[%get3A_223, %get3A_224] {strides = array<i32>} : memref<5x80xi32, #tpu.memory_space<vmem>>, vector<1x16xi32>,
        %get3A_226 = vector.shape_cast %get3A_225 : vector<1x16xi32> to vector<16xi32>
        %add3A_227 = arith.addi %mul3A_222, %get3A_226 : vector<16xi32>
        %sub3A_228 = vector.broadcast %mul3A_77 : i32 to vector<16xi32>
        %sub3A_229 = arith.subi %add3A_227, %sub3A_228 : vector<16xi32>
        %ge3A_230 = arith.constant 0 : i32
        %ge3A_231 = vector.broadcast %ge3A_230 : i32 to vector<16xi32>
        %ge3A_232 = arith.cmpi sge, %sub3A_229, %ge3A_231 : vector<16xi32>
        %lt3A_233 = arith.constant 320000 : i32
        %lt3A_234 = vector.broadcast %lt3A_233 : i32 to vector<16xi32>
        %lt3A_235 = arith.cmpi slt, %sub3A_229, %lt3A_234 : vector<16xi32>
        %and3A_236 = arith.andi %ge3A_232, %lt3A_235 : vector<16xi1>
        %jit3A_237 = arith.constant 320000 : i32
        %broadcast_in_dim3A_238 = vector.broadcast %jit3A_237 : i32 to vector<16xi32>
        %select_n3A_239 = arith.select %and3A_236, %sub3A_229, %broadcast_in_dim3A_238 : vector<16xi1>, vector<16xi32>
        %swap3A_240 = arith.index_cast %scan3A_133 : i32 to index
        %swap3A_241 = arith.constant 48 : index
        %swap3A_242 = tpu.vector_load %arg8[%swap3A_240, %swap3A_241] {strides = array<i32>} : memref<5x80xi32, #tpu.memory_space<vmem>>, vector<1x16xi32>,
        %swap3A_243 = vector.shape_cast %swap3A_242 : vector<1x16xi32> to vector<16xi32>
        %swap3A_244 = vector.shape_cast %select_n3A_239 : vector<16xi32> to vector<1x16xi32>
        tpu.vector_store %arg8[%swap3A_240, %swap3A_241], %swap3A_244 {strides = array<i32>} : memref<5x80xi32, #tpu.memory_space<vmem>>, vector<1x16xi32>,
        %get3A_245 = arith.index_cast %scan3A_133 : i32 to index
        %get3A_246 = arith.constant 64 : index
        %get3A_247 = tpu.vector_load %arg6[%get3A_245, %get3A_246] {strides = array<i32>} : memref<5x80xi32, #tpu.memory_space<vmem>>, vector<1x16xi32>,
        %get3A_248 = vector.shape_cast %get3A_247 : vector<1x16xi32> to vector<16xi32>
        %mul3A_249 = arith.constant 64 : i32
        %mul3A_250 = vector.broadcast %mul3A_249 : i32 to vector<16xi32>
        %mul3A_251 = arith.muli %get3A_248, %mul3A_250 : vector<16xi32>
        %get3A_252 = arith.index_cast %scan3A_133 : i32 to index
        %get3A_253 = arith.constant 64 : index
        %get3A_254 = tpu.vector_load %arg7[%get3A_252, %get3A_253] {strides = array<i32>} : memref<5x80xi32, #tpu.memory_space<vmem>>, vector<1x16xi32>,
        %get3A_255 = vector.shape_cast %get3A_254 : vector<1x16xi32> to vector<16xi32>
        %add3A_256 = arith.addi %mul3A_251, %get3A_255 : vector<16xi32>
        %sub3A_257 = vector.broadcast %mul3A_77 : i32 to vector<16xi32>
        %sub3A_258 = arith.subi %add3A_256, %sub3A_257 : vector<16xi32>
        %ge3A_259 = arith.constant 0 : i32
        %ge3A_260 = vector.broadcast %ge3A_259 : i32 to vector<16xi32>
        %ge3A_261 = arith.cmpi sge, %sub3A_258, %ge3A_260 : vector<16xi32>
        %lt3A_262 = arith.constant 320000 : i32
        %lt3A_263 = vector.broadcast %lt3A_262 : i32 to vector<16xi32>
        %lt3A_264 = arith.cmpi slt, %sub3A_258, %lt3A_263 : vector<16xi32>
        %and3A_265 = arith.andi %ge3A_261, %lt3A_264 : vector<16xi1>
        %jit3A_266 = arith.constant 320000 : i32
        %broadcast_in_dim3A_267 = vector.broadcast %jit3A_266 : i32 to vector<16xi32>
        %select_n3A_268 = arith.select %and3A_265, %sub3A_258, %broadcast_in_dim3A_267 : vector<16xi1>, vector<16xi32>
        %swap3A_269 = arith.index_cast %scan3A_133 : i32 to index
        %swap3A_270 = arith.constant 64 : index
        %swap3A_271 = tpu.vector_load %arg8[%swap3A_269, %swap3A_270] {strides = array<i32>} : memref<5x80xi32, #tpu.memory_space<vmem>>, vector<1x16xi32>,
        %swap3A_272 = vector.shape_cast %swap3A_271 : vector<1x16xi32> to vector<16xi32>
        %swap3A_273 = vector.shape_cast %select_n3A_268 : vector<16xi32> to vector<1x16xi32>
        tpu.vector_store %arg8[%swap3A_269, %swap3A_270], %swap3A_273 {strides = array<i32>} : memref<5x80xi32, #tpu.memory_space<vmem>>, vector<1x16xi32>,
        %scan3A_274 = arith.constant 0 : i32
        scf.yield %scan3A_274 : i32
      }
      %scan3A_124 = arith.constant 5 : i32
      %scan3A_125 = arith.constant 0 : i32
      %scan3A_126 = arith.constant 0 : i32
      %scan3A_127 = arith.constant 5 : i32
      %scan3A_128 = arith.addi %scan3A_126, %scan3A_127 : i32
      %scan3A_129 = arith.constant 1 : i32
      %scan3A_130 = scf.for %scan3A_133 = %scan3A_126 to %scan3A_128 step %scan3A_129 iter_args(%scan3A_134 = %scan3A_125) -> (i32)  : i32 {
        "tpu.region"() ({
          %run_scoped3A = tpu.sem_alloc : memref<!tpu.dma_semaphore, #tpu.memory_space<semaphore_mem>>
          %dma_start3A = arith.constant 0 : i32
          %dma_start3A_136 = tpu.memref_slice %arg8[%scan3A_133, %dma_start3A] : memref<5x80xi32, #tpu.memory_space<vmem>> -> memref<1x80xi32, #tpu.memory_space<vmem>>
          %dma_start3A_137 = tpu.memref_squeeze %dma_start3A_136 : memref<1x80xi32, #tpu.memory_space<vmem>> -> memref<80xi32, #tpu.memory_space<vmem>>
          %dma_start3A_138 = arith.constant 0 : i32
          %dma_start3A_139 = tpu.memref_slice %arg11[%dma_start3A_138] : memref<320008xf32, #tpu.memory_space<vmem_shared>> -> memref<320008xf32, #tpu.memory_space<vmem_shared>>
          tpu.enqueue_indirect_dma source(%arg9 : memref<80xf32, #tpu.memory_space<vmem>>) target(%dma_start3A_139 : memref<320008xf32, #tpu.memory_space<vmem_shared>>) offsets(%dma_start3A_137 : memref<80xi32, #tpu.memory_space<vmem>>) semaphore(%run_scoped3A : memref<!tpu.dma_semaphore, #tpu.memory_space<semaphore_mem>>) {add = true}
          %dma_wait3A = arith.constant 0 : i32
          %dma_wait3A_140 = tpu.memref_slice %arg8[%scan3A_133, %dma_wait3A] : memref<5x80xi32, #tpu.memory_space<vmem>> -> memref<1x80xi32, #tpu.memory_space<vmem>>
          %dma_wait3A_141 = tpu.memref_squeeze %dma_wait3A_140 : memref<1x80xi32, #tpu.memory_space<vmem>> -> memref<80xi32, #tpu.memory_space<vmem>>
          %dma_wait3A_142 = arith.constant 0 : i32
          %dma_wait3A_143 = tpu.memref_slice %arg11[%dma_wait3A_142] : memref<320008xf32, #tpu.memory_space<vmem_shared>> -> memref<320008xf32, #tpu.memory_space<vmem_shared>>
          tpu.wait_indirect_dma semaphore(%run_scoped3A : memref<!tpu.dma_semaphore, #tpu.memory_space<semaphore_mem>>) src(%arg9 : memref<80xf32, #tpu.memory_space<vmem>>) dst(%dma_wait3A_143 : memref<320008xf32, #tpu.memory_space<vmem_shared>>)
          tpu.yield
        }) : () -> ()
        %scan3A_135 = arith.constant 0 : i32
        scf.yield %scan3A_135 : i32
      }
      %scan3A_131 = arith.constant 5 : i32
      %scan3A_132 = arith.constant 0 : i32
      scf.yield %scan3A_132 : i32
    }
    %scan3A_88 = arith.constant 25 : i32
    %mul3A_89 = arith.constant 2 : i32
    %mul3A_90 = arith.muli %arg1, %mul3A_89 : i32
    %add3A_91 = arith.constant 1 : i32
    %add3A_92 = arith.addi %mul3A_90, %add3A_91 : i32
    %scan3A_93 = arith.constant 0 : i32
    %scan3A_94 = arith.constant 0 : i32
    %scan3A_95 = arith.constant 25 : i32
    %scan3A_96 = arith.addi %scan3A_94, %scan3A_95 : i32
    %scan3A_97 = arith.constant 1 : i32
    %scan3A_98 = scf.for %scan3A_116 = %scan3A_94 to %scan3A_96 step %scan3A_97 iter_args(%scan3A_117 = %scan3A_93) -> (i32)  : i32 {
      "tpu.region"() ({
        %run_scoped3A = tpu.sem_alloc : memref<!tpu.dma_semaphore, #tpu.memory_space<semaphore_mem>>
        %dma_start3A = arith.constant 0 : i32
        %dma_start3A_133 = arith.constant 0 : i32
        %dma_start3A_134 = tpu.memref_slice %arg2[%add3A_92, %scan3A_116, %dma_start3A, %dma_start3A_133] : memref<32x25x5x80xi32, #tpu.memory_space<hbm>> -> memref<1x1x5x80xi32, #tpu.memory_space<hbm>>
        %dma_start3A_135 = tpu.memref_squeeze %dma_start3A_134 : memref<1x1x5x80xi32, #tpu.memory_space<hbm>> -> memref<5x80xi32, #tpu.memory_space<hbm>>
        %dma_start3A_136 = arith.constant 0 : i32
        %dma_start3A_137 = arith.constant 0 : i32
        %dma_start3A_138 = tpu.memref_slice %arg2[%add3A_92, %scan3A_116, %dma_start3A_136, %dma_start3A_137] : memref<32x25x5x80xi32, #tpu.memory_space<hbm>> -> memref<1x1x5x80xi32, #tpu.memory_space<hbm>>
        %dma_start3A_139 = tpu.memref_squeeze %dma_start3A_138 : memref<1x1x5x80xi32, #tpu.memory_space<hbm>> -> memref<5x80xi32, #tpu.memory_space<hbm>>
        tpu.enqueue_dma source(%dma_start3A_139 : memref<5x80xi32, #tpu.memory_space<hbm>>) target(%arg6 : memref<5x80xi32, #tpu.memory_space<vmem>>) target_semaphore(%run_scoped3A : memref<!tpu.dma_semaphore, #tpu.memory_space<semaphore_mem>>)
        %dma_wait3A = arith.constant 0 : i32
        %dma_wait3A_140 = arith.constant 0 : i32
        %dma_wait3A_141 = tpu.memref_slice %arg2[%add3A_92, %scan3A_116, %dma_wait3A, %dma_wait3A_140] : memref<32x25x5x80xi32, #tpu.memory_space<hbm>> -> memref<1x1x5x80xi32, #tpu.memory_space<hbm>>
        %dma_wait3A_142 = tpu.memref_squeeze %dma_wait3A_141 : memref<1x1x5x80xi32, #tpu.memory_space<hbm>> -> memref<5x80xi32, #tpu.memory_space<hbm>>
        %dma_wait3A_143 = arith.constant 0 : i32
        %dma_wait3A_144 = arith.constant 0 : i32
        %dma_wait3A_145 = tpu.memref_slice %arg2[%add3A_92, %scan3A_116, %dma_wait3A_143, %dma_wait3A_144] : memref<32x25x5x80xi32, #tpu.memory_space<hbm>> -> memref<1x1x5x80xi32, #tpu.memory_space<hbm>>
        %dma_wait3A_146 = tpu.memref_squeeze %dma_wait3A_145 : memref<1x1x5x80xi32, #tpu.memory_space<hbm>> -> memref<5x80xi32, #tpu.memory_space<hbm>>
        tpu.wait_dma2 semaphore(%run_scoped3A : memref<!tpu.dma_semaphore, #tpu.memory_space<semaphore_mem>>) src(%dma_wait3A_146 : memref<5x80xi32, #tpu.memory_space<hbm>>) dst(%arg6 : memref<5x80xi32, #tpu.memory_space<vmem>>)
        tpu.yield
      }) : () -> ()
      "tpu.region"() ({
        %run_scoped3A = tpu.sem_alloc : memref<!tpu.dma_semaphore, #tpu.memory_space<semaphore_mem>>
        %dma_start3A = arith.constant 0 : i32
        %dma_start3A_133 = arith.constant 0 : i32
        %dma_start3A_134 = tpu.memref_slice %arg3[%add3A_92, %scan3A_116, %dma_start3A, %dma_start3A_133] : memref<32x25x5x80xi32, #tpu.memory_space<hbm>> -> memref<1x1x5x80xi32, #tpu.memory_space<hbm>>
        %dma_start3A_135 = tpu.memref_squeeze %dma_start3A_134 : memref<1x1x5x80xi32, #tpu.memory_space<hbm>> -> memref<5x80xi32, #tpu.memory_space<hbm>>
        %dma_start3A_136 = arith.constant 0 : i32
        %dma_start3A_137 = arith.constant 0 : i32
        %dma_start3A_138 = tpu.memref_slice %arg3[%add3A_92, %scan3A_116, %dma_start3A_136, %dma_start3A_137] : memref<32x25x5x80xi32, #tpu.memory_space<hbm>> -> memref<1x1x5x80xi32, #tpu.memory_space<hbm>>
        %dma_start3A_139 = tpu.memref_squeeze %dma_start3A_138 : memref<1x1x5x80xi32, #tpu.memory_space<hbm>> -> memref<5x80xi32, #tpu.memory_space<hbm>>
        tpu.enqueue_dma source(%dma_start3A_139 : memref<5x80xi32, #tpu.memory_space<hbm>>) target(%arg7 : memref<5x80xi32, #tpu.memory_space<vmem>>) target_semaphore(%run_scoped3A : memref<!tpu.dma_semaphore, #tpu.memory_space<semaphore_mem>>)
        %dma_wait3A = arith.constant 0 : i32
        %dma_wait3A_140 = arith.constant 0 : i32
        %dma_wait3A_141 = tpu.memref_slice %arg3[%add3A_92, %scan3A_116, %dma_wait3A, %dma_wait3A_140] : memref<32x25x5x80xi32, #tpu.memory_space<hbm>> -> memref<1x1x5x80xi32, #tpu.memory_space<hbm>>
        %dma_wait3A_142 = tpu.memref_squeeze %dma_wait3A_141 : memref<1x1x5x80xi32, #tpu.memory_space<hbm>> -> memref<5x80xi32, #tpu.memory_space<hbm>>
        %dma_wait3A_143 = arith.constant 0 : i32
        %dma_wait3A_144 = arith.constant 0 : i32
        %dma_wait3A_145 = tpu.memref_slice %arg3[%add3A_92, %scan3A_116, %dma_wait3A_143, %dma_wait3A_144] : memref<32x25x5x80xi32, #tpu.memory_space<hbm>> -> memref<1x1x5x80xi32, #tpu.memory_space<hbm>>
        %dma_wait3A_146 = tpu.memref_squeeze %dma_wait3A_145 : memref<1x1x5x80xi32, #tpu.memory_space<hbm>> -> memref<5x80xi32, #tpu.memory_space<hbm>>
        tpu.wait_dma2 semaphore(%run_scoped3A : memref<!tpu.dma_semaphore, #tpu.memory_space<semaphore_mem>>) src(%dma_wait3A_146 : memref<5x80xi32, #tpu.memory_space<hbm>>) dst(%arg7 : memref<5x80xi32, #tpu.memory_space<vmem>>)
        tpu.yield
      }) : () -> ()
      %scan3A_118 = arith.constant 0 : i32
      %scan3A_119 = arith.constant 0 : i32
      %scan3A_120 = arith.constant 5 : i32
      %scan3A_121 = arith.addi %scan3A_119, %scan3A_120 : i32
      %scan3A_122 = arith.constant 1 : i32
      %scan3A_123 = scf.for %scan3A_133 = %scan3A_119 to %scan3A_121 step %scan3A_122 iter_args(%scan3A_134 = %scan3A_118) -> (i32)  : i32 {
        %get3A = arith.index_cast %scan3A_133 : i32 to index
        %get3A_135 = arith.constant 0 : index
        %get3A_136 = tpu.vector_load %arg6[%get3A, %get3A_135] {strides = array<i32>} : memref<5x80xi32, #tpu.memory_space<vmem>>, vector<1x16xi32>,
        %get3A_137 = vector.shape_cast %get3A_136 : vector<1x16xi32> to vector<16xi32>
        %mul3A_138 = arith.constant 64 : i32
        %mul3A_139 = vector.broadcast %mul3A_138 : i32 to vector<16xi32>
        %mul3A_140 = arith.muli %get3A_137, %mul3A_139 : vector<16xi32>
        %get3A_141 = arith.index_cast %scan3A_133 : i32 to index
        %get3A_142 = arith.constant 0 : index
        %get3A_143 = tpu.vector_load %arg7[%get3A_141, %get3A_142] {strides = array<i32>} : memref<5x80xi32, #tpu.memory_space<vmem>>, vector<1x16xi32>,
        %get3A_144 = vector.shape_cast %get3A_143 : vector<1x16xi32> to vector<16xi32>
        %add3A_145 = arith.addi %mul3A_140, %get3A_144 : vector<16xi32>
        %sub3A = vector.broadcast %mul3A_77 : i32 to vector<16xi32>
        %sub3A_146 = arith.subi %add3A_145, %sub3A : vector<16xi32>
        %ge3A = arith.constant 0 : i32
        %ge3A_147 = vector.broadcast %ge3A : i32 to vector<16xi32>
        %ge3A_148 = arith.cmpi sge, %sub3A_146, %ge3A_147 : vector<16xi32>
        %lt3A = arith.constant 320000 : i32
        %lt3A_149 = vector.broadcast %lt3A : i32 to vector<16xi32>
        %lt3A_150 = arith.cmpi slt, %sub3A_146, %lt3A_149 : vector<16xi32>
        %and3A_151 = arith.andi %ge3A_148, %lt3A_150 : vector<16xi1>
        %jit3A = arith.constant 320000 : i32
        %broadcast_in_dim3A_152 = vector.broadcast %jit3A : i32 to vector<16xi32>
        %select_n3A = arith.select %and3A_151, %sub3A_146, %broadcast_in_dim3A_152 : vector<16xi1>, vector<16xi32>
        %swap3A_153 = arith.index_cast %scan3A_133 : i32 to index
        %swap3A_154 = arith.constant 0 : index
        %swap3A_155 = tpu.vector_load %arg8[%swap3A_153, %swap3A_154] {strides = array<i32>} : memref<5x80xi32, #tpu.memory_space<vmem>>, vector<1x16xi32>,
        %swap3A_156 = vector.shape_cast %swap3A_155 : vector<1x16xi32> to vector<16xi32>
        %swap3A_157 = vector.shape_cast %select_n3A : vector<16xi32> to vector<1x16xi32>
        tpu.vector_store %arg8[%swap3A_153, %swap3A_154], %swap3A_157 {strides = array<i32>} : memref<5x80xi32, #tpu.memory_space<vmem>>, vector<1x16xi32>,
        %get3A_158 = arith.index_cast %scan3A_133 : i32 to index
        %get3A_159 = arith.constant 16 : index
        %get3A_160 = tpu.vector_load %arg6[%get3A_158, %get3A_159] {strides = array<i32>} : memref<5x80xi32, #tpu.memory_space<vmem>>, vector<1x16xi32>,
        %get3A_161 = vector.shape_cast %get3A_160 : vector<1x16xi32> to vector<16xi32>
        %mul3A_162 = arith.constant 64 : i32
        %mul3A_163 = vector.broadcast %mul3A_162 : i32 to vector<16xi32>
        %mul3A_164 = arith.muli %get3A_161, %mul3A_163 : vector<16xi32>
        %get3A_165 = arith.index_cast %scan3A_133 : i32 to index
        %get3A_166 = arith.constant 16 : index
        %get3A_167 = tpu.vector_load %arg7[%get3A_165, %get3A_166] {strides = array<i32>} : memref<5x80xi32, #tpu.memory_space<vmem>>, vector<1x16xi32>,
        %get3A_168 = vector.shape_cast %get3A_167 : vector<1x16xi32> to vector<16xi32>
        %add3A_169 = arith.addi %mul3A_164, %get3A_168 : vector<16xi32>
        %sub3A_170 = vector.broadcast %mul3A_77 : i32 to vector<16xi32>
        %sub3A_171 = arith.subi %add3A_169, %sub3A_170 : vector<16xi32>
        %ge3A_172 = arith.constant 0 : i32
        %ge3A_173 = vector.broadcast %ge3A_172 : i32 to vector<16xi32>
        %ge3A_174 = arith.cmpi sge, %sub3A_171, %ge3A_173 : vector<16xi32>
        %lt3A_175 = arith.constant 320000 : i32
        %lt3A_176 = vector.broadcast %lt3A_175 : i32 to vector<16xi32>
        %lt3A_177 = arith.cmpi slt, %sub3A_171, %lt3A_176 : vector<16xi32>
        %and3A_178 = arith.andi %ge3A_174, %lt3A_177 : vector<16xi1>
        %jit3A_179 = arith.constant 320000 : i32
        %broadcast_in_dim3A_180 = vector.broadcast %jit3A_179 : i32 to vector<16xi32>
        %select_n3A_181 = arith.select %and3A_178, %sub3A_171, %broadcast_in_dim3A_180 : vector<16xi1>, vector<16xi32>
        %swap3A_182 = arith.index_cast %scan3A_133 : i32 to index
        %swap3A_183 = arith.constant 16 : index
        %swap3A_184 = tpu.vector_load %arg8[%swap3A_182, %swap3A_183] {strides = array<i32>} : memref<5x80xi32, #tpu.memory_space<vmem>>, vector<1x16xi32>,
        %swap3A_185 = vector.shape_cast %swap3A_184 : vector<1x16xi32> to vector<16xi32>
        %swap3A_186 = vector.shape_cast %select_n3A_181 : vector<16xi32> to vector<1x16xi32>
        tpu.vector_store %arg8[%swap3A_182, %swap3A_183], %swap3A_186 {strides = array<i32>} : memref<5x80xi32, #tpu.memory_space<vmem>>, vector<1x16xi32>,
        %get3A_187 = arith.index_cast %scan3A_133 : i32 to index
        %get3A_188 = arith.constant 32 : index
        %get3A_189 = tpu.vector_load %arg6[%get3A_187, %get3A_188] {strides = array<i32>} : memref<5x80xi32, #tpu.memory_space<vmem>>, vector<1x16xi32>,
        %get3A_190 = vector.shape_cast %get3A_189 : vector<1x16xi32> to vector<16xi32>
        %mul3A_191 = arith.constant 64 : i32
        %mul3A_192 = vector.broadcast %mul3A_191 : i32 to vector<16xi32>
        %mul3A_193 = arith.muli %get3A_190, %mul3A_192 : vector<16xi32>
        %get3A_194 = arith.index_cast %scan3A_133 : i32 to index
        %get3A_195 = arith.constant 32 : index
        %get3A_196 = tpu.vector_load %arg7[%get3A_194, %get3A_195] {strides = array<i32>} : memref<5x80xi32, #tpu.memory_space<vmem>>, vector<1x16xi32>,
        %get3A_197 = vector.shape_cast %get3A_196 : vector<1x16xi32> to vector<16xi32>
        %add3A_198 = arith.addi %mul3A_193, %get3A_197 : vector<16xi32>
        %sub3A_199 = vector.broadcast %mul3A_77 : i32 to vector<16xi32>
        %sub3A_200 = arith.subi %add3A_198, %sub3A_199 : vector<16xi32>
        %ge3A_201 = arith.constant 0 : i32
        %ge3A_202 = vector.broadcast %ge3A_201 : i32 to vector<16xi32>
        %ge3A_203 = arith.cmpi sge, %sub3A_200, %ge3A_202 : vector<16xi32>
        %lt3A_204 = arith.constant 320000 : i32
        %lt3A_205 = vector.broadcast %lt3A_204 : i32 to vector<16xi32>
        %lt3A_206 = arith.cmpi slt, %sub3A_200, %lt3A_205 : vector<16xi32>
        %and3A_207 = arith.andi %ge3A_203, %lt3A_206 : vector<16xi1>
        %jit3A_208 = arith.constant 320000 : i32
        %broadcast_in_dim3A_209 = vector.broadcast %jit3A_208 : i32 to vector<16xi32>
        %select_n3A_210 = arith.select %and3A_207, %sub3A_200, %broadcast_in_dim3A_209 : vector<16xi1>, vector<16xi32>
        %swap3A_211 = arith.index_cast %scan3A_133 : i32 to index
        %swap3A_212 = arith.constant 32 : index
        %swap3A_213 = tpu.vector_load %arg8[%swap3A_211, %swap3A_212] {strides = array<i32>} : memref<5x80xi32, #tpu.memory_space<vmem>>, vector<1x16xi32>,
        %swap3A_214 = vector.shape_cast %swap3A_213 : vector<1x16xi32> to vector<16xi32>
        %swap3A_215 = vector.shape_cast %select_n3A_210 : vector<16xi32> to vector<1x16xi32>
        tpu.vector_store %arg8[%swap3A_211, %swap3A_212], %swap3A_215 {strides = array<i32>} : memref<5x80xi32, #tpu.memory_space<vmem>>, vector<1x16xi32>,
        %get3A_216 = arith.index_cast %scan3A_133 : i32 to index
        %get3A_217 = arith.constant 48 : index
        %get3A_218 = tpu.vector_load %arg6[%get3A_216, %get3A_217] {strides = array<i32>} : memref<5x80xi32, #tpu.memory_space<vmem>>, vector<1x16xi32>,
        %get3A_219 = vector.shape_cast %get3A_218 : vector<1x16xi32> to vector<16xi32>
        %mul3A_220 = arith.constant 64 : i32
        %mul3A_221 = vector.broadcast %mul3A_220 : i32 to vector<16xi32>
        %mul3A_222 = arith.muli %get3A_219, %mul3A_221 : vector<16xi32>
        %get3A_223 = arith.index_cast %scan3A_133 : i32 to index
        %get3A_224 = arith.constant 48 : index
        %get3A_225 = tpu.vector_load %arg7[%get3A_223, %get3A_224] {strides = array<i32>} : memref<5x80xi32, #tpu.memory_space<vmem>>, vector<1x16xi32>,
        %get3A_226 = vector.shape_cast %get3A_225 : vector<1x16xi32> to vector<16xi32>
        %add3A_227 = arith.addi %mul3A_222, %get3A_226 : vector<16xi32>
        %sub3A_228 = vector.broadcast %mul3A_77 : i32 to vector<16xi32>
        %sub3A_229 = arith.subi %add3A_227, %sub3A_228 : vector<16xi32>
        %ge3A_230 = arith.constant 0 : i32
        %ge3A_231 = vector.broadcast %ge3A_230 : i32 to vector<16xi32>
        %ge3A_232 = arith.cmpi sge, %sub3A_229, %ge3A_231 : vector<16xi32>
        %lt3A_233 = arith.constant 320000 : i32
        %lt3A_234 = vector.broadcast %lt3A_233 : i32 to vector<16xi32>
        %lt3A_235 = arith.cmpi slt, %sub3A_229, %lt3A_234 : vector<16xi32>
        %and3A_236 = arith.andi %ge3A_232, %lt3A_235 : vector<16xi1>
        %jit3A_237 = arith.constant 320000 : i32
        %broadcast_in_dim3A_238 = vector.broadcast %jit3A_237 : i32 to vector<16xi32>
        %select_n3A_239 = arith.select %and3A_236, %sub3A_229, %broadcast_in_dim3A_238 : vector<16xi1>, vector<16xi32>
        %swap3A_240 = arith.index_cast %scan3A_133 : i32 to index
        %swap3A_241 = arith.constant 48 : index
        %swap3A_242 = tpu.vector_load %arg8[%swap3A_240, %swap3A_241] {strides = array<i32>} : memref<5x80xi32, #tpu.memory_space<vmem>>, vector<1x16xi32>,
        %swap3A_243 = vector.shape_cast %swap3A_242 : vector<1x16xi32> to vector<16xi32>
        %swap3A_244 = vector.shape_cast %select_n3A_239 : vector<16xi32> to vector<1x16xi32>
        tpu.vector_store %arg8[%swap3A_240, %swap3A_241], %swap3A_244 {strides = array<i32>} : memref<5x80xi32, #tpu.memory_space<vmem>>, vector<1x16xi32>,
        %get3A_245 = arith.index_cast %scan3A_133 : i32 to index
        %get3A_246 = arith.constant 64 : index
        %get3A_247 = tpu.vector_load %arg6[%get3A_245, %get3A_246] {strides = array<i32>} : memref<5x80xi32, #tpu.memory_space<vmem>>, vector<1x16xi32>,
        %get3A_248 = vector.shape_cast %get3A_247 : vector<1x16xi32> to vector<16xi32>
        %mul3A_249 = arith.constant 64 : i32
        %mul3A_250 = vector.broadcast %mul3A_249 : i32 to vector<16xi32>
        %mul3A_251 = arith.muli %get3A_248, %mul3A_250 : vector<16xi32>
        %get3A_252 = arith.index_cast %scan3A_133 : i32 to index
        %get3A_253 = arith.constant 64 : index
        %get3A_254 = tpu.vector_load %arg7[%get3A_252, %get3A_253] {strides = array<i32>} : memref<5x80xi32, #tpu.memory_space<vmem>>, vector<1x16xi32>,
        %get3A_255 = vector.shape_cast %get3A_254 : vector<1x16xi32> to vector<16xi32>
        %add3A_256 = arith.addi %mul3A_251, %get3A_255 : vector<16xi32>
        %sub3A_257 = vector.broadcast %mul3A_77 : i32 to vector<16xi32>
        %sub3A_258 = arith.subi %add3A_256, %sub3A_257 : vector<16xi32>
        %ge3A_259 = arith.constant 0 : i32
        %ge3A_260 = vector.broadcast %ge3A_259 : i32 to vector<16xi32>
        %ge3A_261 = arith.cmpi sge, %sub3A_258, %ge3A_260 : vector<16xi32>
        %lt3A_262 = arith.constant 320000 : i32
        %lt3A_263 = vector.broadcast %lt3A_262 : i32 to vector<16xi32>
        %lt3A_264 = arith.cmpi slt, %sub3A_258, %lt3A_263 : vector<16xi32>
        %and3A_265 = arith.andi %ge3A_261, %lt3A_264 : vector<16xi1>
        %jit3A_266 = arith.constant 320000 : i32
        %broadcast_in_dim3A_267 = vector.broadcast %jit3A_266 : i32 to vector<16xi32>
        %select_n3A_268 = arith.select %and3A_265, %sub3A_258, %broadcast_in_dim3A_267 : vector<16xi1>, vector<16xi32>
        %swap3A_269 = arith.index_cast %scan3A_133 : i32 to index
        %swap3A_270 = arith.constant 64 : index
        %swap3A_271 = tpu.vector_load %arg8[%swap3A_269, %swap3A_270] {strides = array<i32>} : memref<5x80xi32, #tpu.memory_space<vmem>>, vector<1x16xi32>,
        %swap3A_272 = vector.shape_cast %swap3A_271 : vector<1x16xi32> to vector<16xi32>
        %swap3A_273 = vector.shape_cast %select_n3A_268 : vector<16xi32> to vector<1x16xi32>
        tpu.vector_store %arg8[%swap3A_269, %swap3A_270], %swap3A_273 {strides = array<i32>} : memref<5x80xi32, #tpu.memory_space<vmem>>, vector<1x16xi32>,
        %scan3A_274 = arith.constant 0 : i32
        scf.yield %scan3A_274 : i32
      }
      %scan3A_124 = arith.constant 5 : i32
      %scan3A_125 = arith.constant 0 : i32
      %scan3A_126 = arith.constant 0 : i32
      %scan3A_127 = arith.constant 5 : i32
      %scan3A_128 = arith.addi %scan3A_126, %scan3A_127 : i32
      %scan3A_129 = arith.constant 1 : i32
      %scan3A_130 = scf.for %scan3A_133 = %scan3A_126 to %scan3A_128 step %scan3A_129 iter_args(%scan3A_134 = %scan3A_125) -> (i32)  : i32 {
        "tpu.region"() ({
          %run_scoped3A = tpu.sem_alloc : memref<!tpu.dma_semaphore, #tpu.memory_space<semaphore_mem>>
          %dma_start3A = arith.constant 0 : i32
          %dma_start3A_136 = tpu.memref_slice %arg8[%scan3A_133, %dma_start3A] : memref<5x80xi32, #tpu.memory_space<vmem>> -> memref<1x80xi32, #tpu.memory_space<vmem>>
          %dma_start3A_137 = tpu.memref_squeeze %dma_start3A_136 : memref<1x80xi32, #tpu.memory_space<vmem>> -> memref<80xi32, #tpu.memory_space<vmem>>
          %dma_start3A_138 = arith.constant 0 : i32
          %dma_start3A_139 = tpu.memref_slice %arg11[%dma_start3A_138] : memref<320008xf32, #tpu.memory_space<vmem_shared>> -> memref<320008xf32, #tpu.memory_space<vmem_shared>>
          tpu.enqueue_indirect_dma source(%arg9 : memref<80xf32, #tpu.memory_space<vmem>>) target(%dma_start3A_139 : memref<320008xf32, #tpu.memory_space<vmem_shared>>) offsets(%dma_start3A_137 : memref<80xi32, #tpu.memory_space<vmem>>) semaphore(%run_scoped3A : memref<!tpu.dma_semaphore, #tpu.memory_space<semaphore_mem>>) {add = true}
          %dma_wait3A = arith.constant 0 : i32
          %dma_wait3A_140 = tpu.memref_slice %arg8[%scan3A_133, %dma_wait3A] : memref<5x80xi32, #tpu.memory_space<vmem>> -> memref<1x80xi32, #tpu.memory_space<vmem>>
          %dma_wait3A_141 = tpu.memref_squeeze %dma_wait3A_140 : memref<1x80xi32, #tpu.memory_space<vmem>> -> memref<80xi32, #tpu.memory_space<vmem>>
          %dma_wait3A_142 = arith.constant 0 : i32
          %dma_wait3A_143 = tpu.memref_slice %arg11[%dma_wait3A_142] : memref<320008xf32, #tpu.memory_space<vmem_shared>> -> memref<320008xf32, #tpu.memory_space<vmem_shared>>
          tpu.wait_indirect_dma semaphore(%run_scoped3A : memref<!tpu.dma_semaphore, #tpu.memory_space<semaphore_mem>>) src(%arg9 : memref<80xf32, #tpu.memory_space<vmem>>) dst(%dma_wait3A_143 : memref<320008xf32, #tpu.memory_space<vmem_shared>>)
          tpu.yield
        }) : () -> ()
        %scan3A_135 = arith.constant 0 : i32
        scf.yield %scan3A_135 : i32
      }
      %scan3A_131 = arith.constant 5 : i32
      %scan3A_132 = arith.constant 0 : i32
      scf.yield %scan3A_132 : i32
    }
    %scan3A_99 = arith.constant 25 : i32
    %barrier3A_100 = arith.constant 0 : index
    tpu.barrier barrier_id(%barrier3A_100)
    %eq3A_101 = arith.constant 0 : i32
    %eq3A_102 = arith.cmpi eq, %arg1, %eq3A_101 : i32
    %eq3A_103 = arith.constant 0 : i32
    %eq3A_104 = arith.cmpi eq, %arg0, %eq3A_103 : i32
    %and3A = arith.andi %eq3A_102, %eq3A_104 : i1
    %convert_element_type3A_105 = arith.extui %and3A : i1 to i32
    %cond3A_106 = arith.constant 0 : i32
    %cond3A_107 = arith.cmpi ne, %convert_element_type3A_105, %cond3A_106 : i32
    scf.if %cond3A_107 {
      "tpu.region"() ({
        %run_scoped3A = tpu.sem_alloc : memref<!tpu.dma_semaphore, #tpu.memory_space<semaphore_mem>>
        tpu.enqueue_dma source(%arg11 : memref<320008xf32, #tpu.memory_space<vmem_shared>>) target(%arg4 : memref<320008xf32, #tpu.memory_space<hbm>>) target_semaphore(%run_scoped3A : memref<!tpu.dma_semaphore, #tpu.memory_space<semaphore_mem>>)
        tpu.wait_dma2 semaphore(%run_scoped3A : memref<!tpu.dma_semaphore, #tpu.memory_space<semaphore_mem>>) src(%arg11 : memref<320008xf32, #tpu.memory_space<vmem_shared>>) dst(%arg4 : memref<320008xf32, #tpu.memory_space<hbm>>)
        tpu.yield
      }) : () -> ()
    } else {
    }
    %eq3A_108 = arith.constant 0 : i32
    %eq3A_109 = arith.cmpi eq, %arg1, %eq3A_108 : i32
    %eq3A_110 = arith.constant 1 : i32
    %eq3A_111 = arith.cmpi eq, %arg0, %eq3A_110 : i32
    %and3A_112 = arith.andi %eq3A_109, %eq3A_111 : i1
    %convert_element_type3A_113 = arith.extui %and3A_112 : i1 to i32
    %cond3A_114 = arith.constant 0 : i32
    %cond3A_115 = arith.cmpi ne, %convert_element_type3A_113, %cond3A_114 : i32
    scf.if %cond3A_115 {
      "tpu.region"() ({
        %run_scoped3A = tpu.sem_alloc : memref<!tpu.dma_semaphore, #tpu.memory_space<semaphore_mem>>
        tpu.enqueue_dma source(%arg11 : memref<320008xf32, #tpu.memory_space<vmem_shared>>) target(%arg5 : memref<320008xf32, #tpu.memory_space<hbm>>) target_semaphore(%run_scoped3A : memref<!tpu.dma_semaphore, #tpu.memory_space<semaphore_mem>>)
        tpu.wait_dma2 semaphore(%run_scoped3A : memref<!tpu.dma_semaphore, #tpu.memory_space<semaphore_mem>>) src(%arg11 : memref<320008xf32, #tpu.memory_space<vmem_shared>>) dst(%arg5 : memref<320008xf32, #tpu.memory_space<hbm>>)
        tpu.yield
      }) : () -> ()
    } else {
    }
    return
  }
}

#map = affine_map<(d0, d1) -> (0, 0, 0, 0)>
#map1 = affine_map<(d0, d1) -> (0, 0)>
#map2 = affine_map<(d0, d1) -> (0)>
module attributes {stable_mosaic.version = 14 : i64} {
  func.func @_sc_edges(%arg0: i32, %arg1: i32, %arg2: memref<32x10x25x40xi32, #tpu.memory_space<hbm>>, %arg3: memref<32x10x25x40xi32, #tpu.memory_space<hbm>>, %arg4: memref<32x10x25x40xi32, #tpu.memory_space<hbm>>, %arg5: memref<10000x128xf32, #tpu.memory_space<hbm>>, %arg6: memref<10000x128xf32, #tpu.memory_space<hbm>>, %arg7: memref<64x128xf32, #tpu.memory_space<hbm>>, %arg8: memref<10000xf32, #tpu.memory_space<hbm>>, %arg9: memref<128xf32, #tpu.memory_space<hbm>>, %arg10: memref<10000x128xf32, #tpu.memory_space<hbm>>, %arg11: memref<10000x128xf32, #tpu.memory_space<hbm>>, %arg12: memref<10000xf32, #tpu.memory_space<hbm>>, %arg13: memref<10000xf32, #tpu.memory_space<hbm>>, %arg14: memref<25x40xi32, #tpu.memory_space<vmem>>, %arg15: memref<25x40xi32, #tpu.memory_space<vmem>>, %arg16: memref<25x40xi32, #tpu.memory_space<vmem>>, %arg17: memref<2x40x128xf32, #tpu.memory_space<vmem>>, %arg18: memref<40x128xf32, #tpu.memory_space<vmem>>, %arg19: memref<40x128xf32, #tpu.memory_space<vmem>>, %arg20: memref<320xf32, #tpu.memory_space<vmem>>, %arg21: memref<768xf32, #tpu.memory_space<vmem>>, %arg22: memref<10000x128xf32, #tpu.memory_space<vmem_shared>>, %arg23: memref<10000xf32, #tpu.memory_space<vmem_shared>>, %arg24: memref<2x!tpu.dma_semaphore, #tpu.memory_space<semaphore_mem>>, %arg25: memref<!tpu.dma_semaphore, #tpu.memory_space<semaphore_mem>>, %arg26: memref<2x!tpu.dma_semaphore, #tpu.memory_space<semaphore_mem>>) attributes {dimension_semantics = [#tpu.dimension_semantics<core_parallel>, #tpu.dimension_semantics<subcore_parallel>], iteration_bounds = array<i64: 2, 16>, scalar_prefetch = 0 : i64, scratch_operands = 13 : i64, tpu.core_type = #tpu.core_type<sc_vector_subcore>, window_params = [{transform_indices = #map}, {transform_indices = #map}, {transform_indices = #map}, {transform_indices = #map1}, {transform_indices = #map1}, {transform_indices = #map1}, {transform_indices = #map2}, {transform_indices = #map2}, {transform_indices = #map1}, {transform_indices = #map1}, {transform_indices = #map2}, {transform_indices = #map2}]} {
    %mul3A = arith.constant 2 : i32
    %mul3A_0 = arith.muli %arg1, %mul3A : i32
    %add3A = arith.addi %mul3A_0, %arg0 : i32
    %broadcast_in_dim3A = arith.constant 0.000000e+00 : f32
    %broadcast_in_dim3A_1 = vector.broadcast %broadcast_in_dim3A : f32 to vector<16xf32>
    %scan3A = arith.constant 0 : i32
    %scan3A_2 = arith.constant 0 : i32
    %scan3A_3 = arith.constant 40 : i32
    %scan3A_4 = arith.addi %scan3A_2, %scan3A_3 : i32
    %scan3A_5 = arith.constant 1 : i32
    %scan3A_6 = scf.for %scan3A_209 = %scan3A_2 to %scan3A_4 step %scan3A_5 iter_args(%scan3A_210 = %scan3A) -> (i32)  : i32 {
      %swap3A_211 = arith.constant 0 : i32
      %swap3A_212 = arith.index_cast %swap3A_211 : i32 to index
      %swap3A_213 = arith.index_cast %scan3A_209 : i32 to index
      %swap3A_214 = arith.constant 0 : index
      %swap3A_215 = tpu.vector_load %arg17[%swap3A_212, %swap3A_213, %swap3A_214] {strides = array<i32>} : memref<2x40x128xf32, #tpu.memory_space<vmem>>, vector<16xf32>,
      tpu.vector_store %arg17[%swap3A_212, %swap3A_213, %swap3A_214], %broadcast_in_dim3A_1 {strides = array<i32>} : memref<2x40x128xf32, #tpu.memory_space<vmem>>, vector<16xf32>,
      %swap3A_216 = arith.constant 0 : i32
      %swap3A_217 = arith.index_cast %swap3A_216 : i32 to index
      %swap3A_218 = arith.index_cast %scan3A_209 : i32 to index
      %swap3A_219 = arith.constant 16 : index
      %swap3A_220 = tpu.vector_load %arg17[%swap3A_217, %swap3A_218, %swap3A_219] {strides = array<i32>} : memref<2x40x128xf32, #tpu.memory_space<vmem>>, vector<16xf32>,
      tpu.vector_store %arg17[%swap3A_217, %swap3A_218, %swap3A_219], %broadcast_in_dim3A_1 {strides = array<i32>} : memref<2x40x128xf32, #tpu.memory_space<vmem>>, vector<16xf32>,
      %swap3A_221 = arith.constant 0 : i32
      %swap3A_222 = arith.index_cast %swap3A_221 : i32 to index
      %swap3A_223 = arith.index_cast %scan3A_209 : i32 to index
      %swap3A_224 = arith.constant 32 : index
      %swap3A_225 = tpu.vector_load %arg17[%swap3A_222, %swap3A_223, %swap3A_224] {strides = array<i32>} : memref<2x40x128xf32, #tpu.memory_space<vmem>>, vector<16xf32>,
      tpu.vector_store %arg17[%swap3A_222, %swap3A_223, %swap3A_224], %broadcast_in_dim3A_1 {strides = array<i32>} : memref<2x40x128xf32, #tpu.memory_space<vmem>>, vector<16xf32>,
      %swap3A_226 = arith.constant 0 : i32
      %swap3A_227 = arith.index_cast %swap3A_226 : i32 to index
      %swap3A_228 = arith.index_cast %scan3A_209 : i32 to index
      %swap3A_229 = arith.constant 48 : index
      %swap3A_230 = tpu.vector_load %arg17[%swap3A_227, %swap3A_228, %swap3A_229] {strides = array<i32>} : memref<2x40x128xf32, #tpu.memory_space<vmem>>, vector<16xf32>,
      tpu.vector_store %arg17[%swap3A_227, %swap3A_228, %swap3A_229], %broadcast_in_dim3A_1 {strides = array<i32>} : memref<2x40x128xf32, #tpu.memory_space<vmem>>, vector<16xf32>,
      %swap3A_231 = arith.constant 0 : i32
      %swap3A_232 = arith.index_cast %swap3A_231 : i32 to index
      %swap3A_233 = arith.index_cast %scan3A_209 : i32 to index
      %swap3A_234 = arith.constant 64 : index
      %swap3A_235 = tpu.vector_load %arg17[%swap3A_232, %swap3A_233, %swap3A_234] {strides = array<i32>} : memref<2x40x128xf32, #tpu.memory_space<vmem>>, vector<16xf32>,
      tpu.vector_store %arg17[%swap3A_232, %swap3A_233, %swap3A_234], %broadcast_in_dim3A_1 {strides = array<i32>} : memref<2x40x128xf32, #tpu.memory_space<vmem>>, vector<16xf32>,
      %swap3A_236 = arith.constant 0 : i32
      %swap3A_237 = arith.index_cast %swap3A_236 : i32 to index
      %swap3A_238 = arith.index_cast %scan3A_209 : i32 to index
      %swap3A_239 = arith.constant 80 : index
      %swap3A_240 = tpu.vector_load %arg17[%swap3A_237, %swap3A_238, %swap3A_239] {strides = array<i32>} : memref<2x40x128xf32, #tpu.memory_space<vmem>>, vector<16xf32>,
      tpu.vector_store %arg17[%swap3A_237, %swap3A_238, %swap3A_239], %broadcast_in_dim3A_1 {strides = array<i32>} : memref<2x40x128xf32, #tpu.memory_space<vmem>>, vector<16xf32>,
      %swap3A_241 = arith.constant 0 : i32
      %swap3A_242 = arith.index_cast %swap3A_241 : i32 to index
      %swap3A_243 = arith.index_cast %scan3A_209 : i32 to index
      %swap3A_244 = arith.constant 96 : index
      %swap3A_245 = tpu.vector_load %arg17[%swap3A_242, %swap3A_243, %swap3A_244] {strides = array<i32>} : memref<2x40x128xf32, #tpu.memory_space<vmem>>, vector<16xf32>,
      tpu.vector_store %arg17[%swap3A_242, %swap3A_243, %swap3A_244], %broadcast_in_dim3A_1 {strides = array<i32>} : memref<2x40x128xf32, #tpu.memory_space<vmem>>, vector<16xf32>,
      %swap3A_246 = arith.constant 0 : i32
      %swap3A_247 = arith.index_cast %swap3A_246 : i32 to index
      %swap3A_248 = arith.index_cast %scan3A_209 : i32 to index
      %swap3A_249 = arith.constant 112 : index
      %swap3A_250 = tpu.vector_load %arg17[%swap3A_247, %swap3A_248, %swap3A_249] {strides = array<i32>} : memref<2x40x128xf32, #tpu.memory_space<vmem>>, vector<16xf32>,
      tpu.vector_store %arg17[%swap3A_247, %swap3A_248, %swap3A_249], %broadcast_in_dim3A_1 {strides = array<i32>} : memref<2x40x128xf32, #tpu.memory_space<vmem>>, vector<16xf32>,
      %scan3A_251 = arith.constant 0 : i32
      scf.yield %scan3A_251 : i32
    }
    %scan3A_7 = arith.constant 40 : i32
    %swap3A = arith.constant 0 : index
    %swap3A_8 = tpu.vector_load %arg21[%swap3A] {strides = array<i32>} : memref<768xf32, #tpu.memory_space<vmem>>, vector<16xf32>,
    tpu.vector_store %arg21[%swap3A], %broadcast_in_dim3A_1 {strides = array<i32>} : memref<768xf32, #tpu.memory_space<vmem>>, vector<16xf32>,
    %swap3A_9 = arith.constant 16 : index
    %swap3A_10 = tpu.vector_load %arg21[%swap3A_9] {strides = array<i32>} : memref<768xf32, #tpu.memory_space<vmem>>, vector<16xf32>,
    tpu.vector_store %arg21[%swap3A_9], %broadcast_in_dim3A_1 {strides = array<i32>} : memref<768xf32, #tpu.memory_space<vmem>>, vector<16xf32>,
    %swap3A_11 = arith.constant 32 : index
    %swap3A_12 = tpu.vector_load %arg21[%swap3A_11] {strides = array<i32>} : memref<768xf32, #tpu.memory_space<vmem>>, vector<16xf32>,
    tpu.vector_store %arg21[%swap3A_11], %broadcast_in_dim3A_1 {strides = array<i32>} : memref<768xf32, #tpu.memory_space<vmem>>, vector<16xf32>,
    %swap3A_13 = arith.constant 48 : index
    %swap3A_14 = tpu.vector_load %arg21[%swap3A_13] {strides = array<i32>} : memref<768xf32, #tpu.memory_space<vmem>>, vector<16xf32>,
    tpu.vector_store %arg21[%swap3A_13], %broadcast_in_dim3A_1 {strides = array<i32>} : memref<768xf32, #tpu.memory_space<vmem>>, vector<16xf32>,
    %swap3A_15 = arith.constant 64 : index
    %swap3A_16 = tpu.vector_load %arg21[%swap3A_15] {strides = array<i32>} : memref<768xf32, #tpu.memory_space<vmem>>, vector<16xf32>,
    tpu.vector_store %arg21[%swap3A_15], %broadcast_in_dim3A_1 {strides = array<i32>} : memref<768xf32, #tpu.memory_space<vmem>>, vector<16xf32>,
    %swap3A_17 = arith.constant 80 : index
    %swap3A_18 = tpu.vector_load %arg21[%swap3A_17] {strides = array<i32>} : memref<768xf32, #tpu.memory_space<vmem>>, vector<16xf32>,
    tpu.vector_store %arg21[%swap3A_17], %broadcast_in_dim3A_1 {strides = array<i32>} : memref<768xf32, #tpu.memory_space<vmem>>, vector<16xf32>,
    %swap3A_19 = arith.constant 96 : index
    %swap3A_20 = tpu.vector_load %arg21[%swap3A_19] {strides = array<i32>} : memref<768xf32, #tpu.memory_space<vmem>>, vector<16xf32>,
    tpu.vector_store %arg21[%swap3A_19], %broadcast_in_dim3A_1 {strides = array<i32>} : memref<768xf32, #tpu.memory_space<vmem>>, vector<16xf32>,
    %swap3A_21 = arith.constant 112 : index
    %swap3A_22 = tpu.vector_load %arg21[%swap3A_21] {strides = array<i32>} : memref<768xf32, #tpu.memory_space<vmem>>, vector<16xf32>,
    tpu.vector_store %arg21[%swap3A_21], %broadcast_in_dim3A_1 {strides = array<i32>} : memref<768xf32, #tpu.memory_space<vmem>>, vector<16xf32>,
    %swap3A_23 = arith.constant 128 : index
    %swap3A_24 = tpu.vector_load %arg21[%swap3A_23] {strides = array<i32>} : memref<768xf32, #tpu.memory_space<vmem>>, vector<16xf32>,
    tpu.vector_store %arg21[%swap3A_23], %broadcast_in_dim3A_1 {strides = array<i32>} : memref<768xf32, #tpu.memory_space<vmem>>, vector<16xf32>,
    %swap3A_25 = arith.constant 144 : index
    %swap3A_26 = tpu.vector_load %arg21[%swap3A_25] {strides = array<i32>} : memref<768xf32, #tpu.memory_space<vmem>>, vector<16xf32>,
    tpu.vector_store %arg21[%swap3A_25], %broadcast_in_dim3A_1 {strides = array<i32>} : memref<768xf32, #tpu.memory_space<vmem>>, vector<16xf32>,
    %swap3A_27 = arith.constant 160 : index
    %swap3A_28 = tpu.vector_load %arg21[%swap3A_27] {strides = array<i32>} : memref<768xf32, #tpu.memory_space<vmem>>, vector<16xf32>,
    tpu.vector_store %arg21[%swap3A_27], %broadcast_in_dim3A_1 {strides = array<i32>} : memref<768xf32, #tpu.memory_space<vmem>>, vector<16xf32>,
    %swap3A_29 = arith.constant 176 : index
    %swap3A_30 = tpu.vector_load %arg21[%swap3A_29] {strides = array<i32>} : memref<768xf32, #tpu.memory_space<vmem>>, vector<16xf32>,
    tpu.vector_store %arg21[%swap3A_29], %broadcast_in_dim3A_1 {strides = array<i32>} : memref<768xf32, #tpu.memory_space<vmem>>, vector<16xf32>,
    %swap3A_31 = arith.constant 192 : index
    %swap3A_32 = tpu.vector_load %arg21[%swap3A_31] {strides = array<i32>} : memref<768xf32, #tpu.memory_space<vmem>>, vector<16xf32>,
    tpu.vector_store %arg21[%swap3A_31], %broadcast_in_dim3A_1 {strides = array<i32>} : memref<768xf32, #tpu.memory_space<vmem>>, vector<16xf32>,
    %swap3A_33 = arith.constant 208 : index
    %swap3A_34 = tpu.vector_load %arg21[%swap3A_33] {strides = array<i32>} : memref<768xf32, #tpu.memory_space<vmem>>, vector<16xf32>,
    tpu.vector_store %arg21[%swap3A_33], %broadcast_in_dim3A_1 {strides = array<i32>} : memref<768xf32, #tpu.memory_space<vmem>>, vector<16xf32>,
    %swap3A_35 = arith.constant 224 : index
    %swap3A_36 = tpu.vector_load %arg21[%swap3A_35] {strides = array<i32>} : memref<768xf32, #tpu.memory_space<vmem>>, vector<16xf32>,
    tpu.vector_store %arg21[%swap3A_35], %broadcast_in_dim3A_1 {strides = array<i32>} : memref<768xf32, #tpu.memory_space<vmem>>, vector<16xf32>,
    %swap3A_37 = arith.constant 240 : index
    %swap3A_38 = tpu.vector_load %arg21[%swap3A_37] {strides = array<i32>} : memref<768xf32, #tpu.memory_space<vmem>>, vector<16xf32>,
    tpu.vector_store %arg21[%swap3A_37], %broadcast_in_dim3A_1 {strides = array<i32>} : memref<768xf32, #tpu.memory_space<vmem>>, vector<16xf32>,
    %mul3A_39 = arith.constant 625 : i32
    %mul3A_40 = arith.muli %arg1, %mul3A_39 : i32
    %add3A_41 = arith.constant 0 : i32
    %add3A_42 = arith.addi %mul3A_40, %add3A_41 : i32
    %run_scoped3A = arith.constant 0 : i32
    "tpu.region"() ({
      %run_scoped3A_209 = tpu.sem_alloc : memref<!tpu.dma_semaphore, #tpu.memory_space<semaphore_mem>>
      %dma_start3A = arith.constant 0 : i32
      %dma_start3A_210 = arith.constant 0 : i32
      %dma_start3A_211 = tpu.memref_slice %arg17[%run_scoped3A, %dma_start3A, %dma_start3A_210] : memref<2x40x128xf32, #tpu.memory_space<vmem>> -> memref<1x40x128xf32, #tpu.memory_space<vmem>>
      %dma_start3A_212 = tpu.memref_squeeze %dma_start3A_211 : memref<1x40x128xf32, #tpu.memory_space<vmem>> -> memref<40x128xf32, #tpu.memory_space<vmem>>
      %dma_start3A_213 = arith.constant 0 : i32
      %dma_start3A_214 = tpu.memref_slice %arg22[%add3A_42, %dma_start3A_213] : memref<10000x128xf32, #tpu.memory_space<vmem_shared>> -> memref<40x128xf32, #tpu.memory_space<vmem_shared>>
      %dma_start3A_215 = arith.constant 0 : i32
      %dma_start3A_216 = tpu.memref_slice %arg22[%add3A_42, %dma_start3A_215] : memref<10000x128xf32, #tpu.memory_space<vmem_shared>> -> memref<40x128xf32, #tpu.memory_space<vmem_shared>>
      %dma_start3A_217 = arith.constant 0 : i32
      %dma_start3A_218 = arith.constant 0 : i32
      %dma_start3A_219 = tpu.memref_slice %arg17[%run_scoped3A, %dma_start3A_217, %dma_start3A_218] : memref<2x40x128xf32, #tpu.memory_space<vmem>> -> memref<1x40x128xf32, #tpu.memory_space<vmem>>
      %dma_start3A_220 = tpu.memref_squeeze %dma_start3A_219 : memref<1x40x128xf32, #tpu.memory_space<vmem>> -> memref<40x128xf32, #tpu.memory_space<vmem>>
      tpu.enqueue_dma source(%dma_start3A_220 : memref<40x128xf32, #tpu.memory_space<vmem>>) target(%dma_start3A_216 : memref<40x128xf32, #tpu.memory_space<vmem_shared>>) target_semaphore(%run_scoped3A_209 : memref<!tpu.dma_semaphore, #tpu.memory_space<semaphore_mem>>)
      %dma_wait3A_221 = arith.constant 0 : i32
      %dma_wait3A_222 = arith.constant 0 : i32
      %dma_wait3A_223 = tpu.memref_slice %arg17[%run_scoped3A, %dma_wait3A_221, %dma_wait3A_222] : memref<2x40x128xf32, #tpu.memory_space<vmem>> -> memref<1x40x128xf32, #tpu.memory_space<vmem>>
      %dma_wait3A_224 = tpu.memref_squeeze %dma_wait3A_223 : memref<1x40x128xf32, #tpu.memory_space<vmem>> -> memref<40x128xf32, #tpu.memory_space<vmem>>
      %dma_wait3A_225 = arith.constant 0 : i32
      %dma_wait3A_226 = tpu.memref_slice %arg22[%add3A_42, %dma_wait3A_225] : memref<10000x128xf32, #tpu.memory_space<vmem_shared>> -> memref<40x128xf32, #tpu.memory_space<vmem_shared>>
      %dma_wait3A_227 = arith.constant 0 : i32
      %dma_wait3A_228 = tpu.memref_slice %arg22[%add3A_42, %dma_wait3A_227] : memref<10000x128xf32, #tpu.memory_space<vmem_shared>> -> memref<40x128xf32, #tpu.memory_space<vmem_shared>>
      %dma_wait3A_229 = arith.constant 0 : i32
      %dma_wait3A_230 = arith.constant 0 : i32
      %dma_wait3A_231 = tpu.memref_slice %arg17[%run_scoped3A, %dma_wait3A_229, %dma_wait3A_230] : memref<2x40x128xf32, #tpu.memory_space<vmem>> -> memref<1x40x128xf32, #tpu.memory_space<vmem>>
      %dma_wait3A_232 = tpu.memref_squeeze %dma_wait3A_231 : memref<1x40x128xf32, #tpu.memory_space<vmem>> -> memref<40x128xf32, #tpu.memory_space<vmem>>
      tpu.wait_dma2 semaphore(%run_scoped3A_209 : memref<!tpu.dma_semaphore, #tpu.memory_space<semaphore_mem>>) src(%dma_wait3A_232 : memref<40x128xf32, #tpu.memory_space<vmem>>) dst(%dma_wait3A_228 : memref<40x128xf32, #tpu.memory_space<vmem_shared>>)
      tpu.yield
    }) : () -> ()
    %mul3A_43 = arith.constant 625 : i32
    %mul3A_44 = arith.muli %arg1, %mul3A_43 : i32
    %add3A_45 = arith.constant 40 : i32
    %add3A_46 = arith.addi %mul3A_44, %add3A_45 : i32
    %run_scoped3A_47 = arith.constant 0 : i32
    "tpu.region"() ({
      %run_scoped3A_209 = tpu.sem_alloc : memref<!tpu.dma_semaphore, #tpu.memory_space<semaphore_mem>>
      %dma_start3A = arith.constant 0 : i32
      %dma_start3A_210 = arith.constant 0 : i32
      %dma_start3A_211 = tpu.memref_slice %arg17[%run_scoped3A_47, %dma_start3A, %dma_start3A_210] : memref<2x40x128xf32, #tpu.memory_space<vmem>> -> memref<1x40x128xf32, #tpu.memory_space<vmem>>
      %dma_start3A_212 = tpu.memref_squeeze %dma_start3A_211 : memref<1x40x128xf32, #tpu.memory_space<vmem>> -> memref<40x128xf32, #tpu.memory_space<vmem>>
      %dma_start3A_213 = arith.constant 0 : i32
      %dma_start3A_214 = tpu.memref_slice %arg22[%add3A_46, %dma_start3A_213] : memref<10000x128xf32, #tpu.memory_space<vmem_shared>> -> memref<40x128xf32, #tpu.memory_space<vmem_shared>>
      %dma_start3A_215 = arith.constant 0 : i32
      %dma_start3A_216 = tpu.memref_slice %arg22[%add3A_46, %dma_start3A_215] : memref<10000x128xf32, #tpu.memory_space<vmem_shared>> -> memref<40x128xf32, #tpu.memory_space<vmem_shared>>
      %dma_start3A_217 = arith.constant 0 : i32
      %dma_start3A_218 = arith.constant 0 : i32
      %dma_start3A_219 = tpu.memref_slice %arg17[%run_scoped3A_47, %dma_start3A_217, %dma_start3A_218] : memref<2x40x128xf32, #tpu.memory_space<vmem>> -> memref<1x40x128xf32, #tpu.memory_space<vmem>>
      %dma_start3A_220 = tpu.memref_squeeze %dma_start3A_219 : memref<1x40x128xf32, #tpu.memory_space<vmem>> -> memref<40x128xf32, #tpu.memory_space<vmem>>
      tpu.enqueue_dma source(%dma_start3A_220 : memref<40x128xf32, #tpu.memory_space<vmem>>) target(%dma_start3A_216 : memref<40x128xf32, #tpu.memory_space<vmem_shared>>) target_semaphore(%run_scoped3A_209 : memref<!tpu.dma_semaphore, #tpu.memory_space<semaphore_mem>>)
      %dma_wait3A_221 = arith.constant 0 : i32
      %dma_wait3A_222 = arith.constant 0 : i32
      %dma_wait3A_223 = tpu.memref_slice %arg17[%run_scoped3A_47, %dma_wait3A_221, %dma_wait3A_222] : memref<2x40x128xf32, #tpu.memory_space<vmem>> -> memref<1x40x128xf32, #tpu.memory_space<vmem>>
      %dma_wait3A_224 = tpu.memref_squeeze %dma_wait3A_223 : memref<1x40x128xf32, #tpu.memory_space<vmem>> -> memref<40x128xf32, #tpu.memory_space<vmem>>
      %dma_wait3A_225 = arith.constant 0 : i32
      %dma_wait3A_226 = tpu.memref_slice %arg22[%add3A_46, %dma_wait3A_225] : memref<10000x128xf32, #tpu.memory_space<vmem_shared>> -> memref<40x128xf32, #tpu.memory_space<vmem_shared>>
      %dma_wait3A_227 = arith.constant 0 : i32
      %dma_wait3A_228 = tpu.memref_slice %arg22[%add3A_46, %dma_wait3A_227] : memref<10000x128xf32, #tpu.memory_space<vmem_shared>> -> memref<40x128xf32, #tpu.memory_space<vmem_shared>>
      %dma_wait3A_229 = arith.constant 0 : i32
      %dma_wait3A_230 = arith.constant 0 : i32
      %dma_wait3A_231 = tpu.memref_slice %arg17[%run_scoped3A_47, %dma_wait3A_229, %dma_wait3A_230] : memref<2x40x128xf32, #tpu.memory_space<vmem>> -> memref<1x40x128xf32, #tpu.memory_space<vmem>>
      %dma_wait3A_232 = tpu.memref_squeeze %dma_wait3A_231 : memref<1x40x128xf32, #tpu.memory_space<vmem>> -> memref<40x128xf32, #tpu.memory_space<vmem>>
      tpu.wait_dma2 semaphore(%run_scoped3A_209 : memref<!tpu.dma_semaphore, #tpu.memory_space<semaphore_mem>>) src(%dma_wait3A_232 : memref<40x128xf32, #tpu.memory_space<vmem>>) dst(%dma_wait3A_228 : memref<40x128xf32, #tpu.memory_space<vmem_shared>>)
      tpu.yield
    }) : () -> ()
    %mul3A_48 = arith.constant 625 : i32
    %mul3A_49 = arith.muli %arg1, %mul3A_48 : i32
    %add3A_50 = arith.constant 80 : i32
    %add3A_51 = arith.addi %mul3A_49, %add3A_50 : i32
    %run_scoped3A_52 = arith.constant 0 : i32
    "tpu.region"() ({
      %run_scoped3A_209 = tpu.sem_alloc : memref<!tpu.dma_semaphore, #tpu.memory_space<semaphore_mem>>
      %dma_start3A = arith.constant 0 : i32
      %dma_start3A_210 = arith.constant 0 : i32
      %dma_start3A_211 = tpu.memref_slice %arg17[%run_scoped3A_52, %dma_start3A, %dma_start3A_210] : memref<2x40x128xf32, #tpu.memory_space<vmem>> -> memref<1x40x128xf32, #tpu.memory_space<vmem>>
      %dma_start3A_212 = tpu.memref_squeeze %dma_start3A_211 : memref<1x40x128xf32, #tpu.memory_space<vmem>> -> memref<40x128xf32, #tpu.memory_space<vmem>>
      %dma_start3A_213 = arith.constant 0 : i32
      %dma_start3A_214 = tpu.memref_slice %arg22[%add3A_51, %dma_start3A_213] : memref<10000x128xf32, #tpu.memory_space<vmem_shared>> -> memref<40x128xf32, #tpu.memory_space<vmem_shared>>
      %dma_start3A_215 = arith.constant 0 : i32
      %dma_start3A_216 = tpu.memref_slice %arg22[%add3A_51, %dma_start3A_215] : memref<10000x128xf32, #tpu.memory_space<vmem_shared>> -> memref<40x128xf32, #tpu.memory_space<vmem_shared>>
      %dma_start3A_217 = arith.constant 0 : i32
      %dma_start3A_218 = arith.constant 0 : i32
      %dma_start3A_219 = tpu.memref_slice %arg17[%run_scoped3A_52, %dma_start3A_217, %dma_start3A_218] : memref<2x40x128xf32, #tpu.memory_space<vmem>> -> memref<1x40x128xf32, #tpu.memory_space<vmem>>
      %dma_start3A_220 = tpu.memref_squeeze %dma_start3A_219 : memref<1x40x128xf32, #tpu.memory_space<vmem>> -> memref<40x128xf32, #tpu.memory_space<vmem>>
      tpu.enqueue_dma source(%dma_start3A_220 : memref<40x128xf32, #tpu.memory_space<vmem>>) target(%dma_start3A_216 : memref<40x128xf32, #tpu.memory_space<vmem_shared>>) target_semaphore(%run_scoped3A_209 : memref<!tpu.dma_semaphore, #tpu.memory_space<semaphore_mem>>)
      %dma_wait3A_221 = arith.constant 0 : i32
      %dma_wait3A_222 = arith.constant 0 : i32
      %dma_wait3A_223 = tpu.memref_slice %arg17[%run_scoped3A_52, %dma_wait3A_221, %dma_wait3A_222] : memref<2x40x128xf32, #tpu.memory_space<vmem>> -> memref<1x40x128xf32, #tpu.memory_space<vmem>>
      %dma_wait3A_224 = tpu.memref_squeeze %dma_wait3A_223 : memref<1x40x128xf32, #tpu.memory_space<vmem>> -> memref<40x128xf32, #tpu.memory_space<vmem>>
      %dma_wait3A_225 = arith.constant 0 : i32
      %dma_wait3A_226 = tpu.memref_slice %arg22[%add3A_51, %dma_wait3A_225] : memref<10000x128xf32, #tpu.memory_space<vmem_shared>> -> memref<40x128xf32, #tpu.memory_space<vmem_shared>>
      %dma_wait3A_227 = arith.constant 0 : i32
      %dma_wait3A_228 = tpu.memref_slice %arg22[%add3A_51, %dma_wait3A_227] : memref<10000x128xf32, #tpu.memory_space<vmem_shared>> -> memref<40x128xf32, #tpu.memory_space<vmem_shared>>
      %dma_wait3A_229 = arith.constant 0 : i32
      %dma_wait3A_230 = arith.constant 0 : i32
      %dma_wait3A_231 = tpu.memref_slice %arg17[%run_scoped3A_52, %dma_wait3A_229, %dma_wait3A_230] : memref<2x40x128xf32, #tpu.memory_space<vmem>> -> memref<1x40x128xf32, #tpu.memory_space<vmem>>
      %dma_wait3A_232 = tpu.memref_squeeze %dma_wait3A_231 : memref<1x40x128xf32, #tpu.memory_space<vmem>> -> memref<40x128xf32, #tpu.memory_space<vmem>>
      tpu.wait_dma2 semaphore(%run_scoped3A_209 : memref<!tpu.dma_semaphore, #tpu.memory_space<semaphore_mem>>) src(%dma_wait3A_232 : memref<40x128xf32, #tpu.memory_space<vmem>>) dst(%dma_wait3A_228 : memref<40x128xf32, #tpu.memory_space<vmem_shared>>)
      tpu.yield
    }) : () -> ()
    %mul3A_53 = arith.constant 625 : i32
    %mul3A_54 = arith.muli %arg1, %mul3A_53 : i32
    %add3A_55 = arith.constant 120 : i32
    %add3A_56 = arith.addi %mul3A_54, %add3A_55 : i32
    %run_scoped3A_57 = arith.constant 0 : i32
    "tpu.region"() ({
      %run_scoped3A_209 = tpu.sem_alloc : memref<!tpu.dma_semaphore, #tpu.memory_space<semaphore_mem>>
      %dma_start3A = arith.constant 0 : i32
      %dma_start3A_210 = arith.constant 0 : i32
      %dma_start3A_211 = tpu.memref_slice %arg17[%run_scoped3A_57, %dma_start3A, %dma_start3A_210] : memref<2x40x128xf32, #tpu.memory_space<vmem>> -> memref<1x40x128xf32, #tpu.memory_space<vmem>>
      %dma_start3A_212 = tpu.memref_squeeze %dma_start3A_211 : memref<1x40x128xf32, #tpu.memory_space<vmem>> -> memref<40x128xf32, #tpu.memory_space<vmem>>
      %dma_start3A_213 = arith.constant 0 : i32
      %dma_start3A_214 = tpu.memref_slice %arg22[%add3A_56, %dma_start3A_213] : memref<10000x128xf32, #tpu.memory_space<vmem_shared>> -> memref<40x128xf32, #tpu.memory_space<vmem_shared>>
      %dma_start3A_215 = arith.constant 0 : i32
      %dma_start3A_216 = tpu.memref_slice %arg22[%add3A_56, %dma_start3A_215] : memref<10000x128xf32, #tpu.memory_space<vmem_shared>> -> memref<40x128xf32, #tpu.memory_space<vmem_shared>>
      %dma_start3A_217 = arith.constant 0 : i32
      %dma_start3A_218 = arith.constant 0 : i32
      %dma_start3A_219 = tpu.memref_slice %arg17[%run_scoped3A_57, %dma_start3A_217, %dma_start3A_218] : memref<2x40x128xf32, #tpu.memory_space<vmem>> -> memref<1x40x128xf32, #tpu.memory_space<vmem>>
      %dma_start3A_220 = tpu.memref_squeeze %dma_start3A_219 : memref<1x40x128xf32, #tpu.memory_space<vmem>> -> memref<40x128xf32, #tpu.memory_space<vmem>>
      tpu.enqueue_dma source(%dma_start3A_220 : memref<40x128xf32, #tpu.memory_space<vmem>>) target(%dma_start3A_216 : memref<40x128xf32, #tpu.memory_space<vmem_shared>>) target_semaphore(%run_scoped3A_209 : memref<!tpu.dma_semaphore, #tpu.memory_space<semaphore_mem>>)
      %dma_wait3A_221 = arith.constant 0 : i32
      %dma_wait3A_222 = arith.constant 0 : i32
      %dma_wait3A_223 = tpu.memref_slice %arg17[%run_scoped3A_57, %dma_wait3A_221, %dma_wait3A_222] : memref<2x40x128xf32, #tpu.memory_space<vmem>> -> memref<1x40x128xf32, #tpu.memory_space<vmem>>
      %dma_wait3A_224 = tpu.memref_squeeze %dma_wait3A_223 : memref<1x40x128xf32, #tpu.memory_space<vmem>> -> memref<40x128xf32, #tpu.memory_space<vmem>>
      %dma_wait3A_225 = arith.constant 0 : i32
      %dma_wait3A_226 = tpu.memref_slice %arg22[%add3A_56, %dma_wait3A_225] : memref<10000x128xf32, #tpu.memory_space<vmem_shared>> -> memref<40x128xf32, #tpu.memory_space<vmem_shared>>
      %dma_wait3A_227 = arith.constant 0 : i32
      %dma_wait3A_228 = tpu.memref_slice %arg22[%add3A_56, %dma_wait3A_227] : memref<10000x128xf32, #tpu.memory_space<vmem_shared>> -> memref<40x128xf32, #tpu.memory_space<vmem_shared>>
      %dma_wait3A_229 = arith.constant 0 : i32
      %dma_wait3A_230 = arith.constant 0 : i32
      %dma_wait3A_231 = tpu.memref_slice %arg17[%run_scoped3A_57, %dma_wait3A_229, %dma_wait3A_230] : memref<2x40x128xf32, #tpu.memory_space<vmem>> -> memref<1x40x128xf32, #tpu.memory_space<vmem>>
      %dma_wait3A_232 = tpu.memref_squeeze %dma_wait3A_231 : memref<1x40x128xf32, #tpu.memory_space<vmem>> -> memref<40x128xf32, #tpu.memory_space<vmem>>
      tpu.wait_dma2 semaphore(%run_scoped3A_209 : memref<!tpu.dma_semaphore, #tpu.memory_space<semaphore_mem>>) src(%dma_wait3A_232 : memref<40x128xf32, #tpu.memory_space<vmem>>) dst(%dma_wait3A_228 : memref<40x128xf32, #tpu.memory_space<vmem_shared>>)
      tpu.yield
    }) : () -> ()
    %mul3A_58 = arith.constant 625 : i32
    %mul3A_59 = arith.muli %arg1, %mul3A_58 : i32
    %add3A_60 = arith.constant 160 : i32
    %add3A_61 = arith.addi %mul3A_59, %add3A_60 : i32
    %run_scoped3A_62 = arith.constant 0 : i32
    "tpu.region"() ({
      %run_scoped3A_209 = tpu.sem_alloc : memref<!tpu.dma_semaphore, #tpu.memory_space<semaphore_mem>>
      %dma_start3A = arith.constant 0 : i32
      %dma_start3A_210 = arith.constant 0 : i32
      %dma_start3A_211 = tpu.memref_slice %arg17[%run_scoped3A_62, %dma_start3A, %dma_start3A_210] : memref<2x40x128xf32, #tpu.memory_space<vmem>> -> memref<1x40x128xf32, #tpu.memory_space<vmem>>
      %dma_start3A_212 = tpu.memref_squeeze %dma_start3A_211 : memref<1x40x128xf32, #tpu.memory_space<vmem>> -> memref<40x128xf32, #tpu.memory_space<vmem>>
      %dma_start3A_213 = arith.constant 0 : i32
      %dma_start3A_214 = tpu.memref_slice %arg22[%add3A_61, %dma_start3A_213] : memref<10000x128xf32, #tpu.memory_space<vmem_shared>> -> memref<40x128xf32, #tpu.memory_space<vmem_shared>>
      %dma_start3A_215 = arith.constant 0 : i32
      %dma_start3A_216 = tpu.memref_slice %arg22[%add3A_61, %dma_start3A_215] : memref<10000x128xf32, #tpu.memory_space<vmem_shared>> -> memref<40x128xf32, #tpu.memory_space<vmem_shared>>
      %dma_start3A_217 = arith.constant 0 : i32
      %dma_start3A_218 = arith.constant 0 : i32
      %dma_start3A_219 = tpu.memref_slice %arg17[%run_scoped3A_62, %dma_start3A_217, %dma_start3A_218] : memref<2x40x128xf32, #tpu.memory_space<vmem>> -> memref<1x40x128xf32, #tpu.memory_space<vmem>>
      %dma_start3A_220 = tpu.memref_squeeze %dma_start3A_219 : memref<1x40x128xf32, #tpu.memory_space<vmem>> -> memref<40x128xf32, #tpu.memory_space<vmem>>
      tpu.enqueue_dma source(%dma_start3A_220 : memref<40x128xf32, #tpu.memory_space<vmem>>) target(%dma_start3A_216 : memref<40x128xf32, #tpu.memory_space<vmem_shared>>) target_semaphore(%run_scoped3A_209 : memref<!tpu.dma_semaphore, #tpu.memory_space<semaphore_mem>>)
      %dma_wait3A_221 = arith.constant 0 : i32
      %dma_wait3A_222 = arith.constant 0 : i32
      %dma_wait3A_223 = tpu.memref_slice %arg17[%run_scoped3A_62, %dma_wait3A_221, %dma_wait3A_222] : memref<2x40x128xf32, #tpu.memory_space<vmem>> -> memref<1x40x128xf32, #tpu.memory_space<vmem>>
      %dma_wait3A_224 = tpu.memref_squeeze %dma_wait3A_223 : memref<1x40x128xf32, #tpu.memory_space<vmem>> -> memref<40x128xf32, #tpu.memory_space<vmem>>
      %dma_wait3A_225 = arith.constant 0 : i32
      %dma_wait3A_226 = tpu.memref_slice %arg22[%add3A_61, %dma_wait3A_225] : memref<10000x128xf32, #tpu.memory_space<vmem_shared>> -> memref<40x128xf32, #tpu.memory_space<vmem_shared>>
      %dma_wait3A_227 = arith.constant 0 : i32
      %dma_wait3A_228 = tpu.memref_slice %arg22[%add3A_61, %dma_wait3A_227] : memref<10000x128xf32, #tpu.memory_space<vmem_shared>> -> memref<40x128xf32, #tpu.memory_space<vmem_shared>>
      %dma_wait3A_229 = arith.constant 0 : i32
      %dma_wait3A_230 = arith.constant 0 : i32
      %dma_wait3A_231 = tpu.memref_slice %arg17[%run_scoped3A_62, %dma_wait3A_229, %dma_wait3A_230] : memref<2x40x128xf32, #tpu.memory_space<vmem>> -> memref<1x40x128xf32, #tpu.memory_space<vmem>>
      %dma_wait3A_232 = tpu.memref_squeeze %dma_wait3A_231 : memref<1x40x128xf32, #tpu.memory_space<vmem>> -> memref<40x128xf32, #tpu.memory_space<vmem>>
      tpu.wait_dma2 semaphore(%run_scoped3A_209 : memref<!tpu.dma_semaphore, #tpu.memory_space<semaphore_mem>>) src(%dma_wait3A_232 : memref<40x128xf32, #tpu.memory_space<vmem>>) dst(%dma_wait3A_228 : memref<40x128xf32, #tpu.memory_space<vmem_shared>>)
      tpu.yield
    }) : () -> ()
    %mul3A_63 = arith.constant 625 : i32
    %mul3A_64 = arith.muli %arg1, %mul3A_63 : i32
    %add3A_65 = arith.constant 200 : i32
    %add3A_66 = arith.addi %mul3A_64, %add3A_65 : i32
    %run_scoped3A_67 = arith.constant 0 : i32
    "tpu.region"() ({
      %run_scoped3A_209 = tpu.sem_alloc : memref<!tpu.dma_semaphore, #tpu.memory_space<semaphore_mem>>
      %dma_start3A = arith.constant 0 : i32
      %dma_start3A_210 = arith.constant 0 : i32
      %dma_start3A_211 = tpu.memref_slice %arg17[%run_scoped3A_67, %dma_start3A, %dma_start3A_210] : memref<2x40x128xf32, #tpu.memory_space<vmem>> -> memref<1x40x128xf32, #tpu.memory_space<vmem>>
      %dma_start3A_212 = tpu.memref_squeeze %dma_start3A_211 : memref<1x40x128xf32, #tpu.memory_space<vmem>> -> memref<40x128xf32, #tpu.memory_space<vmem>>
      %dma_start3A_213 = arith.constant 0 : i32
      %dma_start3A_214 = tpu.memref_slice %arg22[%add3A_66, %dma_start3A_213] : memref<10000x128xf32, #tpu.memory_space<vmem_shared>> -> memref<40x128xf32, #tpu.memory_space<vmem_shared>>
      %dma_start3A_215 = arith.constant 0 : i32
      %dma_start3A_216 = tpu.memref_slice %arg22[%add3A_66, %dma_start3A_215] : memref<10000x128xf32, #tpu.memory_space<vmem_shared>> -> memref<40x128xf32, #tpu.memory_space<vmem_shared>>
      %dma_start3A_217 = arith.constant 0 : i32
      %dma_start3A_218 = arith.constant 0 : i32
      %dma_start3A_219 = tpu.memref_slice %arg17[%run_scoped3A_67, %dma_start3A_217, %dma_start3A_218] : memref<2x40x128xf32, #tpu.memory_space<vmem>> -> memref<1x40x128xf32, #tpu.memory_space<vmem>>
      %dma_start3A_220 = tpu.memref_squeeze %dma_start3A_219 : memref<1x40x128xf32, #tpu.memory_space<vmem>> -> memref<40x128xf32, #tpu.memory_space<vmem>>
      tpu.enqueue_dma source(%dma_start3A_220 : memref<40x128xf32, #tpu.memory_space<vmem>>) target(%dma_start3A_216 : memref<40x128xf32, #tpu.memory_space<vmem_shared>>) target_semaphore(%run_scoped3A_209 : memref<!tpu.dma_semaphore, #tpu.memory_space<semaphore_mem>>)
      %dma_wait3A_221 = arith.constant 0 : i32
      %dma_wait3A_222 = arith.constant 0 : i32
      %dma_wait3A_223 = tpu.memref_slice %arg17[%run_scoped3A_67, %dma_wait3A_221, %dma_wait3A_222] : memref<2x40x128xf32, #tpu.memory_space<vmem>> -> memref<1x40x128xf32, #tpu.memory_space<vmem>>
      %dma_wait3A_224 = tpu.memref_squeeze %dma_wait3A_223 : memref<1x40x128xf32, #tpu.memory_space<vmem>> -> memref<40x128xf32, #tpu.memory_space<vmem>>
      %dma_wait3A_225 = arith.constant 0 : i32
      %dma_wait3A_226 = tpu.memref_slice %arg22[%add3A_66, %dma_wait3A_225] : memref<10000x128xf32, #tpu.memory_space<vmem_shared>> -> memref<40x128xf32, #tpu.memory_space<vmem_shared>>
      %dma_wait3A_227 = arith.constant 0 : i32
      %dma_wait3A_228 = tpu.memref_slice %arg22[%add3A_66, %dma_wait3A_227] : memref<10000x128xf32, #tpu.memory_space<vmem_shared>> -> memref<40x128xf32, #tpu.memory_space<vmem_shared>>
      %dma_wait3A_229 = arith.constant 0 : i32
      %dma_wait3A_230 = arith.constant 0 : i32
      %dma_wait3A_231 = tpu.memref_slice %arg17[%run_scoped3A_67, %dma_wait3A_229, %dma_wait3A_230] : memref<2x40x128xf32, #tpu.memory_space<vmem>> -> memref<1x40x128xf32, #tpu.memory_space<vmem>>
      %dma_wait3A_232 = tpu.memref_squeeze %dma_wait3A_231 : memref<1x40x128xf32, #tpu.memory_space<vmem>> -> memref<40x128xf32, #tpu.memory_space<vmem>>
      tpu.wait_dma2 semaphore(%run_scoped3A_209 : memref<!tpu.dma_semaphore, #tpu.memory_space<semaphore_mem>>) src(%dma_wait3A_232 : memref<40x128xf32, #tpu.memory_space<vmem>>) dst(%dma_wait3A_228 : memref<40x128xf32, #tpu.memory_space<vmem_shared>>)
      tpu.yield
    }) : () -> ()
    %mul3A_68 = arith.constant 625 : i32
    %mul3A_69 = arith.muli %arg1, %mul3A_68 : i32
    %add3A_70 = arith.constant 240 : i32
    %add3A_71 = arith.addi %mul3A_69, %add3A_70 : i32
    %run_scoped3A_72 = arith.constant 0 : i32
    "tpu.region"() ({
      %run_scoped3A_209 = tpu.sem_alloc : memref<!tpu.dma_semaphore, #tpu.memory_space<semaphore_mem>>
      %dma_start3A = arith.constant 0 : i32
      %dma_start3A_210 = arith.constant 0 : i32
      %dma_start3A_211 = tpu.memref_slice %arg17[%run_scoped3A_72, %dma_start3A, %dma_start3A_210] : memref<2x40x128xf32, #tpu.memory_space<vmem>> -> memref<1x40x128xf32, #tpu.memory_space<vmem>>
      %dma_start3A_212 = tpu.memref_squeeze %dma_start3A_211 : memref<1x40x128xf32, #tpu.memory_space<vmem>> -> memref<40x128xf32, #tpu.memory_space<vmem>>
      %dma_start3A_213 = arith.constant 0 : i32
      %dma_start3A_214 = tpu.memref_slice %arg22[%add3A_71, %dma_start3A_213] : memref<10000x128xf32, #tpu.memory_space<vmem_shared>> -> memref<40x128xf32, #tpu.memory_space<vmem_shared>>
      %dma_start3A_215 = arith.constant 0 : i32
      %dma_start3A_216 = tpu.memref_slice %arg22[%add3A_71, %dma_start3A_215] : memref<10000x128xf32, #tpu.memory_space<vmem_shared>> -> memref<40x128xf32, #tpu.memory_space<vmem_shared>>
      %dma_start3A_217 = arith.constant 0 : i32
      %dma_start3A_218 = arith.constant 0 : i32
      %dma_start3A_219 = tpu.memref_slice %arg17[%run_scoped3A_72, %dma_start3A_217, %dma_start3A_218] : memref<2x40x128xf32, #tpu.memory_space<vmem>> -> memref<1x40x128xf32, #tpu.memory_space<vmem>>
      %dma_start3A_220 = tpu.memref_squeeze %dma_start3A_219 : memref<1x40x128xf32, #tpu.memory_space<vmem>> -> memref<40x128xf32, #tpu.memory_space<vmem>>
      tpu.enqueue_dma source(%dma_start3A_220 : memref<40x128xf32, #tpu.memory_space<vmem>>) target(%dma_start3A_216 : memref<40x128xf32, #tpu.memory_space<vmem_shared>>) target_semaphore(%run_scoped3A_209 : memref<!tpu.dma_semaphore, #tpu.memory_space<semaphore_mem>>)
      %dma_wait3A_221 = arith.constant 0 : i32
      %dma_wait3A_222 = arith.constant 0 : i32
      %dma_wait3A_223 = tpu.memref_slice %arg17[%run_scoped3A_72, %dma_wait3A_221, %dma_wait3A_222] : memref<2x40x128xf32, #tpu.memory_space<vmem>> -> memref<1x40x128xf32, #tpu.memory_space<vmem>>
      %dma_wait3A_224 = tpu.memref_squeeze %dma_wait3A_223 : memref<1x40x128xf32, #tpu.memory_space<vmem>> -> memref<40x128xf32, #tpu.memory_space<vmem>>
      %dma_wait3A_225 = arith.constant 0 : i32
      %dma_wait3A_226 = tpu.memref_slice %arg22[%add3A_71, %dma_wait3A_225] : memref<10000x128xf32, #tpu.memory_space<vmem_shared>> -> memref<40x128xf32, #tpu.memory_space<vmem_shared>>
      %dma_wait3A_227 = arith.constant 0 : i32
      %dma_wait3A_228 = tpu.memref_slice %arg22[%add3A_71, %dma_wait3A_227] : memref<10000x128xf32, #tpu.memory_space<vmem_shared>> -> memref<40x128xf32, #tpu.memory_space<vmem_shared>>
      %dma_wait3A_229 = arith.constant 0 : i32
      %dma_wait3A_230 = arith.constant 0 : i32
      %dma_wait3A_231 = tpu.memref_slice %arg17[%run_scoped3A_72, %dma_wait3A_229, %dma_wait3A_230] : memref<2x40x128xf32, #tpu.memory_space<vmem>> -> memref<1x40x128xf32, #tpu.memory_space<vmem>>
      %dma_wait3A_232 = tpu.memref_squeeze %dma_wait3A_231 : memref<1x40x128xf32, #tpu.memory_space<vmem>> -> memref<40x128xf32, #tpu.memory_space<vmem>>
      tpu.wait_dma2 semaphore(%run_scoped3A_209 : memref<!tpu.dma_semaphore, #tpu.memory_space<semaphore_mem>>) src(%dma_wait3A_232 : memref<40x128xf32, #tpu.memory_space<vmem>>) dst(%dma_wait3A_228 : memref<40x128xf32, #tpu.memory_space<vmem_shared>>)
      tpu.yield
    }) : () -> ()
    %mul3A_73 = arith.constant 625 : i32
    %mul3A_74 = arith.muli %arg1, %mul3A_73 : i32
    %add3A_75 = arith.constant 280 : i32
    %add3A_76 = arith.addi %mul3A_74, %add3A_75 : i32
    %run_scoped3A_77 = arith.constant 0 : i32
    "tpu.region"() ({
      %run_scoped3A_209 = tpu.sem_alloc : memref<!tpu.dma_semaphore, #tpu.memory_space<semaphore_mem>>
      %dma_start3A = arith.constant 0 : i32
      %dma_start3A_210 = arith.constant 0 : i32
      %dma_start3A_211 = tpu.memref_slice %arg17[%run_scoped3A_77, %dma_start3A, %dma_start3A_210] : memref<2x40x128xf32, #tpu.memory_space<vmem>> -> memref<1x40x128xf32, #tpu.memory_space<vmem>>
      %dma_start3A_212 = tpu.memref_squeeze %dma_start3A_211 : memref<1x40x128xf32, #tpu.memory_space<vmem>> -> memref<40x128xf32, #tpu.memory_space<vmem>>
      %dma_start3A_213 = arith.constant 0 : i32
      %dma_start3A_214 = tpu.memref_slice %arg22[%add3A_76, %dma_start3A_213] : memref<10000x128xf32, #tpu.memory_space<vmem_shared>> -> memref<40x128xf32, #tpu.memory_space<vmem_shared>>
      %dma_start3A_215 = arith.constant 0 : i32
      %dma_start3A_216 = tpu.memref_slice %arg22[%add3A_76, %dma_start3A_215] : memref<10000x128xf32, #tpu.memory_space<vmem_shared>> -> memref<40x128xf32, #tpu.memory_space<vmem_shared>>
      %dma_start3A_217 = arith.constant 0 : i32
      %dma_start3A_218 = arith.constant 0 : i32
      %dma_start3A_219 = tpu.memref_slice %arg17[%run_scoped3A_77, %dma_start3A_217, %dma_start3A_218] : memref<2x40x128xf32, #tpu.memory_space<vmem>> -> memref<1x40x128xf32, #tpu.memory_space<vmem>>
      %dma_start3A_220 = tpu.memref_squeeze %dma_start3A_219 : memref<1x40x128xf32, #tpu.memory_space<vmem>> -> memref<40x128xf32, #tpu.memory_space<vmem>>
      tpu.enqueue_dma source(%dma_start3A_220 : memref<40x128xf32, #tpu.memory_space<vmem>>) target(%dma_start3A_216 : memref<40x128xf32, #tpu.memory_space<vmem_shared>>) target_semaphore(%run_scoped3A_209 : memref<!tpu.dma_semaphore, #tpu.memory_space<semaphore_mem>>)
      %dma_wait3A_221 = arith.constant 0 : i32
      %dma_wait3A_222 = arith.constant 0 : i32
      %dma_wait3A_223 = tpu.memref_slice %arg17[%run_scoped3A_77, %dma_wait3A_221, %dma_wait3A_222] : memref<2x40x128xf32, #tpu.memory_space<vmem>> -> memref<1x40x128xf32, #tpu.memory_space<vmem>>
      %dma_wait3A_224 = tpu.memref_squeeze %dma_wait3A_223 : memref<1x40x128xf32, #tpu.memory_space<vmem>> -> memref<40x128xf32, #tpu.memory_space<vmem>>
      %dma_wait3A_225 = arith.constant 0 : i32
      %dma_wait3A_226 = tpu.memref_slice %arg22[%add3A_76, %dma_wait3A_225] : memref<10000x128xf32, #tpu.memory_space<vmem_shared>> -> memref<40x128xf32, #tpu.memory_space<vmem_shared>>
      %dma_wait3A_227 = arith.constant 0 : i32
      %dma_wait3A_228 = tpu.memref_slice %arg22[%add3A_76, %dma_wait3A_227] : memref<10000x128xf32, #tpu.memory_space<vmem_shared>> -> memref<40x128xf32, #tpu.memory_space<vmem_shared>>
      %dma_wait3A_229 = arith.constant 0 : i32
      %dma_wait3A_230 = arith.constant 0 : i32
      %dma_wait3A_231 = tpu.memref_slice %arg17[%run_scoped3A_77, %dma_wait3A_229, %dma_wait3A_230] : memref<2x40x128xf32, #tpu.memory_space<vmem>> -> memref<1x40x128xf32, #tpu.memory_space<vmem>>
      %dma_wait3A_232 = tpu.memref_squeeze %dma_wait3A_231 : memref<1x40x128xf32, #tpu.memory_space<vmem>> -> memref<40x128xf32, #tpu.memory_space<vmem>>
      tpu.wait_dma2 semaphore(%run_scoped3A_209 : memref<!tpu.dma_semaphore, #tpu.memory_space<semaphore_mem>>) src(%dma_wait3A_232 : memref<40x128xf32, #tpu.memory_space<vmem>>) dst(%dma_wait3A_228 : memref<40x128xf32, #tpu.memory_space<vmem_shared>>)
      tpu.yield
    }) : () -> ()
    %mul3A_78 = arith.constant 625 : i32
    %mul3A_79 = arith.muli %arg1, %mul3A_78 : i32
    %add3A_80 = arith.constant 320 : i32
    %add3A_81 = arith.addi %mul3A_79, %add3A_80 : i32
    %run_scoped3A_82 = arith.constant 0 : i32
    "tpu.region"() ({
      %run_scoped3A_209 = tpu.sem_alloc : memref<!tpu.dma_semaphore, #tpu.memory_space<semaphore_mem>>
      %dma_start3A = arith.constant 0 : i32
      %dma_start3A_210 = arith.constant 0 : i32
      %dma_start3A_211 = tpu.memref_slice %arg17[%run_scoped3A_82, %dma_start3A, %dma_start3A_210] : memref<2x40x128xf32, #tpu.memory_space<vmem>> -> memref<1x40x128xf32, #tpu.memory_space<vmem>>
      %dma_start3A_212 = tpu.memref_squeeze %dma_start3A_211 : memref<1x40x128xf32, #tpu.memory_space<vmem>> -> memref<40x128xf32, #tpu.memory_space<vmem>>
      %dma_start3A_213 = arith.constant 0 : i32
      %dma_start3A_214 = tpu.memref_slice %arg22[%add3A_81, %dma_start3A_213] : memref<10000x128xf32, #tpu.memory_space<vmem_shared>> -> memref<40x128xf32, #tpu.memory_space<vmem_shared>>
      %dma_start3A_215 = arith.constant 0 : i32
      %dma_start3A_216 = tpu.memref_slice %arg22[%add3A_81, %dma_start3A_215] : memref<10000x128xf32, #tpu.memory_space<vmem_shared>> -> memref<40x128xf32, #tpu.memory_space<vmem_shared>>
      %dma_start3A_217 = arith.constant 0 : i32
      %dma_start3A_218 = arith.constant 0 : i32
      %dma_start3A_219 = tpu.memref_slice %arg17[%run_scoped3A_82, %dma_start3A_217, %dma_start3A_218] : memref<2x40x128xf32, #tpu.memory_space<vmem>> -> memref<1x40x128xf32, #tpu.memory_space<vmem>>
      %dma_start3A_220 = tpu.memref_squeeze %dma_start3A_219 : memref<1x40x128xf32, #tpu.memory_space<vmem>> -> memref<40x128xf32, #tpu.memory_space<vmem>>
      tpu.enqueue_dma source(%dma_start3A_220 : memref<40x128xf32, #tpu.memory_space<vmem>>) target(%dma_start3A_216 : memref<40x128xf32, #tpu.memory_space<vmem_shared>>) target_semaphore(%run_scoped3A_209 : memref<!tpu.dma_semaphore, #tpu.memory_space<semaphore_mem>>)
      %dma_wait3A_221 = arith.constant 0 : i32
      %dma_wait3A_222 = arith.constant 0 : i32
      %dma_wait3A_223 = tpu.memref_slice %arg17[%run_scoped3A_82, %dma_wait3A_221, %dma_wait3A_222] : memref<2x40x128xf32, #tpu.memory_space<vmem>> -> memref<1x40x128xf32, #tpu.memory_space<vmem>>
      %dma_wait3A_224 = tpu.memref_squeeze %dma_wait3A_223 : memref<1x40x128xf32, #tpu.memory_space<vmem>> -> memref<40x128xf32, #tpu.memory_space<vmem>>
      %dma_wait3A_225 = arith.constant 0 : i32
      %dma_wait3A_226 = tpu.memref_slice %arg22[%add3A_81, %dma_wait3A_225] : memref<10000x128xf32, #tpu.memory_space<vmem_shared>> -> memref<40x128xf32, #tpu.memory_space<vmem_shared>>
      %dma_wait3A_227 = arith.constant 0 : i32
      %dma_wait3A_228 = tpu.memref_slice %arg22[%add3A_81, %dma_wait3A_227] : memref<10000x128xf32, #tpu.memory_space<vmem_shared>> -> memref<40x128xf32, #tpu.memory_space<vmem_shared>>
      %dma_wait3A_229 = arith.constant 0 : i32
      %dma_wait3A_230 = arith.constant 0 : i32
      %dma_wait3A_231 = tpu.memref_slice %arg17[%run_scoped3A_82, %dma_wait3A_229, %dma_wait3A_230] : memref<2x40x128xf32, #tpu.memory_space<vmem>> -> memref<1x40x128xf32, #tpu.memory_space<vmem>>
      %dma_wait3A_232 = tpu.memref_squeeze %dma_wait3A_231 : memref<1x40x128xf32, #tpu.memory_space<vmem>> -> memref<40x128xf32, #tpu.memory_space<vmem>>
      tpu.wait_dma2 semaphore(%run_scoped3A_209 : memref<!tpu.dma_semaphore, #tpu.memory_space<semaphore_mem>>) src(%dma_wait3A_232 : memref<40x128xf32, #tpu.memory_space<vmem>>) dst(%dma_wait3A_228 : memref<40x128xf32, #tpu.memory_space<vmem_shared>>)
      tpu.yield
    }) : () -> ()
    %mul3A_83 = arith.constant 625 : i32
    %mul3A_84 = arith.muli %arg1, %mul3A_83 : i32
    %add3A_85 = arith.constant 360 : i32
    %add3A_86 = arith.addi %mul3A_84, %add3A_85 : i32
    %run_scoped3A_87 = arith.constant 0 : i32
    "tpu.region"() ({
      %run_scoped3A_209 = tpu.sem_alloc : memref<!tpu.dma_semaphore, #tpu.memory_space<semaphore_mem>>
      %dma_start3A = arith.constant 0 : i32
      %dma_start3A_210 = arith.constant 0 : i32
      %dma_start3A_211 = tpu.memref_slice %arg17[%run_scoped3A_87, %dma_start3A, %dma_start3A_210] : memref<2x40x128xf32, #tpu.memory_space<vmem>> -> memref<1x40x128xf32, #tpu.memory_space<vmem>>
      %dma_start3A_212 = tpu.memref_squeeze %dma_start3A_211 : memref<1x40x128xf32, #tpu.memory_space<vmem>> -> memref<40x128xf32, #tpu.memory_space<vmem>>
      %dma_start3A_213 = arith.constant 0 : i32
      %dma_start3A_214 = tpu.memref_slice %arg22[%add3A_86, %dma_start3A_213] : memref<10000x128xf32, #tpu.memory_space<vmem_shared>> -> memref<40x128xf32, #tpu.memory_space<vmem_shared>>
      %dma_start3A_215 = arith.constant 0 : i32
      %dma_start3A_216 = tpu.memref_slice %arg22[%add3A_86, %dma_start3A_215] : memref<10000x128xf32, #tpu.memory_space<vmem_shared>> -> memref<40x128xf32, #tpu.memory_space<vmem_shared>>
      %dma_start3A_217 = arith.constant 0 : i32
      %dma_start3A_218 = arith.constant 0 : i32
      %dma_start3A_219 = tpu.memref_slice %arg17[%run_scoped3A_87, %dma_start3A_217, %dma_start3A_218] : memref<2x40x128xf32, #tpu.memory_space<vmem>> -> memref<1x40x128xf32, #tpu.memory_space<vmem>>
      %dma_start3A_220 = tpu.memref_squeeze %dma_start3A_219 : memref<1x40x128xf32, #tpu.memory_space<vmem>> -> memref<40x128xf32, #tpu.memory_space<vmem>>
      tpu.enqueue_dma source(%dma_start3A_220 : memref<40x128xf32, #tpu.memory_space<vmem>>) target(%dma_start3A_216 : memref<40x128xf32, #tpu.memory_space<vmem_shared>>) target_semaphore(%run_scoped3A_209 : memref<!tpu.dma_semaphore, #tpu.memory_space<semaphore_mem>>)
      %dma_wait3A_221 = arith.constant 0 : i32
      %dma_wait3A_222 = arith.constant 0 : i32
      %dma_wait3A_223 = tpu.memref_slice %arg17[%run_scoped3A_87, %dma_wait3A_221, %dma_wait3A_222] : memref<2x40x128xf32, #tpu.memory_space<vmem>> -> memref<1x40x128xf32, #tpu.memory_space<vmem>>
      %dma_wait3A_224 = tpu.memref_squeeze %dma_wait3A_223 : memref<1x40x128xf32, #tpu.memory_space<vmem>> -> memref<40x128xf32, #tpu.memory_space<vmem>>
      %dma_wait3A_225 = arith.constant 0 : i32
      %dma_wait3A_226 = tpu.memref_slice %arg22[%add3A_86, %dma_wait3A_225] : memref<10000x128xf32, #tpu.memory_space<vmem_shared>> -> memref<40x128xf32, #tpu.memory_space<vmem_shared>>
      %dma_wait3A_227 = arith.constant 0 : i32
      %dma_wait3A_228 = tpu.memref_slice %arg22[%add3A_86, %dma_wait3A_227] : memref<10000x128xf32, #tpu.memory_space<vmem_shared>> -> memref<40x128xf32, #tpu.memory_space<vmem_shared>>
      %dma_wait3A_229 = arith.constant 0 : i32
      %dma_wait3A_230 = arith.constant 0 : i32
      %dma_wait3A_231 = tpu.memref_slice %arg17[%run_scoped3A_87, %dma_wait3A_229, %dma_wait3A_230] : memref<2x40x128xf32, #tpu.memory_space<vmem>> -> memref<1x40x128xf32, #tpu.memory_space<vmem>>
      %dma_wait3A_232 = tpu.memref_squeeze %dma_wait3A_231 : memref<1x40x128xf32, #tpu.memory_space<vmem>> -> memref<40x128xf32, #tpu.memory_space<vmem>>
      tpu.wait_dma2 semaphore(%run_scoped3A_209 : memref<!tpu.dma_semaphore, #tpu.memory_space<semaphore_mem>>) src(%dma_wait3A_232 : memref<40x128xf32, #tpu.memory_space<vmem>>) dst(%dma_wait3A_228 : memref<40x128xf32, #tpu.memory_space<vmem_shared>>)
      tpu.yield
    }) : () -> ()
    %mul3A_88 = arith.constant 625 : i32
    %mul3A_89 = arith.muli %arg1, %mul3A_88 : i32
    %add3A_90 = arith.constant 400 : i32
    %add3A_91 = arith.addi %mul3A_89, %add3A_90 : i32
    %run_scoped3A_92 = arith.constant 0 : i32
    "tpu.region"() ({
      %run_scoped3A_209 = tpu.sem_alloc : memref<!tpu.dma_semaphore, #tpu.memory_space<semaphore_mem>>
      %dma_start3A = arith.constant 0 : i32
      %dma_start3A_210 = arith.constant 0 : i32
      %dma_start3A_211 = tpu.memref_slice %arg17[%run_scoped3A_92, %dma_start3A, %dma_start3A_210] : memref<2x40x128xf32, #tpu.memory_space<vmem>> -> memref<1x40x128xf32, #tpu.memory_space<vmem>>
      %dma_start3A_212 = tpu.memref_squeeze %dma_start3A_211 : memref<1x40x128xf32, #tpu.memory_space<vmem>> -> memref<40x128xf32, #tpu.memory_space<vmem>>
      %dma_start3A_213 = arith.constant 0 : i32
      %dma_start3A_214 = tpu.memref_slice %arg22[%add3A_91, %dma_start3A_213] : memref<10000x128xf32, #tpu.memory_space<vmem_shared>> -> memref<40x128xf32, #tpu.memory_space<vmem_shared>>
      %dma_start3A_215 = arith.constant 0 : i32
      %dma_start3A_216 = tpu.memref_slice %arg22[%add3A_91, %dma_start3A_215] : memref<10000x128xf32, #tpu.memory_space<vmem_shared>> -> memref<40x128xf32, #tpu.memory_space<vmem_shared>>
      %dma_start3A_217 = arith.constant 0 : i32
      %dma_start3A_218 = arith.constant 0 : i32
      %dma_start3A_219 = tpu.memref_slice %arg17[%run_scoped3A_92, %dma_start3A_217, %dma_start3A_218] : memref<2x40x128xf32, #tpu.memory_space<vmem>> -> memref<1x40x128xf32, #tpu.memory_space<vmem>>
      %dma_start3A_220 = tpu.memref_squeeze %dma_start3A_219 : memref<1x40x128xf32, #tpu.memory_space<vmem>> -> memref<40x128xf32, #tpu.memory_space<vmem>>
      tpu.enqueue_dma source(%dma_start3A_220 : memref<40x128xf32, #tpu.memory_space<vmem>>) target(%dma_start3A_216 : memref<40x128xf32, #tpu.memory_space<vmem_shared>>) target_semaphore(%run_scoped3A_209 : memref<!tpu.dma_semaphore, #tpu.memory_space<semaphore_mem>>)
      %dma_wait3A_221 = arith.constant 0 : i32
      %dma_wait3A_222 = arith.constant 0 : i32
      %dma_wait3A_223 = tpu.memref_slice %arg17[%run_scoped3A_92, %dma_wait3A_221, %dma_wait3A_222] : memref<2x40x128xf32, #tpu.memory_space<vmem>> -> memref<1x40x128xf32, #tpu.memory_space<vmem>>
      %dma_wait3A_224 = tpu.memref_squeeze %dma_wait3A_223 : memref<1x40x128xf32, #tpu.memory_space<vmem>> -> memref<40x128xf32, #tpu.memory_space<vmem>>
      %dma_wait3A_225 = arith.constant 0 : i32
      %dma_wait3A_226 = tpu.memref_slice %arg22[%add3A_91, %dma_wait3A_225] : memref<10000x128xf32, #tpu.memory_space<vmem_shared>> -> memref<40x128xf32, #tpu.memory_space<vmem_shared>>
      %dma_wait3A_227 = arith.constant 0 : i32
      %dma_wait3A_228 = tpu.memref_slice %arg22[%add3A_91, %dma_wait3A_227] : memref<10000x128xf32, #tpu.memory_space<vmem_shared>> -> memref<40x128xf32, #tpu.memory_space<vmem_shared>>
      %dma_wait3A_229 = arith.constant 0 : i32
      %dma_wait3A_230 = arith.constant 0 : i32
      %dma_wait3A_231 = tpu.memref_slice %arg17[%run_scoped3A_92, %dma_wait3A_229, %dma_wait3A_230] : memref<2x40x128xf32, #tpu.memory_space<vmem>> -> memref<1x40x128xf32, #tpu.memory_space<vmem>>
      %dma_wait3A_232 = tpu.memref_squeeze %dma_wait3A_231 : memref<1x40x128xf32, #tpu.memory_space<vmem>> -> memref<40x128xf32, #tpu.memory_space<vmem>>
      tpu.wait_dma2 semaphore(%run_scoped3A_209 : memref<!tpu.dma_semaphore, #tpu.memory_space<semaphore_mem>>) src(%dma_wait3A_232 : memref<40x128xf32, #tpu.memory_space<vmem>>) dst(%dma_wait3A_228 : memref<40x128xf32, #tpu.memory_space<vmem_shared>>)
      tpu.yield
    }) : () -> ()
    %mul3A_93 = arith.constant 625 : i32
    %mul3A_94 = arith.muli %arg1, %mul3A_93 : i32
    %add3A_95 = arith.constant 440 : i32
    %add3A_96 = arith.addi %mul3A_94, %add3A_95 : i32
    %run_scoped3A_97 = arith.constant 0 : i32
    "tpu.region"() ({
      %run_scoped3A_209 = tpu.sem_alloc : memref<!tpu.dma_semaphore, #tpu.memory_space<semaphore_mem>>
      %dma_start3A = arith.constant 0 : i32
      %dma_start3A_210 = arith.constant 0 : i32
      %dma_start3A_211 = tpu.memref_slice %arg17[%run_scoped3A_97, %dma_start3A, %dma_start3A_210] : memref<2x40x128xf32, #tpu.memory_space<vmem>> -> memref<1x40x128xf32, #tpu.memory_space<vmem>>
      %dma_start3A_212 = tpu.memref_squeeze %dma_start3A_211 : memref<1x40x128xf32, #tpu.memory_space<vmem>> -> memref<40x128xf32, #tpu.memory_space<vmem>>
      %dma_start3A_213 = arith.constant 0 : i32
      %dma_start3A_214 = tpu.memref_slice %arg22[%add3A_96, %dma_start3A_213] : memref<10000x128xf32, #tpu.memory_space<vmem_shared>> -> memref<40x128xf32, #tpu.memory_space<vmem_shared>>
      %dma_start3A_215 = arith.constant 0 : i32
      %dma_start3A_216 = tpu.memref_slice %arg22[%add3A_96, %dma_start3A_215] : memref<10000x128xf32, #tpu.memory_space<vmem_shared>> -> memref<40x128xf32, #tpu.memory_space<vmem_shared>>
      %dma_start3A_217 = arith.constant 0 : i32
      %dma_start3A_218 = arith.constant 0 : i32
      %dma_start3A_219 = tpu.memref_slice %arg17[%run_scoped3A_97, %dma_start3A_217, %dma_start3A_218] : memref<2x40x128xf32, #tpu.memory_space<vmem>> -> memref<1x40x128xf32, #tpu.memory_space<vmem>>
      %dma_start3A_220 = tpu.memref_squeeze %dma_start3A_219 : memref<1x40x128xf32, #tpu.memory_space<vmem>> -> memref<40x128xf32, #tpu.memory_space<vmem>>
      tpu.enqueue_dma source(%dma_start3A_220 : memref<40x128xf32, #tpu.memory_space<vmem>>) target(%dma_start3A_216 : memref<40x128xf32, #tpu.memory_space<vmem_shared>>) target_semaphore(%run_scoped3A_209 : memref<!tpu.dma_semaphore, #tpu.memory_space<semaphore_mem>>)
      %dma_wait3A_221 = arith.constant 0 : i32
      %dma_wait3A_222 = arith.constant 0 : i32
      %dma_wait3A_223 = tpu.memref_slice %arg17[%run_scoped3A_97, %dma_wait3A_221, %dma_wait3A_222] : memref<2x40x128xf32, #tpu.memory_space<vmem>> -> memref<1x40x128xf32, #tpu.memory_space<vmem>>
      %dma_wait3A_224 = tpu.memref_squeeze %dma_wait3A_223 : memref<1x40x128xf32, #tpu.memory_space<vmem>> -> memref<40x128xf32, #tpu.memory_space<vmem>>
      %dma_wait3A_225 = arith.constant 0 : i32
      %dma_wait3A_226 = tpu.memref_slice %arg22[%add3A_96, %dma_wait3A_225] : memref<10000x128xf32, #tpu.memory_space<vmem_shared>> -> memref<40x128xf32, #tpu.memory_space<vmem_shared>>
      %dma_wait3A_227 = arith.constant 0 : i32
      %dma_wait3A_228 = tpu.memref_slice %arg22[%add3A_96, %dma_wait3A_227] : memref<10000x128xf32, #tpu.memory_space<vmem_shared>> -> memref<40x128xf32, #tpu.memory_space<vmem_shared>>
      %dma_wait3A_229 = arith.constant 0 : i32
      %dma_wait3A_230 = arith.constant 0 : i32
      %dma_wait3A_231 = tpu.memref_slice %arg17[%run_scoped3A_97, %dma_wait3A_229, %dma_wait3A_230] : memref<2x40x128xf32, #tpu.memory_space<vmem>> -> memref<1x40x128xf32, #tpu.memory_space<vmem>>
      %dma_wait3A_232 = tpu.memref_squeeze %dma_wait3A_231 : memref<1x40x128xf32, #tpu.memory_space<vmem>> -> memref<40x128xf32, #tpu.memory_space<vmem>>
      tpu.wait_dma2 semaphore(%run_scoped3A_209 : memref<!tpu.dma_semaphore, #tpu.memory_space<semaphore_mem>>) src(%dma_wait3A_232 : memref<40x128xf32, #tpu.memory_space<vmem>>) dst(%dma_wait3A_228 : memref<40x128xf32, #tpu.memory_space<vmem_shared>>)
      tpu.yield
    }) : () -> ()
    %mul3A_98 = arith.constant 625 : i32
    %mul3A_99 = arith.muli %arg1, %mul3A_98 : i32
    %add3A_100 = arith.constant 480 : i32
    %add3A_101 = arith.addi %mul3A_99, %add3A_100 : i32
    %run_scoped3A_102 = arith.constant 0 : i32
    "tpu.region"() ({
      %run_scoped3A_209 = tpu.sem_alloc : memref<!tpu.dma_semaphore, #tpu.memory_space<semaphore_mem>>
      %dma_start3A = arith.constant 0 : i32
      %dma_start3A_210 = arith.constant 0 : i32
      %dma_start3A_211 = tpu.memref_slice %arg17[%run_scoped3A_102, %dma_start3A, %dma_start3A_210] : memref<2x40x128xf32, #tpu.memory_space<vmem>> -> memref<1x40x128xf32, #tpu.memory_space<vmem>>
      %dma_start3A_212 = tpu.memref_squeeze %dma_start3A_211 : memref<1x40x128xf32, #tpu.memory_space<vmem>> -> memref<40x128xf32, #tpu.memory_space<vmem>>
      %dma_start3A_213 = arith.constant 0 : i32
      %dma_start3A_214 = tpu.memref_slice %arg22[%add3A_101, %dma_start3A_213] : memref<10000x128xf32, #tpu.memory_space<vmem_shared>> -> memref<40x128xf32, #tpu.memory_space<vmem_shared>>
      %dma_start3A_215 = arith.constant 0 : i32
      %dma_start3A_216 = tpu.memref_slice %arg22[%add3A_101, %dma_start3A_215] : memref<10000x128xf32, #tpu.memory_space<vmem_shared>> -> memref<40x128xf32, #tpu.memory_space<vmem_shared>>
      %dma_start3A_217 = arith.constant 0 : i32
      %dma_start3A_218 = arith.constant 0 : i32
      %dma_start3A_219 = tpu.memref_slice %arg17[%run_scoped3A_102, %dma_start3A_217, %dma_start3A_218] : memref<2x40x128xf32, #tpu.memory_space<vmem>> -> memref<1x40x128xf32, #tpu.memory_space<vmem>>
      %dma_start3A_220 = tpu.memref_squeeze %dma_start3A_219 : memref<1x40x128xf32, #tpu.memory_space<vmem>> -> memref<40x128xf32, #tpu.memory_space<vmem>>
      tpu.enqueue_dma source(%dma_start3A_220 : memref<40x128xf32, #tpu.memory_space<vmem>>) target(%dma_start3A_216 : memref<40x128xf32, #tpu.memory_space<vmem_shared>>) target_semaphore(%run_scoped3A_209 : memref<!tpu.dma_semaphore, #tpu.memory_space<semaphore_mem>>)
      %dma_wait3A_221 = arith.constant 0 : i32
      %dma_wait3A_222 = arith.constant 0 : i32
      %dma_wait3A_223 = tpu.memref_slice %arg17[%run_scoped3A_102, %dma_wait3A_221, %dma_wait3A_222] : memref<2x40x128xf32, #tpu.memory_space<vmem>> -> memref<1x40x128xf32, #tpu.memory_space<vmem>>
      %dma_wait3A_224 = tpu.memref_squeeze %dma_wait3A_223 : memref<1x40x128xf32, #tpu.memory_space<vmem>> -> memref<40x128xf32, #tpu.memory_space<vmem>>
      %dma_wait3A_225 = arith.constant 0 : i32
      %dma_wait3A_226 = tpu.memref_slice %arg22[%add3A_101, %dma_wait3A_225] : memref<10000x128xf32, #tpu.memory_space<vmem_shared>> -> memref<40x128xf32, #tpu.memory_space<vmem_shared>>
      %dma_wait3A_227 = arith.constant 0 : i32
      %dma_wait3A_228 = tpu.memref_slice %arg22[%add3A_101, %dma_wait3A_227] : memref<10000x128xf32, #tpu.memory_space<vmem_shared>> -> memref<40x128xf32, #tpu.memory_space<vmem_shared>>
      %dma_wait3A_229 = arith.constant 0 : i32
      %dma_wait3A_230 = arith.constant 0 : i32
      %dma_wait3A_231 = tpu.memref_slice %arg17[%run_scoped3A_102, %dma_wait3A_229, %dma_wait3A_230] : memref<2x40x128xf32, #tpu.memory_space<vmem>> -> memref<1x40x128xf32, #tpu.memory_space<vmem>>
      %dma_wait3A_232 = tpu.memref_squeeze %dma_wait3A_231 : memref<1x40x128xf32, #tpu.memory_space<vmem>> -> memref<40x128xf32, #tpu.memory_space<vmem>>
      tpu.wait_dma2 semaphore(%run_scoped3A_209 : memref<!tpu.dma_semaphore, #tpu.memory_space<semaphore_mem>>) src(%dma_wait3A_232 : memref<40x128xf32, #tpu.memory_space<vmem>>) dst(%dma_wait3A_228 : memref<40x128xf32, #tpu.memory_space<vmem_shared>>)
      tpu.yield
    }) : () -> ()
    %mul3A_103 = arith.constant 625 : i32
    %mul3A_104 = arith.muli %arg1, %mul3A_103 : i32
    %add3A_105 = arith.constant 520 : i32
    %add3A_106 = arith.addi %mul3A_104, %add3A_105 : i32
    %run_scoped3A_107 = arith.constant 0 : i32
    "tpu.region"() ({
      %run_scoped3A_209 = tpu.sem_alloc : memref<!tpu.dma_semaphore, #tpu.memory_space<semaphore_mem>>
      %dma_start3A = arith.constant 0 : i32
      %dma_start3A_210 = arith.constant 0 : i32
      %dma_start3A_211 = tpu.memref_slice %arg17[%run_scoped3A_107, %dma_start3A, %dma_start3A_210] : memref<2x40x128xf32, #tpu.memory_space<vmem>> -> memref<1x40x128xf32, #tpu.memory_space<vmem>>
      %dma_start3A_212 = tpu.memref_squeeze %dma_start3A_211 : memref<1x40x128xf32, #tpu.memory_space<vmem>> -> memref<40x128xf32, #tpu.memory_space<vmem>>
      %dma_start3A_213 = arith.constant 0 : i32
      %dma_start3A_214 = tpu.memref_slice %arg22[%add3A_106, %dma_start3A_213] : memref<10000x128xf32, #tpu.memory_space<vmem_shared>> -> memref<40x128xf32, #tpu.memory_space<vmem_shared>>
      %dma_start3A_215 = arith.constant 0 : i32
      %dma_start3A_216 = tpu.memref_slice %arg22[%add3A_106, %dma_start3A_215] : memref<10000x128xf32, #tpu.memory_space<vmem_shared>> -> memref<40x128xf32, #tpu.memory_space<vmem_shared>>
      %dma_start3A_217 = arith.constant 0 : i32
      %dma_start3A_218 = arith.constant 0 : i32
      %dma_start3A_219 = tpu.memref_slice %arg17[%run_scoped3A_107, %dma_start3A_217, %dma_start3A_218] : memref<2x40x128xf32, #tpu.memory_space<vmem>> -> memref<1x40x128xf32, #tpu.memory_space<vmem>>
      %dma_start3A_220 = tpu.memref_squeeze %dma_start3A_219 : memref<1x40x128xf32, #tpu.memory_space<vmem>> -> memref<40x128xf32, #tpu.memory_space<vmem>>
      tpu.enqueue_dma source(%dma_start3A_220 : memref<40x128xf32, #tpu.memory_space<vmem>>) target(%dma_start3A_216 : memref<40x128xf32, #tpu.memory_space<vmem_shared>>) target_semaphore(%run_scoped3A_209 : memref<!tpu.dma_semaphore, #tpu.memory_space<semaphore_mem>>)
      %dma_wait3A_221 = arith.constant 0 : i32
      %dma_wait3A_222 = arith.constant 0 : i32
      %dma_wait3A_223 = tpu.memref_slice %arg17[%run_scoped3A_107, %dma_wait3A_221, %dma_wait3A_222] : memref<2x40x128xf32, #tpu.memory_space<vmem>> -> memref<1x40x128xf32, #tpu.memory_space<vmem>>
      %dma_wait3A_224 = tpu.memref_squeeze %dma_wait3A_223 : memref<1x40x128xf32, #tpu.memory_space<vmem>> -> memref<40x128xf32, #tpu.memory_space<vmem>>
      %dma_wait3A_225 = arith.constant 0 : i32
      %dma_wait3A_226 = tpu.memref_slice %arg22[%add3A_106, %dma_wait3A_225] : memref<10000x128xf32, #tpu.memory_space<vmem_shared>> -> memref<40x128xf32, #tpu.memory_space<vmem_shared>>
      %dma_wait3A_227 = arith.constant 0 : i32
      %dma_wait3A_228 = tpu.memref_slice %arg22[%add3A_106, %dma_wait3A_227] : memref<10000x128xf32, #tpu.memory_space<vmem_shared>> -> memref<40x128xf32, #tpu.memory_space<vmem_shared>>
      %dma_wait3A_229 = arith.constant 0 : i32
      %dma_wait3A_230 = arith.constant 0 : i32
      %dma_wait3A_231 = tpu.memref_slice %arg17[%run_scoped3A_107, %dma_wait3A_229, %dma_wait3A_230] : memref<2x40x128xf32, #tpu.memory_space<vmem>> -> memref<1x40x128xf32, #tpu.memory_space<vmem>>
      %dma_wait3A_232 = tpu.memref_squeeze %dma_wait3A_231 : memref<1x40x128xf32, #tpu.memory_space<vmem>> -> memref<40x128xf32, #tpu.memory_space<vmem>>
      tpu.wait_dma2 semaphore(%run_scoped3A_209 : memref<!tpu.dma_semaphore, #tpu.memory_space<semaphore_mem>>) src(%dma_wait3A_232 : memref<40x128xf32, #tpu.memory_space<vmem>>) dst(%dma_wait3A_228 : memref<40x128xf32, #tpu.memory_space<vmem_shared>>)
      tpu.yield
    }) : () -> ()
    %mul3A_108 = arith.constant 625 : i32
    %mul3A_109 = arith.muli %arg1, %mul3A_108 : i32
    %add3A_110 = arith.constant 560 : i32
    %add3A_111 = arith.addi %mul3A_109, %add3A_110 : i32
    %run_scoped3A_112 = arith.constant 0 : i32
    "tpu.region"() ({
      %run_scoped3A_209 = tpu.sem_alloc : memref<!tpu.dma_semaphore, #tpu.memory_space<semaphore_mem>>
      %dma_start3A = arith.constant 0 : i32
      %dma_start3A_210 = arith.constant 0 : i32
      %dma_start3A_211 = tpu.memref_slice %arg17[%run_scoped3A_112, %dma_start3A, %dma_start3A_210] : memref<2x40x128xf32, #tpu.memory_space<vmem>> -> memref<1x40x128xf32, #tpu.memory_space<vmem>>
      %dma_start3A_212 = tpu.memref_squeeze %dma_start3A_211 : memref<1x40x128xf32, #tpu.memory_space<vmem>> -> memref<40x128xf32, #tpu.memory_space<vmem>>
      %dma_start3A_213 = arith.constant 0 : i32
      %dma_start3A_214 = tpu.memref_slice %arg22[%add3A_111, %dma_start3A_213] : memref<10000x128xf32, #tpu.memory_space<vmem_shared>> -> memref<40x128xf32, #tpu.memory_space<vmem_shared>>
      %dma_start3A_215 = arith.constant 0 : i32
      %dma_start3A_216 = tpu.memref_slice %arg22[%add3A_111, %dma_start3A_215] : memref<10000x128xf32, #tpu.memory_space<vmem_shared>> -> memref<40x128xf32, #tpu.memory_space<vmem_shared>>
      %dma_start3A_217 = arith.constant 0 : i32
      %dma_start3A_218 = arith.constant 0 : i32
      %dma_start3A_219 = tpu.memref_slice %arg17[%run_scoped3A_112, %dma_start3A_217, %dma_start3A_218] : memref<2x40x128xf32, #tpu.memory_space<vmem>> -> memref<1x40x128xf32, #tpu.memory_space<vmem>>
      %dma_start3A_220 = tpu.memref_squeeze %dma_start3A_219 : memref<1x40x128xf32, #tpu.memory_space<vmem>> -> memref<40x128xf32, #tpu.memory_space<vmem>>
      tpu.enqueue_dma source(%dma_start3A_220 : memref<40x128xf32, #tpu.memory_space<vmem>>) target(%dma_start3A_216 : memref<40x128xf32, #tpu.memory_space<vmem_shared>>) target_semaphore(%run_scoped3A_209 : memref<!tpu.dma_semaphore, #tpu.memory_space<semaphore_mem>>)
      %dma_wait3A_221 = arith.constant 0 : i32
      %dma_wait3A_222 = arith.constant 0 : i32
      %dma_wait3A_223 = tpu.memref_slice %arg17[%run_scoped3A_112, %dma_wait3A_221, %dma_wait3A_222] : memref<2x40x128xf32, #tpu.memory_space<vmem>> -> memref<1x40x128xf32, #tpu.memory_space<vmem>>
      %dma_wait3A_224 = tpu.memref_squeeze %dma_wait3A_223 : memref<1x40x128xf32, #tpu.memory_space<vmem>> -> memref<40x128xf32, #tpu.memory_space<vmem>>
      %dma_wait3A_225 = arith.constant 0 : i32
      %dma_wait3A_226 = tpu.memref_slice %arg22[%add3A_111, %dma_wait3A_225] : memref<10000x128xf32, #tpu.memory_space<vmem_shared>> -> memref<40x128xf32, #tpu.memory_space<vmem_shared>>
      %dma_wait3A_227 = arith.constant 0 : i32
      %dma_wait3A_228 = tpu.memref_slice %arg22[%add3A_111, %dma_wait3A_227] : memref<10000x128xf32, #tpu.memory_space<vmem_shared>> -> memref<40x128xf32, #tpu.memory_space<vmem_shared>>
      %dma_wait3A_229 = arith.constant 0 : i32
      %dma_wait3A_230 = arith.constant 0 : i32
      %dma_wait3A_231 = tpu.memref_slice %arg17[%run_scoped3A_112, %dma_wait3A_229, %dma_wait3A_230] : memref<2x40x128xf32, #tpu.memory_space<vmem>> -> memref<1x40x128xf32, #tpu.memory_space<vmem>>
      %dma_wait3A_232 = tpu.memref_squeeze %dma_wait3A_231 : memref<1x40x128xf32, #tpu.memory_space<vmem>> -> memref<40x128xf32, #tpu.memory_space<vmem>>
      tpu.wait_dma2 semaphore(%run_scoped3A_209 : memref<!tpu.dma_semaphore, #tpu.memory_space<semaphore_mem>>) src(%dma_wait3A_232 : memref<40x128xf32, #tpu.memory_space<vmem>>) dst(%dma_wait3A_228 : memref<40x128xf32, #tpu.memory_space<vmem_shared>>)
      tpu.yield
    }) : () -> ()
    %mul3A_113 = arith.constant 625 : i32
    %mul3A_114 = arith.muli %arg1, %mul3A_113 : i32
    %add3A_115 = arith.constant 600 : i32
    %add3A_116 = arith.addi %mul3A_114, %add3A_115 : i32
    %run_scoped3A_117 = arith.constant 0 : i32
    "tpu.region"() ({
      %run_scoped3A_209 = tpu.sem_alloc : memref<!tpu.dma_semaphore, #tpu.memory_space<semaphore_mem>>
      %dma_start3A = arith.constant 0 : i32
      %dma_start3A_210 = arith.constant 0 : i32
      %dma_start3A_211 = tpu.memref_slice %arg17[%run_scoped3A_117, %dma_start3A, %dma_start3A_210] : memref<2x40x128xf32, #tpu.memory_space<vmem>> -> memref<1x25x128xf32, #tpu.memory_space<vmem>>
      %dma_start3A_212 = tpu.memref_squeeze %dma_start3A_211 : memref<1x25x128xf32, #tpu.memory_space<vmem>> -> memref<25x128xf32, #tpu.memory_space<vmem>>
      %dma_start3A_213 = arith.constant 0 : i32
      %dma_start3A_214 = tpu.memref_slice %arg22[%add3A_116, %dma_start3A_213] : memref<10000x128xf32, #tpu.memory_space<vmem_shared>> -> memref<25x128xf32, #tpu.memory_space<vmem_shared>>
      %dma_start3A_215 = arith.constant 0 : i32
      %dma_start3A_216 = tpu.memref_slice %arg22[%add3A_116, %dma_start3A_215] : memref<10000x128xf32, #tpu.memory_space<vmem_shared>> -> memref<25x128xf32, #tpu.memory_space<vmem_shared>>
      %dma_start3A_217 = arith.constant 0 : i32
      %dma_start3A_218 = arith.constant 0 : i32
      %dma_start3A_219 = tpu.memref_slice %arg17[%run_scoped3A_117, %dma_start3A_217, %dma_start3A_218] : memref<2x40x128xf32, #tpu.memory_space<vmem>> -> memref<1x25x128xf32, #tpu.memory_space<vmem>>
      %dma_start3A_220 = tpu.memref_squeeze %dma_start3A_219 : memref<1x25x128xf32, #tpu.memory_space<vmem>> -> memref<25x128xf32, #tpu.memory_space<vmem>>
      tpu.enqueue_dma source(%dma_start3A_220 : memref<25x128xf32, #tpu.memory_space<vmem>>) target(%dma_start3A_216 : memref<25x128xf32, #tpu.memory_space<vmem_shared>>) target_semaphore(%run_scoped3A_209 : memref<!tpu.dma_semaphore, #tpu.memory_space<semaphore_mem>>)
      %dma_wait3A_221 = arith.constant 0 : i32
      %dma_wait3A_222 = arith.constant 0 : i32
      %dma_wait3A_223 = tpu.memref_slice %arg17[%run_scoped3A_117, %dma_wait3A_221, %dma_wait3A_222] : memref<2x40x128xf32, #tpu.memory_space<vmem>> -> memref<1x25x128xf32, #tpu.memory_space<vmem>>
      %dma_wait3A_224 = tpu.memref_squeeze %dma_wait3A_223 : memref<1x25x128xf32, #tpu.memory_space<vmem>> -> memref<25x128xf32, #tpu.memory_space<vmem>>
      %dma_wait3A_225 = arith.constant 0 : i32
      %dma_wait3A_226 = tpu.memref_slice %arg22[%add3A_116, %dma_wait3A_225] : memref<10000x128xf32, #tpu.memory_space<vmem_shared>> -> memref<25x128xf32, #tpu.memory_space<vmem_shared>>
      %dma_wait3A_227 = arith.constant 0 : i32
      %dma_wait3A_228 = tpu.memref_slice %arg22[%add3A_116, %dma_wait3A_227] : memref<10000x128xf32, #tpu.memory_space<vmem_shared>> -> memref<25x128xf32, #tpu.memory_space<vmem_shared>>
      %dma_wait3A_229 = arith.constant 0 : i32
      %dma_wait3A_230 = arith.constant 0 : i32
      %dma_wait3A_231 = tpu.memref_slice %arg17[%run_scoped3A_117, %dma_wait3A_229, %dma_wait3A_230] : memref<2x40x128xf32, #tpu.memory_space<vmem>> -> memref<1x25x128xf32, #tpu.memory_space<vmem>>
      %dma_wait3A_232 = tpu.memref_squeeze %dma_wait3A_231 : memref<1x25x128xf32, #tpu.memory_space<vmem>> -> memref<25x128xf32, #tpu.memory_space<vmem>>
      tpu.wait_dma2 semaphore(%run_scoped3A_209 : memref<!tpu.dma_semaphore, #tpu.memory_space<semaphore_mem>>) src(%dma_wait3A_232 : memref<25x128xf32, #tpu.memory_space<vmem>>) dst(%dma_wait3A_228 : memref<25x128xf32, #tpu.memory_space<vmem_shared>>)
      tpu.yield
    }) : () -> ()
    %eq3A = arith.constant 0 : i32
    %eq3A_118 = arith.cmpi eq, %arg1, %eq3A : i32
    %convert_element_type3A = arith.extui %eq3A_118 : i1 to i32
    %cond3A = arith.constant 0 : i32
    %cond3A_119 = arith.cmpi ne, %convert_element_type3A, %cond3A : i32
    scf.if %cond3A_119 {
      "tpu.region"() ({
        %run_scoped3A_209 = tpu.sem_alloc : memref<!tpu.dma_semaphore, #tpu.memory_space<semaphore_mem>>
        %dma_start3A = arith.constant 0 : i32
        %dma_start3A_210 = tpu.memref_slice %arg21[%dma_start3A] : memref<768xf32, #tpu.memory_space<vmem>> -> memref<256xf32, #tpu.memory_space<vmem>>
        %dma_start3A_211 = arith.constant 0 : i32
        %dma_start3A_212 = tpu.memref_slice %arg23[%dma_start3A_211] : memref<10000xf32, #tpu.memory_space<vmem_shared>> -> memref<256xf32, #tpu.memory_space<vmem_shared>>
        %dma_start3A_213 = arith.constant 0 : i32
        %dma_start3A_214 = tpu.memref_slice %arg23[%dma_start3A_213] : memref<10000xf32, #tpu.memory_space<vmem_shared>> -> memref<256xf32, #tpu.memory_space<vmem_shared>>
        %dma_start3A_215 = arith.constant 0 : i32
        %dma_start3A_216 = tpu.memref_slice %arg21[%dma_start3A_215] : memref<768xf32, #tpu.memory_space<vmem>> -> memref<256xf32, #tpu.memory_space<vmem>>
        tpu.enqueue_dma source(%dma_start3A_216 : memref<256xf32, #tpu.memory_space<vmem>>) target(%dma_start3A_214 : memref<256xf32, #tpu.memory_space<vmem_shared>>) target_semaphore(%run_scoped3A_209 : memref<!tpu.dma_semaphore, #tpu.memory_space<semaphore_mem>>)
        %dma_wait3A_217 = arith.constant 0 : i32
        %dma_wait3A_218 = tpu.memref_slice %arg21[%dma_wait3A_217] : memref<768xf32, #tpu.memory_space<vmem>> -> memref<256xf32, #tpu.memory_space<vmem>>
        %dma_wait3A_219 = arith.constant 0 : i32
        %dma_wait3A_220 = tpu.memref_slice %arg23[%dma_wait3A_219] : memref<10000xf32, #tpu.memory_space<vmem_shared>> -> memref<256xf32, #tpu.memory_space<vmem_shared>>
        %dma_wait3A_221 = arith.constant 0 : i32
        %dma_wait3A_222 = tpu.memref_slice %arg23[%dma_wait3A_221] : memref<10000xf32, #tpu.memory_space<vmem_shared>> -> memref<256xf32, #tpu.memory_space<vmem_shared>>
        %dma_wait3A_223 = arith.constant 0 : i32
        %dma_wait3A_224 = tpu.memref_slice %arg21[%dma_wait3A_223] : memref<768xf32, #tpu.memory_space<vmem>> -> memref<256xf32, #tpu.memory_space<vmem>>
        tpu.wait_dma2 semaphore(%run_scoped3A_209 : memref<!tpu.dma_semaphore, #tpu.memory_space<semaphore_mem>>) src(%dma_wait3A_224 : memref<256xf32, #tpu.memory_space<vmem>>) dst(%dma_wait3A_222 : memref<256xf32, #tpu.memory_space<vmem_shared>>)
        tpu.yield
      }) : () -> ()
      "tpu.region"() ({
        %run_scoped3A_209 = tpu.sem_alloc : memref<!tpu.dma_semaphore, #tpu.memory_space<semaphore_mem>>
        %dma_start3A = arith.constant 0 : i32
        %dma_start3A_210 = tpu.memref_slice %arg21[%dma_start3A] : memref<768xf32, #tpu.memory_space<vmem>> -> memref<256xf32, #tpu.memory_space<vmem>>
        %dma_start3A_211 = arith.constant 256 : i32
        %dma_start3A_212 = tpu.memref_slice %arg23[%dma_start3A_211] : memref<10000xf32, #tpu.memory_space<vmem_shared>> -> memref<256xf32, #tpu.memory_space<vmem_shared>>
        %dma_start3A_213 = arith.constant 256 : i32
        %dma_start3A_214 = tpu.memref_slice %arg23[%dma_start3A_213] : memref<10000xf32, #tpu.memory_space<vmem_shared>> -> memref<256xf32, #tpu.memory_space<vmem_shared>>
        %dma_start3A_215 = arith.constant 0 : i32
        %dma_start3A_216 = tpu.memref_slice %arg21[%dma_start3A_215] : memref<768xf32, #tpu.memory_space<vmem>> -> memref<256xf32, #tpu.memory_space<vmem>>
        tpu.enqueue_dma source(%dma_start3A_216 : memref<256xf32, #tpu.memory_space<vmem>>) target(%dma_start3A_214 : memref<256xf32, #tpu.memory_space<vmem_shared>>) target_semaphore(%run_scoped3A_209 : memref<!tpu.dma_semaphore, #tpu.memory_space<semaphore_mem>>)
        %dma_wait3A_217 = arith.constant 0 : i32
        %dma_wait3A_218 = tpu.memref_slice %arg21[%dma_wait3A_217] : memref<768xf32, #tpu.memory_space<vmem>> -> memref<256xf32, #tpu.memory_space<vmem>>
        %dma_wait3A_219 = arith.constant 256 : i32
        %dma_wait3A_220 = tpu.memref_slice %arg23[%dma_wait3A_219] : memref<10000xf32, #tpu.memory_space<vmem_shared>> -> memref<256xf32, #tpu.memory_space<vmem_shared>>
        %dma_wait3A_221 = arith.constant 256 : i32
        %dma_wait3A_222 = tpu.memref_slice %arg23[%dma_wait3A_221] : memref<10000xf32, #tpu.memory_space<vmem_shared>> -> memref<256xf32, #tpu.memory_space<vmem_shared>>
        %dma_wait3A_223 = arith.constant 0 : i32
        %dma_wait3A_224 = tpu.memref_slice %arg21[%dma_wait3A_223] : memref<768xf32, #tpu.memory_space<vmem>> -> memref<256xf32, #tpu.memory_space<vmem>>
        tpu.wait_dma2 semaphore(%run_scoped3A_209 : memref<!tpu.dma_semaphore, #tpu.memory_space<semaphore_mem>>) src(%dma_wait3A_224 : memref<256xf32, #tpu.memory_space<vmem>>) dst(%dma_wait3A_222 : memref<256xf32, #tpu.memory_space<vmem_shared>>)
        tpu.yield
      }) : () -> ()
      "tpu.region"() ({
        %run_scoped3A_209 = tpu.sem_alloc : memref<!tpu.dma_semaphore, #tpu.memory_space<semaphore_mem>>
        %dma_start3A = arith.constant 0 : i32
        %dma_start3A_210 = tpu.memref_slice %arg21[%dma_start3A] : memref<768xf32, #tpu.memory_space<vmem>> -> memref<256xf32, #tpu.memory_space<vmem>>
        %dma_start3A_211 = arith.constant 512 : i32
        %dma_start3A_212 = tpu.memref_slice %arg23[%dma_start3A_211] : memref<10000xf32, #tpu.memory_space<vmem_shared>> -> memref<256xf32, #tpu.memory_space<vmem_shared>>
        %dma_start3A_213 = arith.constant 512 : i32
        %dma_start3A_214 = tpu.memref_slice %arg23[%dma_start3A_213] : memref<10000xf32, #tpu.memory_space<vmem_shared>> -> memref<256xf32, #tpu.memory_space<vmem_shared>>
        %dma_start3A_215 = arith.constant 0 : i32
        %dma_start3A_216 = tpu.memref_slice %arg21[%dma_start3A_215] : memref<768xf32, #tpu.memory_space<vmem>> -> memref<256xf32, #tpu.memory_space<vmem>>
        tpu.enqueue_dma source(%dma_start3A_216 : memref<256xf32, #tpu.memory_space<vmem>>) target(%dma_start3A_214 : memref<256xf32, #tpu.memory_space<vmem_shared>>) target_semaphore(%run_scoped3A_209 : memref<!tpu.dma_semaphore, #tpu.memory_space<semaphore_mem>>)
        %dma_wait3A_217 = arith.constant 0 : i32
        %dma_wait3A_218 = tpu.memref_slice %arg21[%dma_wait3A_217] : memref<768xf32, #tpu.memory_space<vmem>> -> memref<256xf32, #tpu.memory_space<vmem>>
        %dma_wait3A_219 = arith.constant 512 : i32
        %dma_wait3A_220 = tpu.memref_slice %arg23[%dma_wait3A_219] : memref<10000xf32, #tpu.memory_space<vmem_shared>> -> memref<256xf32, #tpu.memory_space<vmem_shared>>
        %dma_wait3A_221 = arith.constant 512 : i32
        %dma_wait3A_222 = tpu.memref_slice %arg23[%dma_wait3A_221] : memref<10000xf32, #tpu.memory_space<vmem_shared>> -> memref<256xf32, #tpu.memory_space<vmem_shared>>
        %dma_wait3A_223 = arith.constant 0 : i32
        %dma_wait3A_224 = tpu.memref_slice %arg21[%dma_wait3A_223] : memref<768xf32, #tpu.memory_space<vmem>> -> memref<256xf32, #tpu.memory_space<vmem>>
        tpu.wait_dma2 semaphore(%run_scoped3A_209 : memref<!tpu.dma_semaphore, #tpu.memory_space<semaphore_mem>>) src(%dma_wait3A_224 : memref<256xf32, #tpu.memory_space<vmem>>) dst(%dma_wait3A_222 : memref<256xf32, #tpu.memory_space<vmem_shared>>)
        tpu.yield
      }) : () -> ()
      "tpu.region"() ({
        %run_scoped3A_209 = tpu.sem_alloc : memref<!tpu.dma_semaphore, #tpu.memory_space<semaphore_mem>>
        %dma_start3A = arith.constant 0 : i32
        %dma_start3A_210 = tpu.memref_slice %arg21[%dma_start3A] : memref<768xf32, #tpu.memory_space<vmem>> -> memref<256xf32, #tpu.memory_space<vmem>>
        %dma_start3A_211 = arith.constant 768 : i32
        %dma_start3A_212 = tpu.memref_slice %arg23[%dma_start3A_211] : memref<10000xf32, #tpu.memory_space<vmem_shared>> -> memref<256xf32, #tpu.memory_space<vmem_shared>>
        %dma_start3A_213 = arith.constant 768 : i32
        %dma_start3A_214 = tpu.memref_slice %arg23[%dma_start3A_213] : memref<10000xf32, #tpu.memory_space<vmem_shared>> -> memref<256xf32, #tpu.memory_space<vmem_shared>>
        %dma_start3A_215 = arith.constant 0 : i32
        %dma_start3A_216 = tpu.memref_slice %arg21[%dma_start3A_215] : memref<768xf32, #tpu.memory_space<vmem>> -> memref<256xf32, #tpu.memory_space<vmem>>
        tpu.enqueue_dma source(%dma_start3A_216 : memref<256xf32, #tpu.memory_space<vmem>>) target(%dma_start3A_214 : memref<256xf32, #tpu.memory_space<vmem_shared>>) target_semaphore(%run_scoped3A_209 : memref<!tpu.dma_semaphore, #tpu.memory_space<semaphore_mem>>)
        %dma_wait3A_217 = arith.constant 0 : i32
        %dma_wait3A_218 = tpu.memref_slice %arg21[%dma_wait3A_217] : memref<768xf32, #tpu.memory_space<vmem>> -> memref<256xf32, #tpu.memory_space<vmem>>
        %dma_wait3A_219 = arith.constant 768 : i32
        %dma_wait3A_220 = tpu.memref_slice %arg23[%dma_wait3A_219] : memref<10000xf32, #tpu.memory_space<vmem_shared>> -> memref<256xf32, #tpu.memory_space<vmem_shared>>
        %dma_wait3A_221 = arith.constant 768 : i32
        %dma_wait3A_222 = tpu.memref_slice %arg23[%dma_wait3A_221] : memref<10000xf32, #tpu.memory_space<vmem_shared>> -> memref<256xf32, #tpu.memory_space<vmem_shared>>
        %dma_wait3A_223 = arith.constant 0 : i32
        %dma_wait3A_224 = tpu.memref_slice %arg21[%dma_wait3A_223] : memref<768xf32, #tpu.memory_space<vmem>> -> memref<256xf32, #tpu.memory_space<vmem>>
        tpu.wait_dma2 semaphore(%run_scoped3A_209 : memref<!tpu.dma_semaphore, #tpu.memory_space<semaphore_mem>>) src(%dma_wait3A_224 : memref<256xf32, #tpu.memory_space<vmem>>) dst(%dma_wait3A_222 : memref<256xf32, #tpu.memory_space<vmem_shared>>)
        tpu.yield
      }) : () -> ()
      "tpu.region"() ({
        %run_scoped3A_209 = tpu.sem_alloc : memref<!tpu.dma_semaphore, #tpu.memory_space<semaphore_mem>>
        %dma_start3A = arith.constant 0 : i32
        %dma_start3A_210 = tpu.memref_slice %arg21[%dma_start3A] : memref<768xf32, #tpu.memory_space<vmem>> -> memref<256xf32, #tpu.memory_space<vmem>>
        %dma_start3A_211 = arith.constant 1024 : i32
        %dma_start3A_212 = tpu.memref_slice %arg23[%dma_start3A_211] : memref<10000xf32, #tpu.memory_space<vmem_shared>> -> memref<256xf32, #tpu.memory_space<vmem_shared>>
        %dma_start3A_213 = arith.constant 1024 : i32
        %dma_start3A_214 = tpu.memref_slice %arg23[%dma_start3A_213] : memref<10000xf32, #tpu.memory_space<vmem_shared>> -> memref<256xf32, #tpu.memory_space<vmem_shared>>
        %dma_start3A_215 = arith.constant 0 : i32
        %dma_start3A_216 = tpu.memref_slice %arg21[%dma_start3A_215] : memref<768xf32, #tpu.memory_space<vmem>> -> memref<256xf32, #tpu.memory_space<vmem>>
        tpu.enqueue_dma source(%dma_start3A_216 : memref<256xf32, #tpu.memory_space<vmem>>) target(%dma_start3A_214 : memref<256xf32, #tpu.memory_space<vmem_shared>>) target_semaphore(%run_scoped3A_209 : memref<!tpu.dma_semaphore, #tpu.memory_space<semaphore_mem>>)
        %dma_wait3A_217 = arith.constant 0 : i32
        %dma_wait3A_218 = tpu.memref_slice %arg21[%dma_wait3A_217] : memref<768xf32, #tpu.memory_space<vmem>> -> memref<256xf32, #tpu.memory_space<vmem>>
        %dma_wait3A_219 = arith.constant 1024 : i32
        %dma_wait3A_220 = tpu.memref_slice %arg23[%dma_wait3A_219] : memref<10000xf32, #tpu.memory_space<vmem_shared>> -> memref<256xf32, #tpu.memory_space<vmem_shared>>
        %dma_wait3A_221 = arith.constant 1024 : i32
        %dma_wait3A_222 = tpu.memref_slice %arg23[%dma_wait3A_221] : memref<10000xf32, #tpu.memory_space<vmem_shared>> -> memref<256xf32, #tpu.memory_space<vmem_shared>>
        %dma_wait3A_223 = arith.constant 0 : i32
        %dma_wait3A_224 = tpu.memref_slice %arg21[%dma_wait3A_223] : memref<768xf32, #tpu.memory_space<vmem>> -> memref<256xf32, #tpu.memory_space<vmem>>
        tpu.wait_dma2 semaphore(%run_scoped3A_209 : memref<!tpu.dma_semaphore, #tpu.memory_space<semaphore_mem>>) src(%dma_wait3A_224 : memref<256xf32, #tpu.memory_space<vmem>>) dst(%dma_wait3A_222 : memref<256xf32, #tpu.memory_space<vmem_shared>>)
        tpu.yield
      }) : () -> ()
      "tpu.region"() ({
        %run_scoped3A_209 = tpu.sem_alloc : memref<!tpu.dma_semaphore, #tpu.memory_space<semaphore_mem>>
        %dma_start3A = arith.constant 0 : i32
        %dma_start3A_210 = tpu.memref_slice %arg21[%dma_start3A] : memref<768xf32, #tpu.memory_space<vmem>> -> memref<256xf32, #tpu.memory_space<vmem>>
        %dma_start3A_211 = arith.constant 1280 : i32
        %dma_start3A_212 = tpu.memref_slice %arg23[%dma_start3A_211] : memref<10000xf32, #tpu.memory_space<vmem_shared>> -> memref<256xf32, #tpu.memory_space<vmem_shared>>
        %dma_start3A_213 = arith.constant 1280 : i32
        %dma_start3A_214 = tpu.memref_slice %arg23[%dma_start3A_213] : memref<10000xf32, #tpu.memory_space<vmem_shared>> -> memref<256xf32, #tpu.memory_space<vmem_shared>>
        %dma_start3A_215 = arith.constant 0 : i32
        %dma_start3A_216 = tpu.memref_slice %arg21[%dma_start3A_215] : memref<768xf32, #tpu.memory_space<vmem>> -> memref<256xf32, #tpu.memory_space<vmem>>
        tpu.enqueue_dma source(%dma_start3A_216 : memref<256xf32, #tpu.memory_space<vmem>>) target(%dma_start3A_214 : memref<256xf32, #tpu.memory_space<vmem_shared>>) target_semaphore(%run_scoped3A_209 : memref<!tpu.dma_semaphore, #tpu.memory_space<semaphore_mem>>)
        %dma_wait3A_217 = arith.constant 0 : i32
        %dma_wait3A_218 = tpu.memref_slice %arg21[%dma_wait3A_217] : memref<768xf32, #tpu.memory_space<vmem>> -> memref<256xf32, #tpu.memory_space<vmem>>
        %dma_wait3A_219 = arith.constant 1280 : i32
        %dma_wait3A_220 = tpu.memref_slice %arg23[%dma_wait3A_219] : memref<10000xf32, #tpu.memory_space<vmem_shared>> -> memref<256xf32, #tpu.memory_space<vmem_shared>>
        %dma_wait3A_221 = arith.constant 1280 : i32
        %dma_wait3A_222 = tpu.memref_slice %arg23[%dma_wait3A_221] : memref<10000xf32, #tpu.memory_space<vmem_shared>> -> memref<256xf32, #tpu.memory_space<vmem_shared>>
        %dma_wait3A_223 = arith.constant 0 : i32
        %dma_wait3A_224 = tpu.memref_slice %arg21[%dma_wait3A_223] : memref<768xf32, #tpu.memory_space<vmem>> -> memref<256xf32, #tpu.memory_space<vmem>>
        tpu.wait_dma2 semaphore(%run_scoped3A_209 : memref<!tpu.dma_semaphore, #tpu.memory_space<semaphore_mem>>) src(%dma_wait3A_224 : memref<256xf32, #tpu.memory_space<vmem>>) dst(%dma_wait3A_222 : memref<256xf32, #tpu.memory_space<vmem_shared>>)
        tpu.yield
      }) : () -> ()
      "tpu.region"() ({
        %run_scoped3A_209 = tpu.sem_alloc : memref<!tpu.dma_semaphore, #tpu.memory_space<semaphore_mem>>
        %dma_start3A = arith.constant 0 : i32
        %dma_start3A_210 = tpu.memref_slice %arg21[%dma_start3A] : memref<768xf32, #tpu.memory_space<vmem>> -> memref<256xf32, #tpu.memory_space<vmem>>
        %dma_start3A_211 = arith.constant 1536 : i32
        %dma_start3A_212 = tpu.memref_slice %arg23[%dma_start3A_211] : memref<10000xf32, #tpu.memory_space<vmem_shared>> -> memref<256xf32, #tpu.memory_space<vmem_shared>>
        %dma_start3A_213 = arith.constant 1536 : i32
        %dma_start3A_214 = tpu.memref_slice %arg23[%dma_start3A_213] : memref<10000xf32, #tpu.memory_space<vmem_shared>> -> memref<256xf32, #tpu.memory_space<vmem_shared>>
        %dma_start3A_215 = arith.constant 0 : i32
        %dma_start3A_216 = tpu.memref_slice %arg21[%dma_start3A_215] : memref<768xf32, #tpu.memory_space<vmem>> -> memref<256xf32, #tpu.memory_space<vmem>>
        tpu.enqueue_dma source(%dma_start3A_216 : memref<256xf32, #tpu.memory_space<vmem>>) target(%dma_start3A_214 : memref<256xf32, #tpu.memory_space<vmem_shared>>) target_semaphore(%run_scoped3A_209 : memref<!tpu.dma_semaphore, #tpu.memory_space<semaphore_mem>>)
        %dma_wait3A_217 = arith.constant 0 : i32
        %dma_wait3A_218 = tpu.memref_slice %arg21[%dma_wait3A_217] : memref<768xf32, #tpu.memory_space<vmem>> -> memref<256xf32, #tpu.memory_space<vmem>>
        %dma_wait3A_219 = arith.constant 1536 : i32
        %dma_wait3A_220 = tpu.memref_slice %arg23[%dma_wait3A_219] : memref<10000xf32, #tpu.memory_space<vmem_shared>> -> memref<256xf32, #tpu.memory_space<vmem_shared>>
        %dma_wait3A_221 = arith.constant 1536 : i32
        %dma_wait3A_222 = tpu.memref_slice %arg23[%dma_wait3A_221] : memref<10000xf32, #tpu.memory_space<vmem_shared>> -> memref<256xf32, #tpu.memory_space<vmem_shared>>
        %dma_wait3A_223 = arith.constant 0 : i32
        %dma_wait3A_224 = tpu.memref_slice %arg21[%dma_wait3A_223] : memref<768xf32, #tpu.memory_space<vmem>> -> memref<256xf32, #tpu.memory_space<vmem>>
        tpu.wait_dma2 semaphore(%run_scoped3A_209 : memref<!tpu.dma_semaphore, #tpu.memory_space<semaphore_mem>>) src(%dma_wait3A_224 : memref<256xf32, #tpu.memory_space<vmem>>) dst(%dma_wait3A_222 : memref<256xf32, #tpu.memory_space<vmem_shared>>)
        tpu.yield
      }) : () -> ()
      "tpu.region"() ({
        %run_scoped3A_209 = tpu.sem_alloc : memref<!tpu.dma_semaphore, #tpu.memory_space<semaphore_mem>>
        %dma_start3A = arith.constant 0 : i32
        %dma_start3A_210 = tpu.memref_slice %arg21[%dma_start3A] : memref<768xf32, #tpu.memory_space<vmem>> -> memref<256xf32, #tpu.memory_space<vmem>>
        %dma_start3A_211 = arith.constant 1792 : i32
        %dma_start3A_212 = tpu.memref_slice %arg23[%dma_start3A_211] : memref<10000xf32, #tpu.memory_space<vmem_shared>> -> memref<256xf32, #tpu.memory_space<vmem_shared>>
        %dma_start3A_213 = arith.constant 1792 : i32
        %dma_start3A_214 = tpu.memref_slice %arg23[%dma_start3A_213] : memref<10000xf32, #tpu.memory_space<vmem_shared>> -> memref<256xf32, #tpu.memory_space<vmem_shared>>
        %dma_start3A_215 = arith.constant 0 : i32
        %dma_start3A_216 = tpu.memref_slice %arg21[%dma_start3A_215] : memref<768xf32, #tpu.memory_space<vmem>> -> memref<256xf32, #tpu.memory_space<vmem>>
        tpu.enqueue_dma source(%dma_start3A_216 : memref<256xf32, #tpu.memory_space<vmem>>) target(%dma_start3A_214 : memref<256xf32, #tpu.memory_space<vmem_shared>>) target_semaphore(%run_scoped3A_209 : memref<!tpu.dma_semaphore, #tpu.memory_space<semaphore_mem>>)
        %dma_wait3A_217 = arith.constant 0 : i32
        %dma_wait3A_218 = tpu.memref_slice %arg21[%dma_wait3A_217] : memref<768xf32, #tpu.memory_space<vmem>> -> memref<256xf32, #tpu.memory_space<vmem>>
        %dma_wait3A_219 = arith.constant 1792 : i32
        %dma_wait3A_220 = tpu.memref_slice %arg23[%dma_wait3A_219] : memref<10000xf32, #tpu.memory_space<vmem_shared>> -> memref<256xf32, #tpu.memory_space<vmem_shared>>
        %dma_wait3A_221 = arith.constant 1792 : i32
        %dma_wait3A_222 = tpu.memref_slice %arg23[%dma_wait3A_221] : memref<10000xf32, #tpu.memory_space<vmem_shared>> -> memref<256xf32, #tpu.memory_space<vmem_shared>>
        %dma_wait3A_223 = arith.constant 0 : i32
        %dma_wait3A_224 = tpu.memref_slice %arg21[%dma_wait3A_223] : memref<768xf32, #tpu.memory_space<vmem>> -> memref<256xf32, #tpu.memory_space<vmem>>
        tpu.wait_dma2 semaphore(%run_scoped3A_209 : memref<!tpu.dma_semaphore, #tpu.memory_space<semaphore_mem>>) src(%dma_wait3A_224 : memref<256xf32, #tpu.memory_space<vmem>>) dst(%dma_wait3A_222 : memref<256xf32, #tpu.memory_space<vmem_shared>>)
        tpu.yield
      }) : () -> ()
      "tpu.region"() ({
        %run_scoped3A_209 = tpu.sem_alloc : memref<!tpu.dma_semaphore, #tpu.memory_space<semaphore_mem>>
        %dma_start3A = arith.constant 0 : i32
        %dma_start3A_210 = tpu.memref_slice %arg21[%dma_start3A] : memref<768xf32, #tpu.memory_space<vmem>> -> memref<256xf32, #tpu.memory_space<vmem>>
        %dma_start3A_211 = arith.constant 2048 : i32
        %dma_start3A_212 = tpu.memref_slice %arg23[%dma_start3A_211] : memref<10000xf32, #tpu.memory_space<vmem_shared>> -> memref<256xf32, #tpu.memory_space<vmem_shared>>
        %dma_start3A_213 = arith.constant 2048 : i32
        %dma_start3A_214 = tpu.memref_slice %arg23[%dma_start3A_213] : memref<10000xf32, #tpu.memory_space<vmem_shared>> -> memref<256xf32, #tpu.memory_space<vmem_shared>>
        %dma_start3A_215 = arith.constant 0 : i32
        %dma_start3A_216 = tpu.memref_slice %arg21[%dma_start3A_215] : memref<768xf32, #tpu.memory_space<vmem>> -> memref<256xf32, #tpu.memory_space<vmem>>
        tpu.enqueue_dma source(%dma_start3A_216 : memref<256xf32, #tpu.memory_space<vmem>>) target(%dma_start3A_214 : memref<256xf32, #tpu.memory_space<vmem_shared>>) target_semaphore(%run_scoped3A_209 : memref<!tpu.dma_semaphore, #tpu.memory_space<semaphore_mem>>)
        %dma_wait3A_217 = arith.constant 0 : i32
        %dma_wait3A_218 = tpu.memref_slice %arg21[%dma_wait3A_217] : memref<768xf32, #tpu.memory_space<vmem>> -> memref<256xf32, #tpu.memory_space<vmem>>
        %dma_wait3A_219 = arith.constant 2048 : i32
        %dma_wait3A_220 = tpu.memref_slice %arg23[%dma_wait3A_219] : memref<10000xf32, #tpu.memory_space<vmem_shared>> -> memref<256xf32, #tpu.memory_space<vmem_shared>>
        %dma_wait3A_221 = arith.constant 2048 : i32
        %dma_wait3A_222 = tpu.memref_slice %arg23[%dma_wait3A_221] : memref<10000xf32, #tpu.memory_space<vmem_shared>> -> memref<256xf32, #tpu.memory_space<vmem_shared>>
        %dma_wait3A_223 = arith.constant 0 : i32
        %dma_wait3A_224 = tpu.memref_slice %arg21[%dma_wait3A_223] : memref<768xf32, #tpu.memory_space<vmem>> -> memref<256xf32, #tpu.memory_space<vmem>>
        tpu.wait_dma2 semaphore(%run_scoped3A_209 : memref<!tpu.dma_semaphore, #tpu.memory_space<semaphore_mem>>) src(%dma_wait3A_224 : memref<256xf32, #tpu.memory_space<vmem>>) dst(%dma_wait3A_222 : memref<256xf32, #tpu.memory_space<vmem_shared>>)
        tpu.yield
      }) : () -> ()
      "tpu.region"() ({
        %run_scoped3A_209 = tpu.sem_alloc : memref<!tpu.dma_semaphore, #tpu.memory_space<semaphore_mem>>
        %dma_start3A = arith.constant 0 : i32
        %dma_start3A_210 = tpu.memref_slice %arg21[%dma_start3A] : memref<768xf32, #tpu.memory_space<vmem>> -> memref<256xf32, #tpu.memory_space<vmem>>
        %dma_start3A_211 = arith.constant 2304 : i32
        %dma_start3A_212 = tpu.memref_slice %arg23[%dma_start3A_211] : memref<10000xf32, #tpu.memory_space<vmem_shared>> -> memref<256xf32, #tpu.memory_space<vmem_shared>>
        %dma_start3A_213 = arith.constant 2304 : i32
        %dma_start3A_214 = tpu.memref_slice %arg23[%dma_start3A_213] : memref<10000xf32, #tpu.memory_space<vmem_shared>> -> memref<256xf32, #tpu.memory_space<vmem_shared>>
        %dma_start3A_215 = arith.constant 0 : i32
        %dma_start3A_216 = tpu.memref_slice %arg21[%dma_start3A_215] : memref<768xf32, #tpu.memory_space<vmem>> -> memref<256xf32, #tpu.memory_space<vmem>>
        tpu.enqueue_dma source(%dma_start3A_216 : memref<256xf32, #tpu.memory_space<vmem>>) target(%dma_start3A_214 : memref<256xf32, #tpu.memory_space<vmem_shared>>) target_semaphore(%run_scoped3A_209 : memref<!tpu.dma_semaphore, #tpu.memory_space<semaphore_mem>>)
        %dma_wait3A_217 = arith.constant 0 : i32
        %dma_wait3A_218 = tpu.memref_slice %arg21[%dma_wait3A_217] : memref<768xf32, #tpu.memory_space<vmem>> -> memref<256xf32, #tpu.memory_space<vmem>>
        %dma_wait3A_219 = arith.constant 2304 : i32
        %dma_wait3A_220 = tpu.memref_slice %arg23[%dma_wait3A_219] : memref<10000xf32, #tpu.memory_space<vmem_shared>> -> memref<256xf32, #tpu.memory_space<vmem_shared>>
        %dma_wait3A_221 = arith.constant 2304 : i32
        %dma_wait3A_222 = tpu.memref_slice %arg23[%dma_wait3A_221] : memref<10000xf32, #tpu.memory_space<vmem_shared>> -> memref<256xf32, #tpu.memory_space<vmem_shared>>
        %dma_wait3A_223 = arith.constant 0 : i32
        %dma_wait3A_224 = tpu.memref_slice %arg21[%dma_wait3A_223] : memref<768xf32, #tpu.memory_space<vmem>> -> memref<256xf32, #tpu.memory_space<vmem>>
        tpu.wait_dma2 semaphore(%run_scoped3A_209 : memref<!tpu.dma_semaphore, #tpu.memory_space<semaphore_mem>>) src(%dma_wait3A_224 : memref<256xf32, #tpu.memory_space<vmem>>) dst(%dma_wait3A_222 : memref<256xf32, #tpu.memory_space<vmem_shared>>)
        tpu.yield
      }) : () -> ()
      "tpu.region"() ({
        %run_scoped3A_209 = tpu.sem_alloc : memref<!tpu.dma_semaphore, #tpu.memory_space<semaphore_mem>>
        %dma_start3A = arith.constant 0 : i32
        %dma_start3A_210 = tpu.memref_slice %arg21[%dma_start3A] : memref<768xf32, #tpu.memory_space<vmem>> -> memref<256xf32, #tpu.memory_space<vmem>>
        %dma_start3A_211 = arith.constant 2560 : i32
        %dma_start3A_212 = tpu.memref_slice %arg23[%dma_start3A_211] : memref<10000xf32, #tpu.memory_space<vmem_shared>> -> memref<256xf32, #tpu.memory_space<vmem_shared>>
        %dma_start3A_213 = arith.constant 2560 : i32
        %dma_start3A_214 = tpu.memref_slice %arg23[%dma_start3A_213] : memref<10000xf32, #tpu.memory_space<vmem_shared>> -> memref<256xf32, #tpu.memory_space<vmem_shared>>
        %dma_start3A_215 = arith.constant 0 : i32
        %dma_start3A_216 = tpu.memref_slice %arg21[%dma_start3A_215] : memref<768xf32, #tpu.memory_space<vmem>> -> memref<256xf32, #tpu.memory_space<vmem>>
        tpu.enqueue_dma source(%dma_start3A_216 : memref<256xf32, #tpu.memory_space<vmem>>) target(%dma_start3A_214 : memref<256xf32, #tpu.memory_space<vmem_shared>>) target_semaphore(%run_scoped3A_209 : memref<!tpu.dma_semaphore, #tpu.memory_space<semaphore_mem>>)
        %dma_wait3A_217 = arith.constant 0 : i32
        %dma_wait3A_218 = tpu.memref_slice %arg21[%dma_wait3A_217] : memref<768xf32, #tpu.memory_space<vmem>> -> memref<256xf32, #tpu.memory_space<vmem>>
        %dma_wait3A_219 = arith.constant 2560 : i32
        %dma_wait3A_220 = tpu.memref_slice %arg23[%dma_wait3A_219] : memref<10000xf32, #tpu.memory_space<vmem_shared>> -> memref<256xf32, #tpu.memory_space<vmem_shared>>
        %dma_wait3A_221 = arith.constant 2560 : i32
        %dma_wait3A_222 = tpu.memref_slice %arg23[%dma_wait3A_221] : memref<10000xf32, #tpu.memory_space<vmem_shared>> -> memref<256xf32, #tpu.memory_space<vmem_shared>>
        %dma_wait3A_223 = arith.constant 0 : i32
        %dma_wait3A_224 = tpu.memref_slice %arg21[%dma_wait3A_223] : memref<768xf32, #tpu.memory_space<vmem>> -> memref<256xf32, #tpu.memory_space<vmem>>
        tpu.wait_dma2 semaphore(%run_scoped3A_209 : memref<!tpu.dma_semaphore, #tpu.memory_space<semaphore_mem>>) src(%dma_wait3A_224 : memref<256xf32, #tpu.memory_space<vmem>>) dst(%dma_wait3A_222 : memref<256xf32, #tpu.memory_space<vmem_shared>>)
        tpu.yield
      }) : () -> ()
      "tpu.region"() ({
        %run_scoped3A_209 = tpu.sem_alloc : memref<!tpu.dma_semaphore, #tpu.memory_space<semaphore_mem>>
        %dma_start3A = arith.constant 0 : i32
        %dma_start3A_210 = tpu.memref_slice %arg21[%dma_start3A] : memref<768xf32, #tpu.memory_space<vmem>> -> memref<256xf32, #tpu.memory_space<vmem>>
        %dma_start3A_211 = arith.constant 2816 : i32
        %dma_start3A_212 = tpu.memref_slice %arg23[%dma_start3A_211] : memref<10000xf32, #tpu.memory_space<vmem_shared>> -> memref<256xf32, #tpu.memory_space<vmem_shared>>
        %dma_start3A_213 = arith.constant 2816 : i32
        %dma_start3A_214 = tpu.memref_slice %arg23[%dma_start3A_213] : memref<10000xf32, #tpu.memory_space<vmem_shared>> -> memref<256xf32, #tpu.memory_space<vmem_shared>>
        %dma_start3A_215 = arith.constant 0 : i32
        %dma_start3A_216 = tpu.memref_slice %arg21[%dma_start3A_215] : memref<768xf32, #tpu.memory_space<vmem>> -> memref<256xf32, #tpu.memory_space<vmem>>
        tpu.enqueue_dma source(%dma_start3A_216 : memref<256xf32, #tpu.memory_space<vmem>>) target(%dma_start3A_214 : memref<256xf32, #tpu.memory_space<vmem_shared>>) target_semaphore(%run_scoped3A_209 : memref<!tpu.dma_semaphore, #tpu.memory_space<semaphore_mem>>)
        %dma_wait3A_217 = arith.constant 0 : i32
        %dma_wait3A_218 = tpu.memref_slice %arg21[%dma_wait3A_217] : memref<768xf32, #tpu.memory_space<vmem>> -> memref<256xf32, #tpu.memory_space<vmem>>
        %dma_wait3A_219 = arith.constant 2816 : i32
        %dma_wait3A_220 = tpu.memref_slice %arg23[%dma_wait3A_219] : memref<10000xf32, #tpu.memory_space<vmem_shared>> -> memref<256xf32, #tpu.memory_space<vmem_shared>>
        %dma_wait3A_221 = arith.constant 2816 : i32
        %dma_wait3A_222 = tpu.memref_slice %arg23[%dma_wait3A_221] : memref<10000xf32, #tpu.memory_space<vmem_shared>> -> memref<256xf32, #tpu.memory_space<vmem_shared>>
        %dma_wait3A_223 = arith.constant 0 : i32
        %dma_wait3A_224 = tpu.memref_slice %arg21[%dma_wait3A_223] : memref<768xf32, #tpu.memory_space<vmem>> -> memref<256xf32, #tpu.memory_space<vmem>>
        tpu.wait_dma2 semaphore(%run_scoped3A_209 : memref<!tpu.dma_semaphore, #tpu.memory_space<semaphore_mem>>) src(%dma_wait3A_224 : memref<256xf32, #tpu.memory_space<vmem>>) dst(%dma_wait3A_222 : memref<256xf32, #tpu.memory_space<vmem_shared>>)
        tpu.yield
      }) : () -> ()
      "tpu.region"() ({
        %run_scoped3A_209 = tpu.sem_alloc : memref<!tpu.dma_semaphore, #tpu.memory_space<semaphore_mem>>
        %dma_start3A = arith.constant 0 : i32
        %dma_start3A_210 = tpu.memref_slice %arg21[%dma_start3A] : memref<768xf32, #tpu.memory_space<vmem>> -> memref<256xf32, #tpu.memory_space<vmem>>
        %dma_start3A_211 = arith.constant 3072 : i32
        %dma_start3A_212 = tpu.memref_slice %arg23[%dma_start3A_211] : memref<10000xf32, #tpu.memory_space<vmem_shared>> -> memref<256xf32, #tpu.memory_space<vmem_shared>>
        %dma_start3A_213 = arith.constant 3072 : i32
        %dma_start3A_214 = tpu.memref_slice %arg23[%dma_start3A_213] : memref<10000xf32, #tpu.memory_space<vmem_shared>> -> memref<256xf32, #tpu.memory_space<vmem_shared>>
        %dma_start3A_215 = arith.constant 0 : i32
        %dma_start3A_216 = tpu.memref_slice %arg21[%dma_start3A_215] : memref<768xf32, #tpu.memory_space<vmem>> -> memref<256xf32, #tpu.memory_space<vmem>>
        tpu.enqueue_dma source(%dma_start3A_216 : memref<256xf32, #tpu.memory_space<vmem>>) target(%dma_start3A_214 : memref<256xf32, #tpu.memory_space<vmem_shared>>) target_semaphore(%run_scoped3A_209 : memref<!tpu.dma_semaphore, #tpu.memory_space<semaphore_mem>>)
        %dma_wait3A_217 = arith.constant 0 : i32
        %dma_wait3A_218 = tpu.memref_slice %arg21[%dma_wait3A_217] : memref<768xf32, #tpu.memory_space<vmem>> -> memref<256xf32, #tpu.memory_space<vmem>>
        %dma_wait3A_219 = arith.constant 3072 : i32
        %dma_wait3A_220 = tpu.memref_slice %arg23[%dma_wait3A_219] : memref<10000xf32, #tpu.memory_space<vmem_shared>> -> memref<256xf32, #tpu.memory_space<vmem_shared>>
        %dma_wait3A_221 = arith.constant 3072 : i32
        %dma_wait3A_222 = tpu.memref_slice %arg23[%dma_wait3A_221] : memref<10000xf32, #tpu.memory_space<vmem_shared>> -> memref<256xf32, #tpu.memory_space<vmem_shared>>
        %dma_wait3A_223 = arith.constant 0 : i32
        %dma_wait3A_224 = tpu.memref_slice %arg21[%dma_wait3A_223] : memref<768xf32, #tpu.memory_space<vmem>> -> memref<256xf32, #tpu.memory_space<vmem>>
        tpu.wait_dma2 semaphore(%run_scoped3A_209 : memref<!tpu.dma_semaphore, #tpu.memory_space<semaphore_mem>>) src(%dma_wait3A_224 : memref<256xf32, #tpu.memory_space<vmem>>) dst(%dma_wait3A_222 : memref<256xf32, #tpu.memory_space<vmem_shared>>)
        tpu.yield
      }) : () -> ()
      "tpu.region"() ({
        %run_scoped3A_209 = tpu.sem_alloc : memref<!tpu.dma_semaphore, #tpu.memory_space<semaphore_mem>>
        %dma_start3A = arith.constant 0 : i32
        %dma_start3A_210 = tpu.memref_slice %arg21[%dma_start3A] : memref<768xf32, #tpu.memory_space<vmem>> -> memref<256xf32, #tpu.memory_space<vmem>>
        %dma_start3A_211 = arith.constant 3328 : i32
        %dma_start3A_212 = tpu.memref_slice %arg23[%dma_start3A_211] : memref<10000xf32, #tpu.memory_space<vmem_shared>> -> memref<256xf32, #tpu.memory_space<vmem_shared>>
        %dma_start3A_213 = arith.constant 3328 : i32
        %dma_start3A_214 = tpu.memref_slice %arg23[%dma_start3A_213] : memref<10000xf32, #tpu.memory_space<vmem_shared>> -> memref<256xf32, #tpu.memory_space<vmem_shared>>
        %dma_start3A_215 = arith.constant 0 : i32
        %dma_start3A_216 = tpu.memref_slice %arg21[%dma_start3A_215] : memref<768xf32, #tpu.memory_space<vmem>> -> memref<256xf32, #tpu.memory_space<vmem>>
        tpu.enqueue_dma source(%dma_start3A_216 : memref<256xf32, #tpu.memory_space<vmem>>) target(%dma_start3A_214 : memref<256xf32, #tpu.memory_space<vmem_shared>>) target_semaphore(%run_scoped3A_209 : memref<!tpu.dma_semaphore, #tpu.memory_space<semaphore_mem>>)
        %dma_wait3A_217 = arith.constant 0 : i32
        %dma_wait3A_218 = tpu.memref_slice %arg21[%dma_wait3A_217] : memref<768xf32, #tpu.memory_space<vmem>> -> memref<256xf32, #tpu.memory_space<vmem>>
        %dma_wait3A_219 = arith.constant 3328 : i32
        %dma_wait3A_220 = tpu.memref_slice %arg23[%dma_wait3A_219] : memref<10000xf32, #tpu.memory_space<vmem_shared>> -> memref<256xf32, #tpu.memory_space<vmem_shared>>
        %dma_wait3A_221 = arith.constant 3328 : i32
        %dma_wait3A_222 = tpu.memref_slice %arg23[%dma_wait3A_221] : memref<10000xf32, #tpu.memory_space<vmem_shared>> -> memref<256xf32, #tpu.memory_space<vmem_shared>>
        %dma_wait3A_223 = arith.constant 0 : i32
        %dma_wait3A_224 = tpu.memref_slice %arg21[%dma_wait3A_223] : memref<768xf32, #tpu.memory_space<vmem>> -> memref<256xf32, #tpu.memory_space<vmem>>
        tpu.wait_dma2 semaphore(%run_scoped3A_209 : memref<!tpu.dma_semaphore, #tpu.memory_space<semaphore_mem>>) src(%dma_wait3A_224 : memref<256xf32, #tpu.memory_space<vmem>>) dst(%dma_wait3A_222 : memref<256xf32, #tpu.memory_space<vmem_shared>>)
        tpu.yield
      }) : () -> ()
      "tpu.region"() ({
        %run_scoped3A_209 = tpu.sem_alloc : memref<!tpu.dma_semaphore, #tpu.memory_space<semaphore_mem>>
        %dma_start3A = arith.constant 0 : i32
        %dma_start3A_210 = tpu.memref_slice %arg21[%dma_start3A] : memref<768xf32, #tpu.memory_space<vmem>> -> memref<256xf32, #tpu.memory_space<vmem>>
        %dma_start3A_211 = arith.constant 3584 : i32
        %dma_start3A_212 = tpu.memref_slice %arg23[%dma_start3A_211] : memref<10000xf32, #tpu.memory_space<vmem_shared>> -> memref<256xf32, #tpu.memory_space<vmem_shared>>
        %dma_start3A_213 = arith.constant 3584 : i32
        %dma_start3A_214 = tpu.memref_slice %arg23[%dma_start3A_213] : memref<10000xf32, #tpu.memory_space<vmem_shared>> -> memref<256xf32, #tpu.memory_space<vmem_shared>>
        %dma_start3A_215 = arith.constant 0 : i32
        %dma_start3A_216 = tpu.memref_slice %arg21[%dma_start3A_215] : memref<768xf32, #tpu.memory_space<vmem>> -> memref<256xf32, #tpu.memory_space<vmem>>
        tpu.enqueue_dma source(%dma_start3A_216 : memref<256xf32, #tpu.memory_space<vmem>>) target(%dma_start3A_214 : memref<256xf32, #tpu.memory_space<vmem_shared>>) target_semaphore(%run_scoped3A_209 : memref<!tpu.dma_semaphore, #tpu.memory_space<semaphore_mem>>)
        %dma_wait3A_217 = arith.constant 0 : i32
        %dma_wait3A_218 = tpu.memref_slice %arg21[%dma_wait3A_217] : memref<768xf32, #tpu.memory_space<vmem>> -> memref<256xf32, #tpu.memory_space<vmem>>
        %dma_wait3A_219 = arith.constant 3584 : i32
        %dma_wait3A_220 = tpu.memref_slice %arg23[%dma_wait3A_219] : memref<10000xf32, #tpu.memory_space<vmem_shared>> -> memref<256xf32, #tpu.memory_space<vmem_shared>>
        %dma_wait3A_221 = arith.constant 3584 : i32
        %dma_wait3A_222 = tpu.memref_slice %arg23[%dma_wait3A_221] : memref<10000xf32, #tpu.memory_space<vmem_shared>> -> memref<256xf32, #tpu.memory_space<vmem_shared>>
        %dma_wait3A_223 = arith.constant 0 : i32
        %dma_wait3A_224 = tpu.memref_slice %arg21[%dma_wait3A_223] : memref<768xf32, #tpu.memory_space<vmem>> -> memref<256xf32, #tpu.memory_space<vmem>>
        tpu.wait_dma2 semaphore(%run_scoped3A_209 : memref<!tpu.dma_semaphore, #tpu.memory_space<semaphore_mem>>) src(%dma_wait3A_224 : memref<256xf32, #tpu.memory_space<vmem>>) dst(%dma_wait3A_222 : memref<256xf32, #tpu.memory_space<vmem_shared>>)
        tpu.yield
      }) : () -> ()
      "tpu.region"() ({
        %run_scoped3A_209 = tpu.sem_alloc : memref<!tpu.dma_semaphore, #tpu.memory_space<semaphore_mem>>
        %dma_start3A = arith.constant 0 : i32
        %dma_start3A_210 = tpu.memref_slice %arg21[%dma_start3A] : memref<768xf32, #tpu.memory_space<vmem>> -> memref<256xf32, #tpu.memory_space<vmem>>
        %dma_start3A_211 = arith.constant 3840 : i32
        %dma_start3A_212 = tpu.memref_slice %arg23[%dma_start3A_211] : memref<10000xf32, #tpu.memory_space<vmem_shared>> -> memref<256xf32, #tpu.memory_space<vmem_shared>>
        %dma_start3A_213 = arith.constant 3840 : i32
        %dma_start3A_214 = tpu.memref_slice %arg23[%dma_start3A_213] : memref<10000xf32, #tpu.memory_space<vmem_shared>> -> memref<256xf32, #tpu.memory_space<vmem_shared>>
        %dma_start3A_215 = arith.constant 0 : i32
        %dma_start3A_216 = tpu.memref_slice %arg21[%dma_start3A_215] : memref<768xf32, #tpu.memory_space<vmem>> -> memref<256xf32, #tpu.memory_space<vmem>>
        tpu.enqueue_dma source(%dma_start3A_216 : memref<256xf32, #tpu.memory_space<vmem>>) target(%dma_start3A_214 : memref<256xf32, #tpu.memory_space<vmem_shared>>) target_semaphore(%run_scoped3A_209 : memref<!tpu.dma_semaphore, #tpu.memory_space<semaphore_mem>>)
        %dma_wait3A_217 = arith.constant 0 : i32
        %dma_wait3A_218 = tpu.memref_slice %arg21[%dma_wait3A_217] : memref<768xf32, #tpu.memory_space<vmem>> -> memref<256xf32, #tpu.memory_space<vmem>>
        %dma_wait3A_219 = arith.constant 3840 : i32
        %dma_wait3A_220 = tpu.memref_slice %arg23[%dma_wait3A_219] : memref<10000xf32, #tpu.memory_space<vmem_shared>> -> memref<256xf32, #tpu.memory_space<vmem_shared>>
        %dma_wait3A_221 = arith.constant 3840 : i32
        %dma_wait3A_222 = tpu.memref_slice %arg23[%dma_wait3A_221] : memref<10000xf32, #tpu.memory_space<vmem_shared>> -> memref<256xf32, #tpu.memory_space<vmem_shared>>
        %dma_wait3A_223 = arith.constant 0 : i32
        %dma_wait3A_224 = tpu.memref_slice %arg21[%dma_wait3A_223] : memref<768xf32, #tpu.memory_space<vmem>> -> memref<256xf32, #tpu.memory_space<vmem>>
        tpu.wait_dma2 semaphore(%run_scoped3A_209 : memref<!tpu.dma_semaphore, #tpu.memory_space<semaphore_mem>>) src(%dma_wait3A_224 : memref<256xf32, #tpu.memory_space<vmem>>) dst(%dma_wait3A_222 : memref<256xf32, #tpu.memory_space<vmem_shared>>)
        tpu.yield
      }) : () -> ()
      "tpu.region"() ({
        %run_scoped3A_209 = tpu.sem_alloc : memref<!tpu.dma_semaphore, #tpu.memory_space<semaphore_mem>>
        %dma_start3A = arith.constant 0 : i32
        %dma_start3A_210 = tpu.memref_slice %arg21[%dma_start3A] : memref<768xf32, #tpu.memory_space<vmem>> -> memref<256xf32, #tpu.memory_space<vmem>>
        %dma_start3A_211 = arith.constant 4096 : i32
        %dma_start3A_212 = tpu.memref_slice %arg23[%dma_start3A_211] : memref<10000xf32, #tpu.memory_space<vmem_shared>> -> memref<256xf32, #tpu.memory_space<vmem_shared>>
        %dma_start3A_213 = arith.constant 4096 : i32
        %dma_start3A_214 = tpu.memref_slice %arg23[%dma_start3A_213] : memref<10000xf32, #tpu.memory_space<vmem_shared>> -> memref<256xf32, #tpu.memory_space<vmem_shared>>
        %dma_start3A_215 = arith.constant 0 : i32
        %dma_start3A_216 = tpu.memref_slice %arg21[%dma_start3A_215] : memref<768xf32, #tpu.memory_space<vmem>> -> memref<256xf32, #tpu.memory_space<vmem>>
        tpu.enqueue_dma source(%dma_start3A_216 : memref<256xf32, #tpu.memory_space<vmem>>) target(%dma_start3A_214 : memref<256xf32, #tpu.memory_space<vmem_shared>>) target_semaphore(%run_scoped3A_209 : memref<!tpu.dma_semaphore, #tpu.memory_space<semaphore_mem>>)
        %dma_wait3A_217 = arith.constant 0 : i32
        %dma_wait3A_218 = tpu.memref_slice %arg21[%dma_wait3A_217] : memref<768xf32, #tpu.memory_space<vmem>> -> memref<256xf32, #tpu.memory_space<vmem>>
        %dma_wait3A_219 = arith.constant 4096 : i32
        %dma_wait3A_220 = tpu.memref_slice %arg23[%dma_wait3A_219] : memref<10000xf32, #tpu.memory_space<vmem_shared>> -> memref<256xf32, #tpu.memory_space<vmem_shared>>
        %dma_wait3A_221 = arith.constant 4096 : i32
        %dma_wait3A_222 = tpu.memref_slice %arg23[%dma_wait3A_221] : memref<10000xf32, #tpu.memory_space<vmem_shared>> -> memref<256xf32, #tpu.memory_space<vmem_shared>>
        %dma_wait3A_223 = arith.constant 0 : i32
        %dma_wait3A_224 = tpu.memref_slice %arg21[%dma_wait3A_223] : memref<768xf32, #tpu.memory_space<vmem>> -> memref<256xf32, #tpu.memory_space<vmem>>
        tpu.wait_dma2 semaphore(%run_scoped3A_209 : memref<!tpu.dma_semaphore, #tpu.memory_space<semaphore_mem>>) src(%dma_wait3A_224 : memref<256xf32, #tpu.memory_space<vmem>>) dst(%dma_wait3A_222 : memref<256xf32, #tpu.memory_space<vmem_shared>>)
        tpu.yield
      }) : () -> ()
      "tpu.region"() ({
        %run_scoped3A_209 = tpu.sem_alloc : memref<!tpu.dma_semaphore, #tpu.memory_space<semaphore_mem>>
        %dma_start3A = arith.constant 0 : i32
        %dma_start3A_210 = tpu.memref_slice %arg21[%dma_start3A] : memref<768xf32, #tpu.memory_space<vmem>> -> memref<256xf32, #tpu.memory_space<vmem>>
        %dma_start3A_211 = arith.constant 4352 : i32
        %dma_start3A_212 = tpu.memref_slice %arg23[%dma_start3A_211] : memref<10000xf32, #tpu.memory_space<vmem_shared>> -> memref<256xf32, #tpu.memory_space<vmem_shared>>
        %dma_start3A_213 = arith.constant 4352 : i32
        %dma_start3A_214 = tpu.memref_slice %arg23[%dma_start3A_213] : memref<10000xf32, #tpu.memory_space<vmem_shared>> -> memref<256xf32, #tpu.memory_space<vmem_shared>>
        %dma_start3A_215 = arith.constant 0 : i32
        %dma_start3A_216 = tpu.memref_slice %arg21[%dma_start3A_215] : memref<768xf32, #tpu.memory_space<vmem>> -> memref<256xf32, #tpu.memory_space<vmem>>
        tpu.enqueue_dma source(%dma_start3A_216 : memref<256xf32, #tpu.memory_space<vmem>>) target(%dma_start3A_214 : memref<256xf32, #tpu.memory_space<vmem_shared>>) target_semaphore(%run_scoped3A_209 : memref<!tpu.dma_semaphore, #tpu.memory_space<semaphore_mem>>)
        %dma_wait3A_217 = arith.constant 0 : i32
        %dma_wait3A_218 = tpu.memref_slice %arg21[%dma_wait3A_217] : memref<768xf32, #tpu.memory_space<vmem>> -> memref<256xf32, #tpu.memory_space<vmem>>
        %dma_wait3A_219 = arith.constant 4352 : i32
        %dma_wait3A_220 = tpu.memref_slice %arg23[%dma_wait3A_219] : memref<10000xf32, #tpu.memory_space<vmem_shared>> -> memref<256xf32, #tpu.memory_space<vmem_shared>>
        %dma_wait3A_221 = arith.constant 4352 : i32
        %dma_wait3A_222 = tpu.memref_slice %arg23[%dma_wait3A_221] : memref<10000xf32, #tpu.memory_space<vmem_shared>> -> memref<256xf32, #tpu.memory_space<vmem_shared>>
        %dma_wait3A_223 = arith.constant 0 : i32
        %dma_wait3A_224 = tpu.memref_slice %arg21[%dma_wait3A_223] : memref<768xf32, #tpu.memory_space<vmem>> -> memref<256xf32, #tpu.memory_space<vmem>>
        tpu.wait_dma2 semaphore(%run_scoped3A_209 : memref<!tpu.dma_semaphore, #tpu.memory_space<semaphore_mem>>) src(%dma_wait3A_224 : memref<256xf32, #tpu.memory_space<vmem>>) dst(%dma_wait3A_222 : memref<256xf32, #tpu.memory_space<vmem_shared>>)
        tpu.yield
      }) : () -> ()
      "tpu.region"() ({
        %run_scoped3A_209 = tpu.sem_alloc : memref<!tpu.dma_semaphore, #tpu.memory_space<semaphore_mem>>
        %dma_start3A = arith.constant 0 : i32
        %dma_start3A_210 = tpu.memref_slice %arg21[%dma_start3A] : memref<768xf32, #tpu.memory_space<vmem>> -> memref<256xf32, #tpu.memory_space<vmem>>
        %dma_start3A_211 = arith.constant 4608 : i32
        %dma_start3A_212 = tpu.memref_slice %arg23[%dma_start3A_211] : memref<10000xf32, #tpu.memory_space<vmem_shared>> -> memref<256xf32, #tpu.memory_space<vmem_shared>>
        %dma_start3A_213 = arith.constant 4608 : i32
        %dma_start3A_214 = tpu.memref_slice %arg23[%dma_start3A_213] : memref<10000xf32, #tpu.memory_space<vmem_shared>> -> memref<256xf32, #tpu.memory_space<vmem_shared>>
        %dma_start3A_215 = arith.constant 0 : i32
        %dma_start3A_216 = tpu.memref_slice %arg21[%dma_start3A_215] : memref<768xf32, #tpu.memory_space<vmem>> -> memref<256xf32, #tpu.memory_space<vmem>>
        tpu.enqueue_dma source(%dma_start3A_216 : memref<256xf32, #tpu.memory_space<vmem>>) target(%dma_start3A_214 : memref<256xf32, #tpu.memory_space<vmem_shared>>) target_semaphore(%run_scoped3A_209 : memref<!tpu.dma_semaphore, #tpu.memory_space<semaphore_mem>>)
        %dma_wait3A_217 = arith.constant 0 : i32
        %dma_wait3A_218 = tpu.memref_slice %arg21[%dma_wait3A_217] : memref<768xf32, #tpu.memory_space<vmem>> -> memref<256xf32, #tpu.memory_space<vmem>>
        %dma_wait3A_219 = arith.constant 4608 : i32
        %dma_wait3A_220 = tpu.memref_slice %arg23[%dma_wait3A_219] : memref<10000xf32, #tpu.memory_space<vmem_shared>> -> memref<256xf32, #tpu.memory_space<vmem_shared>>
        %dma_wait3A_221 = arith.constant 4608 : i32
        %dma_wait3A_222 = tpu.memref_slice %arg23[%dma_wait3A_221] : memref<10000xf32, #tpu.memory_space<vmem_shared>> -> memref<256xf32, #tpu.memory_space<vmem_shared>>
        %dma_wait3A_223 = arith.constant 0 : i32
        %dma_wait3A_224 = tpu.memref_slice %arg21[%dma_wait3A_223] : memref<768xf32, #tpu.memory_space<vmem>> -> memref<256xf32, #tpu.memory_space<vmem>>
        tpu.wait_dma2 semaphore(%run_scoped3A_209 : memref<!tpu.dma_semaphore, #tpu.memory_space<semaphore_mem>>) src(%dma_wait3A_224 : memref<256xf32, #tpu.memory_space<vmem>>) dst(%dma_wait3A_222 : memref<256xf32, #tpu.memory_space<vmem_shared>>)
        tpu.yield
      }) : () -> ()
      "tpu.region"() ({
        %run_scoped3A_209 = tpu.sem_alloc : memref<!tpu.dma_semaphore, #tpu.memory_space<semaphore_mem>>
        %dma_start3A = arith.constant 0 : i32
        %dma_start3A_210 = tpu.memref_slice %arg21[%dma_start3A] : memref<768xf32, #tpu.memory_space<vmem>> -> memref<256xf32, #tpu.memory_space<vmem>>
        %dma_start3A_211 = arith.constant 4864 : i32
        %dma_start3A_212 = tpu.memref_slice %arg23[%dma_start3A_211] : memref<10000xf32, #tpu.memory_space<vmem_shared>> -> memref<256xf32, #tpu.memory_space<vmem_shared>>
        %dma_start3A_213 = arith.constant 4864 : i32
        %dma_start3A_214 = tpu.memref_slice %arg23[%dma_start3A_213] : memref<10000xf32, #tpu.memory_space<vmem_shared>> -> memref<256xf32, #tpu.memory_space<vmem_shared>>
        %dma_start3A_215 = arith.constant 0 : i32
        %dma_start3A_216 = tpu.memref_slice %arg21[%dma_start3A_215] : memref<768xf32, #tpu.memory_space<vmem>> -> memref<256xf32, #tpu.memory_space<vmem>>
        tpu.enqueue_dma source(%dma_start3A_216 : memref<256xf32, #tpu.memory_space<vmem>>) target(%dma_start3A_214 : memref<256xf32, #tpu.memory_space<vmem_shared>>) target_semaphore(%run_scoped3A_209 : memref<!tpu.dma_semaphore, #tpu.memory_space<semaphore_mem>>)
        %dma_wait3A_217 = arith.constant 0 : i32
        %dma_wait3A_218 = tpu.memref_slice %arg21[%dma_wait3A_217] : memref<768xf32, #tpu.memory_space<vmem>> -> memref<256xf32, #tpu.memory_space<vmem>>
        %dma_wait3A_219 = arith.constant 4864 : i32
        %dma_wait3A_220 = tpu.memref_slice %arg23[%dma_wait3A_219] : memref<10000xf32, #tpu.memory_space<vmem_shared>> -> memref<256xf32, #tpu.memory_space<vmem_shared>>
        %dma_wait3A_221 = arith.constant 4864 : i32
        %dma_wait3A_222 = tpu.memref_slice %arg23[%dma_wait3A_221] : memref<10000xf32, #tpu.memory_space<vmem_shared>> -> memref<256xf32, #tpu.memory_space<vmem_shared>>
        %dma_wait3A_223 = arith.constant 0 : i32
        %dma_wait3A_224 = tpu.memref_slice %arg21[%dma_wait3A_223] : memref<768xf32, #tpu.memory_space<vmem>> -> memref<256xf32, #tpu.memory_space<vmem>>
        tpu.wait_dma2 semaphore(%run_scoped3A_209 : memref<!tpu.dma_semaphore, #tpu.memory_space<semaphore_mem>>) src(%dma_wait3A_224 : memref<256xf32, #tpu.memory_space<vmem>>) dst(%dma_wait3A_222 : memref<256xf32, #tpu.memory_space<vmem_shared>>)
        tpu.yield
      }) : () -> ()
      "tpu.region"() ({
        %run_scoped3A_209 = tpu.sem_alloc : memref<!tpu.dma_semaphore, #tpu.memory_space<semaphore_mem>>
        %dma_start3A = arith.constant 0 : i32
        %dma_start3A_210 = tpu.memref_slice %arg21[%dma_start3A] : memref<768xf32, #tpu.memory_space<vmem>> -> memref<256xf32, #tpu.memory_space<vmem>>
        %dma_start3A_211 = arith.constant 5120 : i32
        %dma_start3A_212 = tpu.memref_slice %arg23[%dma_start3A_211] : memref<10000xf32, #tpu.memory_space<vmem_shared>> -> memref<256xf32, #tpu.memory_space<vmem_shared>>
        %dma_start3A_213 = arith.constant 5120 : i32
        %dma_start3A_214 = tpu.memref_slice %arg23[%dma_start3A_213] : memref<10000xf32, #tpu.memory_space<vmem_shared>> -> memref<256xf32, #tpu.memory_space<vmem_shared>>
        %dma_start3A_215 = arith.constant 0 : i32
        %dma_start3A_216 = tpu.memref_slice %arg21[%dma_start3A_215] : memref<768xf32, #tpu.memory_space<vmem>> -> memref<256xf32, #tpu.memory_space<vmem>>
        tpu.enqueue_dma source(%dma_start3A_216 : memref<256xf32, #tpu.memory_space<vmem>>) target(%dma_start3A_214 : memref<256xf32, #tpu.memory_space<vmem_shared>>) target_semaphore(%run_scoped3A_209 : memref<!tpu.dma_semaphore, #tpu.memory_space<semaphore_mem>>)
        %dma_wait3A_217 = arith.constant 0 : i32
        %dma_wait3A_218 = tpu.memref_slice %arg21[%dma_wait3A_217] : memref<768xf32, #tpu.memory_space<vmem>> -> memref<256xf32, #tpu.memory_space<vmem>>
        %dma_wait3A_219 = arith.constant 5120 : i32
        %dma_wait3A_220 = tpu.memref_slice %arg23[%dma_wait3A_219] : memref<10000xf32, #tpu.memory_space<vmem_shared>> -> memref<256xf32, #tpu.memory_space<vmem_shared>>
        %dma_wait3A_221 = arith.constant 5120 : i32
        %dma_wait3A_222 = tpu.memref_slice %arg23[%dma_wait3A_221] : memref<10000xf32, #tpu.memory_space<vmem_shared>> -> memref<256xf32, #tpu.memory_space<vmem_shared>>
        %dma_wait3A_223 = arith.constant 0 : i32
        %dma_wait3A_224 = tpu.memref_slice %arg21[%dma_wait3A_223] : memref<768xf32, #tpu.memory_space<vmem>> -> memref<256xf32, #tpu.memory_space<vmem>>
        tpu.wait_dma2 semaphore(%run_scoped3A_209 : memref<!tpu.dma_semaphore, #tpu.memory_space<semaphore_mem>>) src(%dma_wait3A_224 : memref<256xf32, #tpu.memory_space<vmem>>) dst(%dma_wait3A_222 : memref<256xf32, #tpu.memory_space<vmem_shared>>)
        tpu.yield
      }) : () -> ()
      "tpu.region"() ({
        %run_scoped3A_209 = tpu.sem_alloc : memref<!tpu.dma_semaphore, #tpu.memory_space<semaphore_mem>>
        %dma_start3A = arith.constant 0 : i32
        %dma_start3A_210 = tpu.memref_slice %arg21[%dma_start3A] : memref<768xf32, #tpu.memory_space<vmem>> -> memref<256xf32, #tpu.memory_space<vmem>>
        %dma_start3A_211 = arith.constant 5376 : i32
        %dma_start3A_212 = tpu.memref_slice %arg23[%dma_start3A_211] : memref<10000xf32, #tpu.memory_space<vmem_shared>> -> memref<256xf32, #tpu.memory_space<vmem_shared>>
        %dma_start3A_213 = arith.constant 5376 : i32
        %dma_start3A_214 = tpu.memref_slice %arg23[%dma_start3A_213] : memref<10000xf32, #tpu.memory_space<vmem_shared>> -> memref<256xf32, #tpu.memory_space<vmem_shared>>
        %dma_start3A_215 = arith.constant 0 : i32
        %dma_start3A_216 = tpu.memref_slice %arg21[%dma_start3A_215] : memref<768xf32, #tpu.memory_space<vmem>> -> memref<256xf32, #tpu.memory_space<vmem>>
        tpu.enqueue_dma source(%dma_start3A_216 : memref<256xf32, #tpu.memory_space<vmem>>) target(%dma_start3A_214 : memref<256xf32, #tpu.memory_space<vmem_shared>>) target_semaphore(%run_scoped3A_209 : memref<!tpu.dma_semaphore, #tpu.memory_space<semaphore_mem>>)
        %dma_wait3A_217 = arith.constant 0 : i32
        %dma_wait3A_218 = tpu.memref_slice %arg21[%dma_wait3A_217] : memref<768xf32, #tpu.memory_space<vmem>> -> memref<256xf32, #tpu.memory_space<vmem>>
        %dma_wait3A_219 = arith.constant 5376 : i32
        %dma_wait3A_220 = tpu.memref_slice %arg23[%dma_wait3A_219] : memref<10000xf32, #tpu.memory_space<vmem_shared>> -> memref<256xf32, #tpu.memory_space<vmem_shared>>
        %dma_wait3A_221 = arith.constant 5376 : i32
        %dma_wait3A_222 = tpu.memref_slice %arg23[%dma_wait3A_221] : memref<10000xf32, #tpu.memory_space<vmem_shared>> -> memref<256xf32, #tpu.memory_space<vmem_shared>>
        %dma_wait3A_223 = arith.constant 0 : i32
        %dma_wait3A_224 = tpu.memref_slice %arg21[%dma_wait3A_223] : memref<768xf32, #tpu.memory_space<vmem>> -> memref<256xf32, #tpu.memory_space<vmem>>
        tpu.wait_dma2 semaphore(%run_scoped3A_209 : memref<!tpu.dma_semaphore, #tpu.memory_space<semaphore_mem>>) src(%dma_wait3A_224 : memref<256xf32, #tpu.memory_space<vmem>>) dst(%dma_wait3A_222 : memref<256xf32, #tpu.memory_space<vmem_shared>>)
        tpu.yield
      }) : () -> ()
      "tpu.region"() ({
        %run_scoped3A_209 = tpu.sem_alloc : memref<!tpu.dma_semaphore, #tpu.memory_space<semaphore_mem>>
        %dma_start3A = arith.constant 0 : i32
        %dma_start3A_210 = tpu.memref_slice %arg21[%dma_start3A] : memref<768xf32, #tpu.memory_space<vmem>> -> memref<256xf32, #tpu.memory_space<vmem>>
        %dma_start3A_211 = arith.constant 5632 : i32
        %dma_start3A_212 = tpu.memref_slice %arg23[%dma_start3A_211] : memref<10000xf32, #tpu.memory_space<vmem_shared>> -> memref<256xf32, #tpu.memory_space<vmem_shared>>
        %dma_start3A_213 = arith.constant 5632 : i32
        %dma_start3A_214 = tpu.memref_slice %arg23[%dma_start3A_213] : memref<10000xf32, #tpu.memory_space<vmem_shared>> -> memref<256xf32, #tpu.memory_space<vmem_shared>>
        %dma_start3A_215 = arith.constant 0 : i32
        %dma_start3A_216 = tpu.memref_slice %arg21[%dma_start3A_215] : memref<768xf32, #tpu.memory_space<vmem>> -> memref<256xf32, #tpu.memory_space<vmem>>
        tpu.enqueue_dma source(%dma_start3A_216 : memref<256xf32, #tpu.memory_space<vmem>>) target(%dma_start3A_214 : memref<256xf32, #tpu.memory_space<vmem_shared>>) target_semaphore(%run_scoped3A_209 : memref<!tpu.dma_semaphore, #tpu.memory_space<semaphore_mem>>)
        %dma_wait3A_217 = arith.constant 0 : i32
        %dma_wait3A_218 = tpu.memref_slice %arg21[%dma_wait3A_217] : memref<768xf32, #tpu.memory_space<vmem>> -> memref<256xf32, #tpu.memory_space<vmem>>
        %dma_wait3A_219 = arith.constant 5632 : i32
        %dma_wait3A_220 = tpu.memref_slice %arg23[%dma_wait3A_219] : memref<10000xf32, #tpu.memory_space<vmem_shared>> -> memref<256xf32, #tpu.memory_space<vmem_shared>>
        %dma_wait3A_221 = arith.constant 5632 : i32
        %dma_wait3A_222 = tpu.memref_slice %arg23[%dma_wait3A_221] : memref<10000xf32, #tpu.memory_space<vmem_shared>> -> memref<256xf32, #tpu.memory_space<vmem_shared>>
        %dma_wait3A_223 = arith.constant 0 : i32
        %dma_wait3A_224 = tpu.memref_slice %arg21[%dma_wait3A_223] : memref<768xf32, #tpu.memory_space<vmem>> -> memref<256xf32, #tpu.memory_space<vmem>>
        tpu.wait_dma2 semaphore(%run_scoped3A_209 : memref<!tpu.dma_semaphore, #tpu.memory_space<semaphore_mem>>) src(%dma_wait3A_224 : memref<256xf32, #tpu.memory_space<vmem>>) dst(%dma_wait3A_222 : memref<256xf32, #tpu.memory_space<vmem_shared>>)
        tpu.yield
      }) : () -> ()
      "tpu.region"() ({
        %run_scoped3A_209 = tpu.sem_alloc : memref<!tpu.dma_semaphore, #tpu.memory_space<semaphore_mem>>
        %dma_start3A = arith.constant 0 : i32
        %dma_start3A_210 = tpu.memref_slice %arg21[%dma_start3A] : memref<768xf32, #tpu.memory_space<vmem>> -> memref<256xf32, #tpu.memory_space<vmem>>
        %dma_start3A_211 = arith.constant 5888 : i32
        %dma_start3A_212 = tpu.memref_slice %arg23[%dma_start3A_211] : memref<10000xf32, #tpu.memory_space<vmem_shared>> -> memref<256xf32, #tpu.memory_space<vmem_shared>>
        %dma_start3A_213 = arith.constant 5888 : i32
        %dma_start3A_214 = tpu.memref_slice %arg23[%dma_start3A_213] : memref<10000xf32, #tpu.memory_space<vmem_shared>> -> memref<256xf32, #tpu.memory_space<vmem_shared>>
        %dma_start3A_215 = arith.constant 0 : i32
        %dma_start3A_216 = tpu.memref_slice %arg21[%dma_start3A_215] : memref<768xf32, #tpu.memory_space<vmem>> -> memref<256xf32, #tpu.memory_space<vmem>>
        tpu.enqueue_dma source(%dma_start3A_216 : memref<256xf32, #tpu.memory_space<vmem>>) target(%dma_start3A_214 : memref<256xf32, #tpu.memory_space<vmem_shared>>) target_semaphore(%run_scoped3A_209 : memref<!tpu.dma_semaphore, #tpu.memory_space<semaphore_mem>>)
        %dma_wait3A_217 = arith.constant 0 : i32
        %dma_wait3A_218 = tpu.memref_slice %arg21[%dma_wait3A_217] : memref<768xf32, #tpu.memory_space<vmem>> -> memref<256xf32, #tpu.memory_space<vmem>>
        %dma_wait3A_219 = arith.constant 5888 : i32
        %dma_wait3A_220 = tpu.memref_slice %arg23[%dma_wait3A_219] : memref<10000xf32, #tpu.memory_space<vmem_shared>> -> memref<256xf32, #tpu.memory_space<vmem_shared>>
        %dma_wait3A_221 = arith.constant 5888 : i32
        %dma_wait3A_222 = tpu.memref_slice %arg23[%dma_wait3A_221] : memref<10000xf32, #tpu.memory_space<vmem_shared>> -> memref<256xf32, #tpu.memory_space<vmem_shared>>
        %dma_wait3A_223 = arith.constant 0 : i32
        %dma_wait3A_224 = tpu.memref_slice %arg21[%dma_wait3A_223] : memref<768xf32, #tpu.memory_space<vmem>> -> memref<256xf32, #tpu.memory_space<vmem>>
        tpu.wait_dma2 semaphore(%run_scoped3A_209 : memref<!tpu.dma_semaphore, #tpu.memory_space<semaphore_mem>>) src(%dma_wait3A_224 : memref<256xf32, #tpu.memory_space<vmem>>) dst(%dma_wait3A_222 : memref<256xf32, #tpu.memory_space<vmem_shared>>)
        tpu.yield
      }) : () -> ()
      "tpu.region"() ({
        %run_scoped3A_209 = tpu.sem_alloc : memref<!tpu.dma_semaphore, #tpu.memory_space<semaphore_mem>>
        %dma_start3A = arith.constant 0 : i32
        %dma_start3A_210 = tpu.memref_slice %arg21[%dma_start3A] : memref<768xf32, #tpu.memory_space<vmem>> -> memref<256xf32, #tpu.memory_space<vmem>>
        %dma_start3A_211 = arith.constant 6144 : i32
        %dma_start3A_212 = tpu.memref_slice %arg23[%dma_start3A_211] : memref<10000xf32, #tpu.memory_space<vmem_shared>> -> memref<256xf32, #tpu.memory_space<vmem_shared>>
        %dma_start3A_213 = arith.constant 6144 : i32
        %dma_start3A_214 = tpu.memref_slice %arg23[%dma_start3A_213] : memref<10000xf32, #tpu.memory_space<vmem_shared>> -> memref<256xf32, #tpu.memory_space<vmem_shared>>
        %dma_start3A_215 = arith.constant 0 : i32
        %dma_start3A_216 = tpu.memref_slice %arg21[%dma_start3A_215] : memref<768xf32, #tpu.memory_space<vmem>> -> memref<256xf32, #tpu.memory_space<vmem>>
        tpu.enqueue_dma source(%dma_start3A_216 : memref<256xf32, #tpu.memory_space<vmem>>) target(%dma_start3A_214 : memref<256xf32, #tpu.memory_space<vmem_shared>>) target_semaphore(%run_scoped3A_209 : memref<!tpu.dma_semaphore, #tpu.memory_space<semaphore_mem>>)
        %dma_wait3A_217 = arith.constant 0 : i32
        %dma_wait3A_218 = tpu.memref_slice %arg21[%dma_wait3A_217] : memref<768xf32, #tpu.memory_space<vmem>> -> memref<256xf32, #tpu.memory_space<vmem>>
        %dma_wait3A_219 = arith.constant 6144 : i32
        %dma_wait3A_220 = tpu.memref_slice %arg23[%dma_wait3A_219] : memref<10000xf32, #tpu.memory_space<vmem_shared>> -> memref<256xf32, #tpu.memory_space<vmem_shared>>
        %dma_wait3A_221 = arith.constant 6144 : i32
        %dma_wait3A_222 = tpu.memref_slice %arg23[%dma_wait3A_221] : memref<10000xf32, #tpu.memory_space<vmem_shared>> -> memref<256xf32, #tpu.memory_space<vmem_shared>>
        %dma_wait3A_223 = arith.constant 0 : i32
        %dma_wait3A_224 = tpu.memref_slice %arg21[%dma_wait3A_223] : memref<768xf32, #tpu.memory_space<vmem>> -> memref<256xf32, #tpu.memory_space<vmem>>
        tpu.wait_dma2 semaphore(%run_scoped3A_209 : memref<!tpu.dma_semaphore, #tpu.memory_space<semaphore_mem>>) src(%dma_wait3A_224 : memref<256xf32, #tpu.memory_space<vmem>>) dst(%dma_wait3A_222 : memref<256xf32, #tpu.memory_space<vmem_shared>>)
        tpu.yield
      }) : () -> ()
      "tpu.region"() ({
        %run_scoped3A_209 = tpu.sem_alloc : memref<!tpu.dma_semaphore, #tpu.memory_space<semaphore_mem>>
        %dma_start3A = arith.constant 0 : i32
        %dma_start3A_210 = tpu.memref_slice %arg21[%dma_start3A] : memref<768xf32, #tpu.memory_space<vmem>> -> memref<256xf32, #tpu.memory_space<vmem>>
        %dma_start3A_211 = arith.constant 6400 : i32
        %dma_start3A_212 = tpu.memref_slice %arg23[%dma_start3A_211] : memref<10000xf32, #tpu.memory_space<vmem_shared>> -> memref<256xf32, #tpu.memory_space<vmem_shared>>
        %dma_start3A_213 = arith.constant 6400 : i32
        %dma_start3A_214 = tpu.memref_slice %arg23[%dma_start3A_213] : memref<10000xf32, #tpu.memory_space<vmem_shared>> -> memref<256xf32, #tpu.memory_space<vmem_shared>>
        %dma_start3A_215 = arith.constant 0 : i32
        %dma_start3A_216 = tpu.memref_slice %arg21[%dma_start3A_215] : memref<768xf32, #tpu.memory_space<vmem>> -> memref<256xf32, #tpu.memory_space<vmem>>
        tpu.enqueue_dma source(%dma_start3A_216 : memref<256xf32, #tpu.memory_space<vmem>>) target(%dma_start3A_214 : memref<256xf32, #tpu.memory_space<vmem_shared>>) target_semaphore(%run_scoped3A_209 : memref<!tpu.dma_semaphore, #tpu.memory_space<semaphore_mem>>)
        %dma_wait3A_217 = arith.constant 0 : i32
        %dma_wait3A_218 = tpu.memref_slice %arg21[%dma_wait3A_217] : memref<768xf32, #tpu.memory_space<vmem>> -> memref<256xf32, #tpu.memory_space<vmem>>
        %dma_wait3A_219 = arith.constant 6400 : i32
        %dma_wait3A_220 = tpu.memref_slice %arg23[%dma_wait3A_219] : memref<10000xf32, #tpu.memory_space<vmem_shared>> -> memref<256xf32, #tpu.memory_space<vmem_shared>>
        %dma_wait3A_221 = arith.constant 6400 : i32
        %dma_wait3A_222 = tpu.memref_slice %arg23[%dma_wait3A_221] : memref<10000xf32, #tpu.memory_space<vmem_shared>> -> memref<256xf32, #tpu.memory_space<vmem_shared>>
        %dma_wait3A_223 = arith.constant 0 : i32
        %dma_wait3A_224 = tpu.memref_slice %arg21[%dma_wait3A_223] : memref<768xf32, #tpu.memory_space<vmem>> -> memref<256xf32, #tpu.memory_space<vmem>>
        tpu.wait_dma2 semaphore(%run_scoped3A_209 : memref<!tpu.dma_semaphore, #tpu.memory_space<semaphore_mem>>) src(%dma_wait3A_224 : memref<256xf32, #tpu.memory_space<vmem>>) dst(%dma_wait3A_222 : memref<256xf32, #tpu.memory_space<vmem_shared>>)
        tpu.yield
      }) : () -> ()
      "tpu.region"() ({
        %run_scoped3A_209 = tpu.sem_alloc : memref<!tpu.dma_semaphore, #tpu.memory_space<semaphore_mem>>
        %dma_start3A = arith.constant 0 : i32
        %dma_start3A_210 = tpu.memref_slice %arg21[%dma_start3A] : memref<768xf32, #tpu.memory_space<vmem>> -> memref<256xf32, #tpu.memory_space<vmem>>
        %dma_start3A_211 = arith.constant 6656 : i32
        %dma_start3A_212 = tpu.memref_slice %arg23[%dma_start3A_211] : memref<10000xf32, #tpu.memory_space<vmem_shared>> -> memref<256xf32, #tpu.memory_space<vmem_shared>>
        %dma_start3A_213 = arith.constant 6656 : i32
        %dma_start3A_214 = tpu.memref_slice %arg23[%dma_start3A_213] : memref<10000xf32, #tpu.memory_space<vmem_shared>> -> memref<256xf32, #tpu.memory_space<vmem_shared>>
        %dma_start3A_215 = arith.constant 0 : i32
        %dma_start3A_216 = tpu.memref_slice %arg21[%dma_start3A_215] : memref<768xf32, #tpu.memory_space<vmem>> -> memref<256xf32, #tpu.memory_space<vmem>>
        tpu.enqueue_dma source(%dma_start3A_216 : memref<256xf32, #tpu.memory_space<vmem>>) target(%dma_start3A_214 : memref<256xf32, #tpu.memory_space<vmem_shared>>) target_semaphore(%run_scoped3A_209 : memref<!tpu.dma_semaphore, #tpu.memory_space<semaphore_mem>>)
        %dma_wait3A_217 = arith.constant 0 : i32
        %dma_wait3A_218 = tpu.memref_slice %arg21[%dma_wait3A_217] : memref<768xf32, #tpu.memory_space<vmem>> -> memref<256xf32, #tpu.memory_space<vmem>>
        %dma_wait3A_219 = arith.constant 6656 : i32
        %dma_wait3A_220 = tpu.memref_slice %arg23[%dma_wait3A_219] : memref<10000xf32, #tpu.memory_space<vmem_shared>> -> memref<256xf32, #tpu.memory_space<vmem_shared>>
        %dma_wait3A_221 = arith.constant 6656 : i32
        %dma_wait3A_222 = tpu.memref_slice %arg23[%dma_wait3A_221] : memref<10000xf32, #tpu.memory_space<vmem_shared>> -> memref<256xf32, #tpu.memory_space<vmem_shared>>
        %dma_wait3A_223 = arith.constant 0 : i32
        %dma_wait3A_224 = tpu.memref_slice %arg21[%dma_wait3A_223] : memref<768xf32, #tpu.memory_space<vmem>> -> memref<256xf32, #tpu.memory_space<vmem>>
        tpu.wait_dma2 semaphore(%run_scoped3A_209 : memref<!tpu.dma_semaphore, #tpu.memory_space<semaphore_mem>>) src(%dma_wait3A_224 : memref<256xf32, #tpu.memory_space<vmem>>) dst(%dma_wait3A_222 : memref<256xf32, #tpu.memory_space<vmem_shared>>)
        tpu.yield
      }) : () -> ()
      "tpu.region"() ({
        %run_scoped3A_209 = tpu.sem_alloc : memref<!tpu.dma_semaphore, #tpu.memory_space<semaphore_mem>>
        %dma_start3A = arith.constant 0 : i32
        %dma_start3A_210 = tpu.memref_slice %arg21[%dma_start3A] : memref<768xf32, #tpu.memory_space<vmem>> -> memref<256xf32, #tpu.memory_space<vmem>>
        %dma_start3A_211 = arith.constant 6912 : i32
        %dma_start3A_212 = tpu.memref_slice %arg23[%dma_start3A_211] : memref<10000xf32, #tpu.memory_space<vmem_shared>> -> memref<256xf32, #tpu.memory_space<vmem_shared>>
        %dma_start3A_213 = arith.constant 6912 : i32
        %dma_start3A_214 = tpu.memref_slice %arg23[%dma_start3A_213] : memref<10000xf32, #tpu.memory_space<vmem_shared>> -> memref<256xf32, #tpu.memory_space<vmem_shared>>
        %dma_start3A_215 = arith.constant 0 : i32
        %dma_start3A_216 = tpu.memref_slice %arg21[%dma_start3A_215] : memref<768xf32, #tpu.memory_space<vmem>> -> memref<256xf32, #tpu.memory_space<vmem>>
        tpu.enqueue_dma source(%dma_start3A_216 : memref<256xf32, #tpu.memory_space<vmem>>) target(%dma_start3A_214 : memref<256xf32, #tpu.memory_space<vmem_shared>>) target_semaphore(%run_scoped3A_209 : memref<!tpu.dma_semaphore, #tpu.memory_space<semaphore_mem>>)
        %dma_wait3A_217 = arith.constant 0 : i32
        %dma_wait3A_218 = tpu.memref_slice %arg21[%dma_wait3A_217] : memref<768xf32, #tpu.memory_space<vmem>> -> memref<256xf32, #tpu.memory_space<vmem>>
        %dma_wait3A_219 = arith.constant 6912 : i32
        %dma_wait3A_220 = tpu.memref_slice %arg23[%dma_wait3A_219] : memref<10000xf32, #tpu.memory_space<vmem_shared>> -> memref<256xf32, #tpu.memory_space<vmem_shared>>
        %dma_wait3A_221 = arith.constant 6912 : i32
        %dma_wait3A_222 = tpu.memref_slice %arg23[%dma_wait3A_221] : memref<10000xf32, #tpu.memory_space<vmem_shared>> -> memref<256xf32, #tpu.memory_space<vmem_shared>>
        %dma_wait3A_223 = arith.constant 0 : i32
        %dma_wait3A_224 = tpu.memref_slice %arg21[%dma_wait3A_223] : memref<768xf32, #tpu.memory_space<vmem>> -> memref<256xf32, #tpu.memory_space<vmem>>
        tpu.wait_dma2 semaphore(%run_scoped3A_209 : memref<!tpu.dma_semaphore, #tpu.memory_space<semaphore_mem>>) src(%dma_wait3A_224 : memref<256xf32, #tpu.memory_space<vmem>>) dst(%dma_wait3A_222 : memref<256xf32, #tpu.memory_space<vmem_shared>>)
        tpu.yield
      }) : () -> ()
      "tpu.region"() ({
        %run_scoped3A_209 = tpu.sem_alloc : memref<!tpu.dma_semaphore, #tpu.memory_space<semaphore_mem>>
        %dma_start3A = arith.constant 0 : i32
        %dma_start3A_210 = tpu.memref_slice %arg21[%dma_start3A] : memref<768xf32, #tpu.memory_space<vmem>> -> memref<256xf32, #tpu.memory_space<vmem>>
        %dma_start3A_211 = arith.constant 7168 : i32
        %dma_start3A_212 = tpu.memref_slice %arg23[%dma_start3A_211] : memref<10000xf32, #tpu.memory_space<vmem_shared>> -> memref<256xf32, #tpu.memory_space<vmem_shared>>
        %dma_start3A_213 = arith.constant 7168 : i32
        %dma_start3A_214 = tpu.memref_slice %arg23[%dma_start3A_213] : memref<10000xf32, #tpu.memory_space<vmem_shared>> -> memref<256xf32, #tpu.memory_space<vmem_shared>>
        %dma_start3A_215 = arith.constant 0 : i32
        %dma_start3A_216 = tpu.memref_slice %arg21[%dma_start3A_215] : memref<768xf32, #tpu.memory_space<vmem>> -> memref<256xf32, #tpu.memory_space<vmem>>
        tpu.enqueue_dma source(%dma_start3A_216 : memref<256xf32, #tpu.memory_space<vmem>>) target(%dma_start3A_214 : memref<256xf32, #tpu.memory_space<vmem_shared>>) target_semaphore(%run_scoped3A_209 : memref<!tpu.dma_semaphore, #tpu.memory_space<semaphore_mem>>)
        %dma_wait3A_217 = arith.constant 0 : i32
        %dma_wait3A_218 = tpu.memref_slice %arg21[%dma_wait3A_217] : memref<768xf32, #tpu.memory_space<vmem>> -> memref<256xf32, #tpu.memory_space<vmem>>
        %dma_wait3A_219 = arith.constant 7168 : i32
        %dma_wait3A_220 = tpu.memref_slice %arg23[%dma_wait3A_219] : memref<10000xf32, #tpu.memory_space<vmem_shared>> -> memref<256xf32, #tpu.memory_space<vmem_shared>>
        %dma_wait3A_221 = arith.constant 7168 : i32
        %dma_wait3A_222 = tpu.memref_slice %arg23[%dma_wait3A_221] : memref<10000xf32, #tpu.memory_space<vmem_shared>> -> memref<256xf32, #tpu.memory_space<vmem_shared>>
        %dma_wait3A_223 = arith.constant 0 : i32
        %dma_wait3A_224 = tpu.memref_slice %arg21[%dma_wait3A_223] : memref<768xf32, #tpu.memory_space<vmem>> -> memref<256xf32, #tpu.memory_space<vmem>>
        tpu.wait_dma2 semaphore(%run_scoped3A_209 : memref<!tpu.dma_semaphore, #tpu.memory_space<semaphore_mem>>) src(%dma_wait3A_224 : memref<256xf32, #tpu.memory_space<vmem>>) dst(%dma_wait3A_222 : memref<256xf32, #tpu.memory_space<vmem_shared>>)
        tpu.yield
      }) : () -> ()
      "tpu.region"() ({
        %run_scoped3A_209 = tpu.sem_alloc : memref<!tpu.dma_semaphore, #tpu.memory_space<semaphore_mem>>
        %dma_start3A = arith.constant 0 : i32
        %dma_start3A_210 = tpu.memref_slice %arg21[%dma_start3A] : memref<768xf32, #tpu.memory_space<vmem>> -> memref<256xf32, #tpu.memory_space<vmem>>
        %dma_start3A_211 = arith.constant 7424 : i32
        %dma_start3A_212 = tpu.memref_slice %arg23[%dma_start3A_211] : memref<10000xf32, #tpu.memory_space<vmem_shared>> -> memref<256xf32, #tpu.memory_space<vmem_shared>>
        %dma_start3A_213 = arith.constant 7424 : i32
        %dma_start3A_214 = tpu.memref_slice %arg23[%dma_start3A_213] : memref<10000xf32, #tpu.memory_space<vmem_shared>> -> memref<256xf32, #tpu.memory_space<vmem_shared>>
        %dma_start3A_215 = arith.constant 0 : i32
        %dma_start3A_216 = tpu.memref_slice %arg21[%dma_start3A_215] : memref<768xf32, #tpu.memory_space<vmem>> -> memref<256xf32, #tpu.memory_space<vmem>>
        tpu.enqueue_dma source(%dma_start3A_216 : memref<256xf32, #tpu.memory_space<vmem>>) target(%dma_start3A_214 : memref<256xf32, #tpu.memory_space<vmem_shared>>) target_semaphore(%run_scoped3A_209 : memref<!tpu.dma_semaphore, #tpu.memory_space<semaphore_mem>>)
        %dma_wait3A_217 = arith.constant 0 : i32
        %dma_wait3A_218 = tpu.memref_slice %arg21[%dma_wait3A_217] : memref<768xf32, #tpu.memory_space<vmem>> -> memref<256xf32, #tpu.memory_space<vmem>>
        %dma_wait3A_219 = arith.constant 7424 : i32
        %dma_wait3A_220 = tpu.memref_slice %arg23[%dma_wait3A_219] : memref<10000xf32, #tpu.memory_space<vmem_shared>> -> memref<256xf32, #tpu.memory_space<vmem_shared>>
        %dma_wait3A_221 = arith.constant 7424 : i32
        %dma_wait3A_222 = tpu.memref_slice %arg23[%dma_wait3A_221] : memref<10000xf32, #tpu.memory_space<vmem_shared>> -> memref<256xf32, #tpu.memory_space<vmem_shared>>
        %dma_wait3A_223 = arith.constant 0 : i32
        %dma_wait3A_224 = tpu.memref_slice %arg21[%dma_wait3A_223] : memref<768xf32, #tpu.memory_space<vmem>> -> memref<256xf32, #tpu.memory_space<vmem>>
        tpu.wait_dma2 semaphore(%run_scoped3A_209 : memref<!tpu.dma_semaphore, #tpu.memory_space<semaphore_mem>>) src(%dma_wait3A_224 : memref<256xf32, #tpu.memory_space<vmem>>) dst(%dma_wait3A_222 : memref<256xf32, #tpu.memory_space<vmem_shared>>)
        tpu.yield
      }) : () -> ()
      "tpu.region"() ({
        %run_scoped3A_209 = tpu.sem_alloc : memref<!tpu.dma_semaphore, #tpu.memory_space<semaphore_mem>>
        %dma_start3A = arith.constant 0 : i32
        %dma_start3A_210 = tpu.memref_slice %arg21[%dma_start3A] : memref<768xf32, #tpu.memory_space<vmem>> -> memref<256xf32, #tpu.memory_space<vmem>>
        %dma_start3A_211 = arith.constant 7680 : i32
        %dma_start3A_212 = tpu.memref_slice %arg23[%dma_start3A_211] : memref<10000xf32, #tpu.memory_space<vmem_shared>> -> memref<256xf32, #tpu.memory_space<vmem_shared>>
        %dma_start3A_213 = arith.constant 7680 : i32
        %dma_start3A_214 = tpu.memref_slice %arg23[%dma_start3A_213] : memref<10000xf32, #tpu.memory_space<vmem_shared>> -> memref<256xf32, #tpu.memory_space<vmem_shared>>
        %dma_start3A_215 = arith.constant 0 : i32
        %dma_start3A_216 = tpu.memref_slice %arg21[%dma_start3A_215] : memref<768xf32, #tpu.memory_space<vmem>> -> memref<256xf32, #tpu.memory_space<vmem>>
        tpu.enqueue_dma source(%dma_start3A_216 : memref<256xf32, #tpu.memory_space<vmem>>) target(%dma_start3A_214 : memref<256xf32, #tpu.memory_space<vmem_shared>>) target_semaphore(%run_scoped3A_209 : memref<!tpu.dma_semaphore, #tpu.memory_space<semaphore_mem>>)
        %dma_wait3A_217 = arith.constant 0 : i32
        %dma_wait3A_218 = tpu.memref_slice %arg21[%dma_wait3A_217] : memref<768xf32, #tpu.memory_space<vmem>> -> memref<256xf32, #tpu.memory_space<vmem>>
        %dma_wait3A_219 = arith.constant 7680 : i32
        %dma_wait3A_220 = tpu.memref_slice %arg23[%dma_wait3A_219] : memref<10000xf32, #tpu.memory_space<vmem_shared>> -> memref<256xf32, #tpu.memory_space<vmem_shared>>
        %dma_wait3A_221 = arith.constant 7680 : i32
        %dma_wait3A_222 = tpu.memref_slice %arg23[%dma_wait3A_221] : memref<10000xf32, #tpu.memory_space<vmem_shared>> -> memref<256xf32, #tpu.memory_space<vmem_shared>>
        %dma_wait3A_223 = arith.constant 0 : i32
        %dma_wait3A_224 = tpu.memref_slice %arg21[%dma_wait3A_223] : memref<768xf32, #tpu.memory_space<vmem>> -> memref<256xf32, #tpu.memory_space<vmem>>
        tpu.wait_dma2 semaphore(%run_scoped3A_209 : memref<!tpu.dma_semaphore, #tpu.memory_space<semaphore_mem>>) src(%dma_wait3A_224 : memref<256xf32, #tpu.memory_space<vmem>>) dst(%dma_wait3A_222 : memref<256xf32, #tpu.memory_space<vmem_shared>>)
        tpu.yield
      }) : () -> ()
      "tpu.region"() ({
        %run_scoped3A_209 = tpu.sem_alloc : memref<!tpu.dma_semaphore, #tpu.memory_space<semaphore_mem>>
        %dma_start3A = arith.constant 0 : i32
        %dma_start3A_210 = tpu.memref_slice %arg21[%dma_start3A] : memref<768xf32, #tpu.memory_space<vmem>> -> memref<256xf32, #tpu.memory_space<vmem>>
        %dma_start3A_211 = arith.constant 7936 : i32
        %dma_start3A_212 = tpu.memref_slice %arg23[%dma_start3A_211] : memref<10000xf32, #tpu.memory_space<vmem_shared>> -> memref<256xf32, #tpu.memory_space<vmem_shared>>
        %dma_start3A_213 = arith.constant 7936 : i32
        %dma_start3A_214 = tpu.memref_slice %arg23[%dma_start3A_213] : memref<10000xf32, #tpu.memory_space<vmem_shared>> -> memref<256xf32, #tpu.memory_space<vmem_shared>>
        %dma_start3A_215 = arith.constant 0 : i32
        %dma_start3A_216 = tpu.memref_slice %arg21[%dma_start3A_215] : memref<768xf32, #tpu.memory_space<vmem>> -> memref<256xf32, #tpu.memory_space<vmem>>
        tpu.enqueue_dma source(%dma_start3A_216 : memref<256xf32, #tpu.memory_space<vmem>>) target(%dma_start3A_214 : memref<256xf32, #tpu.memory_space<vmem_shared>>) target_semaphore(%run_scoped3A_209 : memref<!tpu.dma_semaphore, #tpu.memory_space<semaphore_mem>>)
        %dma_wait3A_217 = arith.constant 0 : i32
        %dma_wait3A_218 = tpu.memref_slice %arg21[%dma_wait3A_217] : memref<768xf32, #tpu.memory_space<vmem>> -> memref<256xf32, #tpu.memory_space<vmem>>
        %dma_wait3A_219 = arith.constant 7936 : i32
        %dma_wait3A_220 = tpu.memref_slice %arg23[%dma_wait3A_219] : memref<10000xf32, #tpu.memory_space<vmem_shared>> -> memref<256xf32, #tpu.memory_space<vmem_shared>>
        %dma_wait3A_221 = arith.constant 7936 : i32
        %dma_wait3A_222 = tpu.memref_slice %arg23[%dma_wait3A_221] : memref<10000xf32, #tpu.memory_space<vmem_shared>> -> memref<256xf32, #tpu.memory_space<vmem_shared>>
        %dma_wait3A_223 = arith.constant 0 : i32
        %dma_wait3A_224 = tpu.memref_slice %arg21[%dma_wait3A_223] : memref<768xf32, #tpu.memory_space<vmem>> -> memref<256xf32, #tpu.memory_space<vmem>>
        tpu.wait_dma2 semaphore(%run_scoped3A_209 : memref<!tpu.dma_semaphore, #tpu.memory_space<semaphore_mem>>) src(%dma_wait3A_224 : memref<256xf32, #tpu.memory_space<vmem>>) dst(%dma_wait3A_222 : memref<256xf32, #tpu.memory_space<vmem_shared>>)
        tpu.yield
      }) : () -> ()
      "tpu.region"() ({
        %run_scoped3A_209 = tpu.sem_alloc : memref<!tpu.dma_semaphore, #tpu.memory_space<semaphore_mem>>
        %dma_start3A = arith.constant 0 : i32
        %dma_start3A_210 = tpu.memref_slice %arg21[%dma_start3A] : memref<768xf32, #tpu.memory_space<vmem>> -> memref<256xf32, #tpu.memory_space<vmem>>
        %dma_start3A_211 = arith.constant 8192 : i32
        %dma_start3A_212 = tpu.memref_slice %arg23[%dma_start3A_211] : memref<10000xf32, #tpu.memory_space<vmem_shared>> -> memref<256xf32, #tpu.memory_space<vmem_shared>>
        %dma_start3A_213 = arith.constant 8192 : i32
        %dma_start3A_214 = tpu.memref_slice %arg23[%dma_start3A_213] : memref<10000xf32, #tpu.memory_space<vmem_shared>> -> memref<256xf32, #tpu.memory_space<vmem_shared>>
        %dma_start3A_215 = arith.constant 0 : i32
        %dma_start3A_216 = tpu.memref_slice %arg21[%dma_start3A_215] : memref<768xf32, #tpu.memory_space<vmem>> -> memref<256xf32, #tpu.memory_space<vmem>>
        tpu.enqueue_dma source(%dma_start3A_216 : memref<256xf32, #tpu.memory_space<vmem>>) target(%dma_start3A_214 : memref<256xf32, #tpu.memory_space<vmem_shared>>) target_semaphore(%run_scoped3A_209 : memref<!tpu.dma_semaphore, #tpu.memory_space<semaphore_mem>>)
        %dma_wait3A_217 = arith.constant 0 : i32
        %dma_wait3A_218 = tpu.memref_slice %arg21[%dma_wait3A_217] : memref<768xf32, #tpu.memory_space<vmem>> -> memref<256xf32, #tpu.memory_space<vmem>>
        %dma_wait3A_219 = arith.constant 8192 : i32
        %dma_wait3A_220 = tpu.memref_slice %arg23[%dma_wait3A_219] : memref<10000xf32, #tpu.memory_space<vmem_shared>> -> memref<256xf32, #tpu.memory_space<vmem_shared>>
        %dma_wait3A_221 = arith.constant 8192 : i32
        %dma_wait3A_222 = tpu.memref_slice %arg23[%dma_wait3A_221] : memref<10000xf32, #tpu.memory_space<vmem_shared>> -> memref<256xf32, #tpu.memory_space<vmem_shared>>
        %dma_wait3A_223 = arith.constant 0 : i32
        %dma_wait3A_224 = tpu.memref_slice %arg21[%dma_wait3A_223] : memref<768xf32, #tpu.memory_space<vmem>> -> memref<256xf32, #tpu.memory_space<vmem>>
        tpu.wait_dma2 semaphore(%run_scoped3A_209 : memref<!tpu.dma_semaphore, #tpu.memory_space<semaphore_mem>>) src(%dma_wait3A_224 : memref<256xf32, #tpu.memory_space<vmem>>) dst(%dma_wait3A_222 : memref<256xf32, #tpu.memory_space<vmem_shared>>)
        tpu.yield
      }) : () -> ()
      "tpu.region"() ({
        %run_scoped3A_209 = tpu.sem_alloc : memref<!tpu.dma_semaphore, #tpu.memory_space<semaphore_mem>>
        %dma_start3A = arith.constant 0 : i32
        %dma_start3A_210 = tpu.memref_slice %arg21[%dma_start3A] : memref<768xf32, #tpu.memory_space<vmem>> -> memref<256xf32, #tpu.memory_space<vmem>>
        %dma_start3A_211 = arith.constant 8448 : i32
        %dma_start3A_212 = tpu.memref_slice %arg23[%dma_start3A_211] : memref<10000xf32, #tpu.memory_space<vmem_shared>> -> memref<256xf32, #tpu.memory_space<vmem_shared>>
        %dma_start3A_213 = arith.constant 8448 : i32
        %dma_start3A_214 = tpu.memref_slice %arg23[%dma_start3A_213] : memref<10000xf32, #tpu.memory_space<vmem_shared>> -> memref<256xf32, #tpu.memory_space<vmem_shared>>
        %dma_start3A_215 = arith.constant 0 : i32
        %dma_start3A_216 = tpu.memref_slice %arg21[%dma_start3A_215] : memref<768xf32, #tpu.memory_space<vmem>> -> memref<256xf32, #tpu.memory_space<vmem>>
        tpu.enqueue_dma source(%dma_start3A_216 : memref<256xf32, #tpu.memory_space<vmem>>) target(%dma_start3A_214 : memref<256xf32, #tpu.memory_space<vmem_shared>>) target_semaphore(%run_scoped3A_209 : memref<!tpu.dma_semaphore, #tpu.memory_space<semaphore_mem>>)
        %dma_wait3A_217 = arith.constant 0 : i32
        %dma_wait3A_218 = tpu.memref_slice %arg21[%dma_wait3A_217] : memref<768xf32, #tpu.memory_space<vmem>> -> memref<256xf32, #tpu.memory_space<vmem>>
        %dma_wait3A_219 = arith.constant 8448 : i32
        %dma_wait3A_220 = tpu.memref_slice %arg23[%dma_wait3A_219] : memref<10000xf32, #tpu.memory_space<vmem_shared>> -> memref<256xf32, #tpu.memory_space<vmem_shared>>
        %dma_wait3A_221 = arith.constant 8448 : i32
        %dma_wait3A_222 = tpu.memref_slice %arg23[%dma_wait3A_221] : memref<10000xf32, #tpu.memory_space<vmem_shared>> -> memref<256xf32, #tpu.memory_space<vmem_shared>>
        %dma_wait3A_223 = arith.constant 0 : i32
        %dma_wait3A_224 = tpu.memref_slice %arg21[%dma_wait3A_223] : memref<768xf32, #tpu.memory_space<vmem>> -> memref<256xf32, #tpu.memory_space<vmem>>
        tpu.wait_dma2 semaphore(%run_scoped3A_209 : memref<!tpu.dma_semaphore, #tpu.memory_space<semaphore_mem>>) src(%dma_wait3A_224 : memref<256xf32, #tpu.memory_space<vmem>>) dst(%dma_wait3A_222 : memref<256xf32, #tpu.memory_space<vmem_shared>>)
        tpu.yield
      }) : () -> ()
      "tpu.region"() ({
        %run_scoped3A_209 = tpu.sem_alloc : memref<!tpu.dma_semaphore, #tpu.memory_space<semaphore_mem>>
        %dma_start3A = arith.constant 0 : i32
        %dma_start3A_210 = tpu.memref_slice %arg21[%dma_start3A] : memref<768xf32, #tpu.memory_space<vmem>> -> memref<256xf32, #tpu.memory_space<vmem>>
        %dma_start3A_211 = arith.constant 8704 : i32
        %dma_start3A_212 = tpu.memref_slice %arg23[%dma_start3A_211] : memref<10000xf32, #tpu.memory_space<vmem_shared>> -> memref<256xf32, #tpu.memory_space<vmem_shared>>
        %dma_start3A_213 = arith.constant 8704 : i32
        %dma_start3A_214 = tpu.memref_slice %arg23[%dma_start3A_213] : memref<10000xf32, #tpu.memory_space<vmem_shared>> -> memref<256xf32, #tpu.memory_space<vmem_shared>>
        %dma_start3A_215 = arith.constant 0 : i32
        %dma_start3A_216 = tpu.memref_slice %arg21[%dma_start3A_215] : memref<768xf32, #tpu.memory_space<vmem>> -> memref<256xf32, #tpu.memory_space<vmem>>
        tpu.enqueue_dma source(%dma_start3A_216 : memref<256xf32, #tpu.memory_space<vmem>>) target(%dma_start3A_214 : memref<256xf32, #tpu.memory_space<vmem_shared>>) target_semaphore(%run_scoped3A_209 : memref<!tpu.dma_semaphore, #tpu.memory_space<semaphore_mem>>)
        %dma_wait3A_217 = arith.constant 0 : i32
        %dma_wait3A_218 = tpu.memref_slice %arg21[%dma_wait3A_217] : memref<768xf32, #tpu.memory_space<vmem>> -> memref<256xf32, #tpu.memory_space<vmem>>
        %dma_wait3A_219 = arith.constant 8704 : i32
        %dma_wait3A_220 = tpu.memref_slice %arg23[%dma_wait3A_219] : memref<10000xf32, #tpu.memory_space<vmem_shared>> -> memref<256xf32, #tpu.memory_space<vmem_shared>>
        %dma_wait3A_221 = arith.constant 8704 : i32
        %dma_wait3A_222 = tpu.memref_slice %arg23[%dma_wait3A_221] : memref<10000xf32, #tpu.memory_space<vmem_shared>> -> memref<256xf32, #tpu.memory_space<vmem_shared>>
        %dma_wait3A_223 = arith.constant 0 : i32
        %dma_wait3A_224 = tpu.memref_slice %arg21[%dma_wait3A_223] : memref<768xf32, #tpu.memory_space<vmem>> -> memref<256xf32, #tpu.memory_space<vmem>>
        tpu.wait_dma2 semaphore(%run_scoped3A_209 : memref<!tpu.dma_semaphore, #tpu.memory_space<semaphore_mem>>) src(%dma_wait3A_224 : memref<256xf32, #tpu.memory_space<vmem>>) dst(%dma_wait3A_222 : memref<256xf32, #tpu.memory_space<vmem_shared>>)
        tpu.yield
      }) : () -> ()
      "tpu.region"() ({
        %run_scoped3A_209 = tpu.sem_alloc : memref<!tpu.dma_semaphore, #tpu.memory_space<semaphore_mem>>
        %dma_start3A = arith.constant 0 : i32
        %dma_start3A_210 = tpu.memref_slice %arg21[%dma_start3A] : memref<768xf32, #tpu.memory_space<vmem>> -> memref<256xf32, #tpu.memory_space<vmem>>
        %dma_start3A_211 = arith.constant 8960 : i32
        %dma_start3A_212 = tpu.memref_slice %arg23[%dma_start3A_211] : memref<10000xf32, #tpu.memory_space<vmem_shared>> -> memref<256xf32, #tpu.memory_space<vmem_shared>>
        %dma_start3A_213 = arith.constant 8960 : i32
        %dma_start3A_214 = tpu.memref_slice %arg23[%dma_start3A_213] : memref<10000xf32, #tpu.memory_space<vmem_shared>> -> memref<256xf32, #tpu.memory_space<vmem_shared>>
        %dma_start3A_215 = arith.constant 0 : i32
        %dma_start3A_216 = tpu.memref_slice %arg21[%dma_start3A_215] : memref<768xf32, #tpu.memory_space<vmem>> -> memref<256xf32, #tpu.memory_space<vmem>>
        tpu.enqueue_dma source(%dma_start3A_216 : memref<256xf32, #tpu.memory_space<vmem>>) target(%dma_start3A_214 : memref<256xf32, #tpu.memory_space<vmem_shared>>) target_semaphore(%run_scoped3A_209 : memref<!tpu.dma_semaphore, #tpu.memory_space<semaphore_mem>>)
        %dma_wait3A_217 = arith.constant 0 : i32
        %dma_wait3A_218 = tpu.memref_slice %arg21[%dma_wait3A_217] : memref<768xf32, #tpu.memory_space<vmem>> -> memref<256xf32, #tpu.memory_space<vmem>>
        %dma_wait3A_219 = arith.constant 8960 : i32
        %dma_wait3A_220 = tpu.memref_slice %arg23[%dma_wait3A_219] : memref<10000xf32, #tpu.memory_space<vmem_shared>> -> memref<256xf32, #tpu.memory_space<vmem_shared>>
        %dma_wait3A_221 = arith.constant 8960 : i32
        %dma_wait3A_222 = tpu.memref_slice %arg23[%dma_wait3A_221] : memref<10000xf32, #tpu.memory_space<vmem_shared>> -> memref<256xf32, #tpu.memory_space<vmem_shared>>
        %dma_wait3A_223 = arith.constant 0 : i32
        %dma_wait3A_224 = tpu.memref_slice %arg21[%dma_wait3A_223] : memref<768xf32, #tpu.memory_space<vmem>> -> memref<256xf32, #tpu.memory_space<vmem>>
        tpu.wait_dma2 semaphore(%run_scoped3A_209 : memref<!tpu.dma_semaphore, #tpu.memory_space<semaphore_mem>>) src(%dma_wait3A_224 : memref<256xf32, #tpu.memory_space<vmem>>) dst(%dma_wait3A_222 : memref<256xf32, #tpu.memory_space<vmem_shared>>)
        tpu.yield
      }) : () -> ()
      "tpu.region"() ({
        %run_scoped3A_209 = tpu.sem_alloc : memref<!tpu.dma_semaphore, #tpu.memory_space<semaphore_mem>>
        %dma_start3A = arith.constant 0 : i32
        %dma_start3A_210 = tpu.memref_slice %arg21[%dma_start3A] : memref<768xf32, #tpu.memory_space<vmem>> -> memref<256xf32, #tpu.memory_space<vmem>>
        %dma_start3A_211 = arith.constant 9216 : i32
        %dma_start3A_212 = tpu.memref_slice %arg23[%dma_start3A_211] : memref<10000xf32, #tpu.memory_space<vmem_shared>> -> memref<256xf32, #tpu.memory_space<vmem_shared>>
        %dma_start3A_213 = arith.constant 9216 : i32
        %dma_start3A_214 = tpu.memref_slice %arg23[%dma_start3A_213] : memref<10000xf32, #tpu.memory_space<vmem_shared>> -> memref<256xf32, #tpu.memory_space<vmem_shared>>
        %dma_start3A_215 = arith.constant 0 : i32
        %dma_start3A_216 = tpu.memref_slice %arg21[%dma_start3A_215] : memref<768xf32, #tpu.memory_space<vmem>> -> memref<256xf32, #tpu.memory_space<vmem>>
        tpu.enqueue_dma source(%dma_start3A_216 : memref<256xf32, #tpu.memory_space<vmem>>) target(%dma_start3A_214 : memref<256xf32, #tpu.memory_space<vmem_shared>>) target_semaphore(%run_scoped3A_209 : memref<!tpu.dma_semaphore, #tpu.memory_space<semaphore_mem>>)
        %dma_wait3A_217 = arith.constant 0 : i32
        %dma_wait3A_218 = tpu.memref_slice %arg21[%dma_wait3A_217] : memref<768xf32, #tpu.memory_space<vmem>> -> memref<256xf32, #tpu.memory_space<vmem>>
        %dma_wait3A_219 = arith.constant 9216 : i32
        %dma_wait3A_220 = tpu.memref_slice %arg23[%dma_wait3A_219] : memref<10000xf32, #tpu.memory_space<vmem_shared>> -> memref<256xf32, #tpu.memory_space<vmem_shared>>
        %dma_wait3A_221 = arith.constant 9216 : i32
        %dma_wait3A_222 = tpu.memref_slice %arg23[%dma_wait3A_221] : memref<10000xf32, #tpu.memory_space<vmem_shared>> -> memref<256xf32, #tpu.memory_space<vmem_shared>>
        %dma_wait3A_223 = arith.constant 0 : i32
        %dma_wait3A_224 = tpu.memref_slice %arg21[%dma_wait3A_223] : memref<768xf32, #tpu.memory_space<vmem>> -> memref<256xf32, #tpu.memory_space<vmem>>
        tpu.wait_dma2 semaphore(%run_scoped3A_209 : memref<!tpu.dma_semaphore, #tpu.memory_space<semaphore_mem>>) src(%dma_wait3A_224 : memref<256xf32, #tpu.memory_space<vmem>>) dst(%dma_wait3A_222 : memref<256xf32, #tpu.memory_space<vmem_shared>>)
        tpu.yield
      }) : () -> ()
      "tpu.region"() ({
        %run_scoped3A_209 = tpu.sem_alloc : memref<!tpu.dma_semaphore, #tpu.memory_space<semaphore_mem>>
        %dma_start3A = arith.constant 0 : i32
        %dma_start3A_210 = tpu.memref_slice %arg21[%dma_start3A] : memref<768xf32, #tpu.memory_space<vmem>> -> memref<256xf32, #tpu.memory_space<vmem>>
        %dma_start3A_211 = arith.constant 9472 : i32
        %dma_start3A_212 = tpu.memref_slice %arg23[%dma_start3A_211] : memref<10000xf32, #tpu.memory_space<vmem_shared>> -> memref<256xf32, #tpu.memory_space<vmem_shared>>
        %dma_start3A_213 = arith.constant 9472 : i32
        %dma_start3A_214 = tpu.memref_slice %arg23[%dma_start3A_213] : memref<10000xf32, #tpu.memory_space<vmem_shared>> -> memref<256xf32, #tpu.memory_space<vmem_shared>>
        %dma_start3A_215 = arith.constant 0 : i32
        %dma_start3A_216 = tpu.memref_slice %arg21[%dma_start3A_215] : memref<768xf32, #tpu.memory_space<vmem>> -> memref<256xf32, #tpu.memory_space<vmem>>
        tpu.enqueue_dma source(%dma_start3A_216 : memref<256xf32, #tpu.memory_space<vmem>>) target(%dma_start3A_214 : memref<256xf32, #tpu.memory_space<vmem_shared>>) target_semaphore(%run_scoped3A_209 : memref<!tpu.dma_semaphore, #tpu.memory_space<semaphore_mem>>)
        %dma_wait3A_217 = arith.constant 0 : i32
        %dma_wait3A_218 = tpu.memref_slice %arg21[%dma_wait3A_217] : memref<768xf32, #tpu.memory_space<vmem>> -> memref<256xf32, #tpu.memory_space<vmem>>
        %dma_wait3A_219 = arith.constant 9472 : i32
        %dma_wait3A_220 = tpu.memref_slice %arg23[%dma_wait3A_219] : memref<10000xf32, #tpu.memory_space<vmem_shared>> -> memref<256xf32, #tpu.memory_space<vmem_shared>>
        %dma_wait3A_221 = arith.constant 9472 : i32
        %dma_wait3A_222 = tpu.memref_slice %arg23[%dma_wait3A_221] : memref<10000xf32, #tpu.memory_space<vmem_shared>> -> memref<256xf32, #tpu.memory_space<vmem_shared>>
        %dma_wait3A_223 = arith.constant 0 : i32
        %dma_wait3A_224 = tpu.memref_slice %arg21[%dma_wait3A_223] : memref<768xf32, #tpu.memory_space<vmem>> -> memref<256xf32, #tpu.memory_space<vmem>>
        tpu.wait_dma2 semaphore(%run_scoped3A_209 : memref<!tpu.dma_semaphore, #tpu.memory_space<semaphore_mem>>) src(%dma_wait3A_224 : memref<256xf32, #tpu.memory_space<vmem>>) dst(%dma_wait3A_222 : memref<256xf32, #tpu.memory_space<vmem_shared>>)
        tpu.yield
      }) : () -> ()
      "tpu.region"() ({
        %run_scoped3A_209 = tpu.sem_alloc : memref<!tpu.dma_semaphore, #tpu.memory_space<semaphore_mem>>
        %dma_start3A = arith.constant 0 : i32
        %dma_start3A_210 = tpu.memref_slice %arg21[%dma_start3A] : memref<768xf32, #tpu.memory_space<vmem>> -> memref<256xf32, #tpu.memory_space<vmem>>
        %dma_start3A_211 = arith.constant 9728 : i32
        %dma_start3A_212 = tpu.memref_slice %arg23[%dma_start3A_211] : memref<10000xf32, #tpu.memory_space<vmem_shared>> -> memref<256xf32, #tpu.memory_space<vmem_shared>>
        %dma_start3A_213 = arith.constant 9728 : i32
        %dma_start3A_214 = tpu.memref_slice %arg23[%dma_start3A_213] : memref<10000xf32, #tpu.memory_space<vmem_shared>> -> memref<256xf32, #tpu.memory_space<vmem_shared>>
        %dma_start3A_215 = arith.constant 0 : i32
        %dma_start3A_216 = tpu.memref_slice %arg21[%dma_start3A_215] : memref<768xf32, #tpu.memory_space<vmem>> -> memref<256xf32, #tpu.memory_space<vmem>>
        tpu.enqueue_dma source(%dma_start3A_216 : memref<256xf32, #tpu.memory_space<vmem>>) target(%dma_start3A_214 : memref<256xf32, #tpu.memory_space<vmem_shared>>) target_semaphore(%run_scoped3A_209 : memref<!tpu.dma_semaphore, #tpu.memory_space<semaphore_mem>>)
        %dma_wait3A_217 = arith.constant 0 : i32
        %dma_wait3A_218 = tpu.memref_slice %arg21[%dma_wait3A_217] : memref<768xf32, #tpu.memory_space<vmem>> -> memref<256xf32, #tpu.memory_space<vmem>>
        %dma_wait3A_219 = arith.constant 9728 : i32
        %dma_wait3A_220 = tpu.memref_slice %arg23[%dma_wait3A_219] : memref<10000xf32, #tpu.memory_space<vmem_shared>> -> memref<256xf32, #tpu.memory_space<vmem_shared>>
        %dma_wait3A_221 = arith.constant 9728 : i32
        %dma_wait3A_222 = tpu.memref_slice %arg23[%dma_wait3A_221] : memref<10000xf32, #tpu.memory_space<vmem_shared>> -> memref<256xf32, #tpu.memory_space<vmem_shared>>
        %dma_wait3A_223 = arith.constant 0 : i32
        %dma_wait3A_224 = tpu.memref_slice %arg21[%dma_wait3A_223] : memref<768xf32, #tpu.memory_space<vmem>> -> memref<256xf32, #tpu.memory_space<vmem>>
        tpu.wait_dma2 semaphore(%run_scoped3A_209 : memref<!tpu.dma_semaphore, #tpu.memory_space<semaphore_mem>>) src(%dma_wait3A_224 : memref<256xf32, #tpu.memory_space<vmem>>) dst(%dma_wait3A_222 : memref<256xf32, #tpu.memory_space<vmem_shared>>)
        tpu.yield
      }) : () -> ()
      "tpu.region"() ({
        %run_scoped3A_209 = tpu.sem_alloc : memref<!tpu.dma_semaphore, #tpu.memory_space<semaphore_mem>>
        %dma_start3A = arith.constant 0 : i32
        %dma_start3A_210 = tpu.memref_slice %arg21[%dma_start3A] : memref<768xf32, #tpu.memory_space<vmem>> -> memref<16xf32, #tpu.memory_space<vmem>>
        %dma_start3A_211 = arith.constant 9984 : i32
        %dma_start3A_212 = tpu.memref_slice %arg23[%dma_start3A_211] : memref<10000xf32, #tpu.memory_space<vmem_shared>> -> memref<16xf32, #tpu.memory_space<vmem_shared>>
        %dma_start3A_213 = arith.constant 9984 : i32
        %dma_start3A_214 = tpu.memref_slice %arg23[%dma_start3A_213] : memref<10000xf32, #tpu.memory_space<vmem_shared>> -> memref<16xf32, #tpu.memory_space<vmem_shared>>
        %dma_start3A_215 = arith.constant 0 : i32
        %dma_start3A_216 = tpu.memref_slice %arg21[%dma_start3A_215] : memref<768xf32, #tpu.memory_space<vmem>> -> memref<16xf32, #tpu.memory_space<vmem>>
        tpu.enqueue_dma source(%dma_start3A_216 : memref<16xf32, #tpu.memory_space<vmem>>) target(%dma_start3A_214 : memref<16xf32, #tpu.memory_space<vmem_shared>>) target_semaphore(%run_scoped3A_209 : memref<!tpu.dma_semaphore, #tpu.memory_space<semaphore_mem>>)
        %dma_wait3A_217 = arith.constant 0 : i32
        %dma_wait3A_218 = tpu.memref_slice %arg21[%dma_wait3A_217] : memref<768xf32, #tpu.memory_space<vmem>> -> memref<16xf32, #tpu.memory_space<vmem>>
        %dma_wait3A_219 = arith.constant 9984 : i32
        %dma_wait3A_220 = tpu.memref_slice %arg23[%dma_wait3A_219] : memref<10000xf32, #tpu.memory_space<vmem_shared>> -> memref<16xf32, #tpu.memory_space<vmem_shared>>
        %dma_wait3A_221 = arith.constant 9984 : i32
        %dma_wait3A_222 = tpu.memref_slice %arg23[%dma_wait3A_221] : memref<10000xf32, #tpu.memory_space<vmem_shared>> -> memref<16xf32, #tpu.memory_space<vmem_shared>>
        %dma_wait3A_223 = arith.constant 0 : i32
        %dma_wait3A_224 = tpu.memref_slice %arg21[%dma_wait3A_223] : memref<768xf32, #tpu.memory_space<vmem>> -> memref<16xf32, #tpu.memory_space<vmem>>
        tpu.wait_dma2 semaphore(%run_scoped3A_209 : memref<!tpu.dma_semaphore, #tpu.memory_space<semaphore_mem>>) src(%dma_wait3A_224 : memref<16xf32, #tpu.memory_space<vmem>>) dst(%dma_wait3A_222 : memref<16xf32, #tpu.memory_space<vmem_shared>>)
        tpu.yield
      }) : () -> ()
    } else {
    }
    "tpu.region"() ({
      %run_scoped3A_209 = tpu.sem_alloc : memref<!tpu.dma_semaphore, #tpu.memory_space<semaphore_mem>>
      %dma_start3A = arith.constant 0 : i32
      %dma_start3A_210 = tpu.memref_slice %arg20[%dma_start3A] : memref<320xf32, #tpu.memory_space<vmem>> -> memref<128xf32, #tpu.memory_space<vmem>>
      %dma_start3A_211 = arith.constant 0 : i32
      %dma_start3A_212 = tpu.memref_slice %arg20[%dma_start3A_211] : memref<320xf32, #tpu.memory_space<vmem>> -> memref<128xf32, #tpu.memory_space<vmem>>
      tpu.enqueue_dma source(%arg9 : memref<128xf32, #tpu.memory_space<hbm>>) target(%dma_start3A_212 : memref<128xf32, #tpu.memory_space<vmem>>) target_semaphore(%run_scoped3A_209 : memref<!tpu.dma_semaphore, #tpu.memory_space<semaphore_mem>>)
      %dma_wait3A_213 = arith.constant 0 : i32
      %dma_wait3A_214 = tpu.memref_slice %arg20[%dma_wait3A_213] : memref<320xf32, #tpu.memory_space<vmem>> -> memref<128xf32, #tpu.memory_space<vmem>>
      %dma_wait3A_215 = arith.constant 0 : i32
      %dma_wait3A_216 = tpu.memref_slice %arg20[%dma_wait3A_215] : memref<320xf32, #tpu.memory_space<vmem>> -> memref<128xf32, #tpu.memory_space<vmem>>
      tpu.wait_dma2 semaphore(%run_scoped3A_209 : memref<!tpu.dma_semaphore, #tpu.memory_space<semaphore_mem>>) src(%arg9 : memref<128xf32, #tpu.memory_space<hbm>>) dst(%dma_wait3A_216 : memref<128xf32, #tpu.memory_space<vmem>>)
      tpu.yield
    }) : () -> ()
    %barrier3A = arith.constant 0 : index
    tpu.barrier barrier_id(%barrier3A)
    %get3A = arith.constant 0 : index
    %get3A_120 = tpu.vector_load %arg20[%get3A] {strides = array<i32>} : memref<320xf32, #tpu.memory_space<vmem>>, vector<16xf32>,
    %get3A_121 = arith.constant 16 : index
    %get3A_122 = tpu.vector_load %arg20[%get3A_121] {strides = array<i32>} : memref<320xf32, #tpu.memory_space<vmem>>, vector<16xf32>,
    %get3A_123 = arith.constant 32 : index
    %get3A_124 = tpu.vector_load %arg20[%get3A_123] {strides = array<i32>} : memref<320xf32, #tpu.memory_space<vmem>>, vector<16xf32>,
    %get3A_125 = arith.constant 48 : index
    %get3A_126 = tpu.vector_load %arg20[%get3A_125] {strides = array<i32>} : memref<320xf32, #tpu.memory_space<vmem>>, vector<16xf32>,
    %get3A_127 = arith.constant 64 : index
    %get3A_128 = tpu.vector_load %arg20[%get3A_127] {strides = array<i32>} : memref<320xf32, #tpu.memory_space<vmem>>, vector<16xf32>,
    %get3A_129 = arith.constant 80 : index
    %get3A_130 = tpu.vector_load %arg20[%get3A_129] {strides = array<i32>} : memref<320xf32, #tpu.memory_space<vmem>>, vector<16xf32>,
    %get3A_131 = arith.constant 96 : index
    %get3A_132 = tpu.vector_load %arg20[%get3A_131] {strides = array<i32>} : memref<320xf32, #tpu.memory_space<vmem>>, vector<16xf32>,
    %get3A_133 = arith.constant 112 : index
    %get3A_134 = tpu.vector_load %arg20[%get3A_133] {strides = array<i32>} : memref<320xf32, #tpu.memory_space<vmem>>, vector<16xf32>,
    %iota3A = tpu.iota {dimensions = array<i32: 0>} : vector<16xi32>
    %scan3A_135 = arith.constant 0 : i32
    %scan3A_136 = arith.constant 0 : i32
    %scan3A_137 = arith.constant 10 : i32
    %scan3A_138 = arith.addi %scan3A_136, %scan3A_137 : i32
    %scan3A_139 = arith.constant 1 : i32
    %scan3A_140 = scf.for %scan3A_209 = %scan3A_136 to %scan3A_138 step %scan3A_139 iter_args(%scan3A_210 = %scan3A_135) -> (i32)  : i32 {
      %gt3A = arith.constant 0 : i32
      %gt3A_211 = arith.cmpi sgt, %scan3A_209, %gt3A : i32
      %convert_element_type3A_212 = arith.extui %gt3A_211 : i1 to i32
      %cond3A_213 = arith.constant 0 : i32
      %cond3A_214 = arith.cmpi ne, %convert_element_type3A_212, %cond3A_213 : i32
      scf.if %cond3A_214 {
        %dma_wait3A_262 = arith.constant 0 : i32
        %dma_wait3A_263 = arith.constant 0 : i32
        %dma_wait3A_264 = arith.constant 0 : i32
        %dma_wait3A_265 = arith.constant 0 : i32
        %dma_wait3A_266 = arith.constant 0 : i32
        %dma_wait3A_267 = tpu.memref_slice %arg17[%dma_wait3A_262, %dma_wait3A_265, %dma_wait3A_266] : memref<2x40x128xf32, #tpu.memory_space<vmem>> -> memref<1x40x128xf32, #tpu.memory_space<vmem>>
        %dma_wait3A_268 = tpu.memref_squeeze %dma_wait3A_267 : memref<1x40x128xf32, #tpu.memory_space<vmem>> -> memref<40x128xf32, #tpu.memory_space<vmem>>
        %dma_wait3A_269 = arith.constant 0 : i32
        %dma_wait3A_270 = tpu.memref_slice %arg15[%dma_wait3A_263, %dma_wait3A_269] : memref<25x40xi32, #tpu.memory_space<vmem>> -> memref<1x40xi32, #tpu.memory_space<vmem>>
        %dma_wait3A_271 = tpu.memref_squeeze %dma_wait3A_270 : memref<1x40xi32, #tpu.memory_space<vmem>> -> memref<40xi32, #tpu.memory_space<vmem>>
        %dma_wait3A_272 = arith.constant 0 : i32
        %dma_wait3A_273 = arith.constant 0 : i32
        %dma_wait3A_274 = tpu.memref_slice %arg22[%dma_wait3A_272, %dma_wait3A_273] : memref<10000x128xf32, #tpu.memory_space<vmem_shared>> -> memref<10000x128xf32, #tpu.memory_space<vmem_shared>>
        %dma_wait3A_275 = tpu.memref_slice %arg26[%dma_wait3A_264] : memref<2x!tpu.dma_semaphore, #tpu.memory_space<semaphore_mem>> -> memref<1x!tpu.dma_semaphore, #tpu.memory_space<semaphore_mem>>
        %dma_wait3A_276 = tpu.memref_squeeze %dma_wait3A_275 : memref<1x!tpu.dma_semaphore, #tpu.memory_space<semaphore_mem>> -> memref<!tpu.dma_semaphore, #tpu.memory_space<semaphore_mem>>
        tpu.wait_indirect_dma semaphore(%dma_wait3A_276 : memref<!tpu.dma_semaphore, #tpu.memory_space<semaphore_mem>>) src(%dma_wait3A_268 : memref<40x128xf32, #tpu.memory_space<vmem>>) dst(%dma_wait3A_274 : memref<10000x128xf32, #tpu.memory_space<vmem_shared>>)
        %dma_wait3A_277 = arith.constant 0 : i32
        %dma_wait3A_278 = arith.constant 0 : i32
        %dma_wait3A_279 = arith.constant 224 : i32
        %dma_wait3A_280 = tpu.memref_slice %arg20[%dma_wait3A_279] : memref<320xf32, #tpu.memory_space<vmem>> -> memref<40xf32, #tpu.memory_space<vmem>>
        %dma_wait3A_281 = arith.constant 0 : i32
        %dma_wait3A_282 = tpu.memref_slice %arg15[%dma_wait3A_277, %dma_wait3A_281] : memref<25x40xi32, #tpu.memory_space<vmem>> -> memref<1x40xi32, #tpu.memory_space<vmem>>
        %dma_wait3A_283 = tpu.memref_squeeze %dma_wait3A_282 : memref<1x40xi32, #tpu.memory_space<vmem>> -> memref<40xi32, #tpu.memory_space<vmem>>
        %dma_wait3A_284 = arith.constant 0 : i32
        %dma_wait3A_285 = tpu.memref_slice %arg23[%dma_wait3A_284] : memref<10000xf32, #tpu.memory_space<vmem_shared>> -> memref<10000xf32, #tpu.memory_space<vmem_shared>>
        %dma_wait3A_286 = tpu.memref_slice %arg26[%dma_wait3A_278] : memref<2x!tpu.dma_semaphore, #tpu.memory_space<semaphore_mem>> -> memref<1x!tpu.dma_semaphore, #tpu.memory_space<semaphore_mem>>
        %dma_wait3A_287 = tpu.memref_squeeze %dma_wait3A_286 : memref<1x!tpu.dma_semaphore, #tpu.memory_space<semaphore_mem>> -> memref<!tpu.dma_semaphore, #tpu.memory_space<semaphore_mem>>
        tpu.wait_indirect_dma semaphore(%dma_wait3A_287 : memref<!tpu.dma_semaphore, #tpu.memory_space<semaphore_mem>>) src(%dma_wait3A_280 : memref<40xf32, #tpu.memory_space<vmem>>) dst(%dma_wait3A_285 : memref<10000xf32, #tpu.memory_space<vmem_shared>>)
        %dma_wait3A_288 = arith.constant 1 : i32
        %dma_wait3A_289 = arith.constant 0 : i32
        %dma_wait3A_290 = arith.constant 1 : i32
        %dma_wait3A_291 = arith.constant 0 : i32
        %dma_wait3A_292 = arith.constant 0 : i32
        %dma_wait3A_293 = tpu.memref_slice %arg17[%dma_wait3A_288, %dma_wait3A_291, %dma_wait3A_292] : memref<2x40x128xf32, #tpu.memory_space<vmem>> -> memref<1x40x128xf32, #tpu.memory_space<vmem>>
        %dma_wait3A_294 = tpu.memref_squeeze %dma_wait3A_293 : memref<1x40x128xf32, #tpu.memory_space<vmem>> -> memref<40x128xf32, #tpu.memory_space<vmem>>
        %dma_wait3A_295 = arith.constant 0 : i32
        %dma_wait3A_296 = tpu.memref_slice %arg15[%dma_wait3A_289, %dma_wait3A_295] : memref<25x40xi32, #tpu.memory_space<vmem>> -> memref<1x40xi32, #tpu.memory_space<vmem>>
        %dma_wait3A_297 = tpu.memref_squeeze %dma_wait3A_296 : memref<1x40xi32, #tpu.memory_space<vmem>> -> memref<40xi32, #tpu.memory_space<vmem>>
        %dma_wait3A_298 = arith.constant 0 : i32
        %dma_wait3A_299 = arith.constant 0 : i32
        %dma_wait3A_300 = tpu.memref_slice %arg22[%dma_wait3A_298, %dma_wait3A_299] : memref<10000x128xf32, #tpu.memory_space<vmem_shared>> -> memref<10000x128xf32, #tpu.memory_space<vmem_shared>>
        %dma_wait3A_301 = tpu.memref_slice %arg26[%dma_wait3A_290] : memref<2x!tpu.dma_semaphore, #tpu.memory_space<semaphore_mem>> -> memref<1x!tpu.dma_semaphore, #tpu.memory_space<semaphore_mem>>
        %dma_wait3A_302 = tpu.memref_squeeze %dma_wait3A_301 : memref<1x!tpu.dma_semaphore, #tpu.memory_space<semaphore_mem>> -> memref<!tpu.dma_semaphore, #tpu.memory_space<semaphore_mem>>
        tpu.wait_indirect_dma semaphore(%dma_wait3A_302 : memref<!tpu.dma_semaphore, #tpu.memory_space<semaphore_mem>>) src(%dma_wait3A_294 : memref<40x128xf32, #tpu.memory_space<vmem>>) dst(%dma_wait3A_300 : memref<10000x128xf32, #tpu.memory_space<vmem_shared>>)
        %dma_wait3A_303 = arith.constant 0 : i32
        %dma_wait3A_304 = arith.constant 1 : i32
        %dma_wait3A_305 = arith.constant 272 : i32
        %dma_wait3A_306 = tpu.memref_slice %arg20[%dma_wait3A_305] : memref<320xf32, #tpu.memory_space<vmem>> -> memref<40xf32, #tpu.memory_space<vmem>>
        %dma_wait3A_307 = arith.constant 0 : i32
        %dma_wait3A_308 = tpu.memref_slice %arg15[%dma_wait3A_303, %dma_wait3A_307] : memref<25x40xi32, #tpu.memory_space<vmem>> -> memref<1x40xi32, #tpu.memory_space<vmem>>
        %dma_wait3A_309 = tpu.memref_squeeze %dma_wait3A_308 : memref<1x40xi32, #tpu.memory_space<vmem>> -> memref<40xi32, #tpu.memory_space<vmem>>
        %dma_wait3A_310 = arith.constant 0 : i32
        %dma_wait3A_311 = tpu.memref_slice %arg23[%dma_wait3A_310] : memref<10000xf32, #tpu.memory_space<vmem_shared>> -> memref<10000xf32, #tpu.memory_space<vmem_shared>>
        %dma_wait3A_312 = tpu.memref_slice %arg26[%dma_wait3A_304] : memref<2x!tpu.dma_semaphore, #tpu.memory_space<semaphore_mem>> -> memref<1x!tpu.dma_semaphore, #tpu.memory_space<semaphore_mem>>
        %dma_wait3A_313 = tpu.memref_squeeze %dma_wait3A_312 : memref<1x!tpu.dma_semaphore, #tpu.memory_space<semaphore_mem>> -> memref<!tpu.dma_semaphore, #tpu.memory_space<semaphore_mem>>
        tpu.wait_indirect_dma semaphore(%dma_wait3A_313 : memref<!tpu.dma_semaphore, #tpu.memory_space<semaphore_mem>>) src(%dma_wait3A_306 : memref<40xf32, #tpu.memory_space<vmem>>) dst(%dma_wait3A_311 : memref<10000xf32, #tpu.memory_space<vmem_shared>>)
      } else {
      }
      "tpu.region"() ({
        %run_scoped3A_262 = tpu.sem_alloc : memref<!tpu.dma_semaphore, #tpu.memory_space<semaphore_mem>>
        %dma_start3A_263 = arith.constant 0 : i32
        %dma_start3A_264 = arith.constant 0 : i32
        %dma_start3A_265 = tpu.memref_slice %arg2[%add3A, %scan3A_209, %dma_start3A_263, %dma_start3A_264] : memref<32x10x25x40xi32, #tpu.memory_space<hbm>> -> memref<1x1x25x40xi32, #tpu.memory_space<hbm>>
        %dma_start3A_266 = tpu.memref_squeeze %dma_start3A_265 : memref<1x1x25x40xi32, #tpu.memory_space<hbm>> -> memref<25x40xi32, #tpu.memory_space<hbm>>
        %dma_start3A_267 = arith.constant 0 : i32
        %dma_start3A_268 = arith.constant 0 : i32
        %dma_start3A_269 = tpu.memref_slice %arg2[%add3A, %scan3A_209, %dma_start3A_267, %dma_start3A_268] : memref<32x10x25x40xi32, #tpu.memory_space<hbm>> -> memref<1x1x25x40xi32, #tpu.memory_space<hbm>>
        %dma_start3A_270 = tpu.memref_squeeze %dma_start3A_269 : memref<1x1x25x40xi32, #tpu.memory_space<hbm>> -> memref<25x40xi32, #tpu.memory_space<hbm>>
        tpu.enqueue_dma source(%dma_start3A_270 : memref<25x40xi32, #tpu.memory_space<hbm>>) target(%arg14 : memref<25x40xi32, #tpu.memory_space<vmem>>) target_semaphore(%run_scoped3A_262 : memref<!tpu.dma_semaphore, #tpu.memory_space<semaphore_mem>>)
        %dma_wait3A_271 = arith.constant 0 : i32
        %dma_wait3A_272 = arith.constant 0 : i32
        %dma_wait3A_273 = tpu.memref_slice %arg2[%add3A, %scan3A_209, %dma_wait3A_271, %dma_wait3A_272] : memref<32x10x25x40xi32, #tpu.memory_space<hbm>> -> memref<1x1x25x40xi32, #tpu.memory_space<hbm>>
        %dma_wait3A_274 = tpu.memref_squeeze %dma_wait3A_273 : memref<1x1x25x40xi32, #tpu.memory_space<hbm>> -> memref<25x40xi32, #tpu.memory_space<hbm>>
        %dma_wait3A_275 = arith.constant 0 : i32
        %dma_wait3A_276 = arith.constant 0 : i32
        %dma_wait3A_277 = tpu.memref_slice %arg2[%add3A, %scan3A_209, %dma_wait3A_275, %dma_wait3A_276] : memref<32x10x25x40xi32, #tpu.memory_space<hbm>> -> memref<1x1x25x40xi32, #tpu.memory_space<hbm>>
        %dma_wait3A_278 = tpu.memref_squeeze %dma_wait3A_277 : memref<1x1x25x40xi32, #tpu.memory_space<hbm>> -> memref<25x40xi32, #tpu.memory_space<hbm>>
        tpu.wait_dma2 semaphore(%run_scoped3A_262 : memref<!tpu.dma_semaphore, #tpu.memory_space<semaphore_mem>>) src(%dma_wait3A_278 : memref<25x40xi32, #tpu.memory_space<hbm>>) dst(%arg14 : memref<25x40xi32, #tpu.memory_space<vmem>>)
        tpu.yield
      }) : () -> ()
      "tpu.region"() ({
        %run_scoped3A_262 = tpu.sem_alloc : memref<!tpu.dma_semaphore, #tpu.memory_space<semaphore_mem>>
        %dma_start3A_263 = arith.constant 0 : i32
        %dma_start3A_264 = arith.constant 0 : i32
        %dma_start3A_265 = tpu.memref_slice %arg3[%add3A, %scan3A_209, %dma_start3A_263, %dma_start3A_264] : memref<32x10x25x40xi32, #tpu.memory_space<hbm>> -> memref<1x1x25x40xi32, #tpu.memory_space<hbm>>
        %dma_start3A_266 = tpu.memref_squeeze %dma_start3A_265 : memref<1x1x25x40xi32, #tpu.memory_space<hbm>> -> memref<25x40xi32, #tpu.memory_space<hbm>>
        %dma_start3A_267 = arith.constant 0 : i32
        %dma_start3A_268 = arith.constant 0 : i32
        %dma_start3A_269 = tpu.memref_slice %arg3[%add3A, %scan3A_209, %dma_start3A_267, %dma_start3A_268] : memref<32x10x25x40xi32, #tpu.memory_space<hbm>> -> memref<1x1x25x40xi32, #tpu.memory_space<hbm>>
        %dma_start3A_270 = tpu.memref_squeeze %dma_start3A_269 : memref<1x1x25x40xi32, #tpu.memory_space<hbm>> -> memref<25x40xi32, #tpu.memory_space<hbm>>
        tpu.enqueue_dma source(%dma_start3A_270 : memref<25x40xi32, #tpu.memory_space<hbm>>) target(%arg15 : memref<25x40xi32, #tpu.memory_space<vmem>>) target_semaphore(%run_scoped3A_262 : memref<!tpu.dma_semaphore, #tpu.memory_space<semaphore_mem>>)
        %dma_wait3A_271 = arith.constant 0 : i32
        %dma_wait3A_272 = arith.constant 0 : i32
        %dma_wait3A_273 = tpu.memref_slice %arg3[%add3A, %scan3A_209, %dma_wait3A_271, %dma_wait3A_272] : memref<32x10x25x40xi32, #tpu.memory_space<hbm>> -> memref<1x1x25x40xi32, #tpu.memory_space<hbm>>
        %dma_wait3A_274 = tpu.memref_squeeze %dma_wait3A_273 : memref<1x1x25x40xi32, #tpu.memory_space<hbm>> -> memref<25x40xi32, #tpu.memory_space<hbm>>
        %dma_wait3A_275 = arith.constant 0 : i32
        %dma_wait3A_276 = arith.constant 0 : i32
        %dma_wait3A_277 = tpu.memref_slice %arg3[%add3A, %scan3A_209, %dma_wait3A_275, %dma_wait3A_276] : memref<32x10x25x40xi32, #tpu.memory_space<hbm>> -> memref<1x1x25x40xi32, #tpu.memory_space<hbm>>
        %dma_wait3A_278 = tpu.memref_squeeze %dma_wait3A_277 : memref<1x1x25x40xi32, #tpu.memory_space<hbm>> -> memref<25x40xi32, #tpu.memory_space<hbm>>
        tpu.wait_dma2 semaphore(%run_scoped3A_262 : memref<!tpu.dma_semaphore, #tpu.memory_space<semaphore_mem>>) src(%dma_wait3A_278 : memref<25x40xi32, #tpu.memory_space<hbm>>) dst(%arg15 : memref<25x40xi32, #tpu.memory_space<vmem>>)
        tpu.yield
      }) : () -> ()
      "tpu.region"() ({
        %run_scoped3A_262 = tpu.sem_alloc : memref<!tpu.dma_semaphore, #tpu.memory_space<semaphore_mem>>
        %dma_start3A_263 = arith.constant 0 : i32
        %dma_start3A_264 = arith.constant 0 : i32
        %dma_start3A_265 = tpu.memref_slice %arg4[%add3A, %scan3A_209, %dma_start3A_263, %dma_start3A_264] : memref<32x10x25x40xi32, #tpu.memory_space<hbm>> -> memref<1x1x25x40xi32, #tpu.memory_space<hbm>>
        %dma_start3A_266 = tpu.memref_squeeze %dma_start3A_265 : memref<1x1x25x40xi32, #tpu.memory_space<hbm>> -> memref<25x40xi32, #tpu.memory_space<hbm>>
        %dma_start3A_267 = arith.constant 0 : i32
        %dma_start3A_268 = arith.constant 0 : i32
        %dma_start3A_269 = tpu.memref_slice %arg4[%add3A, %scan3A_209, %dma_start3A_267, %dma_start3A_268] : memref<32x10x25x40xi32, #tpu.memory_space<hbm>> -> memref<1x1x25x40xi32, #tpu.memory_space<hbm>>
        %dma_start3A_270 = tpu.memref_squeeze %dma_start3A_269 : memref<1x1x25x40xi32, #tpu.memory_space<hbm>> -> memref<25x40xi32, #tpu.memory_space<hbm>>
        tpu.enqueue_dma source(%dma_start3A_270 : memref<25x40xi32, #tpu.memory_space<hbm>>) target(%arg16 : memref<25x40xi32, #tpu.memory_space<vmem>>) target_semaphore(%run_scoped3A_262 : memref<!tpu.dma_semaphore, #tpu.memory_space<semaphore_mem>>)
        %dma_wait3A_271 = arith.constant 0 : i32
        %dma_wait3A_272 = arith.constant 0 : i32
        %dma_wait3A_273 = tpu.memref_slice %arg4[%add3A, %scan3A_209, %dma_wait3A_271, %dma_wait3A_272] : memref<32x10x25x40xi32, #tpu.memory_space<hbm>> -> memref<1x1x25x40xi32, #tpu.memory_space<hbm>>
        %dma_wait3A_274 = tpu.memref_squeeze %dma_wait3A_273 : memref<1x1x25x40xi32, #tpu.memory_space<hbm>> -> memref<25x40xi32, #tpu.memory_space<hbm>>
        %dma_wait3A_275 = arith.constant 0 : i32
        %dma_wait3A_276 = arith.constant 0 : i32
        %dma_wait3A_277 = tpu.memref_slice %arg4[%add3A, %scan3A_209, %dma_wait3A_275, %dma_wait3A_276] : memref<32x10x25x40xi32, #tpu.memory_space<hbm>> -> memref<1x1x25x40xi32, #tpu.memory_space<hbm>>
        %dma_wait3A_278 = tpu.memref_squeeze %dma_wait3A_277 : memref<1x1x25x40xi32, #tpu.memory_space<hbm>> -> memref<25x40xi32, #tpu.memory_space<hbm>>
        tpu.wait_dma2 semaphore(%run_scoped3A_262 : memref<!tpu.dma_semaphore, #tpu.memory_space<semaphore_mem>>) src(%dma_wait3A_278 : memref<25x40xi32, #tpu.memory_space<hbm>>) dst(%arg16 : memref<25x40xi32, #tpu.memory_space<vmem>>)
        tpu.yield
      }) : () -> ()
      %dma_start3A = arith.constant 0 : i32
      %dma_start3A_215 = arith.constant 0 : i32
      %dma_start3A_216 = arith.constant 0 : i32
      %dma_start3A_217 = arith.constant 0 : i32
      %dma_start3A_218 = arith.constant 0 : i32
      %dma_start3A_219 = tpu.memref_slice %arg17[%dma_start3A_215, %dma_start3A_217, %dma_start3A_218] : memref<2x40x128xf32, #tpu.memory_space<vmem>> -> memref<1x40x128xf32, #tpu.memory_space<vmem>>
      %dma_start3A_220 = tpu.memref_squeeze %dma_start3A_219 : memref<1x40x128xf32, #tpu.memory_space<vmem>> -> memref<40x128xf32, #tpu.memory_space<vmem>>
      %dma_start3A_221 = arith.constant 0 : i32
      %dma_start3A_222 = tpu.memref_slice %arg14[%dma_start3A, %dma_start3A_221] : memref<25x40xi32, #tpu.memory_space<vmem>> -> memref<1x40xi32, #tpu.memory_space<vmem>>
      %dma_start3A_223 = tpu.memref_squeeze %dma_start3A_222 : memref<1x40xi32, #tpu.memory_space<vmem>> -> memref<40xi32, #tpu.memory_space<vmem>>
      %dma_start3A_224 = arith.constant 0 : i32
      %dma_start3A_225 = arith.constant 0 : i32
      %dma_start3A_226 = tpu.memref_slice %arg5[%dma_start3A_224, %dma_start3A_225] : memref<10000x128xf32, #tpu.memory_space<hbm>> -> memref<10000x128xf32, #tpu.memory_space<hbm>>
      %dma_start3A_227 = tpu.memref_slice %arg24[%dma_start3A_216] : memref<2x!tpu.dma_semaphore, #tpu.memory_space<semaphore_mem>> -> memref<1x!tpu.dma_semaphore, #tpu.memory_space<semaphore_mem>>
      %dma_start3A_228 = tpu.memref_squeeze %dma_start3A_227 : memref<1x!tpu.dma_semaphore, #tpu.memory_space<semaphore_mem>> -> memref<!tpu.dma_semaphore, #tpu.memory_space<semaphore_mem>>
      tpu.enqueue_indirect_dma source(%dma_start3A_226 : memref<10000x128xf32, #tpu.memory_space<hbm>>) target(%dma_start3A_220 : memref<40x128xf32, #tpu.memory_space<vmem>>) offsets(%dma_start3A_223 : memref<40xi32, #tpu.memory_space<vmem>>) semaphore(%dma_start3A_228 : memref<!tpu.dma_semaphore, #tpu.memory_space<semaphore_mem>>)
      %dma_start3A_229 = arith.constant 0 : i32
      %dma_start3A_230 = arith.constant 0 : i32
      %dma_start3A_231 = arith.constant 128 : i32
      %dma_start3A_232 = tpu.memref_slice %arg20[%dma_start3A_231] : memref<320xf32, #tpu.memory_space<vmem>> -> memref<40xf32, #tpu.memory_space<vmem>>
      %dma_start3A_233 = arith.constant 0 : i32
      %dma_start3A_234 = tpu.memref_slice %arg15[%dma_start3A_229, %dma_start3A_233] : memref<25x40xi32, #tpu.memory_space<vmem>> -> memref<1x40xi32, #tpu.memory_space<vmem>>
      %dma_start3A_235 = tpu.memref_squeeze %dma_start3A_234 : memref<1x40xi32, #tpu.memory_space<vmem>> -> memref<40xi32, #tpu.memory_space<vmem>>
      %dma_start3A_236 = arith.constant 0 : i32
      %dma_start3A_237 = tpu.memref_slice %arg8[%dma_start3A_236] : memref<10000xf32, #tpu.memory_space<hbm>> -> memref<10000xf32, #tpu.memory_space<hbm>>
      %dma_start3A_238 = tpu.memref_slice %arg24[%dma_start3A_230] : memref<2x!tpu.dma_semaphore, #tpu.memory_space<semaphore_mem>> -> memref<1x!tpu.dma_semaphore, #tpu.memory_space<semaphore_mem>>
      %dma_start3A_239 = tpu.memref_squeeze %dma_start3A_238 : memref<1x!tpu.dma_semaphore, #tpu.memory_space<semaphore_mem>> -> memref<!tpu.dma_semaphore, #tpu.memory_space<semaphore_mem>>
      tpu.enqueue_indirect_dma source(%dma_start3A_237 : memref<10000xf32, #tpu.memory_space<hbm>>) target(%dma_start3A_232 : memref<40xf32, #tpu.memory_space<vmem>>) offsets(%dma_start3A_235 : memref<40xi32, #tpu.memory_space<vmem>>) semaphore(%dma_start3A_239 : memref<!tpu.dma_semaphore, #tpu.memory_space<semaphore_mem>>)
      %dma_start3A_240 = arith.constant 0 : i32
      %dma_start3A_241 = arith.constant 0 : i32
      %dma_start3A_242 = tpu.memref_slice %arg15[%dma_start3A_240, %dma_start3A_241] : memref<25x40xi32, #tpu.memory_space<vmem>> -> memref<1x40xi32, #tpu.memory_space<vmem>>
      %dma_start3A_243 = tpu.memref_squeeze %dma_start3A_242 : memref<1x40xi32, #tpu.memory_space<vmem>> -> memref<40xi32, #tpu.memory_space<vmem>>
      %dma_start3A_244 = arith.constant 0 : i32
      %dma_start3A_245 = arith.constant 0 : i32
      %dma_start3A_246 = tpu.memref_slice %arg6[%dma_start3A_244, %dma_start3A_245] : memref<10000x128xf32, #tpu.memory_space<hbm>> -> memref<10000x128xf32, #tpu.memory_space<hbm>>
      tpu.enqueue_indirect_dma source(%dma_start3A_246 : memref<10000x128xf32, #tpu.memory_space<hbm>>) target(%arg18 : memref<40x128xf32, #tpu.memory_space<vmem>>) offsets(%dma_start3A_243 : memref<40xi32, #tpu.memory_space<vmem>>) semaphore(%arg25 : memref<!tpu.dma_semaphore, #tpu.memory_space<semaphore_mem>>)
      %dma_start3A_247 = arith.constant 0 : i32
      %dma_start3A_248 = arith.constant 0 : i32
      %dma_start3A_249 = tpu.memref_slice %arg16[%dma_start3A_247, %dma_start3A_248] : memref<25x40xi32, #tpu.memory_space<vmem>> -> memref<1x40xi32, #tpu.memory_space<vmem>>
      %dma_start3A_250 = tpu.memref_squeeze %dma_start3A_249 : memref<1x40xi32, #tpu.memory_space<vmem>> -> memref<40xi32, #tpu.memory_space<vmem>>
      %dma_start3A_251 = arith.constant 0 : i32
      %dma_start3A_252 = arith.constant 0 : i32
      %dma_start3A_253 = tpu.memref_slice %arg7[%dma_start3A_251, %dma_start3A_252] : memref<64x128xf32, #tpu.memory_space<hbm>> -> memref<64x128xf32, #tpu.memory_space<hbm>>
      tpu.enqueue_indirect_dma source(%dma_start3A_253 : memref<64x128xf32, #tpu.memory_space<hbm>>) target(%arg19 : memref<40x128xf32, #tpu.memory_space<vmem>>) offsets(%dma_start3A_250 : memref<40xi32, #tpu.memory_space<vmem>>) semaphore(%arg25 : memref<!tpu.dma_semaphore, #tpu.memory_space<semaphore_mem>>)
      %scan3A_254 = arith.constant 0 : i32
      %scan3A_255 = arith.constant 0 : i32
      %scan3A_256 = arith.constant 25 : i32
      %scan3A_257 = arith.addi %scan3A_255, %scan3A_256 : i32
      %scan3A_258 = arith.constant 1 : i32
      %scan3A_259 = scf.for %scan3A_262 = %scan3A_255 to %scan3A_257 step %scan3A_258 iter_args(%scan3A_263 = %scan3A_254) -> (i32)  : i32 {
        %rem3A = arith.constant 2 : i32
        %rem3A_264 = arith.remsi %scan3A_262, %rem3A : i32
        %add3A_265 = arith.constant 1 : i32
        %add3A_266 = arith.addi %scan3A_262, %add3A_265 : i32
        %lt3A = arith.constant 25 : i32
        %lt3A_267 = arith.cmpi slt, %add3A_266, %lt3A : i32
        %convert_element_type3A_268 = arith.extui %lt3A_267 : i1 to i32
        %cond3A_269 = arith.constant 0 : i32
        %cond3A_270 = arith.cmpi ne, %convert_element_type3A_268, %cond3A_269 : i32
        scf.if %cond3A_270 {
          %ge3A = arith.constant 1 : i32
          %ge3A_933 = arith.cmpi sge, %scan3A_262, %ge3A : i32
          %convert_element_type3A_934 = arith.extui %ge3A_933 : i1 to i32
          %cond3A_935 = arith.constant 0 : i32
          %cond3A_936 = arith.cmpi ne, %convert_element_type3A_934, %cond3A_935 : i32
          scf.if %cond3A_936 {
            %sub3A_965 = arith.constant 1 : i32
            %sub3A_966 = arith.subi %sub3A_965, %rem3A_264 : i32
            %dma_wait3A_967 = arith.constant 0 : i32
            %dma_wait3A_968 = arith.constant 0 : i32
            %dma_wait3A_969 = arith.constant 0 : i32
            %dma_wait3A_970 = tpu.memref_slice %arg17[%sub3A_966, %dma_wait3A_968, %dma_wait3A_969] : memref<2x40x128xf32, #tpu.memory_space<vmem>> -> memref<1x40x128xf32, #tpu.memory_space<vmem>>
            %dma_wait3A_971 = tpu.memref_squeeze %dma_wait3A_970 : memref<1x40x128xf32, #tpu.memory_space<vmem>> -> memref<40x128xf32, #tpu.memory_space<vmem>>
            %dma_wait3A_972 = arith.constant 0 : i32
            %dma_wait3A_973 = tpu.memref_slice %arg15[%dma_wait3A_967, %dma_wait3A_972] : memref<25x40xi32, #tpu.memory_space<vmem>> -> memref<1x40xi32, #tpu.memory_space<vmem>>
            %dma_wait3A_974 = tpu.memref_squeeze %dma_wait3A_973 : memref<1x40xi32, #tpu.memory_space<vmem>> -> memref<40xi32, #tpu.memory_space<vmem>>
            %dma_wait3A_975 = arith.constant 0 : i32
            %dma_wait3A_976 = arith.constant 0 : i32
            %dma_wait3A_977 = tpu.memref_slice %arg22[%dma_wait3A_975, %dma_wait3A_976] : memref<10000x128xf32, #tpu.memory_space<vmem_shared>> -> memref<10000x128xf32, #tpu.memory_space<vmem_shared>>
            %dma_wait3A_978 = tpu.memref_slice %arg26[%sub3A_966] : memref<2x!tpu.dma_semaphore, #tpu.memory_space<semaphore_mem>> -> memref<1x!tpu.dma_semaphore, #tpu.memory_space<semaphore_mem>>
            %dma_wait3A_979 = tpu.memref_squeeze %dma_wait3A_978 : memref<1x!tpu.dma_semaphore, #tpu.memory_space<semaphore_mem>> -> memref<!tpu.dma_semaphore, #tpu.memory_space<semaphore_mem>>
            tpu.wait_indirect_dma semaphore(%dma_wait3A_979 : memref<!tpu.dma_semaphore, #tpu.memory_space<semaphore_mem>>) src(%dma_wait3A_971 : memref<40x128xf32, #tpu.memory_space<vmem>>) dst(%dma_wait3A_977 : memref<10000x128xf32, #tpu.memory_space<vmem_shared>>)
            %mul3A_980 = arith.constant 48 : i32
            %mul3A_981 = arith.muli %mul3A_980, %sub3A_966 : i32
            %add3A_982 = arith.constant 224 : i32
            %add3A_983 = arith.addi %add3A_982, %mul3A_981 : i32
            %dma_wait3A_984 = arith.constant 0 : i32
            %dma_wait3A_985 = tpu.memref_slice %arg20[%add3A_983] : memref<320xf32, #tpu.memory_space<vmem>> -> memref<40xf32, #tpu.memory_space<vmem>>
            %dma_wait3A_986 = arith.constant 0 : i32
            %dma_wait3A_987 = tpu.memref_slice %arg15[%dma_wait3A_984, %dma_wait3A_986] : memref<25x40xi32, #tpu.memory_space<vmem>> -> memref<1x40xi32, #tpu.memory_space<vmem>>
            %dma_wait3A_988 = tpu.memref_squeeze %dma_wait3A_987 : memref<1x40xi32, #tpu.memory_space<vmem>> -> memref<40xi32, #tpu.memory_space<vmem>>
            %dma_wait3A_989 = arith.constant 0 : i32
            %dma_wait3A_990 = tpu.memref_slice %arg23[%dma_wait3A_989] : memref<10000xf32, #tpu.memory_space<vmem_shared>> -> memref<10000xf32, #tpu.memory_space<vmem_shared>>
            %dma_wait3A_991 = tpu.memref_slice %arg26[%sub3A_966] : memref<2x!tpu.dma_semaphore, #tpu.memory_space<semaphore_mem>> -> memref<1x!tpu.dma_semaphore, #tpu.memory_space<semaphore_mem>>
            %dma_wait3A_992 = tpu.memref_squeeze %dma_wait3A_991 : memref<1x!tpu.dma_semaphore, #tpu.memory_space<semaphore_mem>> -> memref<!tpu.dma_semaphore, #tpu.memory_space<semaphore_mem>>
            tpu.wait_indirect_dma semaphore(%dma_wait3A_992 : memref<!tpu.dma_semaphore, #tpu.memory_space<semaphore_mem>>) src(%dma_wait3A_985 : memref<40xf32, #tpu.memory_space<vmem>>) dst(%dma_wait3A_990 : memref<10000xf32, #tpu.memory_space<vmem_shared>>)
          } else {
          }
          %add3A_937 = arith.constant 1 : i32
          %add3A_938 = arith.addi %scan3A_262, %add3A_937 : i32
          %sub3A_939 = arith.constant 1 : i32
          %sub3A_940 = arith.subi %sub3A_939, %rem3A_264 : i32
          %dma_start3A_941 = arith.constant 0 : i32
          %dma_start3A_942 = arith.constant 0 : i32
          %dma_start3A_943 = tpu.memref_slice %arg17[%sub3A_940, %dma_start3A_941, %dma_start3A_942] : memref<2x40x128xf32, #tpu.memory_space<vmem>> -> memref<1x40x128xf32, #tpu.memory_space<vmem>>
          %dma_start3A_944 = tpu.memref_squeeze %dma_start3A_943 : memref<1x40x128xf32, #tpu.memory_space<vmem>> -> memref<40x128xf32, #tpu.memory_space<vmem>>
          %dma_start3A_945 = arith.constant 0 : i32
          %dma_start3A_946 = tpu.memref_slice %arg14[%add3A_938, %dma_start3A_945] : memref<25x40xi32, #tpu.memory_space<vmem>> -> memref<1x40xi32, #tpu.memory_space<vmem>>
          %dma_start3A_947 = tpu.memref_squeeze %dma_start3A_946 : memref<1x40xi32, #tpu.memory_space<vmem>> -> memref<40xi32, #tpu.memory_space<vmem>>
          %dma_start3A_948 = arith.constant 0 : i32
          %dma_start3A_949 = arith.constant 0 : i32
          %dma_start3A_950 = tpu.memref_slice %arg5[%dma_start3A_948, %dma_start3A_949] : memref<10000x128xf32, #tpu.memory_space<hbm>> -> memref<10000x128xf32, #tpu.memory_space<hbm>>
          %dma_start3A_951 = tpu.memref_slice %arg24[%sub3A_940] : memref<2x!tpu.dma_semaphore, #tpu.memory_space<semaphore_mem>> -> memref<1x!tpu.dma_semaphore, #tpu.memory_space<semaphore_mem>>
          %dma_start3A_952 = tpu.memref_squeeze %dma_start3A_951 : memref<1x!tpu.dma_semaphore, #tpu.memory_space<semaphore_mem>> -> memref<!tpu.dma_semaphore, #tpu.memory_space<semaphore_mem>>
          tpu.enqueue_indirect_dma source(%dma_start3A_950 : memref<10000x128xf32, #tpu.memory_space<hbm>>) target(%dma_start3A_944 : memref<40x128xf32, #tpu.memory_space<vmem>>) offsets(%dma_start3A_947 : memref<40xi32, #tpu.memory_space<vmem>>) semaphore(%dma_start3A_952 : memref<!tpu.dma_semaphore, #tpu.memory_space<semaphore_mem>>)
          %mul3A_953 = arith.constant 48 : i32
          %mul3A_954 = arith.muli %mul3A_953, %sub3A_940 : i32
          %add3A_955 = arith.constant 128 : i32
          %add3A_956 = arith.addi %add3A_955, %mul3A_954 : i32
          %dma_start3A_957 = tpu.memref_slice %arg20[%add3A_956] : memref<320xf32, #tpu.memory_space<vmem>> -> memref<40xf32, #tpu.memory_space<vmem>>
          %dma_start3A_958 = arith.constant 0 : i32
          %dma_start3A_959 = tpu.memref_slice %arg15[%add3A_938, %dma_start3A_958] : memref<25x40xi32, #tpu.memory_space<vmem>> -> memref<1x40xi32, #tpu.memory_space<vmem>>
          %dma_start3A_960 = tpu.memref_squeeze %dma_start3A_959 : memref<1x40xi32, #tpu.memory_space<vmem>> -> memref<40xi32, #tpu.memory_space<vmem>>
          %dma_start3A_961 = arith.constant 0 : i32
          %dma_start3A_962 = tpu.memref_slice %arg8[%dma_start3A_961] : memref<10000xf32, #tpu.memory_space<hbm>> -> memref<10000xf32, #tpu.memory_space<hbm>>
          %dma_start3A_963 = tpu.memref_slice %arg24[%sub3A_940] : memref<2x!tpu.dma_semaphore, #tpu.memory_space<semaphore_mem>> -> memref<1x!tpu.dma_semaphore, #tpu.memory_space<semaphore_mem>>
          %dma_start3A_964 = tpu.memref_squeeze %dma_start3A_963 : memref<1x!tpu.dma_semaphore, #tpu.memory_space<semaphore_mem>> -> memref<!tpu.dma_semaphore, #tpu.memory_space<semaphore_mem>>
          tpu.enqueue_indirect_dma source(%dma_start3A_962 : memref<10000xf32, #tpu.memory_space<hbm>>) target(%dma_start3A_957 : memref<40xf32, #tpu.memory_space<vmem>>) offsets(%dma_start3A_960 : memref<40xi32, #tpu.memory_space<vmem>>) semaphore(%dma_start3A_964 : memref<!tpu.dma_semaphore, #tpu.memory_space<semaphore_mem>>)
        } else {
        }
        %dma_wait3A_271 = arith.constant 0 : i32
        %dma_wait3A_272 = arith.constant 0 : i32
        %dma_wait3A_273 = arith.constant 0 : i32
        %dma_wait3A_274 = tpu.memref_slice %arg17[%rem3A_264, %dma_wait3A_272, %dma_wait3A_273] : memref<2x40x128xf32, #tpu.memory_space<vmem>> -> memref<1x40x128xf32, #tpu.memory_space<vmem>>
        %dma_wait3A_275 = tpu.memref_squeeze %dma_wait3A_274 : memref<1x40x128xf32, #tpu.memory_space<vmem>> -> memref<40x128xf32, #tpu.memory_space<vmem>>
        %dma_wait3A_276 = arith.constant 0 : i32
        %dma_wait3A_277 = tpu.memref_slice %arg14[%dma_wait3A_271, %dma_wait3A_276] : memref<25x40xi32, #tpu.memory_space<vmem>> -> memref<1x40xi32, #tpu.memory_space<vmem>>
        %dma_wait3A_278 = tpu.memref_squeeze %dma_wait3A_277 : memref<1x40xi32, #tpu.memory_space<vmem>> -> memref<40xi32, #tpu.memory_space<vmem>>
        %dma_wait3A_279 = arith.constant 0 : i32
        %dma_wait3A_280 = arith.constant 0 : i32
        %dma_wait3A_281 = tpu.memref_slice %arg5[%dma_wait3A_279, %dma_wait3A_280] : memref<10000x128xf32, #tpu.memory_space<hbm>> -> memref<10000x128xf32, #tpu.memory_space<hbm>>
        %dma_wait3A_282 = tpu.memref_slice %arg24[%rem3A_264] : memref<2x!tpu.dma_semaphore, #tpu.memory_space<semaphore_mem>> -> memref<1x!tpu.dma_semaphore, #tpu.memory_space<semaphore_mem>>
        %dma_wait3A_283 = tpu.memref_squeeze %dma_wait3A_282 : memref<1x!tpu.dma_semaphore, #tpu.memory_space<semaphore_mem>> -> memref<!tpu.dma_semaphore, #tpu.memory_space<semaphore_mem>>
        tpu.wait_indirect_dma semaphore(%dma_wait3A_283 : memref<!tpu.dma_semaphore, #tpu.memory_space<semaphore_mem>>) src(%dma_wait3A_281 : memref<10000x128xf32, #tpu.memory_space<hbm>>) dst(%dma_wait3A_275 : memref<40x128xf32, #tpu.memory_space<vmem>>)
        %mul3A_284 = arith.constant 48 : i32
        %mul3A_285 = arith.muli %mul3A_284, %rem3A_264 : i32
        %add3A_286 = arith.constant 128 : i32
        %add3A_287 = arith.addi %add3A_286, %mul3A_285 : i32
        %dma_wait3A_288 = arith.constant 0 : i32
        %dma_wait3A_289 = tpu.memref_slice %arg20[%add3A_287] : memref<320xf32, #tpu.memory_space<vmem>> -> memref<40xf32, #tpu.memory_space<vmem>>
        %dma_wait3A_290 = arith.constant 0 : i32
        %dma_wait3A_291 = tpu.memref_slice %arg15[%dma_wait3A_288, %dma_wait3A_290] : memref<25x40xi32, #tpu.memory_space<vmem>> -> memref<1x40xi32, #tpu.memory_space<vmem>>
        %dma_wait3A_292 = tpu.memref_squeeze %dma_wait3A_291 : memref<1x40xi32, #tpu.memory_space<vmem>> -> memref<40xi32, #tpu.memory_space<vmem>>
        %dma_wait3A_293 = arith.constant 0 : i32
        %dma_wait3A_294 = tpu.memref_slice %arg8[%dma_wait3A_293] : memref<10000xf32, #tpu.memory_space<hbm>> -> memref<10000xf32, #tpu.memory_space<hbm>>
        %dma_wait3A_295 = tpu.memref_slice %arg24[%rem3A_264] : memref<2x!tpu.dma_semaphore, #tpu.memory_space<semaphore_mem>> -> memref<1x!tpu.dma_semaphore, #tpu.memory_space<semaphore_mem>>
        %dma_wait3A_296 = tpu.memref_squeeze %dma_wait3A_295 : memref<1x!tpu.dma_semaphore, #tpu.memory_space<semaphore_mem>> -> memref<!tpu.dma_semaphore, #tpu.memory_space<semaphore_mem>>
        tpu.wait_indirect_dma semaphore(%dma_wait3A_296 : memref<!tpu.dma_semaphore, #tpu.memory_space<semaphore_mem>>) src(%dma_wait3A_294 : memref<10000xf32, #tpu.memory_space<hbm>>) dst(%dma_wait3A_289 : memref<40xf32, #tpu.memory_space<vmem>>)
        %dma_wait3A_297 = arith.constant 0 : i32
        %dma_wait3A_298 = arith.constant 0 : i32
        %dma_wait3A_299 = tpu.memref_slice %arg15[%dma_wait3A_297, %dma_wait3A_298] : memref<25x40xi32, #tpu.memory_space<vmem>> -> memref<1x40xi32, #tpu.memory_space<vmem>>
        %dma_wait3A_300 = tpu.memref_squeeze %dma_wait3A_299 : memref<1x40xi32, #tpu.memory_space<vmem>> -> memref<40xi32, #tpu.memory_space<vmem>>
        %dma_wait3A_301 = arith.constant 0 : i32
        %dma_wait3A_302 = arith.constant 0 : i32
        %dma_wait3A_303 = tpu.memref_slice %arg6[%dma_wait3A_301, %dma_wait3A_302] : memref<10000x128xf32, #tpu.memory_space<hbm>> -> memref<10000x128xf32, #tpu.memory_space<hbm>>
        tpu.wait_indirect_dma semaphore(%arg25 : memref<!tpu.dma_semaphore, #tpu.memory_space<semaphore_mem>>) src(%dma_wait3A_303 : memref<10000x128xf32, #tpu.memory_space<hbm>>) dst(%arg18 : memref<40x128xf32, #tpu.memory_space<vmem>>)
        %dma_wait3A_304 = arith.constant 0 : i32
        %dma_wait3A_305 = arith.constant 0 : i32
        %dma_wait3A_306 = tpu.memref_slice %arg16[%dma_wait3A_304, %dma_wait3A_305] : memref<25x40xi32, #tpu.memory_space<vmem>> -> memref<1x40xi32, #tpu.memory_space<vmem>>
        %dma_wait3A_307 = tpu.memref_squeeze %dma_wait3A_306 : memref<1x40xi32, #tpu.memory_space<vmem>> -> memref<40xi32, #tpu.memory_space<vmem>>
        %dma_wait3A_308 = arith.constant 0 : i32
        %dma_wait3A_309 = arith.constant 0 : i32
        %dma_wait3A_310 = tpu.memref_slice %arg7[%dma_wait3A_308, %dma_wait3A_309] : memref<64x128xf32, #tpu.memory_space<hbm>> -> memref<64x128xf32, #tpu.memory_space<hbm>>
        tpu.wait_indirect_dma semaphore(%arg25 : memref<!tpu.dma_semaphore, #tpu.memory_space<semaphore_mem>>) src(%dma_wait3A_310 : memref<64x128xf32, #tpu.memory_space<hbm>>) dst(%arg19 : memref<40x128xf32, #tpu.memory_space<vmem>>)
        %scan3A_311 = arith.constant 0 : i32
        %scan3A_312 = arith.constant 0 : i32
        %scan3A_313 = arith.constant 40 : i32
        %scan3A_314 = arith.addi %scan3A_312, %scan3A_313 : i32
        %scan3A_315 = arith.constant 1 : i32
        %scan3A_316 = scf.for %scan3A_933 = %scan3A_312 to %scan3A_314 step %scan3A_315 iter_args(%scan3A_934 = %scan3A_311) -> (i32)  : i32 {
          %get3A_935 = arith.index_cast %rem3A_264 : i32 to index
          %get3A_936 = arith.index_cast %scan3A_933 : i32 to index
          %get3A_937 = arith.constant 0 : index
          %get3A_938 = tpu.vector_load %arg17[%get3A_935, %get3A_936, %get3A_937] {strides = array<i32>} : memref<2x40x128xf32, #tpu.memory_space<vmem>>, vector<16xf32>,
          %get3A_939 = arith.index_cast %scan3A_933 : i32 to index
          %get3A_940 = arith.constant 0 : index
          %get3A_941 = tpu.vector_load %arg18[%get3A_939, %get3A_940] {strides = array<i32>} : memref<40x128xf32, #tpu.memory_space<vmem>>, vector<16xf32>,
          %add3A_942 = arith.addf %get3A_938, %get3A_941 : vector<16xf32>
          %get3A_943 = arith.index_cast %scan3A_933 : i32 to index
          %get3A_944 = arith.constant 0 : index
          %get3A_945 = tpu.vector_load %arg19[%get3A_943, %get3A_944] {strides = array<i32>} : memref<40x128xf32, #tpu.memory_space<vmem>>, vector<16xf32>,
          %add3A_946 = arith.addf %add3A_942, %get3A_945 : vector<16xf32>
          %mul3A_947 = arith.constant 2.000000e-01 : f32
          %mul3A_948 = vector.broadcast %mul3A_947 : f32 to vector<16xf32>
          %mul3A_949 = arith.mulf %mul3A_948, %add3A_946 : vector<16xf32>
          %max3A = arith.maximumf %add3A_946, %mul3A_949 : vector<16xf32>
          %mul3A_950 = arith.mulf %max3A, %get3A_120 : vector<16xf32>
          %get3A_951 = arith.index_cast %rem3A_264 : i32 to index
          %get3A_952 = arith.index_cast %scan3A_933 : i32 to index
          %get3A_953 = arith.constant 16 : index
          %get3A_954 = tpu.vector_load %arg17[%get3A_951, %get3A_952, %get3A_953] {strides = array<i32>} : memref<2x40x128xf32, #tpu.memory_space<vmem>>, vector<16xf32>,
          %get3A_955 = arith.index_cast %scan3A_933 : i32 to index
          %get3A_956 = arith.constant 16 : index
          %get3A_957 = tpu.vector_load %arg18[%get3A_955, %get3A_956] {strides = array<i32>} : memref<40x128xf32, #tpu.memory_space<vmem>>, vector<16xf32>,
          %add3A_958 = arith.addf %get3A_954, %get3A_957 : vector<16xf32>
          %get3A_959 = arith.index_cast %scan3A_933 : i32 to index
          %get3A_960 = arith.constant 16 : index
          %get3A_961 = tpu.vector_load %arg19[%get3A_959, %get3A_960] {strides = array<i32>} : memref<40x128xf32, #tpu.memory_space<vmem>>, vector<16xf32>,
          %add3A_962 = arith.addf %add3A_958, %get3A_961 : vector<16xf32>
          %mul3A_963 = arith.constant 2.000000e-01 : f32
          %mul3A_964 = vector.broadcast %mul3A_963 : f32 to vector<16xf32>
          %mul3A_965 = arith.mulf %mul3A_964, %add3A_962 : vector<16xf32>
          %max3A_966 = arith.maximumf %add3A_962, %mul3A_965 : vector<16xf32>
          %mul3A_967 = arith.mulf %max3A_966, %get3A_122 : vector<16xf32>
          %add3A_968 = arith.addf %mul3A_950, %mul3A_967 : vector<16xf32>
          %get3A_969 = arith.index_cast %rem3A_264 : i32 to index
          %get3A_970 = arith.index_cast %scan3A_933 : i32 to index
          %get3A_971 = arith.constant 32 : index
          %get3A_972 = tpu.vector_load %arg17[%get3A_969, %get3A_970, %get3A_971] {strides = array<i32>} : memref<2x40x128xf32, #tpu.memory_space<vmem>>, vector<16xf32>,
          %get3A_973 = arith.index_cast %scan3A_933 : i32 to index
          %get3A_974 = arith.constant 32 : index
          %get3A_975 = tpu.vector_load %arg18[%get3A_973, %get3A_974] {strides = array<i32>} : memref<40x128xf32, #tpu.memory_space<vmem>>, vector<16xf32>,
          %add3A_976 = arith.addf %get3A_972, %get3A_975 : vector<16xf32>
          %get3A_977 = arith.index_cast %scan3A_933 : i32 to index
          %get3A_978 = arith.constant 32 : index
          %get3A_979 = tpu.vector_load %arg19[%get3A_977, %get3A_978] {strides = array<i32>} : memref<40x128xf32, #tpu.memory_space<vmem>>, vector<16xf32>,
          %add3A_980 = arith.addf %add3A_976, %get3A_979 : vector<16xf32>
          %mul3A_981 = arith.constant 2.000000e-01 : f32
          %mul3A_982 = vector.broadcast %mul3A_981 : f32 to vector<16xf32>
          %mul3A_983 = arith.mulf %mul3A_982, %add3A_980 : vector<16xf32>
          %max3A_984 = arith.maximumf %add3A_980, %mul3A_983 : vector<16xf32>
          %mul3A_985 = arith.mulf %max3A_984, %get3A_124 : vector<16xf32>
          %add3A_986 = arith.addf %add3A_968, %mul3A_985 : vector<16xf32>
          %get3A_987 = arith.index_cast %rem3A_264 : i32 to index
          %get3A_988 = arith.index_cast %scan3A_933 : i32 to index
          %get3A_989 = arith.constant 48 : index
          %get3A_990 = tpu.vector_load %arg17[%get3A_987, %get3A_988, %get3A_989] {strides = array<i32>} : memref<2x40x128xf32, #tpu.memory_space<vmem>>, vector<16xf32>,
          %get3A_991 = arith.index_cast %scan3A_933 : i32 to index
          %get3A_992 = arith.constant 48 : index
          %get3A_993 = tpu.vector_load %arg18[%get3A_991, %get3A_992] {strides = array<i32>} : memref<40x128xf32, #tpu.memory_space<vmem>>, vector<16xf32>,
          %add3A_994 = arith.addf %get3A_990, %get3A_993 : vector<16xf32>
          %get3A_995 = arith.index_cast %scan3A_933 : i32 to index
          %get3A_996 = arith.constant 48 : index
          %get3A_997 = tpu.vector_load %arg19[%get3A_995, %get3A_996] {strides = array<i32>} : memref<40x128xf32, #tpu.memory_space<vmem>>, vector<16xf32>,
          %add3A_998 = arith.addf %add3A_994, %get3A_997 : vector<16xf32>
          %mul3A_999 = arith.constant 2.000000e-01 : f32
          %mul3A_1000 = vector.broadcast %mul3A_999 : f32 to vector<16xf32>
          %mul3A_1001 = arith.mulf %mul3A_1000, %add3A_998 : vector<16xf32>
          %max3A_1002 = arith.maximumf %add3A_998, %mul3A_1001 : vector<16xf32>
          %mul3A_1003 = arith.mulf %max3A_1002, %get3A_126 : vector<16xf32>
          %add3A_1004 = arith.addf %add3A_986, %mul3A_1003 : vector<16xf32>
          %get3A_1005 = arith.index_cast %rem3A_264 : i32 to index
          %get3A_1006 = arith.index_cast %scan3A_933 : i32 to index
          %get3A_1007 = arith.constant 64 : index
          %get3A_1008 = tpu.vector_load %arg17[%get3A_1005, %get3A_1006, %get3A_1007] {strides = array<i32>} : memref<2x40x128xf32, #tpu.memory_space<vmem>>, vector<16xf32>,
          %get3A_1009 = arith.index_cast %scan3A_933 : i32 to index
          %get3A_1010 = arith.constant 64 : index
          %get3A_1011 = tpu.vector_load %arg18[%get3A_1009, %get3A_1010] {strides = array<i32>} : memref<40x128xf32, #tpu.memory_space<vmem>>, vector<16xf32>,
          %add3A_1012 = arith.addf %get3A_1008, %get3A_1011 : vector<16xf32>
          %get3A_1013 = arith.index_cast %scan3A_933 : i32 to index
          %get3A_1014 = arith.constant 64 : index
          %get3A_1015 = tpu.vector_load %arg19[%get3A_1013, %get3A_1014] {strides = array<i32>} : memref<40x128xf32, #tpu.memory_space<vmem>>, vector<16xf32>,
          %add3A_1016 = arith.addf %add3A_1012, %get3A_1015 : vector<16xf32>
          %mul3A_1017 = arith.constant 2.000000e-01 : f32
          %mul3A_1018 = vector.broadcast %mul3A_1017 : f32 to vector<16xf32>
          %mul3A_1019 = arith.mulf %mul3A_1018, %add3A_1016 : vector<16xf32>
          %max3A_1020 = arith.maximumf %add3A_1016, %mul3A_1019 : vector<16xf32>
          %mul3A_1021 = arith.mulf %max3A_1020, %get3A_128 : vector<16xf32>
          %add3A_1022 = arith.addf %add3A_1004, %mul3A_1021 : vector<16xf32>
          %get3A_1023 = arith.index_cast %rem3A_264 : i32 to index
          %get3A_1024 = arith.index_cast %scan3A_933 : i32 to index
          %get3A_1025 = arith.constant 80 : index
          %get3A_1026 = tpu.vector_load %arg17[%get3A_1023, %get3A_1024, %get3A_1025] {strides = array<i32>} : memref<2x40x128xf32, #tpu.memory_space<vmem>>, vector<16xf32>,
          %get3A_1027 = arith.index_cast %scan3A_933 : i32 to index
          %get3A_1028 = arith.constant 80 : index
          %get3A_1029 = tpu.vector_load %arg18[%get3A_1027, %get3A_1028] {strides = array<i32>} : memref<40x128xf32, #tpu.memory_space<vmem>>, vector<16xf32>,
          %add3A_1030 = arith.addf %get3A_1026, %get3A_1029 : vector<16xf32>
          %get3A_1031 = arith.index_cast %scan3A_933 : i32 to index
          %get3A_1032 = arith.constant 80 : index
          %get3A_1033 = tpu.vector_load %arg19[%get3A_1031, %get3A_1032] {strides = array<i32>} : memref<40x128xf32, #tpu.memory_space<vmem>>, vector<16xf32>,
          %add3A_1034 = arith.addf %add3A_1030, %get3A_1033 : vector<16xf32>
          %mul3A_1035 = arith.constant 2.000000e-01 : f32
          %mul3A_1036 = vector.broadcast %mul3A_1035 : f32 to vector<16xf32>
          %mul3A_1037 = arith.mulf %mul3A_1036, %add3A_1034 : vector<16xf32>
          %max3A_1038 = arith.maximumf %add3A_1034, %mul3A_1037 : vector<16xf32>
          %mul3A_1039 = arith.mulf %max3A_1038, %get3A_130 : vector<16xf32>
          %add3A_1040 = arith.addf %add3A_1022, %mul3A_1039 : vector<16xf32>
          %get3A_1041 = arith.index_cast %rem3A_264 : i32 to index
          %get3A_1042 = arith.index_cast %scan3A_933 : i32 to index
          %get3A_1043 = arith.constant 96 : index
          %get3A_1044 = tpu.vector_load %arg17[%get3A_1041, %get3A_1042, %get3A_1043] {strides = array<i32>} : memref<2x40x128xf32, #tpu.memory_space<vmem>>, vector<16xf32>,
          %get3A_1045 = arith.index_cast %scan3A_933 : i32 to index
          %get3A_1046 = arith.constant 96 : index
          %get3A_1047 = tpu.vector_load %arg18[%get3A_1045, %get3A_1046] {strides = array<i32>} : memref<40x128xf32, #tpu.memory_space<vmem>>, vector<16xf32>,
          %add3A_1048 = arith.addf %get3A_1044, %get3A_1047 : vector<16xf32>
          %get3A_1049 = arith.index_cast %scan3A_933 : i32 to index
          %get3A_1050 = arith.constant 96 : index
          %get3A_1051 = tpu.vector_load %arg19[%get3A_1049, %get3A_1050] {strides = array<i32>} : memref<40x128xf32, #tpu.memory_space<vmem>>, vector<16xf32>,
          %add3A_1052 = arith.addf %add3A_1048, %get3A_1051 : vector<16xf32>
          %mul3A_1053 = arith.constant 2.000000e-01 : f32
          %mul3A_1054 = vector.broadcast %mul3A_1053 : f32 to vector<16xf32>
          %mul3A_1055 = arith.mulf %mul3A_1054, %add3A_1052 : vector<16xf32>
          %max3A_1056 = arith.maximumf %add3A_1052, %mul3A_1055 : vector<16xf32>
          %mul3A_1057 = arith.mulf %max3A_1056, %get3A_132 : vector<16xf32>
          %add3A_1058 = arith.addf %add3A_1040, %mul3A_1057 : vector<16xf32>
          %get3A_1059 = arith.index_cast %rem3A_264 : i32 to index
          %get3A_1060 = arith.index_cast %scan3A_933 : i32 to index
          %get3A_1061 = arith.constant 112 : index
          %get3A_1062 = tpu.vector_load %arg17[%get3A_1059, %get3A_1060, %get3A_1061] {strides = array<i32>} : memref<2x40x128xf32, #tpu.memory_space<vmem>>, vector<16xf32>,
          %get3A_1063 = arith.index_cast %scan3A_933 : i32 to index
          %get3A_1064 = arith.constant 112 : index
          %get3A_1065 = tpu.vector_load %arg18[%get3A_1063, %get3A_1064] {strides = array<i32>} : memref<40x128xf32, #tpu.memory_space<vmem>>, vector<16xf32>,
          %add3A_1066 = arith.addf %get3A_1062, %get3A_1065 : vector<16xf32>
          %get3A_1067 = arith.index_cast %scan3A_933 : i32 to index
          %get3A_1068 = arith.constant 112 : index
          %get3A_1069 = tpu.vector_load %arg19[%get3A_1067, %get3A_1068] {strides = array<i32>} : memref<40x128xf32, #tpu.memory_space<vmem>>, vector<16xf32>,
          %add3A_1070 = arith.addf %add3A_1066, %get3A_1069 : vector<16xf32>
          %mul3A_1071 = arith.constant 2.000000e-01 : f32
          %mul3A_1072 = vector.broadcast %mul3A_1071 : f32 to vector<16xf32>
          %mul3A_1073 = arith.mulf %mul3A_1072, %add3A_1070 : vector<16xf32>
          %max3A_1074 = arith.maximumf %add3A_1070, %mul3A_1073 : vector<16xf32>
          %mul3A_1075 = arith.mulf %max3A_1074, %get3A_134 : vector<16xf32>
          %add3A_1076 = arith.addf %add3A_1058, %mul3A_1075 : vector<16xf32>
          %mul3A_1077 = arith.constant 16 : i32
          %mul3A_1078 = arith.muli %scan3A_933, %mul3A_1077 : i32
          %swap3A_1079 = arith.index_cast %mul3A_1078 : i32 to index
          %swap3A_1080 = tpu.vector_load %arg21[%swap3A_1079] {strides = array<i32>} : memref<768xf32, #tpu.memory_space<vmem>>, vector<16xf32>,
          tpu.vector_store %arg21[%swap3A_1079], %add3A_1076 {strides = array<i32>} : memref<768xf32, #tpu.memory_space<vmem>>, vector<16xf32>,
          %scan3A_1081 = arith.constant 0 : i32
          scf.yield %scan3A_1081 : i32
        }
        %scan3A_317 = arith.constant 40 : i32
        %add3A_318 = arith.constant 0 : i32
        %add3A_319 = vector.broadcast %add3A_318 : i32 to vector<16xi32>
        %add3A_320 = arith.addi %iota3A, %add3A_319 : vector<16xi32>
        %mul3A_321 = arith.constant 16 : i32
        %mul3A_322 = vector.broadcast %mul3A_321 : i32 to vector<16xi32>
        %mul3A_323 = arith.muli %add3A_320, %mul3A_322 : vector<16xi32>
        %add3A_324 = arith.constant 0 : i32
        %add3A_325 = vector.broadcast %add3A_324 : i32 to vector<16xi32>
        %add3A_326 = arith.addi %mul3A_323, %add3A_325 : vector<16xi32>
        %gather3A = tpu.vector_load_idx %arg21[%add3A_326] : memref<768xf32, #tpu.memory_space<vmem>>[vector<16xi32>], vector<16xf32>,
        %add3A_327 = arith.constant 0 : i32
        %add3A_328 = vector.broadcast %add3A_327 : i32 to vector<16xi32>
        %add3A_329 = arith.addi %iota3A, %add3A_328 : vector<16xi32>
        %mul3A_330 = arith.constant 16 : i32
        %mul3A_331 = vector.broadcast %mul3A_330 : i32 to vector<16xi32>
        %mul3A_332 = arith.muli %add3A_329, %mul3A_331 : vector<16xi32>
        %add3A_333 = arith.constant 1 : i32
        %add3A_334 = vector.broadcast %add3A_333 : i32 to vector<16xi32>
        %add3A_335 = arith.addi %mul3A_332, %add3A_334 : vector<16xi32>
        %gather3A_336 = tpu.vector_load_idx %arg21[%add3A_335] : memref<768xf32, #tpu.memory_space<vmem>>[vector<16xi32>], vector<16xf32>,
        %add3A_337 = arith.addf %gather3A, %gather3A_336 : vector<16xf32>
        %add3A_338 = arith.constant 0 : i32
        %add3A_339 = vector.broadcast %add3A_338 : i32 to vector<16xi32>
        %add3A_340 = arith.addi %iota3A, %add3A_339 : vector<16xi32>
        %mul3A_341 = arith.constant 16 : i32
        %mul3A_342 = vector.broadcast %mul3A_341 : i32 to vector<16xi32>
        %mul3A_343 = arith.muli %add3A_340, %mul3A_342 : vector<16xi32>
        %add3A_344 = arith.constant 2 : i32
        %add3A_345 = vector.broadcast %add3A_344 : i32 to vector<16xi32>
        %add3A_346 = arith.addi %mul3A_343, %add3A_345 : vector<16xi32>
        %gather3A_347 = tpu.vector_load_idx %arg21[%add3A_346] : memref<768xf32, #tpu.memory_space<vmem>>[vector<16xi32>], vector<16xf32>,
        %add3A_348 = arith.addf %add3A_337, %gather3A_347 : vector<16xf32>
        %add3A_349 = arith.constant 0 : i32
        %add3A_350 = vector.broadcast %add3A_349 : i32 to vector<16xi32>
        %add3A_351 = arith.addi %iota3A, %add3A_350 : vector<16xi32>
        %mul3A_352 = arith.constant 16 : i32
        %mul3A_353 = vector.broadcast %mul3A_352 : i32 to vector<16xi32>
        %mul3A_354 = arith.muli %add3A_351, %mul3A_353 : vector<16xi32>
        %add3A_355 = arith.constant 3 : i32
        %add3A_356 = vector.broadcast %add3A_355 : i32 to vector<16xi32>
        %add3A_357 = arith.addi %mul3A_354, %add3A_356 : vector<16xi32>
        %gather3A_358 = tpu.vector_load_idx %arg21[%add3A_357] : memref<768xf32, #tpu.memory_space<vmem>>[vector<16xi32>], vector<16xf32>,
        %add3A_359 = arith.addf %add3A_348, %gather3A_358 : vector<16xf32>
        %add3A_360 = arith.constant 0 : i32
        %add3A_361 = vector.broadcast %add3A_360 : i32 to vector<16xi32>
        %add3A_362 = arith.addi %iota3A, %add3A_361 : vector<16xi32>
        %mul3A_363 = arith.constant 16 : i32
        %mul3A_364 = vector.broadcast %mul3A_363 : i32 to vector<16xi32>
        %mul3A_365 = arith.muli %add3A_362, %mul3A_364 : vector<16xi32>
        %add3A_366 = arith.constant 4 : i32
        %add3A_367 = vector.broadcast %add3A_366 : i32 to vector<16xi32>
        %add3A_368 = arith.addi %mul3A_365, %add3A_367 : vector<16xi32>
        %gather3A_369 = tpu.vector_load_idx %arg21[%add3A_368] : memref<768xf32, #tpu.memory_space<vmem>>[vector<16xi32>], vector<16xf32>,
        %add3A_370 = arith.addf %add3A_359, %gather3A_369 : vector<16xf32>
        %add3A_371 = arith.constant 0 : i32
        %add3A_372 = vector.broadcast %add3A_371 : i32 to vector<16xi32>
        %add3A_373 = arith.addi %iota3A, %add3A_372 : vector<16xi32>
        %mul3A_374 = arith.constant 16 : i32
        %mul3A_375 = vector.broadcast %mul3A_374 : i32 to vector<16xi32>
        %mul3A_376 = arith.muli %add3A_373, %mul3A_375 : vector<16xi32>
        %add3A_377 = arith.constant 5 : i32
        %add3A_378 = vector.broadcast %add3A_377 : i32 to vector<16xi32>
        %add3A_379 = arith.addi %mul3A_376, %add3A_378 : vector<16xi32>
        %gather3A_380 = tpu.vector_load_idx %arg21[%add3A_379] : memref<768xf32, #tpu.memory_space<vmem>>[vector<16xi32>], vector<16xf32>,
        %add3A_381 = arith.addf %add3A_370, %gather3A_380 : vector<16xf32>
        %add3A_382 = arith.constant 0 : i32
        %add3A_383 = vector.broadcast %add3A_382 : i32 to vector<16xi32>
        %add3A_384 = arith.addi %iota3A, %add3A_383 : vector<16xi32>
        %mul3A_385 = arith.constant 16 : i32
        %mul3A_386 = vector.broadcast %mul3A_385 : i32 to vector<16xi32>
        %mul3A_387 = arith.muli %add3A_384, %mul3A_386 : vector<16xi32>
        %add3A_388 = arith.constant 6 : i32
        %add3A_389 = vector.broadcast %add3A_388 : i32 to vector<16xi32>
        %add3A_390 = arith.addi %mul3A_387, %add3A_389 : vector<16xi32>
        %gather3A_391 = tpu.vector_load_idx %arg21[%add3A_390] : memref<768xf32, #tpu.memory_space<vmem>>[vector<16xi32>], vector<16xf32>,
        %add3A_392 = arith.addf %add3A_381, %gather3A_391 : vector<16xf32>
        %add3A_393 = arith.constant 0 : i32
        %add3A_394 = vector.broadcast %add3A_393 : i32 to vector<16xi32>
        %add3A_395 = arith.addi %iota3A, %add3A_394 : vector<16xi32>
        %mul3A_396 = arith.constant 16 : i32
        %mul3A_397 = vector.broadcast %mul3A_396 : i32 to vector<16xi32>
        %mul3A_398 = arith.muli %add3A_395, %mul3A_397 : vector<16xi32>
        %add3A_399 = arith.constant 7 : i32
        %add3A_400 = vector.broadcast %add3A_399 : i32 to vector<16xi32>
        %add3A_401 = arith.addi %mul3A_398, %add3A_400 : vector<16xi32>
        %gather3A_402 = tpu.vector_load_idx %arg21[%add3A_401] : memref<768xf32, #tpu.memory_space<vmem>>[vector<16xi32>], vector<16xf32>,
        %add3A_403 = arith.addf %add3A_392, %gather3A_402 : vector<16xf32>
        %add3A_404 = arith.constant 0 : i32
        %add3A_405 = vector.broadcast %add3A_404 : i32 to vector<16xi32>
        %add3A_406 = arith.addi %iota3A, %add3A_405 : vector<16xi32>
        %mul3A_407 = arith.constant 16 : i32
        %mul3A_408 = vector.broadcast %mul3A_407 : i32 to vector<16xi32>
        %mul3A_409 = arith.muli %add3A_406, %mul3A_408 : vector<16xi32>
        %add3A_410 = arith.constant 8 : i32
        %add3A_411 = vector.broadcast %add3A_410 : i32 to vector<16xi32>
        %add3A_412 = arith.addi %mul3A_409, %add3A_411 : vector<16xi32>
        %gather3A_413 = tpu.vector_load_idx %arg21[%add3A_412] : memref<768xf32, #tpu.memory_space<vmem>>[vector<16xi32>], vector<16xf32>,
        %add3A_414 = arith.addf %add3A_403, %gather3A_413 : vector<16xf32>
        %add3A_415 = arith.constant 0 : i32
        %add3A_416 = vector.broadcast %add3A_415 : i32 to vector<16xi32>
        %add3A_417 = arith.addi %iota3A, %add3A_416 : vector<16xi32>
        %mul3A_418 = arith.constant 16 : i32
        %mul3A_419 = vector.broadcast %mul3A_418 : i32 to vector<16xi32>
        %mul3A_420 = arith.muli %add3A_417, %mul3A_419 : vector<16xi32>
        %add3A_421 = arith.constant 9 : i32
        %add3A_422 = vector.broadcast %add3A_421 : i32 to vector<16xi32>
        %add3A_423 = arith.addi %mul3A_420, %add3A_422 : vector<16xi32>
        %gather3A_424 = tpu.vector_load_idx %arg21[%add3A_423] : memref<768xf32, #tpu.memory_space<vmem>>[vector<16xi32>], vector<16xf32>,
        %add3A_425 = arith.addf %add3A_414, %gather3A_424 : vector<16xf32>
        %add3A_426 = arith.constant 0 : i32
        %add3A_427 = vector.broadcast %add3A_426 : i32 to vector<16xi32>
        %add3A_428 = arith.addi %iota3A, %add3A_427 : vector<16xi32>
        %mul3A_429 = arith.constant 16 : i32
        %mul3A_430 = vector.broadcast %mul3A_429 : i32 to vector<16xi32>
        %mul3A_431 = arith.muli %add3A_428, %mul3A_430 : vector<16xi32>
        %add3A_432 = arith.constant 10 : i32
        %add3A_433 = vector.broadcast %add3A_432 : i32 to vector<16xi32>
        %add3A_434 = arith.addi %mul3A_431, %add3A_433 : vector<16xi32>
        %gather3A_435 = tpu.vector_load_idx %arg21[%add3A_434] : memref<768xf32, #tpu.memory_space<vmem>>[vector<16xi32>], vector<16xf32>,
        %add3A_436 = arith.addf %add3A_425, %gather3A_435 : vector<16xf32>
        %add3A_437 = arith.constant 0 : i32
        %add3A_438 = vector.broadcast %add3A_437 : i32 to vector<16xi32>
        %add3A_439 = arith.addi %iota3A, %add3A_438 : vector<16xi32>
        %mul3A_440 = arith.constant 16 : i32
        %mul3A_441 = vector.broadcast %mul3A_440 : i32 to vector<16xi32>
        %mul3A_442 = arith.muli %add3A_439, %mul3A_441 : vector<16xi32>
        %add3A_443 = arith.constant 11 : i32
        %add3A_444 = vector.broadcast %add3A_443 : i32 to vector<16xi32>
        %add3A_445 = arith.addi %mul3A_442, %add3A_444 : vector<16xi32>
        %gather3A_446 = tpu.vector_load_idx %arg21[%add3A_445] : memref<768xf32, #tpu.memory_space<vmem>>[vector<16xi32>], vector<16xf32>,
        %add3A_447 = arith.addf %add3A_436, %gather3A_446 : vector<16xf32>
        %add3A_448 = arith.constant 0 : i32
        %add3A_449 = vector.broadcast %add3A_448 : i32 to vector<16xi32>
        %add3A_450 = arith.addi %iota3A, %add3A_449 : vector<16xi32>
        %mul3A_451 = arith.constant 16 : i32
        %mul3A_452 = vector.broadcast %mul3A_451 : i32 to vector<16xi32>
        %mul3A_453 = arith.muli %add3A_450, %mul3A_452 : vector<16xi32>
        %add3A_454 = arith.constant 12 : i32
        %add3A_455 = vector.broadcast %add3A_454 : i32 to vector<16xi32>
        %add3A_456 = arith.addi %mul3A_453, %add3A_455 : vector<16xi32>
        %gather3A_457 = tpu.vector_load_idx %arg21[%add3A_456] : memref<768xf32, #tpu.memory_space<vmem>>[vector<16xi32>], vector<16xf32>,
        %add3A_458 = arith.addf %add3A_447, %gather3A_457 : vector<16xf32>
        %add3A_459 = arith.constant 0 : i32
        %add3A_460 = vector.broadcast %add3A_459 : i32 to vector<16xi32>
        %add3A_461 = arith.addi %iota3A, %add3A_460 : vector<16xi32>
        %mul3A_462 = arith.constant 16 : i32
        %mul3A_463 = vector.broadcast %mul3A_462 : i32 to vector<16xi32>
        %mul3A_464 = arith.muli %add3A_461, %mul3A_463 : vector<16xi32>
        %add3A_465 = arith.constant 13 : i32
        %add3A_466 = vector.broadcast %add3A_465 : i32 to vector<16xi32>
        %add3A_467 = arith.addi %mul3A_464, %add3A_466 : vector<16xi32>
        %gather3A_468 = tpu.vector_load_idx %arg21[%add3A_467] : memref<768xf32, #tpu.memory_space<vmem>>[vector<16xi32>], vector<16xf32>,
        %add3A_469 = arith.addf %add3A_458, %gather3A_468 : vector<16xf32>
        %add3A_470 = arith.constant 0 : i32
        %add3A_471 = vector.broadcast %add3A_470 : i32 to vector<16xi32>
        %add3A_472 = arith.addi %iota3A, %add3A_471 : vector<16xi32>
        %mul3A_473 = arith.constant 16 : i32
        %mul3A_474 = vector.broadcast %mul3A_473 : i32 to vector<16xi32>
        %mul3A_475 = arith.muli %add3A_472, %mul3A_474 : vector<16xi32>
        %add3A_476 = arith.constant 14 : i32
        %add3A_477 = vector.broadcast %add3A_476 : i32 to vector<16xi32>
        %add3A_478 = arith.addi %mul3A_475, %add3A_477 : vector<16xi32>
        %gather3A_479 = tpu.vector_load_idx %arg21[%add3A_478] : memref<768xf32, #tpu.memory_space<vmem>>[vector<16xi32>], vector<16xf32>,
        %add3A_480 = arith.addf %add3A_469, %gather3A_479 : vector<16xf32>
        %add3A_481 = arith.constant 0 : i32
        %add3A_482 = vector.broadcast %add3A_481 : i32 to vector<16xi32>
        %add3A_483 = arith.addi %iota3A, %add3A_482 : vector<16xi32>
        %mul3A_484 = arith.constant 16 : i32
        %mul3A_485 = vector.broadcast %mul3A_484 : i32 to vector<16xi32>
        %mul3A_486 = arith.muli %add3A_483, %mul3A_485 : vector<16xi32>
        %add3A_487 = arith.constant 15 : i32
        %add3A_488 = vector.broadcast %add3A_487 : i32 to vector<16xi32>
        %add3A_489 = arith.addi %mul3A_486, %add3A_488 : vector<16xi32>
        %gather3A_490 = tpu.vector_load_idx %arg21[%add3A_489] : memref<768xf32, #tpu.memory_space<vmem>>[vector<16xi32>], vector<16xf32>,
        %add3A_491 = arith.addf %add3A_480, %gather3A_490 : vector<16xf32>
        %mul3A_492 = arith.constant 48 : i32
        %mul3A_493 = arith.muli %mul3A_492, %rem3A_264 : i32
        %add3A_494 = arith.constant 128 : i32
        %add3A_495 = arith.addi %add3A_494, %mul3A_493 : i32
        %add3A_496 = arith.constant 0 : i32
        %add3A_497 = arith.addi %add3A_495, %add3A_496 : i32
        %get3A_498 = arith.index_cast %add3A_497 : i32 to index
        %get3A_499 = tpu.vector_load %arg20[%get3A_498] {strides = array<i32>} : memref<320xf32, #tpu.memory_space<vmem>>, vector<16xf32>,
        %sub3A = arith.subf %add3A_491, %get3A_499 : vector<16xf32>
        %exp3A = math.exp %sub3A : vector<16xf32>
        %mul3A_500 = arith.constant 48 : i32
        %mul3A_501 = arith.muli %mul3A_500, %rem3A_264 : i32
        %add3A_502 = arith.constant 224 : i32
        %add3A_503 = arith.addi %add3A_502, %mul3A_501 : i32
        %add3A_504 = arith.constant 0 : i32
        %add3A_505 = arith.addi %add3A_503, %add3A_504 : i32
        %swap3A_506 = arith.index_cast %add3A_505 : i32 to index
        %swap3A_507 = tpu.vector_load %arg20[%swap3A_506] {strides = array<i32>} : memref<320xf32, #tpu.memory_space<vmem>>, vector<16xf32>,
        tpu.vector_store %arg20[%swap3A_506], %exp3A {strides = array<i32>} : memref<320xf32, #tpu.memory_space<vmem>>, vector<16xf32>,
        %add3A_508 = arith.constant 16 : i32
        %add3A_509 = vector.broadcast %add3A_508 : i32 to vector<16xi32>
        %add3A_510 = arith.addi %iota3A, %add3A_509 : vector<16xi32>
        %mul3A_511 = arith.constant 16 : i32
        %mul3A_512 = vector.broadcast %mul3A_511 : i32 to vector<16xi32>
        %mul3A_513 = arith.muli %add3A_510, %mul3A_512 : vector<16xi32>
        %add3A_514 = arith.constant 0 : i32
        %add3A_515 = vector.broadcast %add3A_514 : i32 to vector<16xi32>
        %add3A_516 = arith.addi %mul3A_513, %add3A_515 : vector<16xi32>
        %gather3A_517 = tpu.vector_load_idx %arg21[%add3A_516] : memref<768xf32, #tpu.memory_space<vmem>>[vector<16xi32>], vector<16xf32>,
        %add3A_518 = arith.constant 16 : i32
        %add3A_519 = vector.broadcast %add3A_518 : i32 to vector<16xi32>
        %add3A_520 = arith.addi %iota3A, %add3A_519 : vector<16xi32>
        %mul3A_521 = arith.constant 16 : i32
        %mul3A_522 = vector.broadcast %mul3A_521 : i32 to vector<16xi32>
        %mul3A_523 = arith.muli %add3A_520, %mul3A_522 : vector<16xi32>
        %add3A_524 = arith.constant 1 : i32
        %add3A_525 = vector.broadcast %add3A_524 : i32 to vector<16xi32>
        %add3A_526 = arith.addi %mul3A_523, %add3A_525 : vector<16xi32>
        %gather3A_527 = tpu.vector_load_idx %arg21[%add3A_526] : memref<768xf32, #tpu.memory_space<vmem>>[vector<16xi32>], vector<16xf32>,
        %add3A_528 = arith.addf %gather3A_517, %gather3A_527 : vector<16xf32>
        %add3A_529 = arith.constant 16 : i32
        %add3A_530 = vector.broadcast %add3A_529 : i32 to vector<16xi32>
        %add3A_531 = arith.addi %iota3A, %add3A_530 : vector<16xi32>
        %mul3A_532 = arith.constant 16 : i32
        %mul3A_533 = vector.broadcast %mul3A_532 : i32 to vector<16xi32>
        %mul3A_534 = arith.muli %add3A_531, %mul3A_533 : vector<16xi32>
        %add3A_535 = arith.constant 2 : i32
        %add3A_536 = vector.broadcast %add3A_535 : i32 to vector<16xi32>
        %add3A_537 = arith.addi %mul3A_534, %add3A_536 : vector<16xi32>
        %gather3A_538 = tpu.vector_load_idx %arg21[%add3A_537] : memref<768xf32, #tpu.memory_space<vmem>>[vector<16xi32>], vector<16xf32>,
        %add3A_539 = arith.addf %add3A_528, %gather3A_538 : vector<16xf32>
        %add3A_540 = arith.constant 16 : i32
        %add3A_541 = vector.broadcast %add3A_540 : i32 to vector<16xi32>
        %add3A_542 = arith.addi %iota3A, %add3A_541 : vector<16xi32>
        %mul3A_543 = arith.constant 16 : i32
        %mul3A_544 = vector.broadcast %mul3A_543 : i32 to vector<16xi32>
        %mul3A_545 = arith.muli %add3A_542, %mul3A_544 : vector<16xi32>
        %add3A_546 = arith.constant 3 : i32
        %add3A_547 = vector.broadcast %add3A_546 : i32 to vector<16xi32>
        %add3A_548 = arith.addi %mul3A_545, %add3A_547 : vector<16xi32>
        %gather3A_549 = tpu.vector_load_idx %arg21[%add3A_548] : memref<768xf32, #tpu.memory_space<vmem>>[vector<16xi32>], vector<16xf32>,
        %add3A_550 = arith.addf %add3A_539, %gather3A_549 : vector<16xf32>
        %add3A_551 = arith.constant 16 : i32
        %add3A_552 = vector.broadcast %add3A_551 : i32 to vector<16xi32>
        %add3A_553 = arith.addi %iota3A, %add3A_552 : vector<16xi32>
        %mul3A_554 = arith.constant 16 : i32
        %mul3A_555 = vector.broadcast %mul3A_554 : i32 to vector<16xi32>
        %mul3A_556 = arith.muli %add3A_553, %mul3A_555 : vector<16xi32>
        %add3A_557 = arith.constant 4 : i32
        %add3A_558 = vector.broadcast %add3A_557 : i32 to vector<16xi32>
        %add3A_559 = arith.addi %mul3A_556, %add3A_558 : vector<16xi32>
        %gather3A_560 = tpu.vector_load_idx %arg21[%add3A_559] : memref<768xf32, #tpu.memory_space<vmem>>[vector<16xi32>], vector<16xf32>,
        %add3A_561 = arith.addf %add3A_550, %gather3A_560 : vector<16xf32>
        %add3A_562 = arith.constant 16 : i32
        %add3A_563 = vector.broadcast %add3A_562 : i32 to vector<16xi32>
        %add3A_564 = arith.addi %iota3A, %add3A_563 : vector<16xi32>
        %mul3A_565 = arith.constant 16 : i32
        %mul3A_566 = vector.broadcast %mul3A_565 : i32 to vector<16xi32>
        %mul3A_567 = arith.muli %add3A_564, %mul3A_566 : vector<16xi32>
        %add3A_568 = arith.constant 5 : i32
        %add3A_569 = vector.broadcast %add3A_568 : i32 to vector<16xi32>
        %add3A_570 = arith.addi %mul3A_567, %add3A_569 : vector<16xi32>
        %gather3A_571 = tpu.vector_load_idx %arg21[%add3A_570] : memref<768xf32, #tpu.memory_space<vmem>>[vector<16xi32>], vector<16xf32>,
        %add3A_572 = arith.addf %add3A_561, %gather3A_571 : vector<16xf32>
        %add3A_573 = arith.constant 16 : i32
        %add3A_574 = vector.broadcast %add3A_573 : i32 to vector<16xi32>
        %add3A_575 = arith.addi %iota3A, %add3A_574 : vector<16xi32>
        %mul3A_576 = arith.constant 16 : i32
        %mul3A_577 = vector.broadcast %mul3A_576 : i32 to vector<16xi32>
        %mul3A_578 = arith.muli %add3A_575, %mul3A_577 : vector<16xi32>
        %add3A_579 = arith.constant 6 : i32
        %add3A_580 = vector.broadcast %add3A_579 : i32 to vector<16xi32>
        %add3A_581 = arith.addi %mul3A_578, %add3A_580 : vector<16xi32>
        %gather3A_582 = tpu.vector_load_idx %arg21[%add3A_581] : memref<768xf32, #tpu.memory_space<vmem>>[vector<16xi32>], vector<16xf32>,
        %add3A_583 = arith.addf %add3A_572, %gather3A_582 : vector<16xf32>
        %add3A_584 = arith.constant 16 : i32
        %add3A_585 = vector.broadcast %add3A_584 : i32 to vector<16xi32>
        %add3A_586 = arith.addi %iota3A, %add3A_585 : vector<16xi32>
        %mul3A_587 = arith.constant 16 : i32
        %mul3A_588 = vector.broadcast %mul3A_587 : i32 to vector<16xi32>
        %mul3A_589 = arith.muli %add3A_586, %mul3A_588 : vector<16xi32>
        %add3A_590 = arith.constant 7 : i32
        %add3A_591 = vector.broadcast %add3A_590 : i32 to vector<16xi32>
        %add3A_592 = arith.addi %mul3A_589, %add3A_591 : vector<16xi32>
        %gather3A_593 = tpu.vector_load_idx %arg21[%add3A_592] : memref<768xf32, #tpu.memory_space<vmem>>[vector<16xi32>], vector<16xf32>,
        %add3A_594 = arith.addf %add3A_583, %gather3A_593 : vector<16xf32>
        %add3A_595 = arith.constant 16 : i32
        %add3A_596 = vector.broadcast %add3A_595 : i32 to vector<16xi32>
        %add3A_597 = arith.addi %iota3A, %add3A_596 : vector<16xi32>
        %mul3A_598 = arith.constant 16 : i32
        %mul3A_599 = vector.broadcast %mul3A_598 : i32 to vector<16xi32>
        %mul3A_600 = arith.muli %add3A_597, %mul3A_599 : vector<16xi32>
        %add3A_601 = arith.constant 8 : i32
        %add3A_602 = vector.broadcast %add3A_601 : i32 to vector<16xi32>
        %add3A_603 = arith.addi %mul3A_600, %add3A_602 : vector<16xi32>
        %gather3A_604 = tpu.vector_load_idx %arg21[%add3A_603] : memref<768xf32, #tpu.memory_space<vmem>>[vector<16xi32>], vector<16xf32>,
        %add3A_605 = arith.addf %add3A_594, %gather3A_604 : vector<16xf32>
        %add3A_606 = arith.constant 16 : i32
        %add3A_607 = vector.broadcast %add3A_606 : i32 to vector<16xi32>
        %add3A_608 = arith.addi %iota3A, %add3A_607 : vector<16xi32>
        %mul3A_609 = arith.constant 16 : i32
        %mul3A_610 = vector.broadcast %mul3A_609 : i32 to vector<16xi32>
        %mul3A_611 = arith.muli %add3A_608, %mul3A_610 : vector<16xi32>
        %add3A_612 = arith.constant 9 : i32
        %add3A_613 = vector.broadcast %add3A_612 : i32 to vector<16xi32>
        %add3A_614 = arith.addi %mul3A_611, %add3A_613 : vector<16xi32>
        %gather3A_615 = tpu.vector_load_idx %arg21[%add3A_614] : memref<768xf32, #tpu.memory_space<vmem>>[vector<16xi32>], vector<16xf32>,
        %add3A_616 = arith.addf %add3A_605, %gather3A_615 : vector<16xf32>
        %add3A_617 = arith.constant 16 : i32
        %add3A_618 = vector.broadcast %add3A_617 : i32 to vector<16xi32>
        %add3A_619 = arith.addi %iota3A, %add3A_618 : vector<16xi32>
        %mul3A_620 = arith.constant 16 : i32
        %mul3A_621 = vector.broadcast %mul3A_620 : i32 to vector<16xi32>
        %mul3A_622 = arith.muli %add3A_619, %mul3A_621 : vector<16xi32>
        %add3A_623 = arith.constant 10 : i32
        %add3A_624 = vector.broadcast %add3A_623 : i32 to vector<16xi32>
        %add3A_625 = arith.addi %mul3A_622, %add3A_624 : vector<16xi32>
        %gather3A_626 = tpu.vector_load_idx %arg21[%add3A_625] : memref<768xf32, #tpu.memory_space<vmem>>[vector<16xi32>], vector<16xf32>,
        %add3A_627 = arith.addf %add3A_616, %gather3A_626 : vector<16xf32>
        %add3A_628 = arith.constant 16 : i32
        %add3A_629 = vector.broadcast %add3A_628 : i32 to vector<16xi32>
        %add3A_630 = arith.addi %iota3A, %add3A_629 : vector<16xi32>
        %mul3A_631 = arith.constant 16 : i32
        %mul3A_632 = vector.broadcast %mul3A_631 : i32 to vector<16xi32>
        %mul3A_633 = arith.muli %add3A_630, %mul3A_632 : vector<16xi32>
        %add3A_634 = arith.constant 11 : i32
        %add3A_635 = vector.broadcast %add3A_634 : i32 to vector<16xi32>
        %add3A_636 = arith.addi %mul3A_633, %add3A_635 : vector<16xi32>
        %gather3A_637 = tpu.vector_load_idx %arg21[%add3A_636] : memref<768xf32, #tpu.memory_space<vmem>>[vector<16xi32>], vector<16xf32>,
        %add3A_638 = arith.addf %add3A_627, %gather3A_637 : vector<16xf32>
        %add3A_639 = arith.constant 16 : i32
        %add3A_640 = vector.broadcast %add3A_639 : i32 to vector<16xi32>
        %add3A_641 = arith.addi %iota3A, %add3A_640 : vector<16xi32>
        %mul3A_642 = arith.constant 16 : i32
        %mul3A_643 = vector.broadcast %mul3A_642 : i32 to vector<16xi32>
        %mul3A_644 = arith.muli %add3A_641, %mul3A_643 : vector<16xi32>
        %add3A_645 = arith.constant 12 : i32
        %add3A_646 = vector.broadcast %add3A_645 : i32 to vector<16xi32>
        %add3A_647 = arith.addi %mul3A_644, %add3A_646 : vector<16xi32>
        %gather3A_648 = tpu.vector_load_idx %arg21[%add3A_647] : memref<768xf32, #tpu.memory_space<vmem>>[vector<16xi32>], vector<16xf32>,
        %add3A_649 = arith.addf %add3A_638, %gather3A_648 : vector<16xf32>
        %add3A_650 = arith.constant 16 : i32
        %add3A_651 = vector.broadcast %add3A_650 : i32 to vector<16xi32>
        %add3A_652 = arith.addi %iota3A, %add3A_651 : vector<16xi32>
        %mul3A_653 = arith.constant 16 : i32
        %mul3A_654 = vector.broadcast %mul3A_653 : i32 to vector<16xi32>
        %mul3A_655 = arith.muli %add3A_652, %mul3A_654 : vector<16xi32>
        %add3A_656 = arith.constant 13 : i32
        %add3A_657 = vector.broadcast %add3A_656 : i32 to vector<16xi32>
        %add3A_658 = arith.addi %mul3A_655, %add3A_657 : vector<16xi32>
        %gather3A_659 = tpu.vector_load_idx %arg21[%add3A_658] : memref<768xf32, #tpu.memory_space<vmem>>[vector<16xi32>], vector<16xf32>,
        %add3A_660 = arith.addf %add3A_649, %gather3A_659 : vector<16xf32>
        %add3A_661 = arith.constant 16 : i32
        %add3A_662 = vector.broadcast %add3A_661 : i32 to vector<16xi32>
        %add3A_663 = arith.addi %iota3A, %add3A_662 : vector<16xi32>
        %mul3A_664 = arith.constant 16 : i32
        %mul3A_665 = vector.broadcast %mul3A_664 : i32 to vector<16xi32>
        %mul3A_666 = arith.muli %add3A_663, %mul3A_665 : vector<16xi32>
        %add3A_667 = arith.constant 14 : i32
        %add3A_668 = vector.broadcast %add3A_667 : i32 to vector<16xi32>
        %add3A_669 = arith.addi %mul3A_666, %add3A_668 : vector<16xi32>
        %gather3A_670 = tpu.vector_load_idx %arg21[%add3A_669] : memref<768xf32, #tpu.memory_space<vmem>>[vector<16xi32>], vector<16xf32>,
        %add3A_671 = arith.addf %add3A_660, %gather3A_670 : vector<16xf32>
        %add3A_672 = arith.constant 16 : i32
        %add3A_673 = vector.broadcast %add3A_672 : i32 to vector<16xi32>
        %add3A_674 = arith.addi %iota3A, %add3A_673 : vector<16xi32>
        %mul3A_675 = arith.constant 16 : i32
        %mul3A_676 = vector.broadcast %mul3A_675 : i32 to vector<16xi32>
        %mul3A_677 = arith.muli %add3A_674, %mul3A_676 : vector<16xi32>
        %add3A_678 = arith.constant 15 : i32
        %add3A_679 = vector.broadcast %add3A_678 : i32 to vector<16xi32>
        %add3A_680 = arith.addi %mul3A_677, %add3A_679 : vector<16xi32>
        %gather3A_681 = tpu.vector_load_idx %arg21[%add3A_680] : memref<768xf32, #tpu.memory_space<vmem>>[vector<16xi32>], vector<16xf32>,
        %add3A_682 = arith.addf %add3A_671, %gather3A_681 : vector<16xf32>
        %mul3A_683 = arith.constant 48 : i32
        %mul3A_684 = arith.muli %mul3A_683, %rem3A_264 : i32
        %add3A_685 = arith.constant 128 : i32
        %add3A_686 = arith.addi %add3A_685, %mul3A_684 : i32
        %add3A_687 = arith.constant 16 : i32
        %add3A_688 = arith.addi %add3A_686, %add3A_687 : i32
        %get3A_689 = arith.index_cast %add3A_688 : i32 to index
        %get3A_690 = tpu.vector_load %arg20[%get3A_689] {strides = array<i32>} : memref<320xf32, #tpu.memory_space<vmem>>, vector<16xf32>,
        %sub3A_691 = arith.subf %add3A_682, %get3A_690 : vector<16xf32>
        %exp3A_692 = math.exp %sub3A_691 : vector<16xf32>
        %mul3A_693 = arith.constant 48 : i32
        %mul3A_694 = arith.muli %mul3A_693, %rem3A_264 : i32
        %add3A_695 = arith.constant 224 : i32
        %add3A_696 = arith.addi %add3A_695, %mul3A_694 : i32
        %add3A_697 = arith.constant 16 : i32
        %add3A_698 = arith.addi %add3A_696, %add3A_697 : i32
        %swap3A_699 = arith.index_cast %add3A_698 : i32 to index
        %swap3A_700 = tpu.vector_load %arg20[%swap3A_699] {strides = array<i32>} : memref<320xf32, #tpu.memory_space<vmem>>, vector<16xf32>,
        tpu.vector_store %arg20[%swap3A_699], %exp3A_692 {strides = array<i32>} : memref<320xf32, #tpu.memory_space<vmem>>, vector<16xf32>,
        %add3A_701 = arith.constant 32 : i32
        %add3A_702 = vector.broadcast %add3A_701 : i32 to vector<16xi32>
        %add3A_703 = arith.addi %iota3A, %add3A_702 : vector<16xi32>
        %mul3A_704 = arith.constant 16 : i32
        %mul3A_705 = vector.broadcast %mul3A_704 : i32 to vector<16xi32>
        %mul3A_706 = arith.muli %add3A_703, %mul3A_705 : vector<16xi32>
        %add3A_707 = arith.constant 0 : i32
        %add3A_708 = vector.broadcast %add3A_707 : i32 to vector<16xi32>
        %add3A_709 = arith.addi %mul3A_706, %add3A_708 : vector<16xi32>
        %gather3A_710 = tpu.vector_load_idx %arg21[%add3A_709] : memref<768xf32, #tpu.memory_space<vmem>>[vector<16xi32>], vector<16xf32>,
        %add3A_711 = arith.constant 32 : i32
        %add3A_712 = vector.broadcast %add3A_711 : i32 to vector<16xi32>
        %add3A_713 = arith.addi %iota3A, %add3A_712 : vector<16xi32>
        %mul3A_714 = arith.constant 16 : i32
        %mul3A_715 = vector.broadcast %mul3A_714 : i32 to vector<16xi32>
        %mul3A_716 = arith.muli %add3A_713, %mul3A_715 : vector<16xi32>
        %add3A_717 = arith.constant 1 : i32
        %add3A_718 = vector.broadcast %add3A_717 : i32 to vector<16xi32>
        %add3A_719 = arith.addi %mul3A_716, %add3A_718 : vector<16xi32>
        %gather3A_720 = tpu.vector_load_idx %arg21[%add3A_719] : memref<768xf32, #tpu.memory_space<vmem>>[vector<16xi32>], vector<16xf32>,
        %add3A_721 = arith.addf %gather3A_710, %gather3A_720 : vector<16xf32>
        %add3A_722 = arith.constant 32 : i32
        %add3A_723 = vector.broadcast %add3A_722 : i32 to vector<16xi32>
        %add3A_724 = arith.addi %iota3A, %add3A_723 : vector<16xi32>
        %mul3A_725 = arith.constant 16 : i32
        %mul3A_726 = vector.broadcast %mul3A_725 : i32 to vector<16xi32>
        %mul3A_727 = arith.muli %add3A_724, %mul3A_726 : vector<16xi32>
        %add3A_728 = arith.constant 2 : i32
        %add3A_729 = vector.broadcast %add3A_728 : i32 to vector<16xi32>
        %add3A_730 = arith.addi %mul3A_727, %add3A_729 : vector<16xi32>
        %gather3A_731 = tpu.vector_load_idx %arg21[%add3A_730] : memref<768xf32, #tpu.memory_space<vmem>>[vector<16xi32>], vector<16xf32>,
        %add3A_732 = arith.addf %add3A_721, %gather3A_731 : vector<16xf32>
        %add3A_733 = arith.constant 32 : i32
        %add3A_734 = vector.broadcast %add3A_733 : i32 to vector<16xi32>
        %add3A_735 = arith.addi %iota3A, %add3A_734 : vector<16xi32>
        %mul3A_736 = arith.constant 16 : i32
        %mul3A_737 = vector.broadcast %mul3A_736 : i32 to vector<16xi32>
        %mul3A_738 = arith.muli %add3A_735, %mul3A_737 : vector<16xi32>
        %add3A_739 = arith.constant 3 : i32
        %add3A_740 = vector.broadcast %add3A_739 : i32 to vector<16xi32>
        %add3A_741 = arith.addi %mul3A_738, %add3A_740 : vector<16xi32>
        %gather3A_742 = tpu.vector_load_idx %arg21[%add3A_741] : memref<768xf32, #tpu.memory_space<vmem>>[vector<16xi32>], vector<16xf32>,
        %add3A_743 = arith.addf %add3A_732, %gather3A_742 : vector<16xf32>
        %add3A_744 = arith.constant 32 : i32
        %add3A_745 = vector.broadcast %add3A_744 : i32 to vector<16xi32>
        %add3A_746 = arith.addi %iota3A, %add3A_745 : vector<16xi32>
        %mul3A_747 = arith.constant 16 : i32
        %mul3A_748 = vector.broadcast %mul3A_747 : i32 to vector<16xi32>
        %mul3A_749 = arith.muli %add3A_746, %mul3A_748 : vector<16xi32>
        %add3A_750 = arith.constant 4 : i32
        %add3A_751 = vector.broadcast %add3A_750 : i32 to vector<16xi32>
        %add3A_752 = arith.addi %mul3A_749, %add3A_751 : vector<16xi32>
        %gather3A_753 = tpu.vector_load_idx %arg21[%add3A_752] : memref<768xf32, #tpu.memory_space<vmem>>[vector<16xi32>], vector<16xf32>,
        %add3A_754 = arith.addf %add3A_743, %gather3A_753 : vector<16xf32>
        %add3A_755 = arith.constant 32 : i32
        %add3A_756 = vector.broadcast %add3A_755 : i32 to vector<16xi32>
        %add3A_757 = arith.addi %iota3A, %add3A_756 : vector<16xi32>
        %mul3A_758 = arith.constant 16 : i32
        %mul3A_759 = vector.broadcast %mul3A_758 : i32 to vector<16xi32>
        %mul3A_760 = arith.muli %add3A_757, %mul3A_759 : vector<16xi32>
        %add3A_761 = arith.constant 5 : i32
        %add3A_762 = vector.broadcast %add3A_761 : i32 to vector<16xi32>
        %add3A_763 = arith.addi %mul3A_760, %add3A_762 : vector<16xi32>
        %gather3A_764 = tpu.vector_load_idx %arg21[%add3A_763] : memref<768xf32, #tpu.memory_space<vmem>>[vector<16xi32>], vector<16xf32>,
        %add3A_765 = arith.addf %add3A_754, %gather3A_764 : vector<16xf32>
        %add3A_766 = arith.constant 32 : i32
        %add3A_767 = vector.broadcast %add3A_766 : i32 to vector<16xi32>
        %add3A_768 = arith.addi %iota3A, %add3A_767 : vector<16xi32>
        %mul3A_769 = arith.constant 16 : i32
        %mul3A_770 = vector.broadcast %mul3A_769 : i32 to vector<16xi32>
        %mul3A_771 = arith.muli %add3A_768, %mul3A_770 : vector<16xi32>
        %add3A_772 = arith.constant 6 : i32
        %add3A_773 = vector.broadcast %add3A_772 : i32 to vector<16xi32>
        %add3A_774 = arith.addi %mul3A_771, %add3A_773 : vector<16xi32>
        %gather3A_775 = tpu.vector_load_idx %arg21[%add3A_774] : memref<768xf32, #tpu.memory_space<vmem>>[vector<16xi32>], vector<16xf32>,
        %add3A_776 = arith.addf %add3A_765, %gather3A_775 : vector<16xf32>
        %add3A_777 = arith.constant 32 : i32
        %add3A_778 = vector.broadcast %add3A_777 : i32 to vector<16xi32>
        %add3A_779 = arith.addi %iota3A, %add3A_778 : vector<16xi32>
        %mul3A_780 = arith.constant 16 : i32
        %mul3A_781 = vector.broadcast %mul3A_780 : i32 to vector<16xi32>
        %mul3A_782 = arith.muli %add3A_779, %mul3A_781 : vector<16xi32>
        %add3A_783 = arith.constant 7 : i32
        %add3A_784 = vector.broadcast %add3A_783 : i32 to vector<16xi32>
        %add3A_785 = arith.addi %mul3A_782, %add3A_784 : vector<16xi32>
        %gather3A_786 = tpu.vector_load_idx %arg21[%add3A_785] : memref<768xf32, #tpu.memory_space<vmem>>[vector<16xi32>], vector<16xf32>,
        %add3A_787 = arith.addf %add3A_776, %gather3A_786 : vector<16xf32>
        %add3A_788 = arith.constant 32 : i32
        %add3A_789 = vector.broadcast %add3A_788 : i32 to vector<16xi32>
        %add3A_790 = arith.addi %iota3A, %add3A_789 : vector<16xi32>
        %mul3A_791 = arith.constant 16 : i32
        %mul3A_792 = vector.broadcast %mul3A_791 : i32 to vector<16xi32>
        %mul3A_793 = arith.muli %add3A_790, %mul3A_792 : vector<16xi32>
        %add3A_794 = arith.constant 8 : i32
        %add3A_795 = vector.broadcast %add3A_794 : i32 to vector<16xi32>
        %add3A_796 = arith.addi %mul3A_793, %add3A_795 : vector<16xi32>
        %gather3A_797 = tpu.vector_load_idx %arg21[%add3A_796] : memref<768xf32, #tpu.memory_space<vmem>>[vector<16xi32>], vector<16xf32>,
        %add3A_798 = arith.addf %add3A_787, %gather3A_797 : vector<16xf32>
        %add3A_799 = arith.constant 32 : i32
        %add3A_800 = vector.broadcast %add3A_799 : i32 to vector<16xi32>
        %add3A_801 = arith.addi %iota3A, %add3A_800 : vector<16xi32>
        %mul3A_802 = arith.constant 16 : i32
        %mul3A_803 = vector.broadcast %mul3A_802 : i32 to vector<16xi32>
        %mul3A_804 = arith.muli %add3A_801, %mul3A_803 : vector<16xi32>
        %add3A_805 = arith.constant 9 : i32
        %add3A_806 = vector.broadcast %add3A_805 : i32 to vector<16xi32>
        %add3A_807 = arith.addi %mul3A_804, %add3A_806 : vector<16xi32>
        %gather3A_808 = tpu.vector_load_idx %arg21[%add3A_807] : memref<768xf32, #tpu.memory_space<vmem>>[vector<16xi32>], vector<16xf32>,
        %add3A_809 = arith.addf %add3A_798, %gather3A_808 : vector<16xf32>
        %add3A_810 = arith.constant 32 : i32
        %add3A_811 = vector.broadcast %add3A_810 : i32 to vector<16xi32>
        %add3A_812 = arith.addi %iota3A, %add3A_811 : vector<16xi32>
        %mul3A_813 = arith.constant 16 : i32
        %mul3A_814 = vector.broadcast %mul3A_813 : i32 to vector<16xi32>
        %mul3A_815 = arith.muli %add3A_812, %mul3A_814 : vector<16xi32>
        %add3A_816 = arith.constant 10 : i32
        %add3A_817 = vector.broadcast %add3A_816 : i32 to vector<16xi32>
        %add3A_818 = arith.addi %mul3A_815, %add3A_817 : vector<16xi32>
        %gather3A_819 = tpu.vector_load_idx %arg21[%add3A_818] : memref<768xf32, #tpu.memory_space<vmem>>[vector<16xi32>], vector<16xf32>,
        %add3A_820 = arith.addf %add3A_809, %gather3A_819 : vector<16xf32>
        %add3A_821 = arith.constant 32 : i32
        %add3A_822 = vector.broadcast %add3A_821 : i32 to vector<16xi32>
        %add3A_823 = arith.addi %iota3A, %add3A_822 : vector<16xi32>
        %mul3A_824 = arith.constant 16 : i32
        %mul3A_825 = vector.broadcast %mul3A_824 : i32 to vector<16xi32>
        %mul3A_826 = arith.muli %add3A_823, %mul3A_825 : vector<16xi32>
        %add3A_827 = arith.constant 11 : i32
        %add3A_828 = vector.broadcast %add3A_827 : i32 to vector<16xi32>
        %add3A_829 = arith.addi %mul3A_826, %add3A_828 : vector<16xi32>
        %gather3A_830 = tpu.vector_load_idx %arg21[%add3A_829] : memref<768xf32, #tpu.memory_space<vmem>>[vector<16xi32>], vector<16xf32>,
        %add3A_831 = arith.addf %add3A_820, %gather3A_830 : vector<16xf32>
        %add3A_832 = arith.constant 32 : i32
        %add3A_833 = vector.broadcast %add3A_832 : i32 to vector<16xi32>
        %add3A_834 = arith.addi %iota3A, %add3A_833 : vector<16xi32>
        %mul3A_835 = arith.constant 16 : i32
        %mul3A_836 = vector.broadcast %mul3A_835 : i32 to vector<16xi32>
        %mul3A_837 = arith.muli %add3A_834, %mul3A_836 : vector<16xi32>
        %add3A_838 = arith.constant 12 : i32
        %add3A_839 = vector.broadcast %add3A_838 : i32 to vector<16xi32>
        %add3A_840 = arith.addi %mul3A_837, %add3A_839 : vector<16xi32>
        %gather3A_841 = tpu.vector_load_idx %arg21[%add3A_840] : memref<768xf32, #tpu.memory_space<vmem>>[vector<16xi32>], vector<16xf32>,
        %add3A_842 = arith.addf %add3A_831, %gather3A_841 : vector<16xf32>
        %add3A_843 = arith.constant 32 : i32
        %add3A_844 = vector.broadcast %add3A_843 : i32 to vector<16xi32>
        %add3A_845 = arith.addi %iota3A, %add3A_844 : vector<16xi32>
        %mul3A_846 = arith.constant 16 : i32
        %mul3A_847 = vector.broadcast %mul3A_846 : i32 to vector<16xi32>
        %mul3A_848 = arith.muli %add3A_845, %mul3A_847 : vector<16xi32>
        %add3A_849 = arith.constant 13 : i32
        %add3A_850 = vector.broadcast %add3A_849 : i32 to vector<16xi32>
        %add3A_851 = arith.addi %mul3A_848, %add3A_850 : vector<16xi32>
        %gather3A_852 = tpu.vector_load_idx %arg21[%add3A_851] : memref<768xf32, #tpu.memory_space<vmem>>[vector<16xi32>], vector<16xf32>,
        %add3A_853 = arith.addf %add3A_842, %gather3A_852 : vector<16xf32>
        %add3A_854 = arith.constant 32 : i32
        %add3A_855 = vector.broadcast %add3A_854 : i32 to vector<16xi32>
        %add3A_856 = arith.addi %iota3A, %add3A_855 : vector<16xi32>
        %mul3A_857 = arith.constant 16 : i32
        %mul3A_858 = vector.broadcast %mul3A_857 : i32 to vector<16xi32>
        %mul3A_859 = arith.muli %add3A_856, %mul3A_858 : vector<16xi32>
        %add3A_860 = arith.constant 14 : i32
        %add3A_861 = vector.broadcast %add3A_860 : i32 to vector<16xi32>
        %add3A_862 = arith.addi %mul3A_859, %add3A_861 : vector<16xi32>
        %gather3A_863 = tpu.vector_load_idx %arg21[%add3A_862] : memref<768xf32, #tpu.memory_space<vmem>>[vector<16xi32>], vector<16xf32>,
        %add3A_864 = arith.addf %add3A_853, %gather3A_863 : vector<16xf32>
        %add3A_865 = arith.constant 32 : i32
        %add3A_866 = vector.broadcast %add3A_865 : i32 to vector<16xi32>
        %add3A_867 = arith.addi %iota3A, %add3A_866 : vector<16xi32>
        %mul3A_868 = arith.constant 16 : i32
        %mul3A_869 = vector.broadcast %mul3A_868 : i32 to vector<16xi32>
        %mul3A_870 = arith.muli %add3A_867, %mul3A_869 : vector<16xi32>
        %add3A_871 = arith.constant 15 : i32
        %add3A_872 = vector.broadcast %add3A_871 : i32 to vector<16xi32>
        %add3A_873 = arith.addi %mul3A_870, %add3A_872 : vector<16xi32>
        %gather3A_874 = tpu.vector_load_idx %arg21[%add3A_873] : memref<768xf32, #tpu.memory_space<vmem>>[vector<16xi32>], vector<16xf32>,
        %add3A_875 = arith.addf %add3A_864, %gather3A_874 : vector<16xf32>
        %mul3A_876 = arith.constant 48 : i32
        %mul3A_877 = arith.muli %mul3A_876, %rem3A_264 : i32
        %add3A_878 = arith.constant 128 : i32
        %add3A_879 = arith.addi %add3A_878, %mul3A_877 : i32
        %add3A_880 = arith.constant 32 : i32
        %add3A_881 = arith.addi %add3A_879, %add3A_880 : i32
        %get3A_882 = arith.index_cast %add3A_881 : i32 to index
        %get3A_883 = tpu.vector_load %arg20[%get3A_882] {strides = array<i32>} : memref<320xf32, #tpu.memory_space<vmem>>, vector<16xf32>,
        %sub3A_884 = arith.subf %add3A_875, %get3A_883 : vector<16xf32>
        %exp3A_885 = math.exp %sub3A_884 : vector<16xf32>
        %mul3A_886 = arith.constant 48 : i32
        %mul3A_887 = arith.muli %mul3A_886, %rem3A_264 : i32
        %add3A_888 = arith.constant 224 : i32
        %add3A_889 = arith.addi %add3A_888, %mul3A_887 : i32
        %add3A_890 = arith.constant 32 : i32
        %add3A_891 = arith.addi %add3A_889, %add3A_890 : i32
        %swap3A_892 = arith.index_cast %add3A_891 : i32 to index
        %swap3A_893 = tpu.vector_load %arg20[%swap3A_892] {strides = array<i32>} : memref<320xf32, #tpu.memory_space<vmem>>, vector<16xf32>,
        tpu.vector_store %arg20[%swap3A_892], %exp3A_885 {strides = array<i32>} : memref<320xf32, #tpu.memory_space<vmem>>, vector<16xf32>,
        %add3A_894 = arith.constant 1 : i32
        %add3A_895 = arith.addi %scan3A_262, %add3A_894 : i32
        %lt3A_896 = arith.constant 25 : i32
        %lt3A_897 = arith.cmpi slt, %add3A_895, %lt3A_896 : i32
        %convert_element_type3A_898 = arith.extui %lt3A_897 : i1 to i32
        %cond3A_899 = arith.constant 0 : i32
        %cond3A_900 = arith.cmpi ne, %convert_element_type3A_898, %cond3A_899 : i32
        scf.if %cond3A_900 {
          %add3A_933 = arith.constant 1 : i32
          %add3A_934 = arith.addi %scan3A_262, %add3A_933 : i32
          %dma_start3A_935 = arith.constant 0 : i32
          %dma_start3A_936 = tpu.memref_slice %arg15[%add3A_934, %dma_start3A_935] : memref<25x40xi32, #tpu.memory_space<vmem>> -> memref<1x40xi32, #tpu.memory_space<vmem>>
          %dma_start3A_937 = tpu.memref_squeeze %dma_start3A_936 : memref<1x40xi32, #tpu.memory_space<vmem>> -> memref<40xi32, #tpu.memory_space<vmem>>
          %dma_start3A_938 = arith.constant 0 : i32
          %dma_start3A_939 = arith.constant 0 : i32
          %dma_start3A_940 = tpu.memref_slice %arg6[%dma_start3A_938, %dma_start3A_939] : memref<10000x128xf32, #tpu.memory_space<hbm>> -> memref<10000x128xf32, #tpu.memory_space<hbm>>
          tpu.enqueue_indirect_dma source(%dma_start3A_940 : memref<10000x128xf32, #tpu.memory_space<hbm>>) target(%arg18 : memref<40x128xf32, #tpu.memory_space<vmem>>) offsets(%dma_start3A_937 : memref<40xi32, #tpu.memory_space<vmem>>) semaphore(%arg25 : memref<!tpu.dma_semaphore, #tpu.memory_space<semaphore_mem>>)
          %dma_start3A_941 = arith.constant 0 : i32
          %dma_start3A_942 = tpu.memref_slice %arg16[%add3A_934, %dma_start3A_941] : memref<25x40xi32, #tpu.memory_space<vmem>> -> memref<1x40xi32, #tpu.memory_space<vmem>>
          %dma_start3A_943 = tpu.memref_squeeze %dma_start3A_942 : memref<1x40xi32, #tpu.memory_space<vmem>> -> memref<40xi32, #tpu.memory_space<vmem>>
          %dma_start3A_944 = arith.constant 0 : i32
          %dma_start3A_945 = arith.constant 0 : i32
          %dma_start3A_946 = tpu.memref_slice %arg7[%dma_start3A_944, %dma_start3A_945] : memref<64x128xf32, #tpu.memory_space<hbm>> -> memref<64x128xf32, #tpu.memory_space<hbm>>
          tpu.enqueue_indirect_dma source(%dma_start3A_946 : memref<64x128xf32, #tpu.memory_space<hbm>>) target(%arg19 : memref<40x128xf32, #tpu.memory_space<vmem>>) offsets(%dma_start3A_943 : memref<40xi32, #tpu.memory_space<vmem>>) semaphore(%arg25 : memref<!tpu.dma_semaphore, #tpu.memory_space<semaphore_mem>>)
        } else {
        }
        %scan3A_901 = arith.constant 0 : i32
        %scan3A_902 = arith.constant 0 : i32
        %scan3A_903 = arith.constant 40 : i32
        %scan3A_904 = arith.addi %scan3A_902, %scan3A_903 : i32
        %scan3A_905 = arith.constant 1 : i32
        %scan3A_906 = scf.for %scan3A_933 = %scan3A_902 to %scan3A_904 step %scan3A_905 iter_args(%scan3A_934 = %scan3A_901) -> (i32)  : i32 {
          %broadcast_in_dim3A_935 = arith.constant 224 : i32
          %broadcast_in_dim3A_936 = vector.broadcast %broadcast_in_dim3A_935 : i32 to vector<16xi32>
          %mul3A_937 = arith.constant 48 : i32
          %mul3A_938 = arith.muli %mul3A_937, %rem3A_264 : i32
          %add3A_939 = vector.broadcast %mul3A_938 : i32 to vector<16xi32>
          %add3A_940 = arith.addi %broadcast_in_dim3A_936, %add3A_939 : vector<16xi32>
          %add3A_941 = vector.broadcast %scan3A_933 : i32 to vector<16xi32>
          %add3A_942 = arith.addi %add3A_940, %add3A_941 : vector<16xi32>
          %gather3A_943 = tpu.vector_load_idx %arg20[%add3A_942] : memref<320xf32, #tpu.memory_space<vmem>>[vector<16xi32>], vector<16xf32>,
          %get3A_944 = arith.index_cast %rem3A_264 : i32 to index
          %get3A_945 = arith.index_cast %scan3A_933 : i32 to index
          %get3A_946 = arith.constant 0 : index
          %get3A_947 = tpu.vector_load %arg17[%get3A_944, %get3A_945, %get3A_946] {strides = array<i32>} : memref<2x40x128xf32, #tpu.memory_space<vmem>>, vector<16xf32>,
          %mul3A_948 = arith.mulf %get3A_947, %gather3A_943 : vector<16xf32>
          %swap3A_949 = arith.index_cast %rem3A_264 : i32 to index
          %swap3A_950 = arith.index_cast %scan3A_933 : i32 to index
          %swap3A_951 = arith.constant 0 : index
          %swap3A_952 = tpu.vector_load %arg17[%swap3A_949, %swap3A_950, %swap3A_951] {strides = array<i32>} : memref<2x40x128xf32, #tpu.memory_space<vmem>>, vector<16xf32>,
          tpu.vector_store %arg17[%swap3A_949, %swap3A_950, %swap3A_951], %mul3A_948 {strides = array<i32>} : memref<2x40x128xf32, #tpu.memory_space<vmem>>, vector<16xf32>,
          %get3A_953 = arith.index_cast %rem3A_264 : i32 to index
          %get3A_954 = arith.index_cast %scan3A_933 : i32 to index
          %get3A_955 = arith.constant 16 : index
          %get3A_956 = tpu.vector_load %arg17[%get3A_953, %get3A_954, %get3A_955] {strides = array<i32>} : memref<2x40x128xf32, #tpu.memory_space<vmem>>, vector<16xf32>,
          %mul3A_957 = arith.mulf %get3A_956, %gather3A_943 : vector<16xf32>
          %swap3A_958 = arith.index_cast %rem3A_264 : i32 to index
          %swap3A_959 = arith.index_cast %scan3A_933 : i32 to index
          %swap3A_960 = arith.constant 16 : index
          %swap3A_961 = tpu.vector_load %arg17[%swap3A_958, %swap3A_959, %swap3A_960] {strides = array<i32>} : memref<2x40x128xf32, #tpu.memory_space<vmem>>, vector<16xf32>,
          tpu.vector_store %arg17[%swap3A_958, %swap3A_959, %swap3A_960], %mul3A_957 {strides = array<i32>} : memref<2x40x128xf32, #tpu.memory_space<vmem>>, vector<16xf32>,
          %get3A_962 = arith.index_cast %rem3A_264 : i32 to index
          %get3A_963 = arith.index_cast %scan3A_933 : i32 to index
          %get3A_964 = arith.constant 32 : index
          %get3A_965 = tpu.vector_load %arg17[%get3A_962, %get3A_963, %get3A_964] {strides = array<i32>} : memref<2x40x128xf32, #tpu.memory_space<vmem>>, vector<16xf32>,
          %mul3A_966 = arith.mulf %get3A_965, %gather3A_943 : vector<16xf32>
          %swap3A_967 = arith.index_cast %rem3A_264 : i32 to index
          %swap3A_968 = arith.index_cast %scan3A_933 : i32 to index
          %swap3A_969 = arith.constant 32 : index
          %swap3A_970 = tpu.vector_load %arg17[%swap3A_967, %swap3A_968, %swap3A_969] {strides = array<i32>} : memref<2x40x128xf32, #tpu.memory_space<vmem>>, vector<16xf32>,
          tpu.vector_store %arg17[%swap3A_967, %swap3A_968, %swap3A_969], %mul3A_966 {strides = array<i32>} : memref<2x40x128xf32, #tpu.memory_space<vmem>>, vector<16xf32>,
          %get3A_971 = arith.index_cast %rem3A_264 : i32 to index
          %get3A_972 = arith.index_cast %scan3A_933 : i32 to index
          %get3A_973 = arith.constant 48 : index
          %get3A_974 = tpu.vector_load %arg17[%get3A_971, %get3A_972, %get3A_973] {strides = array<i32>} : memref<2x40x128xf32, #tpu.memory_space<vmem>>, vector<16xf32>,
          %mul3A_975 = arith.mulf %get3A_974, %gather3A_943 : vector<16xf32>
          %swap3A_976 = arith.index_cast %rem3A_264 : i32 to index
          %swap3A_977 = arith.index_cast %scan3A_933 : i32 to index
          %swap3A_978 = arith.constant 48 : index
          %swap3A_979 = tpu.vector_load %arg17[%swap3A_976, %swap3A_977, %swap3A_978] {strides = array<i32>} : memref<2x40x128xf32, #tpu.memory_space<vmem>>, vector<16xf32>,
          tpu.vector_store %arg17[%swap3A_976, %swap3A_977, %swap3A_978], %mul3A_975 {strides = array<i32>} : memref<2x40x128xf32, #tpu.memory_space<vmem>>, vector<16xf32>,
          %get3A_980 = arith.index_cast %rem3A_264 : i32 to index
          %get3A_981 = arith.index_cast %scan3A_933 : i32 to index
          %get3A_982 = arith.constant 64 : index
          %get3A_983 = tpu.vector_load %arg17[%get3A_980, %get3A_981, %get3A_982] {strides = array<i32>} : memref<2x40x128xf32, #tpu.memory_space<vmem>>, vector<16xf32>,
          %mul3A_984 = arith.mulf %get3A_983, %gather3A_943 : vector<16xf32>
          %swap3A_985 = arith.index_cast %rem3A_264 : i32 to index
          %swap3A_986 = arith.index_cast %scan3A_933 : i32 to index
          %swap3A_987 = arith.constant 64 : index
          %swap3A_988 = tpu.vector_load %arg17[%swap3A_985, %swap3A_986, %swap3A_987] {strides = array<i32>} : memref<2x40x128xf32, #tpu.memory_space<vmem>>, vector<16xf32>,
          tpu.vector_store %arg17[%swap3A_985, %swap3A_986, %swap3A_987], %mul3A_984 {strides = array<i32>} : memref<2x40x128xf32, #tpu.memory_space<vmem>>, vector<16xf32>,
          %get3A_989 = arith.index_cast %rem3A_264 : i32 to index
          %get3A_990 = arith.index_cast %scan3A_933 : i32 to index
          %get3A_991 = arith.constant 80 : index
          %get3A_992 = tpu.vector_load %arg17[%get3A_989, %get3A_990, %get3A_991] {strides = array<i32>} : memref<2x40x128xf32, #tpu.memory_space<vmem>>, vector<16xf32>,
          %mul3A_993 = arith.mulf %get3A_992, %gather3A_943 : vector<16xf32>
          %swap3A_994 = arith.index_cast %rem3A_264 : i32 to index
          %swap3A_995 = arith.index_cast %scan3A_933 : i32 to index
          %swap3A_996 = arith.constant 80 : index
          %swap3A_997 = tpu.vector_load %arg17[%swap3A_994, %swap3A_995, %swap3A_996] {strides = array<i32>} : memref<2x40x128xf32, #tpu.memory_space<vmem>>, vector<16xf32>,
          tpu.vector_store %arg17[%swap3A_994, %swap3A_995, %swap3A_996], %mul3A_993 {strides = array<i32>} : memref<2x40x128xf32, #tpu.memory_space<vmem>>, vector<16xf32>,
          %get3A_998 = arith.index_cast %rem3A_264 : i32 to index
          %get3A_999 = arith.index_cast %scan3A_933 : i32 to index
          %get3A_1000 = arith.constant 96 : index
          %get3A_1001 = tpu.vector_load %arg17[%get3A_998, %get3A_999, %get3A_1000] {strides = array<i32>} : memref<2x40x128xf32, #tpu.memory_space<vmem>>, vector<16xf32>,
          %mul3A_1002 = arith.mulf %get3A_1001, %gather3A_943 : vector<16xf32>
          %swap3A_1003 = arith.index_cast %rem3A_264 : i32 to index
          %swap3A_1004 = arith.index_cast %scan3A_933 : i32 to index
          %swap3A_1005 = arith.constant 96 : index
          %swap3A_1006 = tpu.vector_load %arg17[%swap3A_1003, %swap3A_1004, %swap3A_1005] {strides = array<i32>} : memref<2x40x128xf32, #tpu.memory_space<vmem>>, vector<16xf32>,
          tpu.vector_store %arg17[%swap3A_1003, %swap3A_1004, %swap3A_1005], %mul3A_1002 {strides = array<i32>} : memref<2x40x128xf32, #tpu.memory_space<vmem>>, vector<16xf32>,
          %get3A_1007 = arith.index_cast %rem3A_264 : i32 to index
          %get3A_1008 = arith.index_cast %scan3A_933 : i32 to index
          %get3A_1009 = arith.constant 112 : index
          %get3A_1010 = tpu.vector_load %arg17[%get3A_1007, %get3A_1008, %get3A_1009] {strides = array<i32>} : memref<2x40x128xf32, #tpu.memory_space<vmem>>, vector<16xf32>,
          %mul3A_1011 = arith.mulf %get3A_1010, %gather3A_943 : vector<16xf32>
          %swap3A_1012 = arith.index_cast %rem3A_264 : i32 to index
          %swap3A_1013 = arith.index_cast %scan3A_933 : i32 to index
          %swap3A_1014 = arith.constant 112 : index
          %swap3A_1015 = tpu.vector_load %arg17[%swap3A_1012, %swap3A_1013, %swap3A_1014] {strides = array<i32>} : memref<2x40x128xf32, #tpu.memory_space<vmem>>, vector<16xf32>,
          tpu.vector_store %arg17[%swap3A_1012, %swap3A_1013, %swap3A_1014], %mul3A_1011 {strides = array<i32>} : memref<2x40x128xf32, #tpu.memory_space<vmem>>, vector<16xf32>,
          %scan3A_1016 = arith.constant 0 : i32
          scf.yield %scan3A_1016 : i32
        }
        %scan3A_907 = arith.constant 40 : i32
        %dma_start3A_908 = arith.constant 0 : i32
        %dma_start3A_909 = arith.constant 0 : i32
        %dma_start3A_910 = tpu.memref_slice %arg17[%rem3A_264, %dma_start3A_908, %dma_start3A_909] : memref<2x40x128xf32, #tpu.memory_space<vmem>> -> memref<1x40x128xf32, #tpu.memory_space<vmem>>
        %dma_start3A_911 = tpu.memref_squeeze %dma_start3A_910 : memref<1x40x128xf32, #tpu.memory_space<vmem>> -> memref<40x128xf32, #tpu.memory_space<vmem>>
        %dma_start3A_912 = arith.constant 0 : i32
        %dma_start3A_913 = tpu.memref_slice %arg15[%scan3A_262, %dma_start3A_912] : memref<25x40xi32, #tpu.memory_space<vmem>> -> memref<1x40xi32, #tpu.memory_space<vmem>>
        %dma_start3A_914 = tpu.memref_squeeze %dma_start3A_913 : memref<1x40xi32, #tpu.memory_space<vmem>> -> memref<40xi32, #tpu.memory_space<vmem>>
        %dma_start3A_915 = arith.constant 0 : i32
        %dma_start3A_916 = arith.constant 0 : i32
        %dma_start3A_917 = tpu.memref_slice %arg22[%dma_start3A_915, %dma_start3A_916] : memref<10000x128xf32, #tpu.memory_space<vmem_shared>> -> memref<10000x128xf32, #tpu.memory_space<vmem_shared>>
        %dma_start3A_918 = tpu.memref_slice %arg26[%rem3A_264] : memref<2x!tpu.dma_semaphore, #tpu.memory_space<semaphore_mem>> -> memref<1x!tpu.dma_semaphore, #tpu.memory_space<semaphore_mem>>
        %dma_start3A_919 = tpu.memref_squeeze %dma_start3A_918 : memref<1x!tpu.dma_semaphore, #tpu.memory_space<semaphore_mem>> -> memref<!tpu.dma_semaphore, #tpu.memory_space<semaphore_mem>>
        tpu.enqueue_indirect_dma source(%dma_start3A_911 : memref<40x128xf32, #tpu.memory_space<vmem>>) target(%dma_start3A_917 : memref<10000x128xf32, #tpu.memory_space<vmem_shared>>) offsets(%dma_start3A_914 : memref<40xi32, #tpu.memory_space<vmem>>) semaphore(%dma_start3A_919 : memref<!tpu.dma_semaphore, #tpu.memory_space<semaphore_mem>>) {add = true}
        %mul3A_920 = arith.constant 48 : i32
        %mul3A_921 = arith.muli %mul3A_920, %rem3A_264 : i32
        %add3A_922 = arith.constant 224 : i32
        %add3A_923 = arith.addi %add3A_922, %mul3A_921 : i32
        %dma_start3A_924 = tpu.memref_slice %arg20[%add3A_923] : memref<320xf32, #tpu.memory_space<vmem>> -> memref<40xf32, #tpu.memory_space<vmem>>
        %dma_start3A_925 = arith.constant 0 : i32
        %dma_start3A_926 = tpu.memref_slice %arg15[%scan3A_262, %dma_start3A_925] : memref<25x40xi32, #tpu.memory_space<vmem>> -> memref<1x40xi32, #tpu.memory_space<vmem>>
        %dma_start3A_927 = tpu.memref_squeeze %dma_start3A_926 : memref<1x40xi32, #tpu.memory_space<vmem>> -> memref<40xi32, #tpu.memory_space<vmem>>
        %dma_start3A_928 = arith.constant 0 : i32
        %dma_start3A_929 = tpu.memref_slice %arg23[%dma_start3A_928] : memref<10000xf32, #tpu.memory_space<vmem_shared>> -> memref<10000xf32, #tpu.memory_space<vmem_shared>>
        %dma_start3A_930 = tpu.memref_slice %arg26[%rem3A_264] : memref<2x!tpu.dma_semaphore, #tpu.memory_space<semaphore_mem>> -> memref<1x!tpu.dma_semaphore, #tpu.memory_space<semaphore_mem>>
        %dma_start3A_931 = tpu.memref_squeeze %dma_start3A_930 : memref<1x!tpu.dma_semaphore, #tpu.memory_space<semaphore_mem>> -> memref<!tpu.dma_semaphore, #tpu.memory_space<semaphore_mem>>
        tpu.enqueue_indirect_dma source(%dma_start3A_924 : memref<40xf32, #tpu.memory_space<vmem>>) target(%dma_start3A_929 : memref<10000xf32, #tpu.memory_space<vmem_shared>>) offsets(%dma_start3A_927 : memref<40xi32, #tpu.memory_space<vmem>>) semaphore(%dma_start3A_931 : memref<!tpu.dma_semaphore, #tpu.memory_space<semaphore_mem>>) {add = true}
        %scan3A_932 = arith.constant 0 : i32
        scf.yield %scan3A_932 : i32
      }
      %scan3A_260 = arith.constant 25 : i32
      %scan3A_261 = arith.constant 0 : i32
      scf.yield %scan3A_261 : i32
    }
    %scan3A_141 = arith.constant 10 : i32
    %dma_wait3A = arith.constant 0 : i32
    %dma_wait3A_142 = arith.constant 0 : i32
    %dma_wait3A_143 = arith.constant 0 : i32
    %dma_wait3A_144 = arith.constant 0 : i32
    %dma_wait3A_145 = arith.constant 0 : i32
    %dma_wait3A_146 = tpu.memref_slice %arg17[%dma_wait3A, %dma_wait3A_144, %dma_wait3A_145] : memref<2x40x128xf32, #tpu.memory_space<vmem>> -> memref<1x40x128xf32, #tpu.memory_space<vmem>>
    %dma_wait3A_147 = tpu.memref_squeeze %dma_wait3A_146 : memref<1x40x128xf32, #tpu.memory_space<vmem>> -> memref<40x128xf32, #tpu.memory_space<vmem>>
    %dma_wait3A_148 = arith.constant 0 : i32
    %dma_wait3A_149 = tpu.memref_slice %arg15[%dma_wait3A_142, %dma_wait3A_148] : memref<25x40xi32, #tpu.memory_space<vmem>> -> memref<1x40xi32, #tpu.memory_space<vmem>>
    %dma_wait3A_150 = tpu.memref_squeeze %dma_wait3A_149 : memref<1x40xi32, #tpu.memory_space<vmem>> -> memref<40xi32, #tpu.memory_space<vmem>>
    %dma_wait3A_151 = arith.constant 0 : i32
    %dma_wait3A_152 = arith.constant 0 : i32
    %dma_wait3A_153 = tpu.memref_slice %arg22[%dma_wait3A_151, %dma_wait3A_152] : memref<10000x128xf32, #tpu.memory_space<vmem_shared>> -> memref<10000x128xf32, #tpu.memory_space<vmem_shared>>
    %dma_wait3A_154 = tpu.memref_slice %arg26[%dma_wait3A_143] : memref<2x!tpu.dma_semaphore, #tpu.memory_space<semaphore_mem>> -> memref<1x!tpu.dma_semaphore, #tpu.memory_space<semaphore_mem>>
    %dma_wait3A_155 = tpu.memref_squeeze %dma_wait3A_154 : memref<1x!tpu.dma_semaphore, #tpu.memory_space<semaphore_mem>> -> memref<!tpu.dma_semaphore, #tpu.memory_space<semaphore_mem>>
    tpu.wait_indirect_dma semaphore(%dma_wait3A_155 : memref<!tpu.dma_semaphore, #tpu.memory_space<semaphore_mem>>) src(%dma_wait3A_147 : memref<40x128xf32, #tpu.memory_space<vmem>>) dst(%dma_wait3A_153 : memref<10000x128xf32, #tpu.memory_space<vmem_shared>>)
    %dma_wait3A_156 = arith.constant 0 : i32
    %dma_wait3A_157 = arith.constant 0 : i32
    %dma_wait3A_158 = arith.constant 224 : i32
    %dma_wait3A_159 = tpu.memref_slice %arg20[%dma_wait3A_158] : memref<320xf32, #tpu.memory_space<vmem>> -> memref<40xf32, #tpu.memory_space<vmem>>
    %dma_wait3A_160 = arith.constant 0 : i32
    %dma_wait3A_161 = tpu.memref_slice %arg15[%dma_wait3A_156, %dma_wait3A_160] : memref<25x40xi32, #tpu.memory_space<vmem>> -> memref<1x40xi32, #tpu.memory_space<vmem>>
    %dma_wait3A_162 = tpu.memref_squeeze %dma_wait3A_161 : memref<1x40xi32, #tpu.memory_space<vmem>> -> memref<40xi32, #tpu.memory_space<vmem>>
    %dma_wait3A_163 = arith.constant 0 : i32
    %dma_wait3A_164 = tpu.memref_slice %arg23[%dma_wait3A_163] : memref<10000xf32, #tpu.memory_space<vmem_shared>> -> memref<10000xf32, #tpu.memory_space<vmem_shared>>
    %dma_wait3A_165 = tpu.memref_slice %arg26[%dma_wait3A_157] : memref<2x!tpu.dma_semaphore, #tpu.memory_space<semaphore_mem>> -> memref<1x!tpu.dma_semaphore, #tpu.memory_space<semaphore_mem>>
    %dma_wait3A_166 = tpu.memref_squeeze %dma_wait3A_165 : memref<1x!tpu.dma_semaphore, #tpu.memory_space<semaphore_mem>> -> memref<!tpu.dma_semaphore, #tpu.memory_space<semaphore_mem>>
    tpu.wait_indirect_dma semaphore(%dma_wait3A_166 : memref<!tpu.dma_semaphore, #tpu.memory_space<semaphore_mem>>) src(%dma_wait3A_159 : memref<40xf32, #tpu.memory_space<vmem>>) dst(%dma_wait3A_164 : memref<10000xf32, #tpu.memory_space<vmem_shared>>)
    %dma_wait3A_167 = arith.constant 1 : i32
    %dma_wait3A_168 = arith.constant 0 : i32
    %dma_wait3A_169 = arith.constant 1 : i32
    %dma_wait3A_170 = arith.constant 0 : i32
    %dma_wait3A_171 = arith.constant 0 : i32
    %dma_wait3A_172 = tpu.memref_slice %arg17[%dma_wait3A_167, %dma_wait3A_170, %dma_wait3A_171] : memref<2x40x128xf32, #tpu.memory_space<vmem>> -> memref<1x40x128xf32, #tpu.memory_space<vmem>>
    %dma_wait3A_173 = tpu.memref_squeeze %dma_wait3A_172 : memref<1x40x128xf32, #tpu.memory_space<vmem>> -> memref<40x128xf32, #tpu.memory_space<vmem>>
    %dma_wait3A_174 = arith.constant 0 : i32
    %dma_wait3A_175 = tpu.memref_slice %arg15[%dma_wait3A_168, %dma_wait3A_174] : memref<25x40xi32, #tpu.memory_space<vmem>> -> memref<1x40xi32, #tpu.memory_space<vmem>>
    %dma_wait3A_176 = tpu.memref_squeeze %dma_wait3A_175 : memref<1x40xi32, #tpu.memory_space<vmem>> -> memref<40xi32, #tpu.memory_space<vmem>>
    %dma_wait3A_177 = arith.constant 0 : i32
    %dma_wait3A_178 = arith.constant 0 : i32
    %dma_wait3A_179 = tpu.memref_slice %arg22[%dma_wait3A_177, %dma_wait3A_178] : memref<10000x128xf32, #tpu.memory_space<vmem_shared>> -> memref<10000x128xf32, #tpu.memory_space<vmem_shared>>
    %dma_wait3A_180 = tpu.memref_slice %arg26[%dma_wait3A_169] : memref<2x!tpu.dma_semaphore, #tpu.memory_space<semaphore_mem>> -> memref<1x!tpu.dma_semaphore, #tpu.memory_space<semaphore_mem>>
    %dma_wait3A_181 = tpu.memref_squeeze %dma_wait3A_180 : memref<1x!tpu.dma_semaphore, #tpu.memory_space<semaphore_mem>> -> memref<!tpu.dma_semaphore, #tpu.memory_space<semaphore_mem>>
    tpu.wait_indirect_dma semaphore(%dma_wait3A_181 : memref<!tpu.dma_semaphore, #tpu.memory_space<semaphore_mem>>) src(%dma_wait3A_173 : memref<40x128xf32, #tpu.memory_space<vmem>>) dst(%dma_wait3A_179 : memref<10000x128xf32, #tpu.memory_space<vmem_shared>>)
    %dma_wait3A_182 = arith.constant 0 : i32
    %dma_wait3A_183 = arith.constant 1 : i32
    %dma_wait3A_184 = arith.constant 272 : i32
    %dma_wait3A_185 = tpu.memref_slice %arg20[%dma_wait3A_184] : memref<320xf32, #tpu.memory_space<vmem>> -> memref<40xf32, #tpu.memory_space<vmem>>
    %dma_wait3A_186 = arith.constant 0 : i32
    %dma_wait3A_187 = tpu.memref_slice %arg15[%dma_wait3A_182, %dma_wait3A_186] : memref<25x40xi32, #tpu.memory_space<vmem>> -> memref<1x40xi32, #tpu.memory_space<vmem>>
    %dma_wait3A_188 = tpu.memref_squeeze %dma_wait3A_187 : memref<1x40xi32, #tpu.memory_space<vmem>> -> memref<40xi32, #tpu.memory_space<vmem>>
    %dma_wait3A_189 = arith.constant 0 : i32
    %dma_wait3A_190 = tpu.memref_slice %arg23[%dma_wait3A_189] : memref<10000xf32, #tpu.memory_space<vmem_shared>> -> memref<10000xf32, #tpu.memory_space<vmem_shared>>
    %dma_wait3A_191 = tpu.memref_slice %arg26[%dma_wait3A_183] : memref<2x!tpu.dma_semaphore, #tpu.memory_space<semaphore_mem>> -> memref<1x!tpu.dma_semaphore, #tpu.memory_space<semaphore_mem>>
    %dma_wait3A_192 = tpu.memref_squeeze %dma_wait3A_191 : memref<1x!tpu.dma_semaphore, #tpu.memory_space<semaphore_mem>> -> memref<!tpu.dma_semaphore, #tpu.memory_space<semaphore_mem>>
    tpu.wait_indirect_dma semaphore(%dma_wait3A_192 : memref<!tpu.dma_semaphore, #tpu.memory_space<semaphore_mem>>) src(%dma_wait3A_185 : memref<40xf32, #tpu.memory_space<vmem>>) dst(%dma_wait3A_190 : memref<10000xf32, #tpu.memory_space<vmem_shared>>)
    %barrier3A_193 = arith.constant 0 : index
    tpu.barrier barrier_id(%barrier3A_193)
    %eq3A_194 = arith.constant 0 : i32
    %eq3A_195 = arith.cmpi eq, %arg1, %eq3A_194 : i32
    %eq3A_196 = arith.constant 0 : i32
    %eq3A_197 = arith.cmpi eq, %arg0, %eq3A_196 : i32
    %and3A = arith.andi %eq3A_195, %eq3A_197 : i1
    %convert_element_type3A_198 = arith.extui %and3A : i1 to i32
    %cond3A_199 = arith.constant 0 : i32
    %cond3A_200 = arith.cmpi ne, %convert_element_type3A_198, %cond3A_199 : i32
    scf.if %cond3A_200 {
      "tpu.region"() ({
        %run_scoped3A_209 = tpu.sem_alloc : memref<!tpu.dma_semaphore, #tpu.memory_space<semaphore_mem>>
        tpu.enqueue_dma source(%arg22 : memref<10000x128xf32, #tpu.memory_space<vmem_shared>>) target(%arg10 : memref<10000x128xf32, #tpu.memory_space<hbm>>) target_semaphore(%run_scoped3A_209 : memref<!tpu.dma_semaphore, #tpu.memory_space<semaphore_mem>>)
        tpu.wait_dma2 semaphore(%run_scoped3A_209 : memref<!tpu.dma_semaphore, #tpu.memory_space<semaphore_mem>>) src(%arg22 : memref<10000x128xf32, #tpu.memory_space<vmem_shared>>) dst(%arg10 : memref<10000x128xf32, #tpu.memory_space<hbm>>)
        tpu.yield
      }) : () -> ()
      "tpu.region"() ({
        %run_scoped3A_209 = tpu.sem_alloc : memref<!tpu.dma_semaphore, #tpu.memory_space<semaphore_mem>>
        tpu.enqueue_dma source(%arg23 : memref<10000xf32, #tpu.memory_space<vmem_shared>>) target(%arg12 : memref<10000xf32, #tpu.memory_space<hbm>>) target_semaphore(%run_scoped3A_209 : memref<!tpu.dma_semaphore, #tpu.memory_space<semaphore_mem>>)
        tpu.wait_dma2 semaphore(%run_scoped3A_209 : memref<!tpu.dma_semaphore, #tpu.memory_space<semaphore_mem>>) src(%arg23 : memref<10000xf32, #tpu.memory_space<vmem_shared>>) dst(%arg12 : memref<10000xf32, #tpu.memory_space<hbm>>)
        tpu.yield
      }) : () -> ()
    } else {
    }
    %eq3A_201 = arith.constant 0 : i32
    %eq3A_202 = arith.cmpi eq, %arg1, %eq3A_201 : i32
    %eq3A_203 = arith.constant 1 : i32
    %eq3A_204 = arith.cmpi eq, %arg0, %eq3A_203 : i32
    %and3A_205 = arith.andi %eq3A_202, %eq3A_204 : i1
    %convert_element_type3A_206 = arith.extui %and3A_205 : i1 to i32
    %cond3A_207 = arith.constant 0 : i32
    %cond3A_208 = arith.cmpi ne, %convert_element_type3A_206, %cond3A_207 : i32
    scf.if %cond3A_208 {
      "tpu.region"() ({
        %run_scoped3A_209 = tpu.sem_alloc : memref<!tpu.dma_semaphore, #tpu.memory_space<semaphore_mem>>
        tpu.enqueue_dma source(%arg22 : memref<10000x128xf32, #tpu.memory_space<vmem_shared>>) target(%arg11 : memref<10000x128xf32, #tpu.memory_space<hbm>>) target_semaphore(%run_scoped3A_209 : memref<!tpu.dma_semaphore, #tpu.memory_space<semaphore_mem>>)
        tpu.wait_dma2 semaphore(%run_scoped3A_209 : memref<!tpu.dma_semaphore, #tpu.memory_space<semaphore_mem>>) src(%arg22 : memref<10000x128xf32, #tpu.memory_space<vmem_shared>>) dst(%arg11 : memref<10000x128xf32, #tpu.memory_space<hbm>>)
        tpu.yield
      }) : () -> ()
      "tpu.region"() ({
        %run_scoped3A_209 = tpu.sem_alloc : memref<!tpu.dma_semaphore, #tpu.memory_space<semaphore_mem>>
        tpu.enqueue_dma source(%arg23 : memref<10000xf32, #tpu.memory_space<vmem_shared>>) target(%arg13 : memref<10000xf32, #tpu.memory_space<hbm>>) target_semaphore(%run_scoped3A_209 : memref<!tpu.dma_semaphore, #tpu.memory_space<semaphore_mem>>)
        tpu.wait_dma2 semaphore(%run_scoped3A_209 : memref<!tpu.dma_semaphore, #tpu.memory_space<semaphore_mem>>) src(%arg23 : memref<10000xf32, #tpu.memory_space<vmem_shared>>) dst(%arg13 : memref<10000xf32, #tpu.memory_space<hbm>>)
        tpu.yield
      }) : () -> ()
    } else {
    }
    return
  }
}

module attributes {stable_mosaic.version = 14 : i64} {
  func.func @_k2a_body(%arg0: i32, %arg1: memref<1000x128xf32, #tpu.memory_space<vmem>>, %arg2: memref<128x128xf32, #tpu.memory_space<vmem>>, %arg3: memref<1x128xf32, #tpu.memory_space<vmem>>, %arg4: memref<128x128xf32, #tpu.memory_space<vmem>>, %arg5: memref<1x128xf32, #tpu.memory_space<vmem>>, %arg6: memref<128x128xf32, #tpu.memory_space<vmem>>, %arg7: memref<1x128xf32, #tpu.memory_space<vmem>>, %arg8: memref<64x128xf32, #tpu.memory_space<vmem>>, %arg9: memref<128x128xf32, #tpu.memory_space<vmem>>, %arg10: memref<1x128xf32, #tpu.memory_space<vmem>>, %arg11: memref<1000x128xf32, #tpu.memory_space<vmem>>, %arg12: memref<1000x128xf32, #tpu.memory_space<vmem>>, %arg13: memref<1x1x1000xf32, #tpu.memory_space<vmem>>, %arg14: memref<1x1x1xf32, #tpu.memory_space<vmem>>, %arg15: memref<1x1x64xf32, #tpu.memory_space<vmem>>, %arg16: memref<64x128xf32, #tpu.memory_space<vmem>>, %arg17: memref<64x128xf32, #tpu.memory_space<vmem>>) attributes {dimension_semantics = [#tpu.dimension_semantics<arbitrary>], iteration_bounds = array<i64: 10>, scalar_prefetch = 0 : i64, scratch_operands = 0 : i64, tpu.core_type = #tpu.core_type<tc>, window_params = [{transform_indices = @transform_0, window_bounds = array<i64: 1000, 128>}, {pipeline_mode = #tpu.pipeline_mode<synchronous>, transform_indices = @transform_1, window_bounds = array<i64: 128, 128>}, {pipeline_mode = #tpu.pipeline_mode<synchronous>, transform_indices = @transform_2, window_bounds = array<i64: 1, 128>}, {pipeline_mode = #tpu.pipeline_mode<synchronous>, transform_indices = @transform_3, window_bounds = array<i64: 128, 128>}, {pipeline_mode = #tpu.pipeline_mode<synchronous>, transform_indices = @transform_4, window_bounds = array<i64: 1, 128>}, {pipeline_mode = #tpu.pipeline_mode<synchronous>, transform_indices = @transform_5, window_bounds = array<i64: 128, 128>}, {pipeline_mode = #tpu.pipeline_mode<synchronous>, transform_indices = @transform_6, window_bounds = array<i64: 1, 128>}, {pipeline_mode = #tpu.pipeline_mode<synchronous>, transform_indices = @transform_7, window_bounds = array<i64: 64, 128>}, {pipeline_mode = #tpu.pipeline_mode<synchronous>, transform_indices = @transform_8, window_bounds = array<i64: 128, 128>}, {pipeline_mode = #tpu.pipeline_mode<synchronous>, transform_indices = @transform_9, window_bounds = array<i64: 1, 128>}, {transform_indices = @transform_10, window_bounds = array<i64: 1000, 128>}, {transform_indices = @transform_11, window_bounds = array<i64: 1000, 128>}, {transform_indices = @transform_12, window_bounds = array<i64: 1, 1, 1000>}, {transform_indices = @transform_13, window_bounds = array<i64: 1, 1, 1>}, {pipeline_mode = #tpu.pipeline_mode<synchronous>, transform_indices = @transform_14, window_bounds = array<i64: 1, 1, 64>}, {pipeline_mode = #tpu.pipeline_mode<synchronous>, transform_indices = @transform_15, window_bounds = array<i64: 64, 128>}, {pipeline_mode = #tpu.pipeline_mode<synchronous>, transform_indices = @transform_16, window_bounds = array<i64: 64, 128>}]} {
    %get3A = arith.constant 0 : index
    %get3A_0 = arith.constant 0 : index
    %get3A_1 = vector.load %arg7[%get3A, %get3A_0] : memref<1x128xf32, #tpu.memory_space<vmem>>, vector<1x128xf32>
    %get3A_2 = vector.shape_cast %get3A_1 : vector<1x128xf32> to vector<128xf32>
    %get3A_3 = arith.constant 0 : index
    %get3A_4 = arith.constant 0 : index
    %get3A_5 = vector.load %arg1[%get3A_3, %get3A_4] : memref<1000x128xf32, #tpu.memory_space<vmem>>, vector<1000x128xf32>
    %get3A_6 = arith.constant 0 : index
    %get3A_7 = arith.constant 0 : index
    %get3A_8 = vector.load %arg2[%get3A_6, %get3A_7] : memref<128x128xf32, #tpu.memory_space<vmem>>, vector<128x128xf32>
    %dot_general3A = arith.constant dense<0.000000e+00> : vector<1000x128xf32>
    %dot_general3A_9 = tpu.matmul %get3A_5, %get3A_8, %dot_general3A {dimension_numbers = #tpu.dot_dimension_numbers<[1], [0], [0], [1], [0, 0, 1, 1], [], []>, precision = #tpu.contract_precision<fp32>, transpose_lhs_hint = false} : vector<1000x128xf32>, vector<128x128xf32>, vector<1000x128xf32> -> vector<1000x128xf32>
    %get3A_10 = arith.constant 0 : index
    %get3A_11 = arith.constant 0 : index
    %get3A_12 = vector.load %arg3[%get3A_10, %get3A_11] : memref<1x128xf32, #tpu.memory_space<vmem>>, vector<1x128xf32>
    %get3A_13 = vector.shape_cast %get3A_12 : vector<1x128xf32> to vector<128xf32>
    %broadcast_in_dim3A = vector.shape_cast %get3A_13 : vector<128xf32> to vector<1x128xf32>
    %add3A = vector.broadcast %broadcast_in_dim3A : vector<1x128xf32> to vector<1000x128xf32>
    %add3A_14 = arith.addf %dot_general3A_9, %add3A : vector<1000x128xf32>
    %get3A_15 = arith.constant 0 : index
    %get3A_16 = arith.constant 0 : index
    %get3A_17 = vector.load %arg4[%get3A_15, %get3A_16] : memref<128x128xf32, #tpu.memory_space<vmem>>, vector<128x128xf32>
    %dot_general3A_18 = arith.constant dense<0.000000e+00> : vector<1000x128xf32>
    %dot_general3A_19 = tpu.matmul %get3A_5, %get3A_17, %dot_general3A_18 {dimension_numbers = #tpu.dot_dimension_numbers<[1], [0], [0], [1], [0, 0, 1, 1], [], []>, precision = #tpu.contract_precision<fp32>, transpose_lhs_hint = false} : vector<1000x128xf32>, vector<128x128xf32>, vector<1000x128xf32> -> vector<1000x128xf32>
    %get3A_20 = arith.constant 0 : index
    %get3A_21 = arith.constant 0 : index
    %get3A_22 = vector.load %arg5[%get3A_20, %get3A_21] : memref<1x128xf32, #tpu.memory_space<vmem>>, vector<1x128xf32>
    %get3A_23 = vector.shape_cast %get3A_22 : vector<1x128xf32> to vector<128xf32>
    %broadcast_in_dim3A_24 = vector.shape_cast %get3A_23 : vector<128xf32> to vector<1x128xf32>
    %add3A_25 = vector.broadcast %broadcast_in_dim3A_24 : vector<1x128xf32> to vector<1000x128xf32>
    %add3A_26 = arith.addf %dot_general3A_19, %add3A_25 : vector<1000x128xf32>
    %swap3A = arith.constant 0 : index
    %swap3A_27 = arith.constant 0 : index
    %swap3A_28 = vector.load %arg11[%swap3A, %swap3A_27] : memref<1000x128xf32, #tpu.memory_space<vmem>>, vector<1000x128xf32>
    tpu.vector_store %arg11[%swap3A, %swap3A_27], %add3A_14 {strides = array<i32>} : memref<1000x128xf32, #tpu.memory_space<vmem>>, vector<1000x128xf32>,
    %swap3A_29 = arith.constant 0 : index
    %swap3A_30 = arith.constant 0 : index
    %swap3A_31 = vector.load %arg12[%swap3A_29, %swap3A_30] : memref<1000x128xf32, #tpu.memory_space<vmem>>, vector<1000x128xf32>
    tpu.vector_store %arg12[%swap3A_29, %swap3A_30], %add3A_26 {strides = array<i32>} : memref<1000x128xf32, #tpu.memory_space<vmem>>, vector<1000x128xf32>,
    %broadcast_in_dim3A_32 = vector.shape_cast %get3A_2 : vector<128xf32> to vector<1x128xf32>
    %mul3A = vector.broadcast %broadcast_in_dim3A_32 : vector<1x128xf32> to vector<1000x128xf32>
    %mul3A_33 = arith.mulf %add3A_14, %mul3A : vector<1000x128xf32>
    %mul3A_34 = arith.constant 2.000000e-01 : f32
    %mul3A_35 = vector.broadcast %mul3A_34 : f32 to vector<1000x128xf32>
    %mul3A_36 = arith.mulf %mul3A_35, %mul3A_33 : vector<1000x128xf32>
    %max3A = arith.maximumf %mul3A_33, %mul3A_36 : vector<1000x128xf32>
    %reduce_sum3A = arith.constant dense<0.000000e+00> : vector<1000xf32>
    %reduce_sum3A_37 = vector.multi_reduction <add>, %max3A, %reduce_sum3A [1] : vector<1000x128xf32> to vector<1000xf32>
    %broadcast_in_dim3A_38 = vector.shape_cast %get3A_2 : vector<128xf32> to vector<1x128xf32>
    %mul3A_39 = vector.broadcast %broadcast_in_dim3A_38 : vector<1x128xf32> to vector<1000x128xf32>
    %mul3A_40 = arith.mulf %add3A_26, %mul3A_39 : vector<1000x128xf32>
    %mul3A_41 = arith.constant 2.000000e-01 : f32
    %mul3A_42 = vector.broadcast %mul3A_41 : f32 to vector<1000x128xf32>
    %mul3A_43 = arith.mulf %mul3A_42, %mul3A_40 : vector<1000x128xf32>
    %max3A_44 = arith.maximumf %mul3A_40, %mul3A_43 : vector<1000x128xf32>
    %reduce_sum3A_45 = arith.constant dense<0.000000e+00> : vector<1000xf32>
    %reduce_sum3A_46 = vector.multi_reduction <add>, %max3A_44, %reduce_sum3A_45 [1] : vector<1000x128xf32> to vector<1000xf32>
    %reshape3A = vector.shape_cast %reduce_sum3A_46 : vector<1000xf32> to vector<1x1x1000xf32>
    %swap3A_47 = arith.constant 0 : index
    %swap3A_48 = arith.constant 0 : index
    %swap3A_49 = arith.constant 0 : index
    %swap3A_50 = vector.load %arg13[%swap3A_47, %swap3A_48, %swap3A_49] : memref<1x1x1000xf32, #tpu.memory_space<vmem>>, vector<1x1x1000xf32>
    tpu.vector_store %arg13[%swap3A_47, %swap3A_48, %swap3A_49], %reshape3A {strides = array<i32>} : memref<1x1x1000xf32, #tpu.memory_space<vmem>>, vector<1x1x1000xf32>,
    %reduce_max3A = vector.shape_cast %reduce_sum3A_37 : vector<1000xf32> to vector<1x1000xf32>
    %reduce_max3A_51 = arith.constant dense<0xFF800000> : vector<1xf32>
    %reduce_max3A_52 = vector.multi_reduction <maximumf>, %reduce_max3A, %reduce_max3A_51 [1] : vector<1x1000xf32> to vector<1xf32>
    %reduce_max3A_53 = vector.shape_cast %reduce_max3A_52 : vector<1xf32> to vector<1x1xf32>
    %reduce_max3A_54 = vector.extract %reduce_max3A_53[0, 0] : f32 from vector<1x1xf32>
    %broadcast_in_dim3A_55 = vector.broadcast %reduce_max3A_54 : f32 to vector<1x1x1xf32>
    %swap3A_56 = arith.constant 0 : index
    %swap3A_57 = arith.constant 0 : index
    %swap3A_58 = arith.constant 0 : index
    %swap3A_59 = vector.load %arg14[%swap3A_56, %swap3A_57, %swap3A_58] : memref<1x1x1xf32, #tpu.memory_space<vmem>>, vector<1x1x1xf32>
    tpu.vector_store %arg14[%swap3A_56, %swap3A_57, %swap3A_58], %broadcast_in_dim3A_55 {strides = array<i32>} : memref<1x1x1xf32, #tpu.memory_space<vmem>>, vector<1x1x1xf32>,
    %eq3A = arith.constant 0 : i32
    %eq3A_60 = arith.cmpi eq, %arg0, %eq3A : i32
    %convert_element_type3A = arith.extui %eq3A_60 : i1 to i32
    %cond3A = arith.constant 0 : i32
    %cond3A_61 = arith.cmpi ne, %convert_element_type3A, %cond3A : i32
    scf.if %cond3A_61 {
      %get3A_62 = arith.constant 0 : index
      %get3A_63 = arith.constant 0 : index
      %get3A_64 = vector.load %arg8[%get3A_62, %get3A_63] : memref<64x128xf32, #tpu.memory_space<vmem>>, vector<64x128xf32>
      %get3A_65 = arith.constant 0 : index
      %get3A_66 = arith.constant 0 : index
      %get3A_67 = vector.load %arg6[%get3A_65, %get3A_66] : memref<128x128xf32, #tpu.memory_space<vmem>>, vector<128x128xf32>
      %dot_general3A_68 = arith.constant dense<0.000000e+00> : vector<64x128xf32>
      %dot_general3A_69 = tpu.matmul %get3A_64, %get3A_67, %dot_general3A_68 {dimension_numbers = #tpu.dot_dimension_numbers<[1], [0], [0], [1], [0, 0, 1, 1], [], []>, precision = #tpu.contract_precision<fp32>, transpose_lhs_hint = false} : vector<64x128xf32>, vector<128x128xf32>, vector<64x128xf32> -> vector<64x128xf32>
      %swap3A_70 = arith.constant 0 : index
      %swap3A_71 = arith.constant 0 : index
      %swap3A_72 = vector.load %arg16[%swap3A_70, %swap3A_71] : memref<64x128xf32, #tpu.memory_space<vmem>>, vector<64x128xf32>
      tpu.vector_store %arg16[%swap3A_70, %swap3A_71], %dot_general3A_69 {strides = array<i32>} : memref<64x128xf32, #tpu.memory_space<vmem>>, vector<64x128xf32>,
      %broadcast_in_dim3A_73 = vector.shape_cast %get3A_2 : vector<128xf32> to vector<1x128xf32>
      %mul3A_74 = vector.broadcast %broadcast_in_dim3A_73 : vector<1x128xf32> to vector<64x128xf32>
      %mul3A_75 = arith.mulf %dot_general3A_69, %mul3A_74 : vector<64x128xf32>
      %mul3A_76 = arith.constant 2.000000e-01 : f32
      %mul3A_77 = vector.broadcast %mul3A_76 : f32 to vector<64x128xf32>
      %mul3A_78 = arith.mulf %mul3A_77, %mul3A_75 : vector<64x128xf32>
      %max3A_79 = arith.maximumf %mul3A_75, %mul3A_78 : vector<64x128xf32>
      %reduce_sum3A_80 = arith.constant dense<0.000000e+00> : vector<64xf32>
      %reduce_sum3A_81 = vector.multi_reduction <add>, %max3A_79, %reduce_sum3A_80 [1] : vector<64x128xf32> to vector<64xf32>
      %reshape3A_82 = vector.shape_cast %reduce_sum3A_81 : vector<64xf32> to vector<1x1x64xf32>
      %swap3A_83 = arith.constant 0 : index
      %swap3A_84 = arith.constant 0 : index
      %swap3A_85 = arith.constant 0 : index
      %swap3A_86 = vector.load %arg15[%swap3A_83, %swap3A_84, %swap3A_85] : memref<1x1x64xf32, #tpu.memory_space<vmem>>, vector<1x1x64xf32>
      tpu.vector_store %arg15[%swap3A_83, %swap3A_84, %swap3A_85], %reshape3A_82 {strides = array<i32>} : memref<1x1x64xf32, #tpu.memory_space<vmem>>, vector<1x1x64xf32>,
      %max3A_87 = arith.constant 0.000000e+00 : f32
      %max3A_88 = vector.broadcast %max3A_87 : f32 to vector<64x128xf32>
      %max3A_89 = arith.maximumf %dot_general3A_69, %max3A_88 : vector<64x128xf32>
      %get3A_90 = arith.constant 0 : index
      %get3A_91 = arith.constant 0 : index
      %get3A_92 = vector.load %arg9[%get3A_90, %get3A_91] : memref<128x128xf32, #tpu.memory_space<vmem>>, vector<128x128xf32>
      %dot_general3A_93 = arith.constant dense<0.000000e+00> : vector<64x128xf32>
      %dot_general3A_94 = tpu.matmul %max3A_89, %get3A_92, %dot_general3A_93 {dimension_numbers = #tpu.dot_dimension_numbers<[1], [0], [0], [1], [0, 0, 1, 1], [], []>, precision = #tpu.contract_precision<fp32>, transpose_lhs_hint = false} : vector<64x128xf32>, vector<128x128xf32>, vector<64x128xf32> -> vector<64x128xf32>
      %get3A_95 = arith.constant 0 : index
      %get3A_96 = arith.constant 0 : index
      %get3A_97 = vector.load %arg10[%get3A_95, %get3A_96] : memref<1x128xf32, #tpu.memory_space<vmem>>, vector<1x128xf32>
      %get3A_98 = vector.shape_cast %get3A_97 : vector<1x128xf32> to vector<128xf32>
      %broadcast_in_dim3A_99 = vector.shape_cast %get3A_98 : vector<128xf32> to vector<1x128xf32>
      %add3A_100 = vector.broadcast %broadcast_in_dim3A_99 : vector<1x128xf32> to vector<64x128xf32>
      %add3A_101 = arith.addf %dot_general3A_94, %add3A_100 : vector<64x128xf32>
      %swap3A_102 = arith.constant 0 : index
      %swap3A_103 = arith.constant 0 : index
      %swap3A_104 = vector.load %arg17[%swap3A_102, %swap3A_103] : memref<64x128xf32, #tpu.memory_space<vmem>>, vector<64x128xf32>
      tpu.vector_store %arg17[%swap3A_102, %swap3A_103], %add3A_101 {strides = array<i32>} : memref<64x128xf32, #tpu.memory_space<vmem>>, vector<64x128xf32>,
    } else {
    }
    return
  }
  func.func @transform_0(%arg0: i32) -> (i32, i32) {
    %c0_i32 = arith.constant 0 : i32
    %c0_i32_0 = arith.constant 0 : i32
    return %arg0, %c0_i32 : i32, i32
  }
  func.func @transform_1(%arg0: i32) -> (i32, i32) {
    %c0_i32 = arith.constant 0 : i32
    %c0_i32_0 = arith.constant 0 : i32
    %c0_i32_1 = arith.constant 0 : i32
    return %c0_i32, %c0_i32_0 : i32, i32
  }
  func.func @transform_2(%arg0: i32) -> (i32, i32) {
    %c0_i32 = arith.constant 0 : i32
    %c0_i32_0 = arith.constant 0 : i32
    %c0_i32_1 = arith.constant 0 : i32
    return %c0_i32, %c0_i32_0 : i32, i32
  }
  func.func @transform_3(%arg0: i32) -> (i32, i32) {
    %c0_i32 = arith.constant 0 : i32
    %c0_i32_0 = arith.constant 0 : i32
    %c0_i32_1 = arith.constant 0 : i32
    return %c0_i32, %c0_i32_0 : i32, i32
  }
  func.func @transform_4(%arg0: i32) -> (i32, i32) {
    %c0_i32 = arith.constant 0 : i32
    %c0_i32_0 = arith.constant 0 : i32
    %c0_i32_1 = arith.constant 0 : i32
    return %c0_i32, %c0_i32_0 : i32, i32
  }
  func.func @transform_5(%arg0: i32) -> (i32, i32) {
    %c0_i32 = arith.constant 0 : i32
    %c0_i32_0 = arith.constant 0 : i32
    %c0_i32_1 = arith.constant 0 : i32
    return %c0_i32, %c0_i32_0 : i32, i32
  }
  func.func @transform_6(%arg0: i32) -> (i32, i32) {
    %c0_i32 = arith.constant 0 : i32
    %c0_i32_0 = arith.constant 0 : i32
    %c0_i32_1 = arith.constant 0 : i32
    return %c0_i32, %c0_i32_0 : i32, i32
  }
  func.func @transform_7(%arg0: i32) -> (i32, i32) {
    %c0_i32 = arith.constant 0 : i32
    %c0_i32_0 = arith.constant 0 : i32
    %c0_i32_1 = arith.constant 0 : i32
    return %c0_i32, %c0_i32_0 : i32, i32
  }
  func.func @transform_8(%arg0: i32) -> (i32, i32) {
    %c0_i32 = arith.constant 0 : i32
    %c0_i32_0 = arith.constant 0 : i32
    %c0_i32_1 = arith.constant 0 : i32
    return %c0_i32, %c0_i32_0 : i32, i32
  }
  func.func @transform_9(%arg0: i32) -> (i32, i32) {
    %c0_i32 = arith.constant 0 : i32
    %c0_i32_0 = arith.constant 0 : i32
    %c0_i32_1 = arith.constant 0 : i32
    return %c0_i32, %c0_i32_0 : i32, i32
  }
  func.func @transform_10(%arg0: i32) -> (i32, i32) {
    %c0_i32 = arith.constant 0 : i32
    %c0_i32_0 = arith.constant 0 : i32
    return %arg0, %c0_i32 : i32, i32
  }
  func.func @transform_11(%arg0: i32) -> (i32, i32) {
    %c0_i32 = arith.constant 0 : i32
    %c0_i32_0 = arith.constant 0 : i32
    return %arg0, %c0_i32 : i32, i32
  }
  func.func @transform_12(%arg0: i32) -> (i32, i32, i32) {
    %c0_i32 = arith.constant 0 : i32
    %c0_i32_0 = arith.constant 0 : i32
    %c0_i32_1 = arith.constant 0 : i32
    return %arg0, %c0_i32, %c0_i32_0 : i32, i32, i32
  }
  func.func @transform_13(%arg0: i32) -> (i32, i32, i32) {
    %c0_i32 = arith.constant 0 : i32
    %c0_i32_0 = arith.constant 0 : i32
    %c0_i32_1 = arith.constant 0 : i32
    return %arg0, %c0_i32, %c0_i32_0 : i32, i32, i32
  }
  func.func @transform_14(%arg0: i32) -> (i32, i32, i32) {
    %c0_i32 = arith.constant 0 : i32
    %c0_i32_0 = arith.constant 0 : i32
    %c0_i32_1 = arith.constant 0 : i32
    %c0_i32_2 = arith.constant 0 : i32
    return %c0_i32, %c0_i32_0, %c0_i32_1 : i32, i32, i32
  }
  func.func @transform_15(%arg0: i32) -> (i32, i32) {
    %c0_i32 = arith.constant 0 : i32
    %c0_i32_0 = arith.constant 0 : i32
    %c0_i32_1 = arith.constant 0 : i32
    return %c0_i32, %c0_i32_0 : i32, i32
  }
  func.func @transform_16(%arg0: i32) -> (i32, i32) {
    %c0_i32 = arith.constant 0 : i32
    %c0_i32_0 = arith.constant 0 : i32
    %c0_i32_1 = arith.constant 0 : i32
    return %c0_i32, %c0_i32_0 : i32, i32
  }
}

module attributes {stable_mosaic.version = 14 : i64} {
  func.func @_k2b_body(%arg0: i32, %arg1: memref<1000x128xf32, #tpu.memory_space<vmem>>, %arg2: memref<1000x128xf32, #tpu.memory_space<vmem>>, %arg3: memref<1000x64xf32, #tpu.memory_space<vmem>>, %arg4: memref<64x128xf32, #tpu.memory_space<vmem>>, %arg5: memref<1x128xf32, #tpu.memory_space<vmem>>, %arg6: memref<1x1x1000xf32, #tpu.memory_space<vmem>>, %arg7: memref<10x1x1xf32, #tpu.memory_space<vmem>>, %arg8: memref<1x1x64xf32, #tpu.memory_space<vmem>>, %arg9: memref<1x1x1000xf32, #tpu.memory_space<vmem>>, %arg10: memref<1x1x1000xf32, #tpu.memory_space<vmem>>) attributes {dimension_semantics = [#tpu.dimension_semantics<arbitrary>], iteration_bounds = array<i64: 10>, scalar_prefetch = 0 : i64, scratch_operands = 0 : i64, tpu.core_type = #tpu.core_type<tc>, window_params = [{transform_indices = @transform_0, window_bounds = array<i64: 1000, 128>}, {transform_indices = @transform_1, window_bounds = array<i64: 1000, 128>}, {transform_indices = @transform_2, window_bounds = array<i64: 1000, 64>}, {pipeline_mode = #tpu.pipeline_mode<synchronous>, transform_indices = @transform_3, window_bounds = array<i64: 64, 128>}, {pipeline_mode = #tpu.pipeline_mode<synchronous>, transform_indices = @transform_4, window_bounds = array<i64: 1, 128>}, {transform_indices = @transform_5, window_bounds = array<i64: 1, 1, 1000>}, {pipeline_mode = #tpu.pipeline_mode<synchronous>, transform_indices = @transform_6, window_bounds = array<i64: 10, 1, 1>}, {pipeline_mode = #tpu.pipeline_mode<synchronous>, transform_indices = @transform_7, window_bounds = array<i64: 1, 1, 64>}, {transform_indices = @transform_8, window_bounds = array<i64: 1, 1, 1000>}, {transform_indices = @transform_9, window_bounds = array<i64: 1, 1, 1000>}]} {
    %get3A = arith.constant 0 : index
    %get3A_0 = arith.constant 0 : index
    %get3A_1 = vector.load %arg5[%get3A, %get3A_0] : memref<1x128xf32, #tpu.memory_space<vmem>>, vector<1x128xf32>
    %get3A_2 = vector.shape_cast %get3A_1 : vector<1x128xf32> to vector<128xf32>
    %get3A_3 = arith.constant 0 : index
    %get3A_4 = arith.constant 0 : index
    %get3A_5 = vector.load %arg3[%get3A_3, %get3A_4] : memref<1000x64xf32, #tpu.memory_space<vmem>>, vector<1000x64xf32>
    %reduce_sum3A = arith.constant dense<0.000000e+00> : vector<1000xf32>
    %reduce_sum3A_6 = vector.multi_reduction <add>, %get3A_5, %reduce_sum3A [1] : vector<1000x64xf32> to vector<1000xf32>
    %get3A_7 = arith.constant 0 : index
    %get3A_8 = arith.constant 0 : index
    %get3A_9 = vector.load %arg4[%get3A_7, %get3A_8] : memref<64x128xf32, #tpu.memory_space<vmem>>, vector<64x128xf32>
    %dot_general3A = arith.constant dense<0.000000e+00> : vector<1000x128xf32>
    %dot_general3A_10 = tpu.matmul %get3A_5, %get3A_9, %dot_general3A {dimension_numbers = #tpu.dot_dimension_numbers<[1], [0], [0], [1], [0, 0, 1, 1], [], []>, precision = #tpu.contract_precision<fp32>, transpose_lhs_hint = false} : vector<1000x64xf32>, vector<64x128xf32>, vector<1000x128xf32> -> vector<1000x128xf32>
    %max3A = arith.constant 1.000000e+00 : f32
    %max3A_11 = vector.broadcast %max3A : f32 to vector<1000xf32>
    %max3A_12 = arith.maximumf %reduce_sum3A_6, %max3A_11 : vector<1000xf32>
    %broadcast_in_dim3A = vector.shape_cast %max3A_12 : vector<1000xf32> to vector<1000x1xf32>
    %div3A = vector.broadcast %broadcast_in_dim3A : vector<1000x1xf32> to vector<1000x128xf32>
    %div3A_13 = arith.divf %dot_general3A_10, %div3A : vector<1000x128xf32>
    %get3A_14 = arith.constant 0 : index
    %get3A_15 = arith.constant 0 : index
    %get3A_16 = vector.load %arg1[%get3A_14, %get3A_15] : memref<1000x128xf32, #tpu.memory_space<vmem>>, vector<1000x128xf32>
    %get3A_17 = arith.constant 0 : index
    %get3A_18 = arith.constant 0 : index
    %get3A_19 = vector.load %arg2[%get3A_17, %get3A_18] : memref<1000x128xf32, #tpu.memory_space<vmem>>, vector<1000x128xf32>
    %add3A = arith.addf %get3A_16, %get3A_19 : vector<1000x128xf32>
    %add3A_20 = arith.addf %add3A, %div3A_13 : vector<1000x128xf32>
    %mul3A = arith.constant 2.000000e-01 : f32
    %mul3A_21 = vector.broadcast %mul3A : f32 to vector<1000x128xf32>
    %mul3A_22 = arith.mulf %mul3A_21, %add3A_20 : vector<1000x128xf32>
    %max3A_23 = arith.maximumf %add3A_20, %mul3A_22 : vector<1000x128xf32>
    %broadcast_in_dim3A_24 = vector.shape_cast %get3A_2 : vector<128xf32> to vector<1x128xf32>
    %mul3A_25 = vector.broadcast %broadcast_in_dim3A_24 : vector<1x128xf32> to vector<1000x128xf32>
    %mul3A_26 = arith.mulf %max3A_23, %mul3A_25 : vector<1000x128xf32>
    %reduce_sum3A_27 = arith.constant dense<0.000000e+00> : vector<1000xf32>
    %reduce_sum3A_28 = vector.multi_reduction <add>, %mul3A_26, %reduce_sum3A_27 [1] : vector<1000x128xf32> to vector<1000xf32>
    %get3A_29 = arith.constant 0 : index
    %get3A_30 = arith.constant 0 : index
    %get3A_31 = arith.constant 0 : index
    %get3A_32 = vector.load %arg6[%get3A_29, %get3A_30, %get3A_31] : memref<1x1x1000xf32, #tpu.memory_space<vmem>>, vector<1x1x1000xf32>
    %get3A_33 = vector.shape_cast %get3A_32 : vector<1x1x1000xf32> to vector<1000xf32>
    %get3A_34 = arith.constant 0 : index
    %get3A_35 = arith.constant 0 : index
    %get3A_36 = arith.constant 0 : index
    %get3A_37 = vector.load %arg7[%get3A_34, %get3A_35, %get3A_36] : memref<10x1x1xf32, #tpu.memory_space<vmem>>, vector<10x1x1xf32>
    %reduce_max3A = vector.shape_cast %get3A_37 : vector<10x1x1xf32> to vector<1x10x1x1xf32>
    %reduce_max3A_38 = arith.constant dense<0xFF800000> : vector<1xf32>
    %reduce_max3A_39 = vector.multi_reduction <maximumf>, %reduce_max3A, %reduce_max3A_38 [1, 2, 3] : vector<1x10x1x1xf32> to vector<1xf32>
    %reduce_max3A_40 = vector.shape_cast %reduce_max3A_39 : vector<1xf32> to vector<1x1x1x1xf32>
    %reduce_max3A_41 = vector.extract %reduce_max3A_40[0, 0, 0, 0] : f32 from vector<1x1x1x1xf32>
    %add3A_42 = vector.broadcast %reduce_max3A_41 : f32 to vector<1000xf32>
    %add3A_43 = arith.addf %get3A_33, %add3A_42 : vector<1000xf32>
    %get3A_44 = arith.constant 0 : index
    %get3A_45 = arith.constant 0 : index
    %get3A_46 = arith.constant 0 : index
    %get3A_47 = vector.load %arg8[%get3A_44, %get3A_45, %get3A_46] : memref<1x1x64xf32, #tpu.memory_space<vmem>>, vector<1x1x64xf32>
    %reduce_max3A_48 = vector.shape_cast %get3A_47 : vector<1x1x64xf32> to vector<1x1x1x64xf32>
    %reduce_max3A_49 = arith.constant dense<0xFF800000> : vector<1xf32>
    %reduce_max3A_50 = vector.multi_reduction <maximumf>, %reduce_max3A_48, %reduce_max3A_49 [1, 2, 3] : vector<1x1x1x64xf32> to vector<1xf32>
    %reduce_max3A_51 = vector.shape_cast %reduce_max3A_50 : vector<1xf32> to vector<1x1x1x1xf32>
    %reduce_max3A_52 = vector.extract %reduce_max3A_51[0, 0, 0, 0] : f32 from vector<1x1x1x1xf32>
    %add3A_53 = vector.broadcast %reduce_max3A_52 : f32 to vector<1000xf32>
    %add3A_54 = arith.addf %add3A_43, %add3A_53 : vector<1000xf32>
    %max3A_55 = arith.maximumf %add3A_54, %reduce_sum3A_28 : vector<1000xf32>
    %reshape3A = vector.shape_cast %max3A_55 : vector<1000xf32> to vector<1x1x1000xf32>
    %swap3A = arith.constant 0 : index
    %swap3A_56 = arith.constant 0 : index
    %swap3A_57 = arith.constant 0 : index
    %swap3A_58 = vector.load %arg9[%swap3A, %swap3A_56, %swap3A_57] : memref<1x1x1000xf32, #tpu.memory_space<vmem>>, vector<1x1x1000xf32>
    tpu.vector_store %arg9[%swap3A, %swap3A_56, %swap3A_57], %reshape3A {strides = array<i32>} : memref<1x1x1000xf32, #tpu.memory_space<vmem>>, vector<1x1x1000xf32>,
    %sub3A = arith.subf %reduce_sum3A_28, %max3A_55 : vector<1000xf32>
    %exp3A = math.exp %sub3A : vector<1000xf32>
    %reshape3A_59 = vector.shape_cast %exp3A : vector<1000xf32> to vector<1x1x1000xf32>
    %swap3A_60 = arith.constant 0 : index
    %swap3A_61 = arith.constant 0 : index
    %swap3A_62 = arith.constant 0 : index
    %swap3A_63 = vector.load %arg10[%swap3A_60, %swap3A_61, %swap3A_62] : memref<1x1x1000xf32, #tpu.memory_space<vmem>>, vector<1x1x1000xf32>
    tpu.vector_store %arg10[%swap3A_60, %swap3A_61, %swap3A_62], %reshape3A_59 {strides = array<i32>} : memref<1x1x1000xf32, #tpu.memory_space<vmem>>, vector<1x1x1000xf32>,
    return
  }
  func.func @transform_0(%arg0: i32) -> (i32, i32) {
    %c0_i32 = arith.constant 0 : i32
    %c0_i32_0 = arith.constant 0 : i32
    return %arg0, %c0_i32 : i32, i32
  }
  func.func @transform_1(%arg0: i32) -> (i32, i32) {
    %c0_i32 = arith.constant 0 : i32
    %c0_i32_0 = arith.constant 0 : i32
    return %arg0, %c0_i32 : i32, i32
  }
  func.func @transform_2(%arg0: i32) -> (i32, i32) {
    %c0_i32 = arith.constant 0 : i32
    %c0_i32_0 = arith.constant 0 : i32
    return %arg0, %c0_i32 : i32, i32
  }
  func.func @transform_3(%arg0: i32) -> (i32, i32) {
    %c0_i32 = arith.constant 0 : i32
    %c0_i32_0 = arith.constant 0 : i32
    %c0_i32_1 = arith.constant 0 : i32
    return %c0_i32, %c0_i32_0 : i32, i32
  }
  func.func @transform_4(%arg0: i32) -> (i32, i32) {
    %c0_i32 = arith.constant 0 : i32
    %c0_i32_0 = arith.constant 0 : i32
    %c0_i32_1 = arith.constant 0 : i32
    return %c0_i32, %c0_i32_0 : i32, i32
  }
  func.func @transform_5(%arg0: i32) -> (i32, i32, i32) {
    %c0_i32 = arith.constant 0 : i32
    %c0_i32_0 = arith.constant 0 : i32
    %c0_i32_1 = arith.constant 0 : i32
    return %arg0, %c0_i32, %c0_i32_0 : i32, i32, i32
  }
  func.func @transform_6(%arg0: i32) -> (i32, i32, i32) {
    %c0_i32 = arith.constant 0 : i32
    %c0_i32_0 = arith.constant 0 : i32
    %c0_i32_1 = arith.constant 0 : i32
    %c0_i32_2 = arith.constant 0 : i32
    return %c0_i32, %c0_i32_0, %c0_i32_1 : i32, i32, i32
  }
  func.func @transform_7(%arg0: i32) -> (i32, i32, i32) {
    %c0_i32 = arith.constant 0 : i32
    %c0_i32_0 = arith.constant 0 : i32
    %c0_i32_1 = arith.constant 0 : i32
    %c0_i32_2 = arith.constant 0 : i32
    return %c0_i32, %c0_i32_0, %c0_i32_1 : i32, i32, i32
  }
  func.func @transform_8(%arg0: i32) -> (i32, i32, i32) {
    %c0_i32 = arith.constant 0 : i32
    %c0_i32_0 = arith.constant 0 : i32
    %c0_i32_1 = arith.constant 0 : i32
    return %arg0, %c0_i32, %c0_i32_0 : i32, i32, i32
  }
  func.func @transform_9(%arg0: i32) -> (i32, i32, i32) {
    %c0_i32 = arith.constant 0 : i32
    %c0_i32_0 = arith.constant 0 : i32
    %c0_i32_1 = arith.constant 0 : i32
    return %arg0, %c0_i32, %c0_i32_0 : i32, i32, i32
  }
}

module attributes {stable_mosaic.version = 14 : i64} {
  func.func @_k4_body(%arg0: i32, %arg1: memref<1000x128xf32, #tpu.memory_space<vmem>>, %arg2: memref<1000x128xf32, #tpu.memory_space<vmem>>, %arg3: memref<1x1x1000xf32, #tpu.memory_space<vmem>>, %arg4: memref<1x1x1000xf32, #tpu.memory_space<vmem>>, %arg5: memref<1x1x1000xf32, #tpu.memory_space<vmem>>, %arg6: memref<1000x128xf32, #tpu.memory_space<vmem>>, %arg7: memref<1x128xf32, #tpu.memory_space<vmem>>, %arg8: memref<1000x128xf32, #tpu.memory_space<vmem>>) attributes {dimension_semantics = [#tpu.dimension_semantics<arbitrary>], iteration_bounds = array<i64: 10>, scalar_prefetch = 0 : i64, scratch_operands = 0 : i64, tpu.core_type = #tpu.core_type<tc>, window_params = [{transform_indices = @transform_0, window_bounds = array<i64: 1000, 128>}, {transform_indices = @transform_1, window_bounds = array<i64: 1000, 128>}, {transform_indices = @transform_2, window_bounds = array<i64: 1, 1, 1000>}, {transform_indices = @transform_3, window_bounds = array<i64: 1, 1, 1000>}, {transform_indices = @transform_4, window_bounds = array<i64: 1, 1, 1000>}, {transform_indices = @transform_5, window_bounds = array<i64: 1000, 128>}, {pipeline_mode = #tpu.pipeline_mode<synchronous>, transform_indices = @transform_6, window_bounds = array<i64: 1, 128>}, {transform_indices = @transform_7, window_bounds = array<i64: 1000, 128>}]} {
    %get3A = arith.constant 0 : index
    %get3A_0 = arith.constant 0 : index
    %get3A_1 = arith.constant 0 : index
    %get3A_2 = vector.load %arg5[%get3A, %get3A_0, %get3A_1] : memref<1x1x1000xf32, #tpu.memory_space<vmem>>, vector<1x1x1000xf32>
    %get3A_3 = vector.shape_cast %get3A_2 : vector<1x1x1000xf32> to vector<1000xf32>
    %get3A_4 = arith.constant 0 : index
    %get3A_5 = arith.constant 0 : index
    %get3A_6 = arith.constant 0 : index
    %get3A_7 = vector.load %arg3[%get3A_4, %get3A_5, %get3A_6] : memref<1x1x1000xf32, #tpu.memory_space<vmem>>, vector<1x1x1000xf32>
    %get3A_8 = vector.shape_cast %get3A_7 : vector<1x1x1000xf32> to vector<1000xf32>
    %get3A_9 = arith.constant 0 : index
    %get3A_10 = arith.constant 0 : index
    %get3A_11 = arith.constant 0 : index
    %get3A_12 = vector.load %arg4[%get3A_9, %get3A_10, %get3A_11] : memref<1x1x1000xf32, #tpu.memory_space<vmem>>, vector<1x1x1000xf32>
    %get3A_13 = vector.shape_cast %get3A_12 : vector<1x1x1000xf32> to vector<1000xf32>
    %add3A = arith.addf %get3A_8, %get3A_13 : vector<1000xf32>
    %add3A_14 = arith.addf %add3A, %get3A_3 : vector<1000xf32>
    %get3A_15 = arith.constant 0 : index
    %get3A_16 = arith.constant 0 : index
    %get3A_17 = vector.load %arg1[%get3A_15, %get3A_16] : memref<1000x128xf32, #tpu.memory_space<vmem>>, vector<1000x128xf32>
    %get3A_18 = arith.constant 0 : index
    %get3A_19 = arith.constant 0 : index
    %get3A_20 = vector.load %arg2[%get3A_18, %get3A_19] : memref<1000x128xf32, #tpu.memory_space<vmem>>, vector<1000x128xf32>
    %add3A_21 = arith.addf %get3A_17, %get3A_20 : vector<1000x128xf32>
    %broadcast_in_dim3A = vector.shape_cast %get3A_3 : vector<1000xf32> to vector<1000x1xf32>
    %get3A_22 = arith.constant 0 : index
    %get3A_23 = arith.constant 0 : index
    %get3A_24 = vector.load %arg6[%get3A_22, %get3A_23] : memref<1000x128xf32, #tpu.memory_space<vmem>>, vector<1000x128xf32>
    %mul3A = vector.broadcast %broadcast_in_dim3A : vector<1000x1xf32> to vector<1000x128xf32>
    %mul3A_25 = arith.mulf %mul3A, %get3A_24 : vector<1000x128xf32>
    %add3A_26 = arith.addf %add3A_21, %mul3A_25 : vector<1000x128xf32>
    %broadcast_in_dim3A_27 = vector.shape_cast %add3A_14 : vector<1000xf32> to vector<1000x1xf32>
    %div3A = vector.broadcast %broadcast_in_dim3A_27 : vector<1000x1xf32> to vector<1000x128xf32>
    %div3A_28 = arith.divf %add3A_26, %div3A : vector<1000x128xf32>
    %get3A_29 = arith.constant 0 : index
    %get3A_30 = arith.constant 0 : index
    %get3A_31 = vector.load %arg7[%get3A_29, %get3A_30] : memref<1x128xf32, #tpu.memory_space<vmem>>, vector<1x128xf32>
    %get3A_32 = vector.shape_cast %get3A_31 : vector<1x128xf32> to vector<128xf32>
    %broadcast_in_dim3A_33 = vector.shape_cast %get3A_32 : vector<128xf32> to vector<1x128xf32>
    %add3A_34 = vector.broadcast %broadcast_in_dim3A_33 : vector<1x128xf32> to vector<1000x128xf32>
    %add3A_35 = arith.addf %div3A_28, %add3A_34 : vector<1000x128xf32>
    %swap3A = arith.constant 0 : index
    %swap3A_36 = arith.constant 0 : index
    %swap3A_37 = vector.load %arg8[%swap3A, %swap3A_36] : memref<1000x128xf32, #tpu.memory_space<vmem>>, vector<1000x128xf32>
    tpu.vector_store %arg8[%swap3A, %swap3A_36], %add3A_35 {strides = array<i32>} : memref<1000x128xf32, #tpu.memory_space<vmem>>, vector<1000x128xf32>,
    return
  }
  func.func @transform_0(%arg0: i32) -> (i32, i32) {
    %c0_i32 = arith.constant 0 : i32
    %c0_i32_0 = arith.constant 0 : i32
    return %arg0, %c0_i32 : i32, i32
  }
  func.func @transform_1(%arg0: i32) -> (i32, i32) {
    %c0_i32 = arith.constant 0 : i32
    %c0_i32_0 = arith.constant 0 : i32
    return %arg0, %c0_i32 : i32, i32
  }
  func.func @transform_2(%arg0: i32) -> (i32, i32, i32) {
    %c0_i32 = arith.constant 0 : i32
    %c0_i32_0 = arith.constant 0 : i32
    %c0_i32_1 = arith.constant 0 : i32
    return %arg0, %c0_i32, %c0_i32_0 : i32, i32, i32
  }
  func.func @transform_3(%arg0: i32) -> (i32, i32, i32) {
    %c0_i32 = arith.constant 0 : i32
    %c0_i32_0 = arith.constant 0 : i32
    %c0_i32_1 = arith.constant 0 : i32
    return %arg0, %c0_i32, %c0_i32_0 : i32, i32, i32
  }
  func.func @transform_4(%arg0: i32) -> (i32, i32, i32) {
    %c0_i32 = arith.constant 0 : i32
    %c0_i32_0 = arith.constant 0 : i32
    %c0_i32_1 = arith.constant 0 : i32
    return %arg0, %c0_i32, %c0_i32_0 : i32, i32, i32
  }
  func.func @transform_5(%arg0: i32) -> (i32, i32) {
    %c0_i32 = arith.constant 0 : i32
    %c0_i32_0 = arith.constant 0 : i32
    return %arg0, %c0_i32 : i32, i32
  }
  func.func @transform_6(%arg0: i32) -> (i32, i32) {
    %c0_i32 = arith.constant 0 : i32
    %c0_i32_0 = arith.constant 0 : i32
    %c0_i32_1 = arith.constant 0 : i32
    return %c0_i32, %c0_i32_0 : i32, i32
  }
  func.func @transform_7(%arg0: i32) -> (i32, i32) {
    %c0_i32 = arith.constant 0 : i32
    %c0_i32_0 = arith.constant 0 : i32
    return %arg0, %c0_i32 : i32, i32
  }
}

</mosaic_0001>

<sc_bundles>
// kernel: kernel.10.cloned.1.call-start
scs
__scs_entry_jumppad:
0x0: {  	(pc) =	sbr.rel $0x88, $3  }
0x1: {  	(tag) =	ssettag $0x0;
	lr =	simm.s32 $0x1  }
0x2: {  	[smem:$0x3F94] =	sst lr;
	_ =	strace $0xD0000000  }
0x3: {  	_ = 	snop  }
0x4: {  	_ = 	snop  }
0x5: {  	_ = 	snop  }
0x6: {  	_ = 	snop  }
0x7: {  	_ = 	snop  }
__scs_overlays_trampoline_lowered:
0x8: {  	[smem:$0x3FA3] =	sst s0  }
0x9: {  	[smem:$0x3FA4] =	sst s1  }
0xa: {  	[smem:$0x3FA5] =	sst s2  }
0xb: {  	[smem:$0x3FA6] =	sst s3  }
0xc: {  	[smem:$0x3FA7] =	sst s4  }
0xd: {  	[smem:$0x3FA8] =	sst s5  }
0xe: {  	[smem:$0x3FA9] =	sst s6  }
0xf: {  	[smem:$0x3FAA] =	sst s7  }
0x10: {  	[smem:$0x3FAB] =	sst s8  }
0x11: {  	[smem:$0x3FAC] =	sst s9;
	s0 =	simm.s32 @!p0 $0x0  }
0x12: {  	s1 =	sld [smem:$0x3F92];
	s0 =	simm.s32 @p0 $0x1  }
0x13: {  	[smem:$0x3FAD] =	sst s0;
	s0 =	simm.s32 @!p1 $0x0  }
0x14: {  	s2 =	sld [smem:$0x3F91];
	s0 =	simm.s32 @p1 $0x1  }
0x15: {  	[smem:$0x3FAE] =	sst s0;
	s0 =	simm.s32 @!p2 $0x0  }
0x16: {  	s3 =	sld [smem:$0x3FDB];
	s0 =	simm.s32 @p2 $0x1  }
0x17: {  	s4 =	simm.s32 $0x1BF5;
	[smem:$0x3FB0] =	sst s0  }
0x18: {  	s0 =	sld [smem:$0x3F93];
	_ =	swait.ge [sflag:s4], $0x0  }
0x19: {  	s7 =	sld [smem:$0x3F94]  }
0x1a: {  	s8 =	sadd.s32 $0xFFFFE003, lr  }
0x1b: {  	s9 =	sadd.s32 $0xFFFFFEF7, lr;
	s5 =	simm.s32 $0xFFFFFFFF;
	p2 =	slt.u32 s8, $0xFFFFF086  }
0x1c: {  	p1 =	slt.u32 s9, $0xF7A;
	s5 =	simm.s32 @!p2 $0x0  }
0x1d: {  	s5 =	simm.s32 @p1 $0x1;
	p0 =	seq.s32 s7, s2  }
0x1e: {  	s7 =	smul.u32 @!p0 $0xF7A, s2;
	p2 =	seq.s32 @!p0 s5, $0x0  }
0x1f: {  	s9 =	smul.u32 $0xF7A, s1;
	s8 =	simm.s32 @!p0 $0x1BF5;
	p2 =	por !p2, p0  }
0x20: {  	[sflag:s8] =	ssyncset.s32 @!p0 $0xFFFFF086;
	s6 =	sadd.s32 @!p0 s3, s7;
	s7 =	simm.s32 @!p0 $0x108  }
0x21: {  	s3 =	sadd.s32 s3, s9;
	s6 =	sadd.s32 @!p0 $0x88, s6;
	s7 =	simm.s32 @p2 $0x1082  }
0x22: {  	[simem:s7], [sflag:s8] =	dma.local @!p0 [hbm:s6], $0xF7A  }
0x23: {  	s9 =	sor.u32 $0xD0000000, s2;
	s6 =	simm.s32 $0x108;
	_ =	swait.ge @!p0 [sflag:s8], $0x0  }
0x24: {  	s3 =	sadd.s32 $0x88, s3;
	s6 =	simm.s32 @!p1 $0x1082;
	[sflag:s4] =	ssyncset.s32 $0xFFFFF086  }
0x25: {  	[simem:s6], [sflag:s4] =	dma.local [hbm:s3], $0xF7A  }
0x26: {  	[smem:$0x3F94] =	sst s1;
	(tag) =	ssettag s2;
	_ =	strace s9  }
0x27: {  	s1 =	sld [smem:$0x3FA4]  }
0x28: {  	s2 =	sld [smem:$0x3FA5]  }
0x29: {  	s4 =	sld [smem:$0x3FA7]  }
0x2a: {  	p0 =	seq.s32 s5, $0x0;
	s5 =	sld [smem:$0x3FA8]  }
0x2b: {  	s6 =	sld [smem:$0x3FA9]  }
0x2c: {  	s7 =	sld [smem:$0x3FAA]  }
0x2d: {  	s3 =	simm.s32 $0x108;
	s8 =	sld [smem:$0x3FAB]  }
0x2e: {  	s3 =	simm.s32 @!p0 $0x1082;
	s9 =	sld [smem:$0x3FAC]  }
0x2f: {  	lr =	sadd.s32 s0, s3;
	s0 =	sld [smem:$0x3FA3]  }
0x30: {  	s3 =	sld [smem:$0x3FA6]  }
0x31: {  	[smem:$0x3FAF] =	sst s10  }
0x32: {  	s10 =	sld [smem:$0x3FAD];
	_ =	sdelay $0x3  }
0x33: {  	p0 =	seq.s32 s10, $0x1;
	s10 =	sld [smem:$0x3FAF];
	_ =	sdelay $0x3  }
0x34: {  	[smem:$0x3FAF] =	sst s10  }
0x35: {  	s10 =	sld [smem:$0x3FAE];
	_ =	sdelay $0x3  }
0x36: {  	p1 =	seq.s32 s10, $0x1;
	s10 =	sld [smem:$0x3FAF];
	_ =	sdelay $0x3  }
0x37: {  	[smem:$0x3FAF] =	sst s10  }
0x38: {  	s10 =	sld [smem:$0x3FB0]  }
0x39: {  	_ = 	snop;
	(pc) =	sbr.ind lr, $3  }
0x3a: {  	_ = 	snop  }
0x3b: {  	_ = 	snop  }
0x3c: {  	p2 =	seq.s32 s10, $0x1;
	s10 =	sld [smem:$0x3FAF]  }
0x3d: {  	_ =	shalt  }
0x3e: {  	_ =	shalt  }
0x3f: {  	_ =	shalt  }
0x40: {  	_ =	shalt  }
0x41: {  	_ =	shalt  }
0x42: {  	_ =	shalt  }
0x43: {  	_ =	shalt  }
0x44: {  	_ =	shalt  }
0x45: {  	_ =	shalt  }
0x46: {  	_ =	shalt  }
0x47: {  	_ =	shalt  }
0x48: {  	_ =	shalt  }
0x49: {  	_ =	shalt  }
0x4a: {  	_ =	shalt  }
0x4b: {  	_ =	shalt  }
0x4c: {  	_ =	shalt  }
0x4d: {  	_ =	shalt  }
0x4e: {  	_ =	shalt  }
0x4f: {  	_ =	shalt  }
0x50: {  	_ =	shalt  }
0x51: {  	_ =	shalt  }
0x52: {  	_ =	shalt  }
0x53: {  	_ =	shalt  }
0x54: {  	_ =	shalt  }
0x55: {  	_ =	shalt  }
0x56: {  	_ =	shalt  }
0x57: {  	_ =	shalt  }
0x58: {  	_ =	shalt  }
0x59: {  	_ =	shalt  }
0x5a: {  	_ =	shalt  }
0x5b: {  	_ =	shalt  }
0x5c: {  	_ =	shalt  }
0x5d: {  	_ =	shalt  }
0x5e: {  	_ =	shalt  }
0x5f: {  	_ =	shalt  }
0x60: {  	_ =	shalt  }
0x61: {  	_ =	shalt  }
0x62: {  	_ =	shalt  }
0x63: {  	_ =	shalt  }
0x64: {  	_ =	shalt  }
0x65: {  	_ =	shalt  }
0x66: {  	_ =	shalt  }
0x67: {  	_ =	shalt  }
0x68: {  	_ =	shalt  }
0x69: {  	_ =	shalt  }
0x6a: {  	_ =	shalt  }
0x6b: {  	_ =	shalt  }
0x6c: {  	_ =	shalt  }
0x6d: {  	_ =	shalt  }
0x6e: {  	_ =	shalt  }
0x6f: {  	_ =	shalt  }
0x70: {  	_ =	shalt  }
0x71: {  	_ =	shalt  }
0x72: {  	_ =	shalt  }
0x73: {  	_ =	shalt  }
0x74: {  	_ =	shalt  }
0x75: {  	_ =	shalt  }
0x76: {  	_ =	shalt  }
0x77: {  	_ =	shalt  }
0x78: {  	_ =	shalt  }
0x79: {  	_ =	shalt  }
0x7a: {  	_ =	shalt  }
0x7b: {  	_ =	shalt  }
0x7c: {  	_ =	shalt  }
0x7d: {  	_ =	shalt  }
0x7e: {  	_ =	shalt  }
0x7f: {  	_ =	shalt  }
0x80: {  	_ =	shalt  }
0x81: {  	_ =	shalt  }
0x82: {  	_ =	shalt  }
0x83: {  	_ =	shalt  }
0x84: {  	_ =	shalt  }
0x85: {  	_ =	shalt  }
0x86: {  	_ =	shalt  }
0x87: {  	_ =	shalt  }
.Lfunc_end0:
.L_simem_size_0:
called_computation.1_lowered:
.L_overlay_start_0:
0x88: {  	s2 =	sld [smem:$0x3FD9]  }
0x89: {  	s3 =	sld [smem:$0x3FFE];
	_ =	sdelay $0x1  }
0x8a: {  	s1 =	srdreg.scid  }
0x8b: {  	s0 =	sand.u32 $0x1, s1  }
0x8c: {  	s14 =	sshll.u32 s0, $0xA;
	s2 =	sadd.s32 s3, s2  }
0x8d: {  	s2 =	sadd.s32 s2, s14  }
0x8e: {  	[smem:$0x3FBB] =	sst s2  }
0x8f: {  	_ = 	snop  }
0x90: {  	s2 =	sld [smem:$0x3FD0];
	_ =	sdelay $0x2  }
0x91: {  	s4 =	simm.s32 $0xA;
	s5 =	simm.s32 $0x10;
	s15 =	sld [smem:$0x3FC0]  }
0x92: {  	[smem:s5], [sflag:s4] =	dma.local [hbm:s2], $0x1  }
0x93: {  	_ =	swait.eq [sflag:s4], $0x1  }
0x94: {  	[sflag:s4] =	ssyncset.done $0x0  }
0x95: {  	[sflag:s4] =	ssyncadd.s32 $0xFFFFFFFF  }
0x96: {  	s16 =	sld [smem:$0x10];
	(tm) =	ssettm $0x1  }
0x97: {  	s17 =	sld [smem:$0x3FFB];
	_ =	sdelay $0x3  }
0x98: {  	_ =	strace s17  }
0x99: {  	s4 =	sld [smem:$0x3FFC];
	_ =	sdelay $0x3  }
0x9a: {  	_ =	strace s4  }
0x9b: {  	s4 =	sld [smem:$0x3FFD];
	_ =	sdelay $0x3  }
0x9c: {  	_ =	strace s4  }
0x9d: {  	_ =	strace $0x8FFFFFFF  }
0x9e: {  	s18 =	sld [smem:$0x3FDB];
	_ =	sdelay $0x1  }
0x9f: {  	s19 =	simm.s32 $_scs_section_size  }
0xa0: {  	s6 =	simm.s32 $_size__tile_overlayer_lowered;
	s7 =	simm.s32 $_tile_overlayer_lowered  }
0xa1: {  	s22 =	simm.s32 $0x1BFF;
	s21 =	sshll.u32 s7, $0x1;
	s4 =	sadd.s32 s19, s18  }
0xa2: {  	s8 =	simm.s32 $0x0;
	s20 =	sshll.u32 s6, $0x1;
	s6 =	sadd.s32 s21, s4  }
0xa3: {  	[timem:s8], [sflag:s22] =	dma.local [hbm:s6], s20  }
0xa4: {  	_ =	swait.ge [sflag:s22], s20  }
0xa5: {  	s5 =	ssub.s32 $0x0, s20;
	[sflag:s22] =	ssyncset.done $0x0  }
0xa6: {  	[sflag:s22] =	ssyncadd.s32 s5;
	_ =	sdelay $0x1  }
0xa7: {  	s23 =	simm.s32 $0x1B8B  }
0xa8: {  	_ =	swait.ge [sflag:s23], $0x1  }
0xa9: {  	[sflag:s23] =	ssyncset.done $0x0  }
0xaa: {  	s25 =	simm.s32 $0x1B8E;
	s24 =	sld [smem:$0x3FFE];
	[sflag:s23] =	ssyncadd.s32 $0xFFFFFFFF  }
0xab: {  	s26 =	simm.s32 $execute0_lowered;
	[smem:$0x3FD2] =	sst s25  }
0xac: {  	s6 =	sshll.u32 s26, $0x1;
	_ =	strace $0x80000049;
	[dreg:$0x1] =	wrdreg $0xFFFFFFFF  }
0xad: {  	s28 =	simm.s32 $_size_execute0_lowered;
	s4 =	sadd.s32 s4, s6;
	[dreg:$0x0] =	wrdreg $0x0  }
0xae: {  	s6 =	sshll.u32 s28, $0x1;
	[dreg:$0x2] =	wrdreg s4  }
0xaf: {  	[dreg:$0x3] =	wrdreg s6  }
0xb0: {  	[dreg:$0x4] =	wrdreg $0xC0  }
0xb1: {  	_ =	task [dreg:s8], $0x5FFFF  }
0xb2: {  	[dreg:$0x1] =	wrdreg $0xFFFFFFFF  }
0xb3: {  	[dreg:$0x0] =	wrdreg $0x60  }
0xb4: {  	[dreg:$0x2] =	wrdreg s24  }
0xb5: {  	[dreg:$0x3] =	wrdreg s16  }
0xb6: {  	[dreg:$0x4] =	wrdreg s15  }
0xb7: {  	[dreg:$0x5] =	wrdreg $0x84800  }
0xb8: {  	[dreg:$0x6] =	wrdreg $0x1BD000  }
0xb9: {  	[dreg:$0x7] =	wrdreg $0x9  }
0xba: {  	_ =	task.clear_ibuf [dreg:s8], $0x8FFFF;
	_ =	strace $0x90000049  }
0xbb: {  	s29 =	simm.s32 $0x9;
	_ =	strace $0x8000004B  }
0xbc: {  	_ =	swait.ge [sflag:s29], $0x1  }
0xbd: {  	[sflag:s29] =	ssyncadd.s32 $0xFFFFFFFF  }
0xbe: {  	_ =	strace $0x9000004B  }
0xbf: {  	_ =	sfence  }
0xc0: {  	s30 =	sld [smem:$0x0];
	_ =	sdelay $0x2  }
0xc1: {  	s31 =	sshll.u32 s1, $0xD;
	s1 =	sshrl.u32 s1, $0x2  }
0xc2: {  	s3 =	sand.u32 $0x4000, s31;
	s1 =	sadd.s32 s1, s30  }
0xc3: {  	s0 =	sor.u32 s3, s0;
	s1 =	sshll.u32 s1, $0x11  }
0xc4: {  	s0 =	sor.u32 s1, s0  }
0xc5: {  	s0 =	sadd.s32 $0x8F2B, s0  }
0xc6: {  	[sflag:s0] =	ssyncadd.remote.s32 $0x1  }
0xc7: {  	_ =	sfence.sel $0xFFFF  }
0xc8: {  	[dreg:$0x0] =	wrdreg $0xFFFFFFFF;
	(pc) =	sbr.abs _section_cstart, $3  }
0xc9: {  	[dreg:$0x1] =	wrdreg $0xFFFFFFFF  }
0xca: {  	_ =	task.clear_ibuf [dreg:s8], $0x2FFFF;
	_ =	strace $0x9FFFFFFF  }
0xcb: {  	(tm) =	ssettm $0x7FFFFFFF  }
tec
execute0_lowered:
.L_overlay_start_1:
0x0: {  	(tag) =	ssettag $0x1  }
0x1: {  	s0 =	rddreg [dreg:$0x0]  }
0x2: {  	s1 =	rddreg [dreg:$0x1]  }
0x3: {  	s3 =	rddreg [dreg:$0x3]  }
0x4: {  	s4 =	rddreg [dreg:$0x4]  }
0x5: {  	s17 =	simm.s32 $0x0;
	s14 =	stileid.u32;
	s19 =	srdreg.scid  }
0x6: {  	[smem:$0x7FF] =	sst s17;
	s6 =	sadd.s32 $0x99400, s0;
	s7 =	sadd.s32 $0x49400, s0  }
0x7: {  	s8 =	sadd.s32 $0x71400, s0;
	s9 =	sadd.s32 $0xC1400, s0;
	s10 =	sadd.s32 $0xE8600, s0  }
0x8: {  	s11 =	sadd.s32 $0x3800, s0;
	s2 =	sadd.s32 $0x4A00, s0;
	s5 =	smul.u32 $0x4E200, s14  }
0x9: {  	s12 =	sadd.s32 $0xE8A00, s0;
	_ =	strace $0x8000004A;
	[dreg:$0x7] =	wrdreg s2  }
0xa: {  	s20 =	sadd.s32 $0x3E00, s0;
	s0 =	sadd.s32 $0x4400, s0;
	[dreg:$0x8] =	wrdreg s12  }
0xb: {  	s13 =	sshll.u32 s14, $0x1;
	p0 =	seq.s32 s14, $0x0;
	[dreg:$0x9] =	wrdreg s20  }
0xc: {  	s2 =	sand.u32 $0x1, s19;
	[dreg:$0xa] =	wrdreg s0;
	s12 =	sadd.s32 $0x600, s4  }
0xd: {  	s21 =	ssub.s32 $0x2, s2;
	s23 =	sor.u32 s2, s13;
	s29 =	sor.u32 s2, s14  }
0xe: {  	p1 =	seq.s32 s2, $0x1;
	s2 =	sadd.s32 $0x400, s4;
	[smem:$0x7DC] =	sst s12  }
0xf: {  	s5 =	sshrl.u32 s5, $0x2;
	s12 =	sadd.s32 $0x1800, s4;
	[dreg:$0x1f] =	wrdreg s2  }
0x10: {  	s15 =	sadd.s32 s5, s3;
	p0 =	por !p0, !p1;
	[smem:$0x7EE] =	sst s12  }
0x11: {  	p1 =	sne.s32 s29, $0x0;
	s29 =	sadd.s32 $0x200, s4;
	[dreg:$0xb] =	wrdreg s15  }
0x12: {  	s5 =	sadd.s32 $0x500, s4;
	[dreg:$0x1d] =	wrdreg s29  }
0x13: {  	s2 =	sadd.s32 $0x1600, s4;
	[smem:$0x7DB] =	sst s5  }
0x14: {  	s24 =	sadd.s32 $0x1400, s15;
	[smem:$0x7EC] =	sst s2  }
0x15: {  	s25 =	sadd.s32 $0x2800, s15;
	[dreg:$0xc] =	wrdreg s24  }
0x16: {  	s26 =	sadd.s32 $0x3C00, s15;
	[dreg:$0xd] =	wrdreg s25  }
0x17: {  	s28 =	sadd.s32 $0x5000, s15;
	[dreg:$0xe] =	wrdreg s26  }
0x18: {  	s31 =	sadd.s32 $0x6400, s15;
	[dreg:$0xf] =	wrdreg s28  }
0x19: {  	s13 =	sadd.s32 $0x7800, s15;
	[dreg:$0x10] =	wrdreg s31  }
0x1a: {  	s16 =	sadd.s32 $0x8C00, s15;
	[dreg:$0x11] =	wrdreg s13  }
0x1b: {  	s18 =	sadd.s32 $0xA000, s15;
	[dreg:$0x13] =	wrdreg s16  }
0x1c: {  	s19 =	sadd.s32 $0xB400, s15;
	[dreg:$0x14] =	wrdreg s18  }
0x1d: {  	s22 =	sshrl.u32 s21, $0x1;
	s20 =	sadd.s32 $0xC800, s15;
	[dreg:$0x15] =	wrdreg s19  }
0x1e: {  	s0 =	ssub.s32 s21, s22;
	s21 =	sadd.s32 $0xDC00, s15;
	[dreg:$0x16] =	wrdreg s20  }
0x1f: {  	p2 =	por !p0, !p0;
	s22 =	sadd.s32 $0xF000, s15;
	[dreg:$0x17] =	wrdreg s21  }
0x20: {  	p0 =	sne.s32 s14, $0x0;
	s14 =	sadd.s32 $0x800, s4;
	[dreg:$0x18] =	wrdreg s22  }
0x21: {  	s29 =	sadd.s32 $0x1400, s4;
	[smem:$0x7DE] =	sst s14  }
0x22: {  	s5 =	sadd.s32 $0x1700, s4;
	[smem:$0x7EA] =	sst s29  }
0x23: {  	s0 =	smax.u32 s0, $0x1;
	[smem:$0x7ED] =	sst s5  }
0x24: {  	s24 =	smul.u32 $0xA000, s23;
	s23 =	sadd.s32 $0x10400, s15;
	[dreg:$0x12] =	wrdreg s0  }
0x25: {  	s25 =	sadd.s32 $0x11800, s15;
	[dreg:$0x19] =	wrdreg s23  }
0x26: {  	s26 =	sadd.s32 $0x12C00, s15;
	[dreg:$0x1a] =	wrdreg s25  }
0x27: {  	s28 =	sadd.s32 $0x100, s4;
	[dreg:$0x1b] =	wrdreg s26  }
0x28: {  	s31 =	sadd.s32 $0x300, s4;
	[dreg:$0x1c] =	wrdreg s28  }
0x29: {  	s13 =	sadd.s32 $0x700, s4;
	[dreg:$0x1e] =	wrdreg s31  }
0x2a: {  	s15 =	sadd.s32 $0x900, s4;
	[smem:$0x7DD] =	sst s13  }
0x2b: {  	s16 =	sadd.s32 $0xA00, s4;
	[smem:$0x7DF] =	sst s15  }
0x2c: {  	s18 =	sadd.s32 $0xB00, s4;
	[smem:$0x7E0] =	sst s16  }
0x2d: {  	s19 =	sadd.s32 $0xC00, s4;
	[smem:$0x7E1] =	sst s18  }
0x2e: {  	s20 =	sadd.s32 $0xD00, s4;
	[smem:$0x7E2] =	sst s19  }
0x2f: {  	s21 =	sadd.s32 $0xE00, s4;
	[smem:$0x7E3] =	sst s20  }
0x30: {  	s22 =	sadd.s32 $0xF00, s4;
	[smem:$0x7E4] =	sst s21  }
0x31: {  	s14 =	sadd.s32 $0x1A00, s4;
	[smem:$0x7E5] =	sst s22  }
0x32: {  	s29 =	sadd.s32 $0x2600, s4;
	[smem:$0x7F0] =	sst s14  }
0x33: {  	v0 =	vlaneseq.u32;
	s23 =	sadd.s32 $0x1000, s4;
	[smem:$0x7FC] =	sst s29  }
0x34: {  	v0 =	vmul.u32 $0x10, v0;
	s25 =	sadd.s32 $0x1100, s4;
	[smem:$0x7E6] =	sst s23  }
0x35: {  	s26 =	sadd.s32 $0x1200, s4;
	[smem:$0x7E7] =	sst s25  }
0x36: {  	v2 =	vor.u32 $0x1, v0;
	v11 =	vor.u32 $0xA, v0;
	v12 =	vor.u32 $0xB, v0;
	s28 =	sadd.s32 $0x1300, s4;
	[smem:$0x7E8] =	sst s26  }
0x37: {  	v13 =	vor.u32 $0xC, v0;
	v14 =	vor.u32 $0xD, v0;
	v15 =	vor.u32 $0xE, v0;
	s31 =	sadd.s32 $0x1500, s4;
	[smem:$0x7E9] =	sst s28  }
0x38: {  	v16 =	vor.u32 $0xF, v0;
	v17 =	vor.u32 $0x100, v0;
	v18 =	vor.u32 $0x101, v0;
	s13 =	sadd.s32 $0x1900, s4;
	[smem:$0x7EB] =	sst s31  }
0x39: {  	v19 =	vor.u32 $0x102, v0;
	v20 =	vor.u32 $0x103, v0;
	v21 =	vor.u32 $0x104, v0;
	s15 =	sadd.s32 $0x1B00, s4;
	[smem:$0x7EF] =	sst s13  }
0x3a: {  	v22 =	vor.u32 $0x105, v0;
	v23 =	vor.u32 $0x106, v0;
	v24 =	vor.u32 $0x107, v0;
	s16 =	sadd.s32 $0x1C00, s4;
	[smem:$0x7F1] =	sst s15  }
0x3b: {  	v25 =	vor.u32 $0x108, v0;
	v26 =	vor.u32 $0x109, v0;
	v27 =	vor.u32 $0x10A, v0;
	s18 =	sadd.s32 $0x1D00, s4;
	[smem:$0x7F2] =	sst s16  }
0x3c: {  	v28 =	vor.u32 $0x10B, v0;
	v29 =	vor.u32 $0x10C, v0;
	v30 =	vor.u32 $0x10D, v0;
	s19 =	sadd.s32 $0x1E00, s4;
	[smem:$0x7F3] =	sst s18  }
0x3d: {  	v31 =	vor.u32 $0x10E, v0;
	v32 =	vor.u32 $0x10F, v0;
	[tilespmem:$0x1FF70] =	vst v2;
	v2 =	vor.u32 $0x2, v0;
	s20 =	sadd.s32 $0x1F00, s4;
	[smem:$0x7F4] =	sst s19  }
0x3e: {  	s30 =	simm.s32 $0x0;
	v33 =	vor.u32 $0x200, v0;
	v34 =	vor.u32 $0x201, v0;
	[tilespmem:$0x1FF80] =	vst v2;
	v2 =	vor.u32 $0x3, v0;
	s21 =	sadd.s32 $0x2000, s4;
	[smem:$0x7F5] =	sst s20  }
0x3f: {  	v35 =	vor.u32 $0x202, v0;
	v36 =	vor.u32 $0x203, v0;
	[tilespmem:$0x1FF90] =	vst v2;
	v2 =	vor.u32 $0x4, v0;
	s22 =	sadd.s32 $0x2100, s4;
	s14 =	simm.s32 $0x3000;
	[smem:$0x7F6] =	sst s21  }
0x40: {  	v37 =	vor.u32 $0x204, v0;
	v38 =	vor.u32 $0x205, v0;
	[tilespmem:$0x1FFA0] =	vst v2;
	v2 =	vor.u32 $0x5, v0;
	[smem:$0x7F7] =	sst s22;
	s23 =	sadd.s32 $0x2200, s4;
	s25 =	sadd.s32 $0x2300, s4  }
0x41: {  	v39 =	vor.u32 $0x206, v0;
	v40 =	vor.u32 $0x207, v0;
	[tilespmem:$0x1FFB0] =	vst v2;
	v2 =	vor.u32 $0x6, v0;
	s26 =	sadd.s32 $0x2400, s4;
	s28 =	sadd.s32 $0x2500, s4;
	[smem:$0x7F8] =	sst s23  }
0x42: {  	v41 =	vor.u32 $0x208, v0;
	v42 =	vor.u32 $0x209, v0;
	s31 =	sadd.s32 $0x2700, s4;
	s15 =	simm.s32 $0x6;
	[tilespmem:$0x1FFC0] =	vst v2;
	v2 =	vor.u32 $0x7, v0;
	[smem:$0x7F9] =	sst s25  }
0x43: {  	v43 =	vor.u32 $0x20A, v0;
	v44 =	vor.u32 $0x20B, v0;
	s16 =	simm.s32 $0x8180;
	s18 =	simm.s32 $0x8000;
	[smem:$0x7FA] =	sst s26;
	[tilespmem:$0x1FFD0] =	vst v2;
	v2 =	vor.u32 $0x8, v0  }
0x44: {  	v1 =	vimm.f32 $0.0e+00;
	v45 =	vor.u32 $0x20C, v0;
	s19 =	simm.s32 $0x1000;
	s20 =	simm.s32 $0x2000;
	[smem:$0x7FB] =	sst s28;
	[tilespmem:$0x1FFE0] =	vst v2;
	v2 =	vor.u32 $0x9, v0  }
0x45: {  	v46 =	vor.u32 $0x20D, v0;
	v47 =	vor.u32 $0x20E, v0;
	v10 =	vmovc v0;
	v48 =	vor.u32 $0x20F, v0;
	s21 =	simm.s32 $0x28;
	[smem:$0x7FD] =	sst s31;
	s26 =	simm.s32 $0x3;
	[tilespmem:$0x1FFF0] =	vst v2  }
.LBB2_1:
0x46: {  	s0 =	simm.s32 $0x0;
	s2 =	simm.s32 $0x200  }
.LBB2_2:
0x47: {  	p3 =	sne.s32 s2, $0x4E00;
	[tilespmem:s0+$0x3070] =	vst v1  }
0x48: {  	[tilespmem:s0+$0x3000] =	vst v1  }
0x49: {  	[tilespmem:s0+$0x3010] =	vst v1  }
.Ltmp0:
0x4a: {  	[tilespmem:s0+$0x3020] =	vst v1;
	(pc) =	sbr.rel @p3 .LBB2_2-.Ltmp0, $4  }
0x4b: {  	[tilespmem:s0+$0x3030] =	vst v1  }
0x4c: {  	[tilespmem:s0+$0x3040] =	vst v1  }
0x4d: {  	[tilespmem:s0+$0x3050] =	vst v1  }
0x4e: {  	[tilespmem:s0+$0x3060] =	vst v1;
	s0 =	sshra.s32 s2, $0x2;
	s2 =	sadd.s32 $0x200, s2  }
0x4f: {  	[tilespmem:s0+$0x3070] =	vst v1  }
0x50: {  	[tilespmem:s0+$0x3000] =	vst v1  }
0x51: {  	[tilespmem:s0+$0x3010] =	vst v1  }
0x52: {  	[tilespmem:s0+$0x3020] =	vst v1  }
0x53: {  	[tilespmem:s0+$0x3030] =	vst v1  }
0x54: {  	[tilespmem:s0+$0x3040] =	vst v1  }
0x55: {  	[tilespmem:s0+$0x3050] =	vst v1  }
0x56: {  	[tilespmem:s0+$0x3060] =	vst v1  }
0x57: {  	[tilespmem:$0x8180] =	vst v1  }
0x58: {  	[tilespmem:$0x8190] =	vst v1  }
0x59: {  	[tilespmem:$0x81A0] =	vst v1  }
0x5a: {  	[tilespmem:$0x81B0] =	vst v1  }
0x5b: {  	[tilespmem:$0x81C0] =	vst v1  }
0x5c: {  	[tilespmem:$0x81D0] =	vst v1  }
0x5d: {  	[tilespmem:$0x81E0] =	vst v1  }
0x5e: {  	[tilespmem:$0x81F0] =	vst v1  }
0x5f: {  	[tilespmem:$0x8200] =	vst v1  }
0x60: {  	[tilespmem:$0x8210] =	vst v1  }
0x61: {  	[tilespmem:$0x8220] =	vst v1  }
0x62: {  	[tilespmem:$0x8230] =	vst v1  }
0x63: {  	[tilespmem:$0x8240] =	vst v1  }
0x64: {  	[tilespmem:$0x8250] =	vst v1  }
0x65: {  	[dreg:$0x6] =	wrdreg s17;
	[tilespmem:$0x8260] =	vst v1  }
0x66: {  	s23 =	rddreg [dreg:$0xb];
	[tilespmem:$0x8270] =	vst v1  }
0x67: {  	[spmem:s23] =	stream.linear.scatter [tilespmem:s14], [sflag:$0x6], $0x1400, $0x38;
	[tilespmem:$0x1BF78] =	vst v63  }
0x68: {  	_ =	swait.ge [sflag:s15], $0x1400  }
0x69: {  	[sflag:s15] =	ssyncset.done $0x0  }
0x6a: {  	s25 =	rddreg [dreg:$0xc];
	[sflag:s15] =	ssyncadd.s32 $0xFFFFEC00  }
0x6b: {  	[spmem:s25] =	stream.linear.scatter [tilespmem:s14], [sflag:$0x6], $0x1400, $0x38;
	[tilespmem:$0x1BF78] =	vst v63  }
0x6c: {  	_ =	swait.ge [sflag:s15], $0x1400  }
0x6d: {  	[sflag:s15] =	ssyncset.done $0x0  }
0x6e: {  	s28 =	rddreg [dreg:$0xd];
	[sflag:s15] =	ssyncadd.s32 $0xFFFFEC00  }
0x6f: {  	[spmem:s28] =	stream.linear.scatter [tilespmem:s14], [sflag:$0x6], $0x1400, $0x38;
	[tilespmem:$0x1BF78] =	vst v63  }
0x70: {  	_ =	swait.ge [sflag:s15], $0x1400  }
0x71: {  	[sflag:s15] =	ssyncset.done $0x0  }
0x72: {  	s29 =	rddreg [dreg:$0xe];
	[sflag:s15] =	ssyncadd.s32 $0xFFFFEC00  }
0x73: {  	[spmem:s29] =	stream.linear.scatter [tilespmem:s14], [sflag:$0x6], $0x1400, $0x38;
	[tilespmem:$0x1BF78] =	vst v63  }
0x74: {  	_ =	swait.ge [sflag:s15], $0x1400  }
0x75: {  	[sflag:s15] =	ssyncset.done $0x0  }
0x76: {  	s31 =	rddreg [dreg:$0xf];
	[sflag:s15] =	ssyncadd.s32 $0xFFFFEC00  }
0x77: {  	[spmem:s31] =	stream.linear.scatter [tilespmem:s14], [sflag:$0x6], $0x1400, $0x38;
	[tilespmem:$0x1BF78] =	vst v63  }
0x78: {  	_ =	swait.ge [sflag:s15], $0x1400  }
0x79: {  	[sflag:s15] =	ssyncset.done $0x0  }
0x7a: {  	s2 =	rddreg [dreg:$0x10];
	[sflag:s15] =	ssyncadd.s32 $0xFFFFEC00  }
0x7b: {  	[spmem:s2] =	stream.linear.scatter [tilespmem:s14], [sflag:$0x6], $0x1400, $0x38;
	[tilespmem:$0x1BF78] =	vst v63  }
0x7c: {  	_ =	swait.ge [sflag:s15], $0x1400  }
0x7d: {  	[sflag:s15] =	ssyncset.done $0x0  }
0x7e: {  	s5 =	rddreg [dreg:$0x11];
	[sflag:s15] =	ssyncadd.s32 $0xFFFFEC00  }
0x7f: {  	[spmem:s5] =	stream.linear.scatter [tilespmem:s14], [sflag:$0x6], $0x1400, $0x38;
	[tilespmem:$0x1BF78] =	vst v63  }
0x80: {  	_ =	swait.ge [sflag:s15], $0x1400  }
0x81: {  	[sflag:s15] =	ssyncset.done $0x0  }
0x82: {  	s12 =	rddreg [dreg:$0x13];
	[sflag:s15] =	ssyncadd.s32 $0xFFFFEC00  }
0x83: {  	[spmem:s12] =	stream.linear.scatter [tilespmem:s14], [sflag:$0x6], $0x1400, $0x38;
	[tilespmem:$0x1BF78] =	vst v63  }
0x84: {  	_ =	swait.ge [sflag:s15], $0x1400  }
0x85: {  	[sflag:s15] =	ssyncset.done $0x0  }
0x86: {  	s13 =	rddreg [dreg:$0x14];
	[sflag:s15] =	ssyncadd.s32 $0xFFFFEC00  }
0x87: {  	[spmem:s13] =	stream.linear.scatter [tilespmem:s14], [sflag:$0x6], $0x1400, $0x38;
	[tilespmem:$0x1BF78] =	vst v63  }
0x88: {  	_ =	swait.ge [sflag:s15], $0x1400  }
0x89: {  	[sflag:s15] =	ssyncset.done $0x0  }
0x8a: {  	s17 =	rddreg [dreg:$0x15];
	[sflag:s15] =	ssyncadd.s32 $0xFFFFEC00  }
0x8b: {  	[spmem:s17] =	stream.linear.scatter [tilespmem:s14], [sflag:$0x6], $0x1400, $0x38;
	[tilespmem:$0x1BF78] =	vst v63  }
0x8c: {  	_ =	swait.ge [sflag:s15], $0x1400  }
0x8d: {  	[sflag:s15] =	ssyncset.done $0x0  }
0x8e: {  	s22 =	rddreg [dreg:$0x16];
	[sflag:s15] =	ssyncadd.s32 $0xFFFFEC00  }
0x8f: {  	[spmem:s22] =	stream.linear.scatter [tilespmem:s14], [sflag:$0x6], $0x1400, $0x38;
	[tilespmem:$0x1BF78] =	vst v63  }
0x90: {  	_ =	swait.ge [sflag:s15], $0x1400  }
0x91: {  	[sflag:s15] =	ssyncset.done $0x0  }
0x92: {  	s23 =	rddreg [dreg:$0x17];
	[sflag:s15] =	ssyncadd.s32 $0xFFFFEC00  }
0x93: {  	[spmem:s23] =	stream.linear.scatter [tilespmem:s14], [sflag:$0x6], $0x1400, $0x38;
	[tilespmem:$0x1BF78] =	vst v63  }
0x94: {  	_ =	swait.ge [sflag:s15], $0x1400  }
0x95: {  	[sflag:s15] =	ssyncset.done $0x0  }
0x96: {  	s25 =	rddreg [dreg:$0x18];
	[sflag:s15] =	ssyncadd.s32 $0xFFFFEC00  }
0x97: {  	[spmem:s25] =	stream.linear.scatter [tilespmem:s14], [sflag:$0x6], $0x1400, $0x38;
	[tilespmem:$0x1BF78] =	vst v63  }
0x98: {  	_ =	swait.ge [sflag:s15], $0x1400  }
0x99: {  	[sflag:s15] =	ssyncset.done $0x0  }
0x9a: {  	s28 =	rddreg [dreg:$0x19];
	[sflag:s15] =	ssyncadd.s32 $0xFFFFEC00  }
0x9b: {  	[spmem:s28] =	stream.linear.scatter [tilespmem:s14], [sflag:$0x6], $0x1400, $0x38;
	[tilespmem:$0x1BF78] =	vst v63  }
0x9c: {  	_ =	swait.ge [sflag:s15], $0x1400  }
0x9d: {  	[sflag:s15] =	ssyncset.done $0x0  }
0x9e: {  	s29 =	rddreg [dreg:$0x1a];
	[sflag:s15] =	ssyncadd.s32 $0xFFFFEC00  }
0x9f: {  	[spmem:s29] =	stream.linear.scatter [tilespmem:s14], [sflag:$0x6], $0x1400, $0x38;
	[tilespmem:$0x1BF78] =	vst v63  }
0xa0: {  	_ =	swait.ge [sflag:s15], $0x1400  }
0xa1: {  	[sflag:s15] =	ssyncset.done $0x0  }
.Ltmp1:
0xa2: {  	s31 =	rddreg [dreg:$0x1b];
	[sflag:s15] =	ssyncadd.s32 $0xFFFFEC00;
	(pc) =	sbr.rel @p0 .LBB2_5-.Ltmp1, $4  }
0xa3: {  	[spmem:s31] =	stream.linear.scatter [tilespmem:s14], [sflag:$0x6], $0xC80, $0x38;
	[tilespmem:$0x1BF78] =	vst v63  }
0xa4: {  	_ =	swait.ge [sflag:s15], $0xC80  }
0xa5: {  	[sflag:s15] =	ssyncset.done $0x0  }
0xa6: {  	[sflag:s15] =	ssyncadd.s32 $0xFFFFF380  }
0xa7: {  	[spmem:s4] =	stream.linear.scatter [tilespmem:s16], [sflag:$0x6], $0x100, $0x38;
	[tilespmem:$0x1BF78] =	vst v63  }
0xa8: {  	_ =	swait.ge [sflag:s15], $0x100  }
0xa9: {  	[sflag:s15] =	ssyncset.done $0x0  }
0xaa: {  	s0 =	rddreg [dreg:$0x1c];
	[sflag:s15] =	ssyncadd.s32 $0xFFFFFF00  }
0xab: {  	[spmem:s0] =	stream.linear.scatter [tilespmem:s16], [sflag:$0x6], $0x100, $0x38;
	[tilespmem:$0x1BF78] =	vst v63  }
0xac: {  	_ =	swait.ge [sflag:s15], $0x100  }
0xad: {  	[sflag:s15] =	ssyncset.done $0x0  }
0xae: {  	s23 =	rddreg [dreg:$0x1d];
	[sflag:s15] =	ssyncadd.s32 $0xFFFFFF00  }
0xaf: {  	[spmem:s23] =	stream.linear.scatter [tilespmem:s16], [sflag:$0x6], $0x100, $0x38;
	[tilespmem:$0x1BF78] =	vst v63  }
0xb0: {  	_ =	swait.ge [sflag:s15], $0x100  }
0xb1: {  	[sflag:s15] =	ssyncset.done $0x0  }
0xb2: {  	s25 =	rddreg [dreg:$0x1e];
	[sflag:s15] =	ssyncadd.s32 $0xFFFFFF00  }
0xb3: {  	[spmem:s25] =	stream.linear.scatter [tilespmem:s16], [sflag:$0x6], $0x100, $0x38;
	[tilespmem:$0x1BF78] =	vst v63  }
0xb4: {  	_ =	swait.ge [sflag:s15], $0x100  }
0xb5: {  	[sflag:s15] =	ssyncset.done $0x0  }
0xb6: {  	s28 =	rddreg [dreg:$0x1f];
	[sflag:s15] =	ssyncadd.s32 $0xFFFFFF00  }
0xb7: {  	[spmem:s28] =	stream.linear.scatter [tilespmem:s16], [sflag:$0x6], $0x100, $0x38;
	[tilespmem:$0x1BF78] =	vst v63  }
0xb8: {  	_ =	swait.ge [sflag:s15], $0x100  }
0xb9: {  	s29 =	sld [smem:$0x7DB]  }
0xba: {  	[sflag:s15] =	ssyncset.done $0x0  }
0xbb: {  	[sflag:s15] =	ssyncadd.s32 $0xFFFFFF00  }
0xbc: {  	[spmem:s29] =	stream.linear.scatter [tilespmem:s16], [sflag:$0x6], $0x100, $0x38;
	[tilespmem:$0x1BF78] =	vst v63  }
0xbd: {  	_ =	swait.ge [sflag:s15], $0x100  }
0xbe: {  	s31 =	sld [smem:$0x7DC]  }
0xbf: {  	[sflag:s15] =	ssyncset.done $0x0  }
0xc0: {  	[sflag:s15] =	ssyncadd.s32 $0xFFFFFF00  }
0xc1: {  	[spmem:s31] =	stream.linear.scatter [tilespmem:s16], [sflag:$0x6], $0x100, $0x38;
	[tilespmem:$0x1BF78] =	vst v63  }
0xc2: {  	_ =	swait.ge [sflag:s15], $0x100  }
0xc3: {  	s2 =	sld [smem:$0x7DD]  }
0xc4: {  	[sflag:s15] =	ssyncset.done $0x0  }
0xc5: {  	[sflag:s15] =	ssyncadd.s32 $0xFFFFFF00  }
0xc6: {  	[spmem:s2] =	stream.linear.scatter [tilespmem:s16], [sflag:$0x6], $0x100, $0x38;
	[tilespmem:$0x1BF78] =	vst v63  }
0xc7: {  	_ =	swait.ge [sflag:s15], $0x100  }
0xc8: {  	s5 =	sld [smem:$0x7DE]  }
0xc9: {  	[sflag:s15] =	ssyncset.done $0x0  }
0xca: {  	[sflag:s15] =	ssyncadd.s32 $0xFFFFFF00  }
0xcb: {  	[spmem:s5] =	stream.linear.scatter [tilespmem:s16], [sflag:$0x6], $0x100, $0x38;
	[tilespmem:$0x1BF78] =	vst v63  }
0xcc: {  	_ =	swait.ge [sflag:s15], $0x100  }
0xcd: {  	s12 =	sld [smem:$0x7DF]  }
0xce: {  	[sflag:s15] =	ssyncset.done $0x0  }
0xcf: {  	[sflag:s15] =	ssyncadd.s32 $0xFFFFFF00  }
0xd0: {  	[spmem:s12] =	stream.linear.scatter [tilespmem:s16], [sflag:$0x6], $0x100, $0x38;
	[tilespmem:$0x1BF78] =	vst v63  }
0xd1: {  	_ =	swait.ge [sflag:s15], $0x100  }
0xd2: {  	s13 =	sld [smem:$0x7E0]  }
0xd3: {  	[sflag:s15] =	ssyncset.done $0x0  }
0xd4: {  	[sflag:s15] =	ssyncadd.s32 $0xFFFFFF00  }
0xd5: {  	[spmem:s13] =	stream.linear.scatter [tilespmem:s16], [sflag:$0x6], $0x100, $0x38;
	[tilespmem:$0x1BF78] =	vst v63  }
0xd6: {  	_ =	swait.ge [sflag:s15], $0x100  }
0xd7: {  	s17 =	sld [smem:$0x7E1]  }
0xd8: {  	[sflag:s15] =	ssyncset.done $0x0  }
0xd9: {  	[sflag:s15] =	ssyncadd.s32 $0xFFFFFF00  }
0xda: {  	[spmem:s17] =	stream.linear.scatter [tilespmem:s16], [sflag:$0x6], $0x100, $0x38;
	[tilespmem:$0x1BF78] =	vst v63  }
0xdb: {  	_ =	swait.ge [sflag:s15], $0x100  }
0xdc: {  	s22 =	sld [smem:$0x7E2]  }
0xdd: {  	[sflag:s15] =	ssyncset.done $0x0  }
0xde: {  	[sflag:s15] =	ssyncadd.s32 $0xFFFFFF00  }
0xdf: {  	[spmem:s22] =	stream.linear.scatter [tilespmem:s16], [sflag:$0x6], $0x100, $0x38;
	[tilespmem:$0x1BF78] =	vst v63  }
0xe0: {  	_ =	swait.ge [sflag:s15], $0x100  }
0xe1: {  	s23 =	sld [smem:$0x7E3]  }
0xe2: {  	[sflag:s15] =	ssyncset.done $0x0  }
0xe3: {  	[sflag:s15] =	ssyncadd.s32 $0xFFFFFF00  }
0xe4: {  	[spmem:s23] =	stream.linear.scatter [tilespmem:s16], [sflag:$0x6], $0x100, $0x38;
	[tilespmem:$0x1BF78] =	vst v63  }
0xe5: {  	_ =	swait.ge [sflag:s15], $0x100  }
0xe6: {  	s25 =	sld [smem:$0x7E4]  }
0xe7: {  	[sflag:s15] =	ssyncset.done $0x0  }
0xe8: {  	[sflag:s15] =	ssyncadd.s32 $0xFFFFFF00  }
0xe9: {  	[spmem:s25] =	stream.linear.scatter [tilespmem:s16], [sflag:$0x6], $0x100, $0x38;
	[tilespmem:$0x1BF78] =	vst v63  }
0xea: {  	_ =	swait.ge [sflag:s15], $0x100  }
0xeb: {  	s28 =	sld [smem:$0x7E5]  }
0xec: {  	[sflag:s15] =	ssyncset.done $0x0  }
0xed: {  	[sflag:s15] =	ssyncadd.s32 $0xFFFFFF00  }
0xee: {  	[spmem:s28] =	stream.linear.scatter [tilespmem:s16], [sflag:$0x6], $0x100, $0x38;
	[tilespmem:$0x1BF78] =	vst v63  }
0xef: {  	_ =	swait.ge [sflag:s15], $0x100  }
0xf0: {  	s29 =	sld [smem:$0x7E6]  }
0xf1: {  	[sflag:s15] =	ssyncset.done $0x0  }
0xf2: {  	[sflag:s15] =	ssyncadd.s32 $0xFFFFFF00  }
0xf3: {  	[spmem:s29] =	stream.linear.scatter [tilespmem:s16], [sflag:$0x6], $0x100, $0x38;
	[tilespmem:$0x1BF78] =	vst v63  }
0xf4: {  	_ =	swait.ge [sflag:s15], $0x100  }
0xf5: {  	s31 =	sld [smem:$0x7E7]  }
0xf6: {  	[sflag:s15] =	ssyncset.done $0x0  }
0xf7: {  	[sflag:s15] =	ssyncadd.s32 $0xFFFFFF00  }
0xf8: {  	[spmem:s31] =	stream.linear.scatter [tilespmem:s16], [sflag:$0x6], $0x100, $0x38;
	[tilespmem:$0x1BF78] =	vst v63  }
0xf9: {  	_ =	swait.ge [sflag:s15], $0x100  }
0xfa: {  	s2 =	sld [smem:$0x7E8]  }
0xfb: {  	[sflag:s15] =	ssyncset.done $0x0  }
0xfc: {  	[sflag:s15] =	ssyncadd.s32 $0xFFFFFF00  }
0xfd: {  	[spmem:s2] =	stream.linear.scatter [tilespmem:s16], [sflag:$0x6], $0x100, $0x38;
	[tilespmem:$0x1BF78] =	vst v63  }
0xfe: {  	_ =	swait.ge [sflag:s15], $0x100  }
0xff: {  	s5 =	sld [smem:$0x7E9]  }
0x100: {  	[sflag:s15] =	ssyncset.done $0x0  }
0x101: {  	[sflag:s15] =	ssyncadd.s32 $0xFFFFFF00  }
0x102: {  	[spmem:s5] =	stream.linear.scatter [tilespmem:s16], [sflag:$0x6], $0x100, $0x38;
	[tilespmem:$0x1BF78] =	vst v63  }
0x103: {  	_ =	swait.ge [sflag:s15], $0x100  }
0x104: {  	s12 =	sld [smem:$0x7EA]  }
0x105: {  	[sflag:s15] =	ssyncset.done $0x0  }
0x106: {  	[sflag:s15] =	ssyncadd.s32 $0xFFFFFF00  }
0x107: {  	[spmem:s12] =	stream.linear.scatter [tilespmem:s16], [sflag:$0x6], $0x100, $0x38;
	[tilespmem:$0x1BF78] =	vst v63  }
0x108: {  	_ =	swait.ge [sflag:s15], $0x100  }
0x109: {  	s13 =	sld [smem:$0x7EB]  }
0x10a: {  	[sflag:s15] =	ssyncset.done $0x0  }
0x10b: {  	[sflag:s15] =	ssyncadd.s32 $0xFFFFFF00  }
0x10c: {  	[spmem:s13] =	stream.linear.scatter [tilespmem:s16], [sflag:$0x6], $0x100, $0x38;
	[tilespmem:$0x1BF78] =	vst v63  }
0x10d: {  	_ =	swait.ge [sflag:s15], $0x100  }
0x10e: {  	s17 =	sld [smem:$0x7EC]  }
0x10f: {  	[sflag:s15] =	ssyncset.done $0x0  }
0x110: {  	[sflag:s15] =	ssyncadd.s32 $0xFFFFFF00  }
0x111: {  	[spmem:s17] =	stream.linear.scatter [tilespmem:s16], [sflag:$0x6], $0x100, $0x38;
	[tilespmem:$0x1BF78] =	vst v63  }
0x112: {  	_ =	swait.ge [sflag:s15], $0x100  }
0x113: {  	s22 =	sld [smem:$0x7ED]  }
0x114: {  	[sflag:s15] =	ssyncset.done $0x0  }
0x115: {  	[sflag:s15] =	ssyncadd.s32 $0xFFFFFF00  }
0x116: {  	[spmem:s22] =	stream.linear.scatter [tilespmem:s16], [sflag:$0x6], $0x100, $0x38;
	[tilespmem:$0x1BF78] =	vst v63  }
0x117: {  	_ =	swait.ge [sflag:s15], $0x100  }
0x118: {  	s23 =	sld [smem:$0x7EE]  }
0x119: {  	[sflag:s15] =	ssyncset.done $0x0  }
0x11a: {  	[sflag:s15] =	ssyncadd.s32 $0xFFFFFF00  }
0x11b: {  	[spmem:s23] =	stream.linear.scatter [tilespmem:s16], [sflag:$0x6], $0x100, $0x38;
	[tilespmem:$0x1BF78] =	vst v63  }
0x11c: {  	_ =	swait.ge [sflag:s15], $0x100  }
0x11d: {  	s25 =	sld [smem:$0x7EF]  }
0x11e: {  	[sflag:s15] =	ssyncset.done $0x0  }
0x11f: {  	[sflag:s15] =	ssyncadd.s32 $0xFFFFFF00  }
0x120: {  	[spmem:s25] =	stream.linear.scatter [tilespmem:s16], [sflag:$0x6], $0x100, $0x38;
	[tilespmem:$0x1BF78] =	vst v63  }
0x121: {  	_ =	swait.ge [sflag:s15], $0x100  }
0x122: {  	s28 =	sld [smem:$0x7F0]  }
0x123: {  	[sflag:s15] =	ssyncset.done $0x0  }
0x124: {  	[sflag:s15] =	ssyncadd.s32 $0xFFFFFF00  }
0x125: {  	[spmem:s28] =	stream.linear.scatter [tilespmem:s16], [sflag:$0x6], $0x100, $0x38;
	[tilespmem:$0x1BF78] =	vst v63  }
0x126: {  	_ =	swait.ge [sflag:s15], $0x100  }
0x127: {  	s29 =	sld [smem:$0x7F1]  }
0x128: {  	[sflag:s15] =	ssyncset.done $0x0  }
0x129: {  	[sflag:s15] =	ssyncadd.s32 $0xFFFFFF00  }
0x12a: {  	[spmem:s29] =	stream.linear.scatter [tilespmem:s16], [sflag:$0x6], $0x100, $0x38;
	[tilespmem:$0x1BF78] =	vst v63  }
0x12b: {  	_ =	swait.ge [sflag:s15], $0x100  }
0x12c: {  	s31 =	sld [smem:$0x7F2]  }
0x12d: {  	[sflag:s15] =	ssyncset.done $0x0  }
0x12e: {  	[sflag:s15] =	ssyncadd.s32 $0xFFFFFF00  }
0x12f: {  	[spmem:s31] =	stream.linear.scatter [tilespmem:s16], [sflag:$0x6], $0x100, $0x38;
	[tilespmem:$0x1BF78] =	vst v63  }
0x130: {  	_ =	swait.ge [sflag:s15], $0x100  }
0x131: {  	s2 =	sld [smem:$0x7F3]  }
0x132: {  	[sflag:s15] =	ssyncset.done $0x0  }
0x133: {  	[sflag:s15] =	ssyncadd.s32 $0xFFFFFF00  }
0x134: {  	[spmem:s2] =	stream.linear.scatter [tilespmem:s16], [sflag:$0x6], $0x100, $0x38;
	[tilespmem:$0x1BF78] =	vst v63  }
0x135: {  	_ =	swait.ge [sflag:s15], $0x100  }
0x136: {  	s5 =	sld [smem:$0x7F4]  }
0x137: {  	[sflag:s15] =	ssyncset.done $0x0  }
0x138: {  	[sflag:s15] =	ssyncadd.s32 $0xFFFFFF00  }
0x139: {  	[spmem:s5] =	stream.linear.scatter [tilespmem:s16], [sflag:$0x6], $0x100, $0x38;
	[tilespmem:$0x1BF78] =	vst v63  }
0x13a: {  	_ =	swait.ge [sflag:s15], $0x100  }
0x13b: {  	s12 =	sld [smem:$0x7F5]  }
0x13c: {  	[sflag:s15] =	ssyncset.done $0x0  }
0x13d: {  	[sflag:s15] =	ssyncadd.s32 $0xFFFFFF00  }
0x13e: {  	[spmem:s12] =	stream.linear.scatter [tilespmem:s16], [sflag:$0x6], $0x100, $0x38;
	[tilespmem:$0x1BF78] =	vst v63  }
0x13f: {  	_ =	swait.ge [sflag:s15], $0x100  }
0x140: {  	s13 =	sld [smem:$0x7F6]  }
0x141: {  	[sflag:s15] =	ssyncset.done $0x0  }
0x142: {  	[sflag:s15] =	ssyncadd.s32 $0xFFFFFF00  }
0x143: {  	[spmem:s13] =	stream.linear.scatter [tilespmem:s16], [sflag:$0x6], $0x100, $0x38;
	[tilespmem:$0x1BF78] =	vst v63  }
0x144: {  	_ =	swait.ge [sflag:s15], $0x100  }
0x145: {  	s17 =	sld [smem:$0x7F7]  }
0x146: {  	[sflag:s15] =	ssyncset.done $0x0  }
0x147: {  	[sflag:s15] =	ssyncadd.s32 $0xFFFFFF00  }
0x148: {  	[spmem:s17] =	stream.linear.scatter [tilespmem:s16], [sflag:$0x6], $0x100, $0x38;
	[tilespmem:$0x1BF78] =	vst v63  }
0x149: {  	_ =	swait.ge [sflag:s15], $0x100  }
0x14a: {  	s22 =	sld [smem:$0x7F8]  }
0x14b: {  	[sflag:s15] =	ssyncset.done $0x0  }
0x14c: {  	[sflag:s15] =	ssyncadd.s32 $0xFFFFFF00  }
0x14d: {  	[spmem:s22] =	stream.linear.scatter [tilespmem:s16], [sflag:$0x6], $0x100, $0x38;
	[tilespmem:$0x1BF78] =	vst v63  }
0x14e: {  	_ =	swait.ge [sflag:s15], $0x100  }
0x14f: {  	s23 =	sld [smem:$0x7F9]  }
0x150: {  	[sflag:s15] =	ssyncset.done $0x0  }
0x151: {  	[sflag:s15] =	ssyncadd.s32 $0xFFFFFF00  }
0x152: {  	[spmem:s23] =	stream.linear.scatter [tilespmem:s16], [sflag:$0x6], $0x100, $0x38;
	[tilespmem:$0x1BF78] =	vst v63  }
0x153: {  	_ =	swait.ge [sflag:s15], $0x100  }
0x154: {  	s25 =	sld [smem:$0x7FA]  }
0x155: {  	[sflag:s15] =	ssyncset.done $0x0  }
0x156: {  	[sflag:s15] =	ssyncadd.s32 $0xFFFFFF00  }
0x157: {  	[spmem:s25] =	stream.linear.scatter [tilespmem:s16], [sflag:$0x6], $0x100, $0x38;
	[tilespmem:$0x1BF78] =	vst v63  }
0x158: {  	_ =	swait.ge [sflag:s15], $0x100  }
0x159: {  	s28 =	sld [smem:$0x7FB]  }
0x15a: {  	[sflag:s15] =	ssyncset.done $0x0  }
0x15b: {  	[sflag:s15] =	ssyncadd.s32 $0xFFFFFF00  }
0x15c: {  	[spmem:s28] =	stream.linear.scatter [tilespmem:s16], [sflag:$0x6], $0x100, $0x38;
	[tilespmem:$0x1BF78] =	vst v63  }
0x15d: {  	_ =	swait.ge [sflag:s15], $0x100  }
0x15e: {  	s29 =	sld [smem:$0x7FC]  }
0x15f: {  	[sflag:s15] =	ssyncset.done $0x0  }
0x160: {  	[sflag:s15] =	ssyncadd.s32 $0xFFFFFF00  }
0x161: {  	[spmem:s29] =	stream.linear.scatter [tilespmem:s16], [sflag:$0x6], $0x100, $0x38;
	[tilespmem:$0x1BF78] =	vst v63  }
0x162: {  	_ =	swait.ge [sflag:s15], $0x100  }
0x163: {  	s31 =	sld [smem:$0x7FD]  }
0x164: {  	[sflag:s15] =	ssyncset.done $0x0  }
0x165: {  	[sflag:s15] =	ssyncadd.s32 $0xFFFFFF00  }
0x166: {  	[spmem:s31] =	stream.linear.scatter [tilespmem:s16], [sflag:$0x6], $0x10, $0x38;
	[tilespmem:$0x1BF78] =	vst v63  }
0x167: {  	_ =	swait.ge [sflag:s15], $0x10  }
0x168: {  	[sflag:s15] =	ssyncset.done $0x0  }
0x169: {  	[sflag:s15] =	ssyncadd.s32 $0xFFFFFFF0  }
.LBB2_5:
0x16a: {  	s0 =	rddreg [dreg:$0x2]  }
0x16b: {  	[tilespmem:s18], [sflag:$0x6] =	stream.linear.gather [hbm4b:s0+s30], $0x80, $0x38;
	[tilespmem:$0x1BF78] =	vst v63  }
0x16c: {  	_ =	swait.ge [sflag:s15], $0x80  }
0x16d: {  	[sflag:s15] =	ssyncset.done $0x0  }
0x16e: {  	[sflag:s15] =	ssyncadd.s32 $0xFFFFFF80  }
0x16f: {  	[bflag:$0x0] =	sbarrier.arrive $0xFFFF  }
0x170: {  	v49 =	vld [tilespmem:$0x8000]  }
0x171: {  	v50 =	vld [tilespmem:$0x8010]  }
0x172: {  	v51 =	vld [tilespmem:$0x8020]  }
0x173: {  	v52 =	vld [tilespmem:$0x8030]  }
0x174: {  	v53 =	vld [tilespmem:$0x8040]  }
0x175: {  	v54 =	vld [tilespmem:$0x8050]  }
0x176: {  	v55 =	vld [tilespmem:$0x8060]  }
0x177: {  	s31 =	simm.s32 $0x0;
	v56 =	vld [tilespmem:$0x8070]  }
.LBB2_6:
0x178: {  	p3 =	seq.s32 s31, $0x0  }
0x179: {  	s0 =	simm.s32 @!p3 $0x4  }
0x17a: {  	_ =	swait.ge @!p3 [sflag:s0], $0x1400  }
0x17b: {  	[sflag:s0] =	ssyncset.done @!p3 $0x0  }
0x17c: {  	[sflag:s0] =	ssyncadd.s32 @!p3 $0xFFFFEC00  }
0x17d: {  	_ =	swait.ge @!p3 [sflag:s0], $0x28  }
0x17e: {  	[sflag:s0] =	ssyncset.done @!p3 $0x0  }
0x17f: {  	[sflag:s0] =	ssyncadd.s32 @!p3 $0xFFFFFFD8;
	s0 =	simm.s32 @!p3 $0x5  }
0x180: {  	_ =	swait.ge @!p3 [sflag:s0], $0x1400  }
0x181: {  	[sflag:s0] =	ssyncset.done @!p3 $0x0  }
0x182: {  	s2 =	sshll.u32 s31, $0xC;
	[sflag:s0] =	ssyncadd.s32 @!p3 $0xFFFFEC00  }
0x183: {  	s2 =	sadd.s32 s24, s2;
	_ =	swait.ge @!p3 [sflag:s0], $0x28  }
0x184: {  	s2 =	sshrl.u32 s2, $0x3;
	[sflag:s0] =	ssyncset.done @!p3 $0x0  }
0x185: {  	s17 =	sadd.s32 s6, s2;
	[sflag:s0] =	ssyncadd.s32 @!p3 $0xFFFFFFD8  }
0x186: {  	[tilespmem:s30], [sflag:$0x6] =	stream.linear.gather [hbm4b:s17+s30], $0xC80, $0x38;
	[tilespmem:$0x1BF78] =	vst v63  }
0x187: {  	_ =	swait.ge [sflag:s15], $0xC80  }
0x188: {  	[sflag:s15] =	ssyncset.done $0x0  }
0x189: {  	s22 =	sadd.s32 s7, s2;
	[sflag:s15] =	ssyncadd.s32 $0xFFFFF380  }
0x18a: {  	[tilespmem:s19], [sflag:$0x6] =	stream.linear.gather [hbm4b:s22+s30], $0xC80, $0x38;
	[tilespmem:$0x1BF78] =	vst v63  }
0x18b: {  	_ =	swait.ge [sflag:s15], $0xC80  }
0x18c: {  	[sflag:s15] =	ssyncset.done $0x0  }
0x18d: {  	s23 =	sadd.s32 s8, s2;
	[sflag:s15] =	ssyncadd.s32 $0xFFFFF380  }
0x18e: {  	[tilespmem:s20], [sflag:$0x6] =	stream.linear.gather [hbm4b:s23+s30], $0xC80, $0x38;
	[tilespmem:$0x1BF78] =	vst v63  }
0x18f: {  	_ =	swait.ge [sflag:s15], $0xC80  }
0x190: {  	[sflag:s15] =	ssyncset.done $0x0  }
0x191: {  	[sflag:s15] =	ssyncadd.s32 $0xFFFFF380  }
0x192: {  	[tilespmem:s14], [sflag:$0x1] =	stream.indirect.gather [hbm4b:s1+s21], $0x80, s30, s21, $0xb8;
	[tilespmem:$0x1BF78] =	vst v63  }
0x193: {  	s25 =	simm.s32 $0x8080  }
0x194: {  	[tilespmem:s25], [sflag:$0x1] =	stream.indirect.gather [hbm4b:s11+s21], $0x1, s19, s21, $0xb8;
	[tilespmem:$0x1BF78] =	vst v63  }
0x195: {  	s28 =	simm.s32 $0x5800  }
0x196: {  	[tilespmem:s28], [sflag:$0x3] =	stream.indirect.gather [hbm4b:s9+s21], $0x80, s19, s21, $0xb8;
	[tilespmem:$0x1BF78] =	vst v63  }
0x197: {  	s29 =	simm.s32 $0x6C00;
	p3 =	por $0x0, $0x0;
	s0 =	simm.s32 $0x0  }
0x198: {  	[tilespmem:s29], [sflag:$0x3] =	stream.indirect.gather [hbm4b:s10+s21], $0x80, s20, s21, $0xb8;
	[tilespmem:$0x1BF78] =	vst v63  }
.LBB2_7:
0x199: {  	p4 =	seq.s32 s0, $0x0  }
.Ltmp2:
0x19a: {  	_ = 	snop;
	(pc) =	sbr.rel @p4 .LBB2_8-.Ltmp2, $2  }
0x19b: {  	_ =	sdelay $0x2  }
0x19c: {  	s12 =	sand.u32 $0x1, s0;
	s2 =	sadd.s32 $0x1, s0  }
0x19d: {  	p4 =	seq.s32 s0, $0x18  }
.Ltmp3:
0x19e: {  	_ = 	snop;
	(pc) =	sbr.rel @p4 .LBB2_12-.Ltmp3, $1  }
0x19f: {  	_ =	sdelay $0x3  }
0x1a0: {  	s5 =	sxor.u32 $0x1, s12  }
0x1a1: {  	s13 =	sor.u32 $0x4, s5  }
0x1a2: {  	_ =	swait.ge [sflag:s13], $0x1400  }
.Ltmp4:
0x1a3: {  	[sflag:s13] =	ssyncset.done $0x0;
	(pc) =	sbr.rel .LBB2_11-.Ltmp4, $4  }
0x1a4: {  	[sflag:s13] =	ssyncadd.s32 $0xFFFFEC00  }
0x1a5: {  	_ =	swait.ge [sflag:s13], $0x28  }
0x1a6: {  	[sflag:s13] =	ssyncset.done $0x0  }
0x1a7: {  	[sflag:s13] =	ssyncadd.s32 $0xFFFFFFD8  }
.LBB2_8:
0x1a8: {  	s5 =	simm.s32 $0x1  }
.LBB2_11:
0x1a9: {  	s13 =	smul.u32 $0x5000, s5  }
0x1aa: {  	s25 =	smul.u32 $0xC0, s5  }
0x1ab: {  	s17 =	sshll.u32 s2, $0x7;
	s13 =	sshrl.u32 s13, $0x2  }
0x1ac: {  	s28 =	sadd.s32 $0x1, s5;
	s5 =	sshrl.u32 s25, $0x2;
	s13 =	sadd.s32 $0x3000, s13  }
0x1ad: {  	[tilespmem:s13], [sflag:s28] =	stream.indirect.gather [hbm4b:s1+s21], $0x80, s17, s21, $0xb8;
	[tilespmem:$0x1BF78] =	vst v63  }
0x1ae: {  	s29 =	sadd.s32 $0x1000, s17;
	s5 =	sor.u32 $0x8080, s5  }
0x1af: {  	[tilespmem:s5], [sflag:s28] =	stream.indirect.gather [hbm4b:s11+s21], $0x1, s29, s21, $0xb8;
	[tilespmem:$0x1BF78] =	vst v63  }
.LBB2_12:
0x1b0: {  	s5 =	sadd.s32 $0x1, s12  }
0x1b1: {  	_ =	swait.ge [sflag:s5], $0x1400  }
0x1b2: {  	s13 =	simm.s32 $0x1;
	[sflag:s5] =	ssyncset.done $0x0  }
0x1b3: {  	s13 =	simm.s32 @!p3 $0x0;
	[sflag:s5] =	ssyncadd.s32 $0xFFFFEC00  }
0x1b4: {  	s13 =	smul.u32 $0x5000, s13;
	_ =	swait.ge [sflag:s5], $0x28  }
0x1b5: {  	[sflag:s5] =	ssyncset.done $0x0  }
0x1b6: {  	s13 =	sshrl.u32 s13, $0x2;
	[sflag:s5] =	ssyncadd.s32 $0xFFFFFFD8  }
0x1b7: {  	s13 =	sadd.s32 $0x3040, s13;
	_ =	swait.ge [sflag:s26], $0x1400  }
0x1b8: {  	v57 =	vmov s13;
	[sflag:s26] =	ssyncset.done $0x0  }
0x1b9: {  	[sflag:s26] =	ssyncadd.s32 $0xFFFFEC00  }
0x1ba: {  	_ =	swait.ge [sflag:s26], $0x1400  }
0x1bb: {  	[sflag:s26] =	ssyncset.done $0x0  }
0x1bc: {  	s23 =	simm.s32 $0x0;
	[sflag:s26] =	ssyncadd.s32 $0xFFFFEC00  }
0x1bd: {  	v0 =	vld.idx.msk [tilespmem:v57+s23+$0x30 ss:$0x1], $0xffff  }
0x1be: {  	v2 =	vld.idx.msk [tilespmem:v57+s23+$0x20 ss:$0x1], $0xffff  }
0x1bf: {  	v3 =	vld [tilespmem:s23+$0x6C30]  }
0x1c0: {  	v58 =	vld.idx.msk [tilespmem:v57+s23+$0x0 ss:$0x1], $0xffff  }
0x1c1: {  	v59 =	vld.idx.msk [tilespmem:v57+s23+$0xFFFFFFF0 ss:$0x1], $0xffff  }
0x1c2: {  	v60 =	vld [tilespmem:s23+$0x6C00]  }
0x1c3: {  	v61 =	vld.idx.msk [tilespmem:v57+s23+$0xFFFFFFE0 ss:$0x1], $0xffff  }
0x1c4: {  	v62 =	vld [tilespmem:s23+$0x5800]  }
0x1c5: {  	v63 =	vld.idx.msk [tilespmem:v57+s23+$0xFFFFFFC0 ss:$0x1], $0xffff  }
0x1c6: {  	v4 =	vld.idx.msk [tilespmem:v57+s23+$0xFFFFFFD0 ss:$0x1], $0xffff  }
0x1c7: {  	v5 =	vld [tilespmem:s23+$0x5810]  }
0x1c8: {  	v6 =	vld [tilespmem:s23+$0x5820]  }
0x1c9: {  	v7 =	vld [tilespmem:s23+$0x6C10]  }
0x1ca: {  	v8 =	vld [tilespmem:s23+$0x5830]  }
0x1cb: {  	v9 =	vld [tilespmem:s23+$0x6C20]  }
0x1cc: {  	v62 =	vadd.f32 v62, v63;
	v4 =	vadd.f32 v5, v4;
	v5 =	vld [tilespmem:s23+$0x5840]  }
0x1cd: {  	v6 =	vadd.f32 v6, v61;
	v61 =	vld.idx.msk [tilespmem:v57+s23+$0x10 ss:$0x1], $0xffff  }
0x1ce: {  	v60 =	vadd.f32 v60, v62;
	v4 =	vadd.f32 v7, v4;
	v7 =	vld [tilespmem:s23+$0x5850]  }
0x1cf: {  	v8 =	vadd.f32 v8, v59;
	v59 =	vld [tilespmem:s23+$0x6C40]  }
0x1d0: {  	v6 =	vadd.f32 v9, v6;
	v9 =	vld [tilespmem:s23+$0x5860];
	v62 =	vmul.f32 $2.000000030e-01, v60;
	v63 =	vmul.f32 $2.000000030e-01, v4  }
0x1d1: {  	v3 =	vadd.f32 v3, v8;
	v8 =	vld [tilespmem:s23+$0x6C50];
	v5 =	vadd.f32 v5, v58  }
0x1d2: {  	v58 =	vmax.f32 v60, v62;
	v4 =	vmax.f32 v4, v63;
	v60 =	vmul.f32 $2.000000030e-01, v6;
	v62 =	vld [tilespmem:s23+$0x5870]  }
0x1d3: {  	v58 =	vmul.f32 v58, v49;
	v4 =	vmul.f32 v4, v50;
	v7 =	vadd.f32 v7, v61;
	v61 =	vld [tilespmem:s23+$0x6C60]  }
0x1d4: {  	v5 =	vadd.f32 v59, v5;
	v6 =	vmax.f32 v6, v60;
	v60 =	vmul.f32 $2.000000030e-01, v3  }
0x1d5: {  	v2 =	vadd.f32 v9, v2;
	v9 =	vld [tilespmem:s23+$0x6C70];
	v4 =	vadd.f32 v4, v58;
	v6 =	vmul.f32 v6, v51  }
0x1d6: {  	v7 =	vadd.f32 v8, v7;
	v3 =	vmax.f32 v3, v60;
	v60 =	vmul.f32 $2.000000030e-01, v5  }
0x1d7: {  	v4 =	vadd.f32 v6, v4;
	v3 =	vmul.f32 v3, v52;
	v0 =	vadd.f32 v62, v0  }
0x1d8: {  	v62 =	vmul.f32 $2.000000030e-01, v7;
	v5 =	vmax.f32 v5, v60;
	v2 =	vadd.f32 v61, v2  }
0x1d9: {  	v3 =	vadd.f32 v3, v4;
	v4 =	vmul.f32 v5, v53  }
0x1da: {  	v5 =	vmax.f32 v7, v62;
	v0 =	vadd.f32 v9, v0;
	v63 =	vmul.f32 $2.000000030e-01, v2  }
0x1db: {  	v3 =	vadd.f32 v4, v3;
	v4 =	vmul.f32 v5, v54  }
0x1dc: {  	v5 =	vmul.f32 $2.000000030e-01, v0;
	v2 =	vmax.f32 v2, v63  }
0x1dd: {  	v3 =	vadd.f32 v4, v3;
	v2 =	vmul.f32 v2, v55  }
0x1de: {  	v0 =	vmax.f32 v0, v5  }
0x1df: {  	v0 =	vmul.f32 v0, v56;
	v2 =	vadd.f32 v2, v3;
	_ =	sdelay $0x1  }
0x1e0: {  	v0 =	vadd.f32 v0, v2  }
0x1e1: {  	s28 =	simm.s32 $0x8180  }
0x1e2: {  	s29 =	simm.s32 $0x80;
	[tilespmem:s28+$0x0] =	vst v0  }
0x1e3: {  	v58 =	vld.idx.msk [tilespmem:v57+s29+$0x30 ss:$0x1], $0xffff  }
0x1e4: {  	v59 =	vld.idx.msk [tilespmem:v57+s29+$0x20 ss:$0x1], $0xffff  }
0x1e5: {  	v60 =	vld [tilespmem:s29+$0x6C30]  }
0x1e6: {  	v61 =	vld.idx.msk [tilespmem:v57+s29+$0x0 ss:$0x1], $0xffff  }
0x1e7: {  	v62 =	vld.idx.msk [tilespmem:v57+s29+$0xFFFFFFF0 ss:$0x1], $0xffff  }
0x1e8: {  	s25 =	smul.u32 $0x5000, s12;
	v63 =	vld [tilespmem:s29+$0x6C00]  }
0x1e9: {  	v0 =	vld.idx.msk [tilespmem:v57+s29+$0xFFFFFFE0 ss:$0x1], $0xffff  }
0x1ea: {  	s5 =	sshrl.u32 s25, $0x2;
	v2 =	vld [tilespmem:s29+$0x5800]  }
0x1eb: {  	s17 =	sadd.s32 $0x3000, s5;
	s5 =	simm.s32 $0x400;
	v3 =	vld.idx.msk [tilespmem:v57+s29+$0xFFFFFFC0 ss:$0x1], $0xffff  }
.LBB2_13:
0x1ec: {  	p4 =	sne.s32 s5, $0x4E00;
	v4 =	vld.idx.msk [tilespmem:v57+s29+$0xFFFFFFD0 ss:$0x1], $0xffff  }
0x1ed: {  	v5 =	vld [tilespmem:s29+$0x5810]  }
0x1ee: {  	v6 =	vld [tilespmem:s29+$0x5820]  }
0x1ef: {  	v7 =	vld [tilespmem:s29+$0x6C10]  }
0x1f0: {  	v8 =	vld [tilespmem:s29+$0x5830]  }
0x1f1: {  	v9 =	vld [tilespmem:s29+$0x6C20]  }
0x1f2: {  	v2 =	vadd.f32 v2, v3;
	v3 =	vadd.f32 v5, v4;
	v4 =	vld [tilespmem:s29+$0x5840]  }
0x1f3: {  	v0 =	vadd.f32 v6, v0;
	v5 =	vld.idx.msk [tilespmem:v57+s29+$0x10 ss:$0x1], $0xffff  }
0x1f4: {  	v2 =	vadd.f32 v63, v2;
	v3 =	vadd.f32 v7, v3;
	v6 =	vld [tilespmem:s29+$0x5850]  }
0x1f5: {  	v7 =	vadd.f32 v8, v62;
	v8 =	vld [tilespmem:s29+$0x6C40]  }
0x1f6: {  	v62 =	vmul.f32 $2.000000030e-01, v2;
	v63 =	vmul.f32 $2.000000030e-01, v3;
	v0 =	vadd.f32 v9, v0;
	v9 =	vld [tilespmem:s29+$0x5860]  }
0x1f7: {  	v7 =	vadd.f32 v60, v7;
	v4 =	vadd.f32 v4, v61;
	v60 =	vld [tilespmem:s29+$0x6C50]  }
0x1f8: {  	v2 =	vmax.f32 v2, v62;
	v3 =	vmax.f32 v3, v63;
	v61 =	vmul.f32 $2.000000030e-01, v0;
	v62 =	vld [tilespmem:s29+$0x5870]  }
0x1f9: {  	v2 =	vmul.f32 v2, v49;
	v3 =	vmul.f32 v3, v50;
	v5 =	vadd.f32 v6, v5;
	v6 =	vld [tilespmem:s29+$0x6C60]  }
0x1fa: {  	v0 =	vmax.f32 v0, v61;
	v61 =	vmul.f32 $2.000000030e-01, v7;
	v4 =	vadd.f32 v8, v4  }
0x1fb: {  	v2 =	vadd.f32 v3, v2;
	v0 =	vmul.f32 v0, v51;
	v3 =	vadd.f32 v9, v59;
	v8 =	vld [tilespmem:s29+$0x6C70]  }
0x1fc: {  	v7 =	vmax.f32 v7, v61;
	v9 =	vmul.f32 $2.000000030e-01, v4;
	v5 =	vadd.f32 v60, v5  }
0x1fd: {  	v0 =	vadd.f32 v0, v2;
	v2 =	vmul.f32 v7, v52;
	v7 =	vadd.f32 v62, v58  }
0x1fe: {  	v4 =	vmax.f32 v4, v9;
	v9 =	vmul.f32 $2.000000030e-01, v5;
	v3 =	vadd.f32 v6, v3  }
0x1ff: {  	v0 =	vadd.f32 v2, v0;
	v2 =	vmul.f32 v4, v53  }
0x200: {  	v4 =	vmax.f32 v5, v9;
	v5 =	vmul.f32 $2.000000030e-01, v3;
	v6 =	vadd.f32 v8, v7  }
0x201: {  	v0 =	vadd.f32 v2, v0;
	v2 =	vmul.f32 v4, v54  }
0x202: {  	v3 =	vmax.f32 v3, v5;
	v4 =	vmul.f32 $2.000000030e-01, v6  }
0x203: {  	v0 =	vadd.f32 v2, v0;
	v2 =	vmul.f32 v3, v55  }
0x204: {  	v3 =	vmax.f32 v6, v4  }
0x205: {  	v0 =	vadd.f32 v2, v0;
	v2 =	vmul.f32 v3, v56;
	_ =	sdelay $0x1  }
0x206: {  	v0 =	vadd.f32 v2, v0  }
0x207: {  	s28 =	sadd.s32 $0x10, s28  }
0x208: {  	s29 =	sshra.s32 s5, $0x2;
	[tilespmem:s28+$0x0] =	vst v0  }
0x209: {  	v58 =	vld.idx.msk [tilespmem:v57+s29+$0x30 ss:$0x1], $0xffff  }
0x20a: {  	v59 =	vld.idx.msk [tilespmem:v57+s29+$0x20 ss:$0x1], $0xffff  }
0x20b: {  	v60 =	vld [tilespmem:s29+$0x6C30]  }
0x20c: {  	v61 =	vld.idx.msk [tilespmem:v57+s29+$0x0 ss:$0x1], $0xffff  }
.Ltmp5:
0x20d: {  	v62 =	vld.idx.msk [tilespmem:v57+s29+$0xFFFFFFF0 ss:$0x1], $0xffff;
	(pc) =	sbr.rel @p4 .LBB2_13-.Ltmp5, $4  }
0x20e: {  	v63 =	vld [tilespmem:s29+$0x6C00]  }
0x20f: {  	v0 =	vld.idx.msk [tilespmem:v57+s29+$0xFFFFFFE0 ss:$0x1], $0xffff  }
0x210: {  	v2 =	vld [tilespmem:s29+$0x5800]  }
0x211: {  	s5 =	sadd.s32 $0x200, s5;
	v3 =	vld.idx.msk [tilespmem:v57+s29+$0xFFFFFFC0 ss:$0x1], $0xffff  }
0x212: {  	_ =	sdelay $0x3  }
0x213: {  	v4 =	vld.idx.msk [tilespmem:v57+s29+$0xFFFFFFD0 ss:$0x1], $0xffff  }
0x214: {  	v5 =	vld [tilespmem:s29+$0x5810]  }
0x215: {  	v6 =	vld [tilespmem:s29+$0x5820]  }
0x216: {  	v7 =	vld [tilespmem:s29+$0x6C10]  }
0x217: {  	v8 =	vld [tilespmem:s29+$0x5830]  }
0x218: {  	v9 =	vld [tilespmem:s29+$0x6C20]  }
0x219: {  	v2 =	vadd.f32 v2, v3;
	v3 =	vadd.f32 v5, v4;
	v4 =	vld [tilespmem:s29+$0x5840]  }
0x21a: {  	v0 =	vadd.f32 v6, v0;
	v5 =	vld.idx.msk [tilespmem:v57+s29+$0x10 ss:$0x1], $0xffff  }
0x21b: {  	v6 =	vld [tilespmem:s29+$0x5850];
	v2 =	vadd.f32 v63, v2;
	v3 =	vadd.f32 v7, v3  }
0x21c: {  	v7 =	vadd.f32 v8, v62;
	v8 =	vld [tilespmem:s29+$0x6C40]  }
0x21d: {  	v0 =	vadd.f32 v9, v0;
	v9 =	vld [tilespmem:s29+$0x5860];
	v57 =	vmul.f32 $2.000000030e-01, v2;
	v62 =	vmul.f32 $2.000000030e-01, v3  }
0x21e: {  	v7 =	vadd.f32 v60, v7;
	v60 =	vld [tilespmem:s29+$0x6C50];
	v4 =	vadd.f32 v4, v61  }
0x21f: {  	v2 =	vmax.f32 v2, v57;
	v57 =	vmul.f32 $2.000000030e-01, v0;
	v61 =	vld [tilespmem:s29+$0x5870];
	v3 =	vmax.f32 v3, v62  }
0x220: {  	v63 =	vld [tilespmem:s29+$0x6C60];
	v5 =	vadd.f32 v6, v5;
	v2 =	vmul.f32 v2, v49;
	v3 =	vmul.f32 v3, v50  }
0x221: {  	v0 =	vmax.f32 v0, v57;
	v4 =	vadd.f32 v8, v4;
	v8 =	vmul.f32 $2.000000030e-01, v7  }
0x222: {  	v0 =	vmul.f32 v0, v51;
	v2 =	vadd.f32 v3, v2;
	v3 =	vadd.f32 v9, v59;
	v9 =	vld [tilespmem:s29+$0x6C70]  }
0x223: {  	v7 =	vmax.f32 v7, v8;
	v5 =	vadd.f32 v60, v5;
	v8 =	vmul.f32 $2.000000030e-01, v4  }
0x224: {  	v62 =	vadd.f32 v61, v58;
	v0 =	vadd.f32 v0, v2;
	v2 =	vmul.f32 v7, v52  }
0x225: {  	v4 =	vmax.f32 v4, v8;
	v8 =	vmul.f32 $2.000000030e-01, v5;
	v3 =	vadd.f32 v63, v3  }
0x226: {  	v0 =	vadd.f32 v2, v0;
	v2 =	vmul.f32 v4, v53  }
0x227: {  	v4 =	vmax.f32 v5, v8;
	v5 =	vmul.f32 $2.000000030e-01, v3;
	v63 =	vadd.f32 v9, v62  }
0x228: {  	v0 =	vadd.f32 v2, v0;
	v2 =	vmul.f32 v4, v54  }
0x229: {  	v3 =	vmax.f32 v3, v5;
	v4 =	vmul.f32 $2.000000030e-01, v63  }
0x22a: {  	v0 =	vadd.f32 v2, v0;
	v2 =	vmul.f32 v3, v55  }
0x22b: {  	v3 =	vmax.f32 v63, v4  }
0x22c: {  	v0 =	vadd.f32 v2, v0;
	v2 =	vmul.f32 v3, v56;
	_ =	sdelay $0x1  }
0x22d: {  	v0 =	vadd.f32 v2, v0;
	v2 =	vld [tilespmem:$0x1FF70];
	_ =	sdelay $0x1  }
0x22e: {  	v3 =	vld [tilespmem:$0x1FF80];
	_ =	sdelay $0x1  }
0x22f: {  	v4 =	vld [tilespmem:$0x1FF90]  }
0x230: {  	s5 =	sadd.s32 $0x10, s28  }
0x231: {  	[tilespmem:s5+$0x0] =	vst v0  }
0x232: {  	v0 =	vld.idx.msk [tilespmem:v10+s16+$0x0], $0xffff  }
0x233: {  	v2 =	vld.idx.msk [tilespmem:v2+s16+$0x0], $0xffff;
	_ =	sdelay $0x1  }
0x234: {  	v3 =	vld.idx.msk [tilespmem:v3+s16+$0x0], $0xffff;
	_ =	sdelay $0x1  }
0x235: {  	v4 =	vld.idx.msk [tilespmem:v4+s16+$0x0], $0xffff  }
0x236: {  	v0 =	vadd.f32 v2, v0;
	v2 =	vld [tilespmem:$0x1FFA0];
	_ =	sdelay $0x1  }
0x237: {  	v0 =	vadd.f32 v3, v0;
	v3 =	vld [tilespmem:$0x1FFB0];
	_ =	sdelay $0x1  }
0x238: {  	v0 =	vadd.f32 v4, v0;
	v4 =	vld [tilespmem:$0x1FFC0];
	_ =	sdelay $0x3  }
0x239: {  	v2 =	vld.idx.msk [tilespmem:v2+s16+$0x0], $0xffff;
	_ =	sdelay $0x1  }
0x23a: {  	v3 =	vld.idx.msk [tilespmem:v3+s16+$0x0], $0xffff;
	_ =	sdelay $0x1  }
0x23b: {  	v4 =	vld.idx.msk [tilespmem:v4+s16+$0x0], $0xffff  }
0x23c: {  	v0 =	vadd.f32 v2, v0;
	v2 =	vld [tilespmem:$0x1FFD0];
	_ =	sdelay $0x1  }
0x23d: {  	v0 =	vadd.f32 v3, v0;
	v3 =	vld [tilespmem:$0x1FFE0];
	_ =	sdelay $0x1  }
0x23e: {  	v0 =	vadd.f32 v4, v0;
	v4 =	vld [tilespmem:$0x1FFF0];
	_ =	sdelay $0x3  }
0x23f: {  	v2 =	vld.idx.msk [tilespmem:v2+s16+$0x0], $0xffff;
	_ =	sdelay $0x1  }
0x240: {  	v3 =	vld.idx.msk [tilespmem:v3+s16+$0x0], $0xffff;
	_ =	sdelay $0x1  }
0x241: {  	v4 =	vld.idx.msk [tilespmem:v4+s16+$0x0], $0xffff  }
0x242: {  	v0 =	vadd.f32 v2, v0  }
0x243: {  	v2 =	vld.idx.msk [tilespmem:v11+s16+$0x0], $0xffff  }
0x244: {  	v0 =	vadd.f32 v3, v0  }
0x245: {  	v3 =	vld.idx.msk [tilespmem:v12+s16+$0x0], $0xffff  }
0x246: {  	v0 =	vadd.f32 v4, v0  }
0x247: {  	v4 =	vld.idx.msk [tilespmem:v13+s16+$0x0], $0xffff  }
0x248: {  	v0 =	vadd.f32 v2, v0  }
0x249: {  	v2 =	vld.idx.msk [tilespmem:v14+s16+$0x0], $0xffff  }
0x24a: {  	v0 =	vadd.f32 v3, v0  }
0x24b: {  	v3 =	vld.idx.msk [tilespmem:v15+s16+$0x0], $0xffff  }
0x24c: {  	v0 =	vadd.f32 v4, v0  }
0x24d: {  	s5 =	smul.u32 $0x30, s12;
	v4 =	vld.idx.msk [tilespmem:v16+s16+$0x0], $0xffff  }
0x24e: {  	v0 =	vadd.f32 v2, v0  }
0x24f: {  	v2 =	vld [tilespmem:s5+$0x8080]  }
0x250: {  	v0 =	vadd.f32 v3, v0;
	_ =	sdelay $0x1  }
0x251: {  	v0 =	vadd.f32 v4, v0;
	_ =	sdelay $0x1  }
0x252: {  	v0 =	vsub.f32 v0, v2;
	_ =	sdelay $0x1  }
0x253: {  	v0 =	vmul.f32 $1.442695020e+00, v0;
	_ =	sdelay $0x1  }
0x254: {  	(erf) = vpow2.f32 v0;
	_ =	sdelay $0x8  }
0x255: {  	v0 =	vpop (erf)  }
0x256: {  	[tilespmem:s5+$0x80E0] =	vst v0  }
0x257: {  	v0 =	vld.idx.msk [tilespmem:v17+s16+$0x0], $0xffff  }
0x258: {  	v2 =	vld.idx.msk [tilespmem:v18+s16+$0x0], $0xffff;
	_ =	sdelay $0x1  }
0x259: {  	v3 =	vld.idx.msk [tilespmem:v19+s16+$0x0], $0xffff;
	_ =	sdelay $0x1  }
0x25a: {  	v4 =	vld.idx.msk [tilespmem:v20+s16+$0x0], $0xffff  }
0x25b: {  	v0 =	vadd.f32 v2, v0  }
0x25c: {  	v2 =	vld.idx.msk [tilespmem:v21+s16+$0x0], $0xffff  }
0x25d: {  	v0 =	vadd.f32 v3, v0  }
0x25e: {  	v3 =	vld.idx.msk [tilespmem:v22+s16+$0x0], $0xffff  }
0x25f: {  	v0 =	vadd.f32 v4, v0  }
0x260: {  	v4 =	vld.idx.msk [tilespmem:v23+s16+$0x0], $0xffff  }
0x261: {  	v0 =	vadd.f32 v2, v0  }
0x262: {  	v2 =	vld.idx.msk [tilespmem:v24+s16+$0x0], $0xffff  }
0x263: {  	v0 =	vadd.f32 v3, v0  }
0x264: {  	v3 =	vld.idx.msk [tilespmem:v25+s16+$0x0], $0xffff  }
0x265: {  	v0 =	vadd.f32 v4, v0  }
0x266: {  	v4 =	vld.idx.msk [tilespmem:v26+s16+$0x0], $0xffff  }
0x267: {  	v0 =	vadd.f32 v2, v0  }
0x268: {  	v2 =	vld.idx.msk [tilespmem:v27+s16+$0x0], $0xffff  }
0x269: {  	v0 =	vadd.f32 v3, v0  }
0x26a: {  	v3 =	vld.idx.msk [tilespmem:v28+s16+$0x0], $0xffff  }
0x26b: {  	v0 =	vadd.f32 v4, v0  }
0x26c: {  	v4 =	vld.idx.msk [tilespmem:v29+s16+$0x0], $0xffff  }
0x26d: {  	v0 =	vadd.f32 v2, v0  }
0x26e: {  	v2 =	vld.idx.msk [tilespmem:v30+s16+$0x0], $0xffff  }
0x26f: {  	v0 =	vadd.f32 v3, v0  }
0x270: {  	v3 =	vld.idx.msk [tilespmem:v31+s16+$0x0], $0xffff  }
0x271: {  	v0 =	vadd.f32 v4, v0  }
0x272: {  	v4 =	vld.idx.msk [tilespmem:v32+s16+$0x0], $0xffff  }
0x273: {  	v0 =	vadd.f32 v2, v0  }
0x274: {  	v2 =	vld [tilespmem:s5+$0x8090]  }
0x275: {  	v0 =	vadd.f32 v3, v0;
	_ =	sdelay $0x1  }
0x276: {  	v0 =	vadd.f32 v4, v0;
	_ =	sdelay $0x1  }
0x277: {  	v0 =	vsub.f32 v0, v2;
	_ =	sdelay $0x1  }
0x278: {  	v0 =	vmul.f32 $1.442695020e+00, v0;
	_ =	sdelay $0x1  }
0x279: {  	(erf) = vpow2.f32 v0;
	_ =	sdelay $0x8  }
0x27a: {  	v0 =	vpop (erf)  }
0x27b: {  	[tilespmem:s5+$0x80F0] =	vst v0  }
0x27c: {  	v0 =	vld.idx.msk [tilespmem:v33+s16+$0x0], $0xffff  }
0x27d: {  	v2 =	vld.idx.msk [tilespmem:v34+s16+$0x0], $0xffff;
	_ =	sdelay $0x1  }
0x27e: {  	v3 =	vld.idx.msk [tilespmem:v35+s16+$0x0], $0xffff;
	_ =	sdelay $0x1  }
0x27f: {  	v4 =	vld.idx.msk [tilespmem:v36+s16+$0x0], $0xffff  }
0x280: {  	v0 =	vadd.f32 v2, v0  }
0x281: {  	v2 =	vld.idx.msk [tilespmem:v37+s16+$0x0], $0xffff  }
0x282: {  	v0 =	vadd.f32 v3, v0  }
0x283: {  	v3 =	vld.idx.msk [tilespmem:v38+s16+$0x0], $0xffff  }
0x284: {  	v0 =	vadd.f32 v4, v0  }
0x285: {  	v4 =	vld.idx.msk [tilespmem:v39+s16+$0x0], $0xffff  }
0x286: {  	v0 =	vadd.f32 v2, v0  }
0x287: {  	v2 =	vld.idx.msk [tilespmem:v40+s16+$0x0], $0xffff  }
0x288: {  	v0 =	vadd.f32 v3, v0  }
0x289: {  	v3 =	vld.idx.msk [tilespmem:v41+s16+$0x0], $0xffff  }
0x28a: {  	v0 =	vadd.f32 v4, v0  }
0x28b: {  	v4 =	vld.idx.msk [tilespmem:v42+s16+$0x0], $0xffff  }
0x28c: {  	v0 =	vadd.f32 v2, v0  }
0x28d: {  	v2 =	vld.idx.msk [tilespmem:v43+s16+$0x0], $0xffff  }
0x28e: {  	v0 =	vadd.f32 v3, v0  }
0x28f: {  	v3 =	vld.idx.msk [tilespmem:v44+s16+$0x0], $0xffff  }
0x290: {  	v0 =	vadd.f32 v4, v0  }
0x291: {  	v4 =	vld.idx.msk [tilespmem:v45+s16+$0x0], $0xffff  }
0x292: {  	v0 =	vadd.f32 v2, v0  }
0x293: {  	v2 =	vld.idx.msk [tilespmem:v46+s16+$0x0], $0xffff  }
0x294: {  	v0 =	vadd.f32 v3, v0  }
0x295: {  	v3 =	vld.idx.msk [tilespmem:v47+s16+$0x0], $0xffff  }
0x296: {  	v0 =	vadd.f32 v4, v0  }
0x297: {  	v4 =	vld.idx.msk [tilespmem:v48+s16+$0x0], $0xffff  }
0x298: {  	v0 =	vadd.f32 v2, v0  }
0x299: {  	v2 =	vld [tilespmem:s5+$0x80A0]  }
0x29a: {  	v0 =	vadd.f32 v3, v0;
	_ =	sdelay $0x1  }
0x29b: {  	v0 =	vadd.f32 v4, v0;
	_ =	sdelay $0x1  }
0x29c: {  	v0 =	vsub.f32 v0, v2;
	_ =	sdelay $0x1  }
0x29d: {  	v0 =	vmul.f32 $1.442695020e+00, v0;
	_ =	sdelay $0x1  }
0x29e: {  	(erf) = vpow2.f32 v0;
	_ =	sdelay $0x7  }
0x29f: {  	p4 =	seq.s32 s0, $0x18;
	v0 =	vmov s5  }
0x2a0: {  	s28 =	sshll.u32 @!p4 s2, $0x7;
	s29 =	simm.s32 $0x0;
	v57 =	vadd.s32 $0xE0, v0;
	v2 =	vpop (erf)  }
0x2a1: {  	s23 =	simm.s32 @!p4 $0x28;
	s25 =	simm.s32 @!p4 $0x5800;
	s22 =	sadd.s32 @!p4 $0x1000, s28;
	v0 =	vadd.s32 s29, v57;
	[tilespmem:s5+$0x8100] =	vst v2  }
0x2a2: {  	v0 =	vbroadcast v0, $0x0;
	[tilespmem:s25], [sflag:$0x3] =	stream.indirect.gather @!p4 [hbm4b:s9+s23], $0x80, s22, s23, $0xb8;
	[tilespmem:$0x1BF78] =	vst v63  }
0x2a3: {  	s22 =	sadd.s32 @!p4 $0x2000, s28;
	s25 =	simm.s32 @!p4 $0x6C00  }
0x2a4: {  	[tilespmem:s25], [sflag:$0x3] =	stream.indirect.gather @!p4 [hbm4b:s10+s23], $0x80, s22, s23, $0xb8;
	[tilespmem:$0x1BF78] =	vst v63  }
0x2a5: {  	v2 =	vld [tilespmem:s13+$0x30]  }
0x2a6: {  	v4 =	vld [tilespmem:s13+$0x10]  }
0x2a7: {  	v3 =	vld [tilespmem:s13+$0xFFFFFFC0]  }
0x2a8: {  	v59 =	vld.idx.msk [tilespmem:v0+s18+$0x0], $0xffff  }
0x2a9: {  	v5 =	vld [tilespmem:s13+$0xFFFFFFE0]  }
0x2aa: {  	v58 =	vld [tilespmem:s13+$0xFFFFFFF0]  }
0x2ab: {  	v0 =	vld [tilespmem:s13+$0x20]  }
0x2ac: {  	v60 =	vld [tilespmem:s13+$0xFFFFFFD0]  }
0x2ad: {  	v63 =	vmul.f32 v2, v59;
	v2 =	vld [tilespmem:s13+$0x0]  }
0x2ae: {  	v3 =	vmul.f32 v3, v59  }
0x2af: {  	s29 =	smov.u32 s13;
	s5 =	sadd.s32 $0x80E0, s5;
	s28 =	simm.s32 $0x1;
	v61 =	vmul.f32 v5, v59;
	v62 =	vmul.f32 v4, v59  }
.LBB2_15:
0x2b0: {  	p4 =	sne.s32 s28, $0x27  }
0x2b1: {  	v4 =	vmul.f32 v60, v59;
	v0 =	vmul.f32 v0, v59;
	[tilespmem:s13+$0x30] =	vst v63;
	s29 =	sadd.s32 $0x80, s29;
	s22 =	smov.u32 s28;
	s28 =	sadd.s32 $0x1, s28  }
0x2b2: {  	v5 =	vadd.s32 s22, v57;
	[tilespmem:s13+$0xFFFFFFC0] =	vst v3;
	v3 =	vmul.f32 v58, v59;
	v2 =	vmul.f32 v2, v59  }
0x2b3: {  	v5 =	vbroadcast v5, $0x0;
	[tilespmem:s13+$0x10] =	vst v62  }
0x2b4: {  	[tilespmem:s13+$0xFFFFFFE0] =	vst v61  }
0x2b5: {  	v58 =	vld [tilespmem:s29+$0xFFFFFFF0];
	[tilespmem:s13+$0xFFFFFFF0] =	vst v3  }
0x2b6: {  	v6 =	vld [tilespmem:s29+$0x30];
	[tilespmem:s13+$0x0] =	vst v2  }
0x2b7: {  	v7 =	vld [tilespmem:s29+$0x10];
	[tilespmem:s13+$0x20] =	vst v0  }
0x2b8: {  	v3 =	vld [tilespmem:s29+$0xFFFFFFC0];
	[tilespmem:s13+$0xFFFFFFD0] =	vst v4;
	s13 =	smov.u32 s29  }
0x2b9: {  	v59 =	vld.idx.msk [tilespmem:v5+s18+$0x0], $0xffff  }
0x2ba: {  	v4 =	vld [tilespmem:s29+$0xFFFFFFE0]  }
0x2bb: {  	v0 =	vld [tilespmem:s29+$0x20]  }
.Ltmp6:
0x2bc: {  	v60 =	vld [tilespmem:s29+$0xFFFFFFD0];
	(pc) =	sbr.rel @p4 .LBB2_15-.Ltmp6, $3  }
0x2bd: {  	v2 =	vld [tilespmem:s29+$0x0];
	_ =	sdelay $0x1  }
0x2be: {  	v3 =	vmul.f32 v3, v59;
	v63 =	vmul.f32 v6, v59  }
0x2bf: {  	v62 =	vmul.f32 v7, v59;
	v61 =	vmul.f32 v4, v59  }
0x2c0: {  	[tilespmem:s13+$0x30] =	vst v63  }
0x2c1: {  	[tilespmem:s13+$0xFFFFFFC0] =	vst v3  }
0x2c2: {  	v3 =	vmul.f32 v58, v59;
	[tilespmem:s13+$0x10] =	vst v62  }
0x2c3: {  	v0 =	vmul.f32 v0, v59;
	[tilespmem:s13+$0xFFFFFFE0] =	vst v61  }
0x2c4: {  	v2 =	vmul.f32 v2, v59;
	[tilespmem:s13+$0xFFFFFFF0] =	vst v3  }
0x2c5: {  	s0 =	sshll.u32 s0, $0x7;
	v3 =	vmul.f32 v60, v59;
	[tilespmem:s13+$0x20] =	vst v0  }
0x2c6: {  	p4 =	sne.s32 s2, $0x19;
	s0 =	sand.u32 $0x3FFFFF80, s0;
	[tilespmem:s13+$0x0] =	vst v2  }
.Ltmp7:
0x2c7: {  	s12 =	sor.u32 $0x4, s12;
	s0 =	sadd.s32 $0x1000, s0;
	[tilespmem:s13+$0xFFFFFFD0] =	vst v3;
	(pc) =	sbr.rel @p4 .LBB2_7-.Ltmp7, $4  }
0x2c8: {  	[spmem:s3] =	stream.indirect.scatter.add.f32 [tilespmem:s17], [sflag:s12], $0x80, s0, s21, $0xb8;
	[tilespmem:$0x1BF78] =	vst v63  }
0x2c9: {  	_ = 	snop  }
0x2ca: {  	[spmem:s4] =	stream.indirect.scatter.add.f32 [tilespmem:s5], [sflag:s12], $0x1, s0, s21, $0xb8;
	[tilespmem:$0x1BF78] =	vst v63  }
0x2cb: {  	p3 =	por !p3, !p3;
	s0 =	smov.u32 s2  }
0x2cc: {  	s31 =	sadd.s32 $0x1, s31  }
0x2cd: {  	p3 =	sne.s32 s31, $0xA  }
.Ltmp8:
0x2ce: {  	_ = 	snop;
	(pc) =	sbr.rel @p3 .LBB2_6-.Ltmp8, $1  }
0x2cf: {  	_ =	sdelay $0x3  }
0x2d0: {  	s0 =	simm.s32 $0x4  }
0x2d1: {  	_ =	swait.ge [sflag:s0], $0x1400  }
0x2d2: {  	[sflag:s0] =	ssyncset.done $0x0  }
0x2d3: {  	[sflag:s0] =	ssyncadd.s32 $0xFFFFEC00  }
0x2d4: {  	_ =	swait.ge [sflag:s0], $0x28  }
0x2d5: {  	[sflag:s0] =	ssyncset.done $0x0  }
0x2d6: {  	s29 =	simm.s32 $0x5;
	[sflag:s0] =	ssyncadd.s32 $0xFFFFFFD8  }
0x2d7: {  	_ =	swait.ge [sflag:s29], $0x1400  }
0x2d8: {  	[sflag:s29] =	ssyncset.done $0x0  }
0x2d9: {  	[sflag:s29] =	ssyncadd.s32 $0xFFFFEC00  }
0x2da: {  	_ =	swait.ge [sflag:s29], $0x28  }
0x2db: {  	[sflag:s29] =	ssyncset.done $0x0  }
0x2dc: {  	s0 =	stileid.u32;
	[sflag:s29] =	ssyncadd.s32 $0xFFFFFFD8  }
0x2dd: {  	s0 =	sshll.u32 @!p1 s0, $0x6;
	[bflag:$0x0] =	sbarrier.arrive $0xFFFF  }
0x2de: {  	s2 =	sshrl.u32 @!p1 s3, $0x3;
	s0 =	sor.u32 @!p1 $0x1C06, s0;
	s5 =	rddreg [dreg:$0x7]  }
0x2df: {  	[hbm:s5], [sflag:s0] =	dma.local @!p1 [spmem:s2], $0x27100  }
0x2e0: {  	s2 =	simm.s32 @!p1 $0x6  }
0x2e1: {  	_ =	swait.ge @!p1 [sflag:s2], $0x27100  }
0x2e2: {  	[sflag:s2] =	ssyncset.done @!p1 $0x0  }
0x2e3: {  	s5 =	sshrl.u32 @!p1 s4, $0x3;
	s12 =	rddreg [dreg:$0x9];
	[sflag:s2] =	ssyncadd.s32 @!p1 $0xFFFD8F00  }
0x2e4: {  	[hbm:s12], [sflag:s0] =	dma.local @!p1 [spmem:s5], $0x4F0  }
0x2e5: {  	_ =	swait.ge @!p1 [sflag:s2], $0x4F0  }
0x2e6: {  	s0 =	sshrl.u32 @p2 s3, $0x3;
	[sflag:s2] =	ssyncset.done @!p1 $0x0  }
0x2e7: {  	s5 =	rddreg [dreg:$0x8];
	[sflag:s2] =	ssyncadd.s32 @!p1 $0xFFFFFB10;
	s2 =	simm.s32 @p2 $0x1C06  }
0x2e8: {  	[hbm:s5], [sflag:s2] =	dma.local @p2 [spmem:s0], $0x27100  }
0x2e9: {  	s0 =	simm.s32 @p2 $0x6  }
0x2ea: {  	_ =	swait.ge @p2 [sflag:s0], $0x27100  }
0x2eb: {  	[sflag:s0] =	ssyncset.done @p2 $0x0  }
0x2ec: {  	s5 =	sshrl.u32 @p2 s4, $0x3;
	s12 =	rddreg [dreg:$0xa];
	[sflag:s0] =	ssyncadd.s32 @p2 $0xFFFD8F00  }
0x2ed: {  	[hbm:s12], [sflag:s2] =	dma.local @p2 [spmem:s5], $0x4F0  }
0x2ee: {  	_ =	swait.ge @p2 [sflag:s0], $0x4F0  }
0x2ef: {  	s17 =	rddreg [dreg:$0x6]  }
0x2f0: {  	s31 =	rddreg [dreg:$0x12];
	s17 =	sadd.s32 $0x1, s17  }
0x2f1: {  	p3 =	sne.s32 s17, s31  }
.Ltmp9:
0x2f2: {  	_ = 	snop;
	(pc) =	sbr.rel @p3 .LBB2_1-.Ltmp9, $3  }
0x2f3: {  	_ =	sdelay $0x1  }
0x2f4: {  	[sflag:s0] =	ssyncset.done @p2 $0x0  }
0x2f5: {  	[sflag:s0] =	ssyncadd.s32 @p2 $0xFFFFFB10  }
0x2f6: {  	_ =	sfence.sel $0x180000  }
0x2f7: {  	[bflag:$0x0] =	sbarrier.arrive $0xFFFF  }
0x2f8: {  	_ =	strace $0x9000004A  }
0x2f9: {  	[bflag:$0x2] =	sbarrier.arrive $0xFFFF  }
0x2fa: {  	s0 =	rddreg [dreg:$0x5]  }
0x2fb: {  	s0 =	sadd.s32 @!p0 $0x100000, s0  }
0x2fc: {  	[sflag:s0] =	ssyncadd.tile.s32 @!p0 $0x1;
	_ =	shalt  }
.Lfunc_end2:
_tile_overlayer_lowered:
.L_overlay_start_2:
0x2fd: {  	(tag) =	ssettag $0x2  }
0x2fe: {  	s0 =	rddreg [dreg:$0x0];
	s2 =	stileid.u32  }
0x2ff: {  	s1 =	rddreg [dreg:$0x1];
	p0 =	sne.s32 s2, $0x0  }
0x300: {  	s3 =	rddreg [dreg:$0x2];
	[bflag:$0x3] =	sbarrier.arrive $0xFFFF;
	s2 =	simm.s32 @!p0 $0x1C06  }
0x301: {  	[timem:s3], [sflag:s2] =	dma.local @!p0 [hbm:s0], s1  }
0x302: {  	s0 =	simm.s32 @!p0 $0x6  }
0x303: {  	_ =	swait.ge @!p0 [sflag:s0], s1  }
0x304: {  	s1 =	ssub.s32 @!p0 $0x0, s1;
	[sflag:s0] =	ssyncset.done @!p0 $0x0  }
0x305: {  	[sflag:s0] =	ssyncadd.s32 @!p0 s1  }
0x306: {  	[bflag:$0x3] =	sbarrier.arrive $0xFFFF  }
0x307: {  	_ =	shalt  }

// kernel: kernel.7.cloned.1.call-start
scs
__scs_entry_jumppad:
0x0: {  	(pc) =	sbr.rel $0x88, $3  }
0x1: {  	(tag) =	ssettag $0x0;
	lr =	simm.s32 $0x1  }
0x2: {  	[smem:$0x3F94] =	sst lr;
	_ =	strace $0xD0000000  }
0x3: {  	_ = 	snop  }
0x4: {  	_ = 	snop  }
0x5: {  	_ = 	snop  }
0x6: {  	_ = 	snop  }
0x7: {  	_ = 	snop  }
__scs_overlays_trampoline_lowered:
0x8: {  	[smem:$0x3FA3] =	sst s0  }
0x9: {  	[smem:$0x3FA4] =	sst s1  }
0xa: {  	[smem:$0x3FA5] =	sst s2  }
0xb: {  	[smem:$0x3FA6] =	sst s3  }
0xc: {  	[smem:$0x3FA7] =	sst s4  }
0xd: {  	[smem:$0x3FA8] =	sst s5  }
0xe: {  	[smem:$0x3FA9] =	sst s6  }
0xf: {  	[smem:$0x3FAA] =	sst s7  }
0x10: {  	[smem:$0x3FAB] =	sst s8  }
0x11: {  	[smem:$0x3FAC] =	sst s9;
	s0 =	simm.s32 @!p0 $0x0  }
0x12: {  	s1 =	sld [smem:$0x3F92];
	s0 =	simm.s32 @p0 $0x1  }
0x13: {  	[smem:$0x3FAD] =	sst s0;
	s0 =	simm.s32 @!p1 $0x0  }
0x14: {  	s2 =	sld [smem:$0x3F91];
	s0 =	simm.s32 @p1 $0x1  }
0x15: {  	[smem:$0x3FAE] =	sst s0;
	s0 =	simm.s32 @!p2 $0x0  }
0x16: {  	s3 =	sld [smem:$0x3FDB];
	s0 =	simm.s32 @p2 $0x1  }
0x17: {  	s4 =	simm.s32 $0x1BF5;
	[smem:$0x3FB0] =	sst s0  }
0x18: {  	s0 =	sld [smem:$0x3F93];
	_ =	swait.ge [sflag:s4], $0x0  }
0x19: {  	s7 =	sld [smem:$0x3F94]  }
0x1a: {  	s8 =	sadd.s32 $0xFFFFE003, lr  }
0x1b: {  	s9 =	sadd.s32 $0xFFFFFEF7, lr;
	s5 =	simm.s32 $0xFFFFFFFF;
	p2 =	slt.u32 s8, $0xFFFFF086  }
0x1c: {  	p1 =	slt.u32 s9, $0xF7A;
	s5 =	simm.s32 @!p2 $0x0  }
0x1d: {  	s5 =	simm.s32 @p1 $0x1;
	p0 =	seq.s32 s7, s2  }
0x1e: {  	s7 =	smul.u32 @!p0 $0xF7A, s2;
	p2 =	seq.s32 @!p0 s5, $0x0  }
0x1f: {  	s9 =	smul.u32 $0xF7A, s1;
	s8 =	simm.s32 @!p0 $0x1BF5;
	p2 =	por !p2, p0  }
0x20: {  	[sflag:s8] =	ssyncset.s32 @!p0 $0xFFFFF086;
	s6 =	sadd.s32 @!p0 s3, s7;
	s7 =	simm.s32 @!p0 $0x108  }
0x21: {  	s3 =	sadd.s32 s3, s9;
	s6 =	sadd.s32 @!p0 $0x88, s6;
	s7 =	simm.s32 @p2 $0x1082  }
0x22: {  	[simem:s7], [sflag:s8] =	dma.local @!p0 [hbm:s6], $0xF7A  }
0x23: {  	s9 =	sor.u32 $0xD0000000, s2;
	s6 =	simm.s32 $0x108;
	_ =	swait.ge @!p0 [sflag:s8], $0x0  }
0x24: {  	s3 =	sadd.s32 $0x88, s3;
	s6 =	simm.s32 @!p1 $0x1082;
	[sflag:s4] =	ssyncset.s32 $0xFFFFF086  }
0x25: {  	[simem:s6], [sflag:s4] =	dma.local [hbm:s3], $0xF7A  }
0x26: {  	[smem:$0x3F94] =	sst s1;
	(tag) =	ssettag s2;
	_ =	strace s9  }
0x27: {  	s1 =	sld [smem:$0x3FA4]  }
0x28: {  	s2 =	sld [smem:$0x3FA5]  }
0x29: {  	s4 =	sld [smem:$0x3FA7]  }
0x2a: {  	p0 =	seq.s32 s5, $0x0;
	s5 =	sld [smem:$0x3FA8]  }
0x2b: {  	s6 =	sld [smem:$0x3FA9]  }
0x2c: {  	s7 =	sld [smem:$0x3FAA]  }
0x2d: {  	s3 =	simm.s32 $0x108;
	s8 =	sld [smem:$0x3FAB]  }
0x2e: {  	s3 =	simm.s32 @!p0 $0x1082;
	s9 =	sld [smem:$0x3FAC]  }
0x2f: {  	lr =	sadd.s32 s0, s3;
	s0 =	sld [smem:$0x3FA3]  }
0x30: {  	s3 =	sld [smem:$0x3FA6]  }
0x31: {  	[smem:$0x3FAF] =	sst s10  }
0x32: {  	s10 =	sld [smem:$0x3FAD];
	_ =	sdelay $0x3  }
0x33: {  	p0 =	seq.s32 s10, $0x1;
	s10 =	sld [smem:$0x3FAF];
	_ =	sdelay $0x3  }
0x34: {  	[smem:$0x3FAF] =	sst s10  }
0x35: {  	s10 =	sld [smem:$0x3FAE];
	_ =	sdelay $0x3  }
0x36: {  	p1 =	seq.s32 s10, $0x1;
	s10 =	sld [smem:$0x3FAF];
	_ =	sdelay $0x3  }
0x37: {  	[smem:$0x3FAF] =	sst s10  }
0x38: {  	s10 =	sld [smem:$0x3FB0]  }
0x39: {  	_ = 	snop;
	(pc) =	sbr.ind lr, $3  }
0x3a: {  	_ = 	snop  }
0x3b: {  	_ = 	snop  }
0x3c: {  	p2 =	seq.s32 s10, $0x1;
	s10 =	sld [smem:$0x3FAF]  }
0x3d: {  	_ =	shalt  }
0x3e: {  	_ =	shalt  }
0x3f: {  	_ =	shalt  }
0x40: {  	_ =	shalt  }
0x41: {  	_ =	shalt  }
0x42: {  	_ =	shalt  }
0x43: {  	_ =	shalt  }
0x44: {  	_ =	shalt  }
0x45: {  	_ =	shalt  }
0x46: {  	_ =	shalt  }
0x47: {  	_ =	shalt  }
0x48: {  	_ =	shalt  }
0x49: {  	_ =	shalt  }
0x4a: {  	_ =	shalt  }
0x4b: {  	_ =	shalt  }
0x4c: {  	_ =	shalt  }
0x4d: {  	_ =	shalt  }
0x4e: {  	_ =	shalt  }
0x4f: {  	_ =	shalt  }
0x50: {  	_ =	shalt  }
0x51: {  	_ =	shalt  }
0x52: {  	_ =	shalt  }
0x53: {  	_ =	shalt  }
0x54: {  	_ =	shalt  }
0x55: {  	_ =	shalt  }
0x56: {  	_ =	shalt  }
0x57: {  	_ =	shalt  }
0x58: {  	_ =	shalt  }
0x59: {  	_ =	shalt  }
0x5a: {  	_ =	shalt  }
0x5b: {  	_ =	shalt  }
0x5c: {  	_ =	shalt  }
0x5d: {  	_ =	shalt  }
0x5e: {  	_ =	shalt  }
0x5f: {  	_ =	shalt  }
0x60: {  	_ =	shalt  }
0x61: {  	_ =	shalt  }
0x62: {  	_ =	shalt  }
0x63: {  	_ =	shalt  }
0x64: {  	_ =	shalt  }
0x65: {  	_ =	shalt  }
0x66: {  	_ =	shalt  }
0x67: {  	_ =	shalt  }
0x68: {  	_ =	shalt  }
0x69: {  	_ =	shalt  }
0x6a: {  	_ =	shalt  }
0x6b: {  	_ =	shalt  }
0x6c: {  	_ =	shalt  }
0x6d: {  	_ =	shalt  }
0x6e: {  	_ =	shalt  }
0x6f: {  	_ =	shalt  }
0x70: {  	_ =	shalt  }
0x71: {  	_ =	shalt  }
0x72: {  	_ =	shalt  }
0x73: {  	_ =	shalt  }
0x74: {  	_ =	shalt  }
0x75: {  	_ =	shalt  }
0x76: {  	_ =	shalt  }
0x77: {  	_ =	shalt  }
0x78: {  	_ =	shalt  }
0x79: {  	_ =	shalt  }
0x7a: {  	_ =	shalt  }
0x7b: {  	_ =	shalt  }
0x7c: {  	_ =	shalt  }
0x7d: {  	_ =	shalt  }
0x7e: {  	_ =	shalt  }
0x7f: {  	_ =	shalt  }
0x80: {  	_ =	shalt  }
0x81: {  	_ =	shalt  }
0x82: {  	_ =	shalt  }
0x83: {  	_ =	shalt  }
0x84: {  	_ =	shalt  }
0x85: {  	_ =	shalt  }
0x86: {  	_ =	shalt  }
0x87: {  	_ =	shalt  }
.Lfunc_end0:
.L_simem_size_0:
called_computation_lowered:
.L_overlay_start_0:
0x88: {  	s2 =	sld [smem:$0x3FD9]  }
0x89: {  	s3 =	sld [smem:$0x3FFE];
	_ =	sdelay $0x1  }
0x8a: {  	s1 =	srdreg.scid  }
0x8b: {  	s0 =	sand.u32 $0x1, s1  }
0x8c: {  	s16 =	sshll.u32 s0, $0xA;
	s2 =	sadd.s32 s3, s2  }
0x8d: {  	s2 =	sadd.s32 s2, s16  }
0x8e: {  	[smem:$0x3FBB] =	sst s2  }
0x8f: {  	_ = 	snop  }
0x90: {  	(tm) =	ssettm $0x1  }
0x91: {  	s17 =	sld [smem:$0x3FFB];
	_ =	sdelay $0x3  }
0x92: {  	_ =	strace s17  }
0x93: {  	s2 =	sld [smem:$0x3FFC];
	_ =	sdelay $0x3  }
0x94: {  	_ =	strace s2  }
0x95: {  	s2 =	sld [smem:$0x3FFD];
	_ =	sdelay $0x3  }
0x96: {  	_ =	strace s2  }
0x97: {  	_ =	strace $0x8FFFFFFF  }
0x98: {  	s18 =	sld [smem:$0x3FDB];
	_ =	sdelay $0x1  }
0x99: {  	s19 =	simm.s32 $_scs_section_size  }
0x9a: {  	s4 =	simm.s32 $_size__tile_overlayer_lowered;
	s5 =	simm.s32 $_tile_overlayer_lowered  }
0x9b: {  	s22 =	simm.s32 $0x1BFF;
	s21 =	sshll.u32 s5, $0x1;
	s2 =	sadd.s32 s19, s18  }
0x9c: {  	s6 =	simm.s32 $0x0;
	s20 =	sshll.u32 s4, $0x1;
	s4 =	sadd.s32 s21, s2  }
0x9d: {  	[timem:s6], [sflag:s22] =	dma.local [hbm:s4], s20  }
0x9e: {  	_ =	swait.ge [sflag:s22], s20  }
0x9f: {  	s3 =	ssub.s32 $0x0, s20;
	[sflag:s22] =	ssyncset.done $0x0  }
0xa0: {  	[sflag:s22] =	ssyncadd.s32 s3;
	_ =	sdelay $0x1  }
0xa1: {  	s23 =	simm.s32 $0x1B8B  }
0xa2: {  	_ =	swait.ge [sflag:s23], $0x1  }
0xa3: {  	[sflag:s23] =	ssyncset.done $0x0  }
0xa4: {  	s25 =	simm.s32 $0x1B8E;
	s24 =	sld [smem:$0x3FFE];
	[sflag:s23] =	ssyncadd.s32 $0xFFFFFFFF  }
0xa5: {  	s26 =	simm.s32 $execute0_lowered;
	[smem:$0x3FD2] =	sst s25  }
0xa6: {  	s4 =	sshll.u32 s26, $0x1;
	_ =	strace $0x80000046;
	[dreg:$0x1] =	wrdreg $0xFFFFFFFF  }
0xa7: {  	s28 =	simm.s32 $_size_execute0_lowered;
	s2 =	sadd.s32 s2, s4;
	[dreg:$0x0] =	wrdreg $0x0  }
0xa8: {  	s4 =	sshll.u32 s28, $0x1;
	[dreg:$0x2] =	wrdreg s2  }
0xa9: {  	[dreg:$0x3] =	wrdreg s4  }
0xaa: {  	[dreg:$0x4] =	wrdreg $0xC0  }
0xab: {  	_ =	task [dreg:s6], $0x5FFFF  }
0xac: {  	[dreg:$0x1] =	wrdreg $0xFFFFFFFF  }
0xad: {  	[dreg:$0x0] =	wrdreg $0x60  }
0xae: {  	[dreg:$0x2] =	wrdreg s24  }
0xaf: {  	[dreg:$0x3] =	wrdreg $0x14800  }
0xb0: {  	[dreg:$0x4] =	wrdreg $0x9  }
0xb1: {  	_ =	task.clear_ibuf [dreg:s6], $0x5FFFF;
	_ =	strace $0x90000046  }
0xb2: {  	s29 =	simm.s32 $0x9;
	_ =	strace $0x80000048  }
0xb3: {  	_ =	swait.ge [sflag:s29], $0x1  }
0xb4: {  	[sflag:s29] =	ssyncadd.s32 $0xFFFFFFFF  }
0xb5: {  	_ =	strace $0x90000048  }
0xb6: {  	_ =	sfence  }
0xb7: {  	s30 =	sld [smem:$0x0];
	_ =	sdelay $0x2  }
0xb8: {  	s31 =	sshll.u32 s1, $0xD;
	s1 =	sshrl.u32 s1, $0x2  }
0xb9: {  	s3 =	sand.u32 $0x4000, s31;
	s1 =	sadd.s32 s1, s30  }
0xba: {  	s0 =	sor.u32 s3, s0;
	s1 =	sshll.u32 s1, $0x11  }
0xbb: {  	s0 =	sor.u32 s1, s0  }
0xbc: {  	s0 =	sadd.s32 $0x8F2B, s0  }
0xbd: {  	[sflag:s0] =	ssyncadd.remote.s32 $0x1  }
0xbe: {  	_ =	sfence.sel $0xFFFF  }
0xbf: {  	[dreg:$0x0] =	wrdreg $0xFFFFFFFF;
	(pc) =	sbr.abs _section_cstart, $3  }
0xc0: {  	[dreg:$0x1] =	wrdreg $0xFFFFFFFF  }
0xc1: {  	_ =	task.clear_ibuf [dreg:s6], $0x2FFFF;
	_ =	strace $0x9FFFFFFF  }
0xc2: {  	(tm) =	ssettm $0x7FFFFFFF  }
0xc3: {  	_ =	shalt  }
tec
execute0_lowered:
.L_overlay_start_1:
0x0: {  	(tag) =	ssettag $0x1  }
0x1: {  	s0 =	rddreg [dreg:$0x0]  }
0x2: {  	s1 =	rddreg [dreg:$0x1]  }
0x3: {  	s2 =	simm.s32 $0x0;
	s8 =	stileid.u32;
	s4 =	srdreg.scid  }
0x4: {  	s22 =	simm.s32 $0xC80;
	s28 =	simm.s32 $0xC00;
	s29 =	simm.s32 $0x880  }
0x5: {  	s30 =	simm.s32 $0x900;
	s31 =	simm.s32 $0x980;
	s3 =	smul.u32 $0x1900, s8  }
0x6: {  	[smem:$0x7FF] =	sst s2;
	s5 =	smul.u32 $0x13880, s8;
	s4 =	sand.u32 $0x1, s4  }
0x7: {  	s7 =	sadd.s32 $0x3F600, s0;
	p0 =	seq.s32 s8, $0x0;
	s16 =	sadd.s32 $0x4E200, s1  }
0x8: {  	_ =	strace $0x80000047;
	s6 =	ssub.s32 $0x2, s4;
	[dreg:$0x3] =	wrdreg s7  }
0x9: {  	p1 =	seq.s32 s4, $0x1;
	s7 =	smul.u32 $0xFFFB1E00, s4;
	s4 =	sor.u32 s4, s8  }
0xa: {  	s3 =	sadd.s32 s3, s0;
	s5 =	sshrl.u32 s5, $0x2;
	s23 =	sshrl.u32 s6, $0x1  }
0xb: {  	s0 =	sadd.s32 $0x35800, s0;
	p0 =	por !p0, !p1;
	p2 =	sne.s32 s4, $0x0  }
0xc: {  	s5 =	sadd.s32 s5, s1;
	[dreg:$0x4] =	wrdreg s0;
	s24 =	ssub.s32 s6, s23  }
0xd: {  	p1 =	por !p0, !p0;
	s18 =	sadd.s32 $0x1C800, s3;
	s19 =	sadd.s32 $0x3800, s3  }
0xe: {  	s20 =	sadd.s32 $0x1D480, s3;
	s21 =	sadd.s32 $0x4480, s3;
	p0 =	sne.s32 s8, $0x0  }
0xf: {  	s23 =	simm.s32 $0x1;
	s0 =	simm.s32 $0xA00;
	s3 =	simm.s32 $0x0  }
0x10: {  	s25 =	sadd.s32 $0x7D0, s5;
	s26 =	sadd.s32 $0xFA0, s5;
	s9 =	sadd.s32 $0x1770, s5  }
0x11: {  	s10 =	sadd.s32 $0x1F40, s5;
	s11 =	sadd.s32 $0x2710, s5;
	s12 =	sadd.s32 $0x2EE0, s5  }
0x12: {  	s13 =	sadd.s32 $0x36B0, s5;
	s14 =	sadd.s32 $0x3E80, s5;
	s15 =	sadd.s32 $0x4650, s5  }
0x13: {  	s17 =	smax.u32 s24, $0x1;
	s24 =	simm.s32 $0x400;
	[dreg:$0x5] =	wrdreg s25  }
0x14: {  	v1 =	vimm.f32 $0.0e+00;
	v2 =	vimm.f32 $1.000000000e+00;
	v0 =	vmov s7;
	[dreg:$0x6] =	wrdreg s26;
	s25 =	simm.s32 $0x50;
	s26 =	simm.s32 $0x800  }
.LBB2_1:
0x15: {  	s4 =	simm.s32 $0x40;
	s6 =	simm.s32 $0x0  }
.LBB2_2:
0x16: {  	p3 =	sne.s32 s4, $0x1F00;
	[tilespmem:s6+$0xC80] =	vst v1;
	s6 =	smov.u32 s4;
	s4 =	sadd.s32 $0x40, s4  }
.Ltmp0:
0x17: {  	(pc) =	sbr.rel @p3 .LBB2_2-.Ltmp0, $2  }
0x18: {  	_ =	sdelay $0x2  }
0x19: {  	s6 =	sshra.s32 s6, $0x2  }
0x1a: {  	[tilespmem:s6+$0xC80] =	vst v1  }
0x1b: {  	[spmem:s5] =	stream.linear.scatter [tilespmem:s22], [sflag:$0x1], $0x7D0, $0x38;
	[tilespmem:$0x62A8] =	vst v63  }
0x1c: {  	_ =	swait.ge [sflag:s23], $0x7D0  }
0x1d: {  	[sflag:s23] =	ssyncset.done $0x0  }
0x1e: {  	s4 =	rddreg [dreg:$0x5];
	[sflag:s23] =	ssyncadd.s32 $0xFFFFF830  }
0x1f: {  	[spmem:s4] =	stream.linear.scatter [tilespmem:s22], [sflag:$0x1], $0x7D0, $0x38;
	[tilespmem:$0x62A8] =	vst v63  }
0x20: {  	_ =	swait.ge [sflag:s23], $0x7D0  }
0x21: {  	[sflag:s23] =	ssyncset.done $0x0  }
0x22: {  	s6 =	rddreg [dreg:$0x6];
	[sflag:s23] =	ssyncadd.s32 $0xFFFFF830  }
0x23: {  	[spmem:s6] =	stream.linear.scatter [tilespmem:s22], [sflag:$0x1], $0x7D0, $0x38;
	[tilespmem:$0x62A8] =	vst v63  }
0x24: {  	_ =	swait.ge [sflag:s23], $0x7D0  }
0x25: {  	[sflag:s23] =	ssyncset.done $0x0  }
0x26: {  	[sflag:s23] =	ssyncadd.s32 $0xFFFFF830  }
0x27: {  	[spmem:s9] =	stream.linear.scatter [tilespmem:s22], [sflag:$0x1], $0x7D0, $0x38;
	[tilespmem:$0x62A8] =	vst v63  }
0x28: {  	_ =	swait.ge [sflag:s23], $0x7D0  }
0x29: {  	[sflag:s23] =	ssyncset.done $0x0  }
0x2a: {  	[sflag:s23] =	ssyncadd.s32 $0xFFFFF830  }
0x2b: {  	[spmem:s10] =	stream.linear.scatter [tilespmem:s22], [sflag:$0x1], $0x7D0, $0x38;
	[tilespmem:$0x62A8] =	vst v63  }
0x2c: {  	_ =	swait.ge [sflag:s23], $0x7D0  }
0x2d: {  	[sflag:s23] =	ssyncset.done $0x0  }
0x2e: {  	[sflag:s23] =	ssyncadd.s32 $0xFFFFF830  }
0x2f: {  	[spmem:s11] =	stream.linear.scatter [tilespmem:s22], [sflag:$0x1], $0x7D0, $0x38;
	[tilespmem:$0x62A8] =	vst v63  }
0x30: {  	_ =	swait.ge [sflag:s23], $0x7D0  }
0x31: {  	[sflag:s23] =	ssyncset.done $0x0  }
0x32: {  	[sflag:s23] =	ssyncadd.s32 $0xFFFFF830  }
0x33: {  	[spmem:s12] =	stream.linear.scatter [tilespmem:s22], [sflag:$0x1], $0x7D0, $0x38;
	[tilespmem:$0x62A8] =	vst v63  }
0x34: {  	_ =	swait.ge [sflag:s23], $0x7D0  }
0x35: {  	[sflag:s23] =	ssyncset.done $0x0  }
0x36: {  	[sflag:s23] =	ssyncadd.s32 $0xFFFFF830  }
0x37: {  	[spmem:s13] =	stream.linear.scatter [tilespmem:s22], [sflag:$0x1], $0x7D0, $0x38;
	[tilespmem:$0x62A8] =	vst v63  }
0x38: {  	_ =	swait.ge [sflag:s23], $0x7D0  }
0x39: {  	[sflag:s23] =	ssyncset.done $0x0  }
0x3a: {  	[sflag:s23] =	ssyncadd.s32 $0xFFFFF830  }
0x3b: {  	[spmem:s14] =	stream.linear.scatter [tilespmem:s22], [sflag:$0x1], $0x7D0, $0x38;
	[tilespmem:$0x62A8] =	vst v63  }
0x3c: {  	_ =	swait.ge [sflag:s23], $0x7D0  }
0x3d: {  	[sflag:s23] =	ssyncset.done $0x0  }
0x3e: {  	[sflag:s23] =	ssyncadd.s32 $0xFFFFF830  }
0x3f: {  	[spmem:s15] =	stream.linear.scatter [tilespmem:s22], [sflag:$0x1], $0x7D0, $0x38;
	[tilespmem:$0x62A8] =	vst v63  }
0x40: {  	_ =	swait.ge [sflag:s23], $0x7D0  }
0x41: {  	[sflag:s23] =	ssyncset.done $0x0  }
0x42: {  	s4 =	simm.s32 @!p0 $0xC80;
	[sflag:s23] =	ssyncadd.s32 $0xFFFFF830  }
0x43: {  	[spmem:s16] =	stream.linear.scatter @!p0 [tilespmem:s4], [sflag:$0x1], $0x8, $0x38;
	[tilespmem:$0x62A8] =	vst v63  }
0x44: {  	s4 =	simm.s32 @!p0 $0x1  }
0x45: {  	_ =	swait.ge @!p0 [sflag:s4], $0x8  }
0x46: {  	[sflag:s4] =	ssyncset.done @!p0 $0x0  }
0x47: {  	[sflag:s4] =	ssyncadd.s32 @!p0 $0xFFFFFFF8  }
0x48: {  	[tilespmem:$0xC00] =	vst v2  }
0x49: {  	[tilespmem:$0xC10] =	vst v2  }
0x4a: {  	[tilespmem:$0xC20] =	vst v2  }
0x4b: {  	[tilespmem:$0xC30] =	vst v2  }
0x4c: {  	[tilespmem:$0xC40] =	vst v2  }
0x4d: {  	s7 =	sadd.s32 $0x0, s19;
	s4 =	simm.s32 $0x0;
	[bflag:$0x0] =	sbarrier.arrive $0xFFFF  }
0x4e: {  	[tilespmem:s4], [sflag:$0x1] =	stream.linear.gather [hbm4b:s7+s4], $0x280, $0x38;
	[tilespmem:$0x62A8] =	vst v63  }
0x4f: {  	_ =	swait.ge [sflag:s23], $0x280  }
0x50: {  	[sflag:s23] =	ssyncset.done $0x0  }
0x51: {  	s8 =	sadd.s32 $0x0, s18;
	[sflag:s23] =	ssyncadd.s32 $0xFFFFFD80  }
0x52: {  	[tilespmem:s24], [sflag:$0x1] =	stream.linear.gather [hbm4b:s8+s4], $0x280, $0x38;
	[tilespmem:$0x62A8] =	vst v63  }
0x53: {  	_ =	swait.ge [sflag:s23], $0x280  }
0x54: {  	[sflag:s23] =	ssyncset.done $0x0  }
0x55: {  	[sflag:s23] =	ssyncadd.s32 $0xFFFFFD80  }
0x56: {  	v18 =	vld [tilespmem:$0x640]  }
0x57: {  	v8 =	vld [tilespmem:$0x590]  }
0x58: {  	v9 =	vld [tilespmem:$0x190]  }
0x59: {  	v4 =	vld [tilespmem:$0x630]  }
0x5a: {  	v10 =	vld [tilespmem:$0x180]  }
0x5b: {  	v11 =	vld [tilespmem:$0x540]  }
0x5c: {  	v12 =	vld [tilespmem:$0x140]  }
0x5d: {  	v15 =	vld [tilespmem:$0x530]  }
0x5e: {  	v6 =	vld [tilespmem:$0x610]  }
0x5f: {  	v19 =	vld [tilespmem:$0x520]  }
0x60: {  	v16 =	vld [tilespmem:$0x130]  }
0x61: {  	v20 =	vld [tilespmem:$0x510]  }
0x62: {  	v17 =	vld [tilespmem:$0x580]  }
0x63: {  	v22 =	vld [tilespmem:$0x500]  }
0x64: {  	v21 =	vld [tilespmem:$0x110]  }
0x65: {  	v14 =	vld [tilespmem:$0x4C0]  }
0x66: {  	v27 =	vld [tilespmem:$0x100]  }
0x67: {  	v3 =	vld [tilespmem:$0x4A0]  }
0x68: {  	v7 =	vld [tilespmem:$0x4B0]  }
0x69: {  	v24 =	vld [tilespmem:$0xC0]  }
0x6a: {  	v25 =	vld [tilespmem:$0xB0]  }
0x6b: {  	v30 =	vld [tilespmem:$0x120]  }
0x6c: {  	v13 =	vld [tilespmem:$0x480]  }
0x6d: {  	v28 =	vld [tilespmem:$0x490]  }
0x6e: {  	v26 =	vld [tilespmem:$0x240];
	v5 =	vadd.s32 v0, v4;
	v23 =	vadd.s32 v0, v7  }
0x6f: {  	v4 =	vshll.u32 v24, $0x6;
	v7 =	vld [tilespmem:$0x40];
	v25 =	vshll.u32 v25, $0x6;
	v14 =	vadd.s32 v0, v14  }
0x70: {  	s6 =	simm.s32 $0x80;
	v24 =	vld [tilespmem:$0x90];
	v29 =	vshll.u32 v27, $0x6;
	v27 =	vshll.u32 v30, $0x6;
	v4 =	vadd.s32 v4, v14  }
.LBB2_4:
0x71: {  	p3 =	sne.s32 s6, $0xC00;
	v14 =	vld [tilespmem:$0x80];
	v13 =	vadd.s32 v0, v13;
	v22 =	vadd.s32 v0, v22;
	v18 =	vadd.s32 v0, v18;
	s7 =	smov.u32 s6;
	s6 =	sadd.s32 $0x80, s6  }
0x72: {  	v21 =	vshll.u32 v21, $0x6;
	v30 =	vld [tilespmem:$0x430];
	v28 =	vadd.s32 v0, v28;
	v22 =	vadd.s32 v29, v22  }
0x73: {  	v20 =	vadd.s32 v0, v20;
	v29 =	vld [tilespmem:$0x30];
	v22 =	vmin.u32 v22, $0x4E200;
	v26 =	vshll.u32 v26, $0x6  }
0x74: {  	v23 =	vadd.s32 v25, v23;
	v19 =	vadd.s32 v0, v19;
	v20 =	vadd.s32 v21, v20;
	v31 =	vld [tilespmem:$0x410]  }
0x75: {  	v19 =	vadd.s32 v27, v19;
	v20 =	vmin.u32 v20, $0x4E200;
	v21 =	vld [tilespmem:$0x420]  }
0x76: {  	v19 =	vmin.u32 v19, $0x4E200;
	v18 =	vadd.s32 v26, v18;
	v24 =	vshll.u32 v24, $0x6;
	v25 =	vld [tilespmem:$0x0];
	[tilespmem:$0x910] =	vst v20  }
0x77: {  	v17 =	vadd.s32 v0, v17;
	v18 =	vmin.u32 v18, $0x4E200;
	v24 =	vadd.s32 v24, v28;
	v20 =	vld [tilespmem:$0x400];
	[tilespmem:$0x920] =	vst v19  }
0x78: {  	v16 =	vshll.u32 v16, $0x6;
	v15 =	vadd.s32 v0, v15;
	v19 =	vmin.u32 v24, $0x4E200;
	v24 =	vld [tilespmem:$0x1A0]  }
0x79: {  	v12 =	vshll.u32 v12, $0x6;
	v11 =	vadd.s32 v0, v11;
	[tilespmem:$0x890] =	vst v19;
	v19 =	vmin.u32 v23, $0x4E200;
	v23 =	vld [tilespmem:$0x5A0]  }
0x7a: {  	v10 =	vshll.u32 v10, $0x6;
	v11 =	vadd.s32 v12, v11;
	v26 =	vadd.s32 v0, v31;
	[tilespmem:$0x8B0] =	vst v19;
	v12 =	vld [tilespmem:$0x1B0]  }
0x7b: {  	v15 =	vadd.s32 v16, v15;
	v10 =	vadd.s32 v10, v17;
	v11 =	vmin.u32 v11, $0x4E200;
	v16 =	vld [tilespmem:$0x5B0];
	[tilespmem:$0xA40] =	vst v18  }
0x7c: {  	v15 =	vmin.u32 v15, $0x4E200;
	v10 =	vmin.u32 v10, $0x4E200;
	v17 =	vadd.s32 v0, v20;
	[tilespmem:$0x900] =	vst v22;
	v18 =	vld [tilespmem:$0x1C0]  }
0x7d: {  	v9 =	vshll.u32 v9, $0x6;
	v8 =	vadd.s32 v0, v8;
	v19 =	vshll.u32 v25, $0x6;
	v20 =	vld [tilespmem:$0x5C0]  }
0x7e: {  	v17 =	vadd.s32 v19, v17;
	v22 =	vshll.u32 v24, $0x6;
	v19 =	vld [tilespmem:$0x20];
	v23 =	vadd.s32 v0, v23  }
0x7f: {  	v8 =	vadd.s32 v9, v8;
	[tilespmem:$0x940] =	vst v11;
	v9 =	vadd.s32 v22, v23;
	v11 =	vshll.u32 v12, $0x6;
	v12 =	vld [tilespmem:$0x200]  }
0x80: {  	v8 =	vmin.u32 v8, $0x4E200;
	[tilespmem:$0x930] =	vst v15;
	v9 =	vmin.u32 v9, $0x4E200;
	v15 =	vadd.s32 v0, v16;
	v16 =	vld [tilespmem:$0x600]  }
0x81: {  	v17 =	vmin.u32 v17, $0x4E200;
	v22 =	vshll.u32 v29, $0x6;
	[tilespmem:$0x9A0] =	vst v9;
	v9 =	vadd.s32 v11, v15;
	v11 =	vld [tilespmem:$0x210]  }
0x82: {  	[tilespmem:$0x980] =	vst v10;
	v9 =	vmin.u32 v9, $0x4E200;
	v10 =	vshll.u32 v18, $0x6;
	v15 =	vadd.s32 v0, v20;
	v18 =	vld [tilespmem:$0x220]  }
0x83: {  	v20 =	vadd.s32 v0, v21;
	v19 =	vshll.u32 v19, $0x6;
	[tilespmem:$0x9B0] =	vst v9;
	v9 =	vadd.s32 v10, v15;
	v10 =	vld [tilespmem:$0x620]  }
0x84: {  	v6 =	vadd.s32 v0, v6;
	v15 =	vadd.s32 v19, v20;
	[tilespmem:$0x990] =	vst v8;
	v8 =	vmin.u32 v9, $0x4E200;
	v9 =	vld [tilespmem:$0x230]  }
0x85: {  	v15 =	vmin.u32 v15, $0x4E200;
	v19 =	vld [tilespmem:$0x440];
	[tilespmem:$0x9C0] =	vst v8;
	v8 =	vshll.u32 v12, $0x6;
	v12 =	vadd.s32 v0, v16  }
0x86: {  	[tilespmem:$0x820] =	vst v15;
	v15 =	vadd.s32 v0, v30;
	v8 =	vadd.s32 v8, v12;
	v11 =	vshll.u32 v11, $0x6  }
0x87: {  	[tilespmem:$0x800] =	vst v17;
	v12 =	vld [tilespmem:$0x10];
	v15 =	vadd.s32 v22, v15;
	v8 =	vmin.u32 v8, $0x4E200;
	v6 =	vadd.s32 v11, v6  }
0x88: {  	v11 =	vmin.u32 v15, $0x4E200;
	[tilespmem:$0xA00] =	vst v8;
	v6 =	vmin.u32 v6, $0x4E200;
	v8 =	vshll.u32 v18, $0x6  }
0x89: {  	v7 =	vshll.u32 v7, $0x6;
	v15 =	vld [tilespmem:$0xA0];
	[tilespmem:$0xA10] =	vst v6;
	v6 =	vadd.s32 v0, v10;
	v9 =	vshll.u32 v9, $0x6  }
0x8a: {  	[tilespmem:$0x830] =	vst v11;
	v10 =	vadd.s32 v0, v19;
	v6 =	vadd.s32 v8, v6;
	v5 =	vadd.s32 v9, v5  }
0x8b: {  	v7 =	vadd.s32 v7, v10;
	v6 =	vmin.u32 v6, $0x4E200;
	v5 =	vmin.u32 v5, $0x4E200  }
0x8c: {  	v9 =	vshll.u32 v14, $0x6;
	v8 =	vshll.u32 v12, $0x6;
	v7 =	vmin.u32 v7, $0x4E200;
	[tilespmem:$0xA20] =	vst v6  }
0x8d: {  	v3 =	vadd.s32 v0, v3;
	v6 =	vadd.s32 v8, v26;
	v8 =	vadd.s32 v9, v13;
	[tilespmem:$0xA30] =	vst v5  }
0x8e: {  	v4 =	vmin.u32 v4, $0x4E200;
	v5 =	vmin.u32 v6, $0x4E200;
	[tilespmem:$0x840] =	vst v7;
	v6 =	vshll.u32 v15, $0x6  }
0x8f: {  	v7 =	vmin.u32 v8, $0x4E200;
	v3 =	vadd.s32 v6, v3;
	[tilespmem:$0x8C0] =	vst v4  }
0x90: {  	[tilespmem:$0x880] =	vst v7;
	v3 =	vmin.u32 v3, $0x4E200  }
0x91: {  	[tilespmem:$0x810] =	vst v5  }
0x92: {  	[tilespmem:$0x8A0] =	vst v3  }
0x93: {  	[spmem:s1] =	stream.indirect.scatter.add.f32 [tilespmem:s28], [sflag:$0x1], $0x1, s26, s25, $0xb8;
	[tilespmem:$0x62A8] =	vst v63  }
0x94: {  	_ =	swait.ge [sflag:s23], $0x50  }
0x95: {  	[sflag:s23] =	ssyncset.done $0x0  }
0x96: {  	[sflag:s23] =	ssyncadd.s32 $0xFFFFFFB0  }
0x97: {  	[spmem:s1] =	stream.indirect.scatter.add.f32 [tilespmem:s28], [sflag:$0x1], $0x1, s29, s25, $0xb8;
	[tilespmem:$0x62A8] =	vst v63  }
0x98: {  	_ =	swait.ge [sflag:s23], $0x50  }
0x99: {  	[sflag:s23] =	ssyncset.done $0x0  }
0x9a: {  	[sflag:s23] =	ssyncadd.s32 $0xFFFFFFB0  }
0x9b: {  	[spmem:s1] =	stream.indirect.scatter.add.f32 [tilespmem:s28], [sflag:$0x1], $0x1, s30, s25, $0xb8;
	[tilespmem:$0x62A8] =	vst v63  }
0x9c: {  	_ =	swait.ge [sflag:s23], $0x50  }
0x9d: {  	[sflag:s23] =	ssyncset.done $0x0  }
0x9e: {  	[sflag:s23] =	ssyncadd.s32 $0xFFFFFFB0  }
0x9f: {  	[spmem:s1] =	stream.indirect.scatter.add.f32 [tilespmem:s28], [sflag:$0x1], $0x1, s31, s25, $0xb8;
	[tilespmem:$0x62A8] =	vst v63  }
0xa0: {  	_ =	swait.ge [sflag:s23], $0x50  }
0xa1: {  	[sflag:s23] =	ssyncset.done $0x0  }
0xa2: {  	[sflag:s23] =	ssyncadd.s32 $0xFFFFFFB0  }
0xa3: {  	[spmem:s1] =	stream.indirect.scatter.add.f32 [tilespmem:s28], [sflag:$0x1], $0x1, s0, s25, $0xb8;
	[tilespmem:$0x62A8] =	vst v63  }
0xa4: {  	_ =	swait.ge [sflag:s23], $0x50  }
0xa5: {  	[sflag:s23] =	ssyncset.done $0x0  }
0xa6: {  	s8 =	sadd.s32 s7, s19;
	[sflag:s23] =	ssyncadd.s32 $0xFFFFFFB0;
	_ =	sdelay $0x1  }
0xa7: {  	[tilespmem:s4], [sflag:$0x1] =	stream.linear.gather [hbm4b:s8+s4], $0x280, $0x38;
	[tilespmem:$0x62A8] =	vst v63  }
0xa8: {  	_ =	swait.ge [sflag:s23], $0x280  }
0xa9: {  	[sflag:s23] =	ssyncset.done $0x0  }
0xaa: {  	s7 =	sadd.s32 s7, s18;
	[sflag:s23] =	ssyncadd.s32 $0xFFFFFD80  }
0xab: {  	[tilespmem:s24], [sflag:$0x1] =	stream.linear.gather [hbm4b:s7+s4], $0x280, $0x38;
	[tilespmem:$0x62A8] =	vst v63  }
0xac: {  	_ =	swait.ge [sflag:s23], $0x280  }
0xad: {  	[sflag:s23] =	ssyncset.done $0x0  }
0xae: {  	[sflag:s23] =	ssyncadd.s32 $0xFFFFFD80  }
0xaf: {  	v18 =	vld [tilespmem:$0x640]  }
0xb0: {  	v8 =	vld [tilespmem:$0x590]  }
0xb1: {  	v9 =	vld [tilespmem:$0x190]  }
0xb2: {  	v4 =	vld [tilespmem:$0x630]  }
0xb3: {  	v10 =	vld [tilespmem:$0x180]  }
0xb4: {  	v11 =	vld [tilespmem:$0x540]  }
0xb5: {  	v12 =	vld [tilespmem:$0x140]  }
0xb6: {  	v15 =	vld [tilespmem:$0x530]  }
0xb7: {  	v6 =	vld [tilespmem:$0x610]  }
0xb8: {  	v19 =	vld [tilespmem:$0x520]  }
0xb9: {  	v16 =	vld [tilespmem:$0x130]  }
0xba: {  	v20 =	vld [tilespmem:$0x510]  }
0xbb: {  	v17 =	vld [tilespmem:$0x580]  }
0xbc: {  	v22 =	vld [tilespmem:$0x500]  }
0xbd: {  	v21 =	vld [tilespmem:$0x110]  }
0xbe: {  	v14 =	vld [tilespmem:$0x4C0]  }
0xbf: {  	v27 =	vld [tilespmem:$0x100]  }
0xc0: {  	v3 =	vld [tilespmem:$0x4A0]  }
0xc1: {  	v7 =	vld [tilespmem:$0x4B0]  }
0xc2: {  	v24 =	vld [tilespmem:$0xC0]  }
0xc3: {  	v25 =	vld [tilespmem:$0xB0]  }
0xc4: {  	v30 =	vld [tilespmem:$0x120]  }
.Ltmp1:
0xc5: {  	v5 =	vadd.s32 v0, v4;
	v13 =	vld [tilespmem:$0x480];
	(pc) =	sbr.rel @p3 .LBB2_4-.Ltmp1, $4  }
0xc6: {  	v28 =	vld [tilespmem:$0x490];
	v23 =	vadd.s32 v0, v7  }
0xc7: {  	v4 =	vshll.u32 v24, $0x6;
	v26 =	vld [tilespmem:$0x240]  }
0xc8: {  	v14 =	vadd.s32 v0, v14;
	v7 =	vld [tilespmem:$0x40];
	v25 =	vshll.u32 v25, $0x6  }
0xc9: {  	v29 =	vshll.u32 v27, $0x6;
	v4 =	vadd.s32 v4, v14;
	v24 =	vld [tilespmem:$0x90];
	v27 =	vshll.u32 v30, $0x6  }
0xca: {  	v13 =	vadd.s32 v0, v13;
	v14 =	vadd.s32 v0, v22  }
0xcb: {  	v22 =	vld [tilespmem:$0x80];
	v18 =	vadd.s32 v0, v18;
	v21 =	vshll.u32 v21, $0x6;
	v20 =	vadd.s32 v0, v20  }
0xcc: {  	v19 =	vadd.s32 v0, v19;
	v23 =	vadd.s32 v25, v23;
	v25 =	vld [tilespmem:$0x0];
	v17 =	vadd.s32 v0, v17  }
0xcd: {  	v16 =	vshll.u32 v16, $0x6;
	v15 =	vadd.s32 v0, v15;
	v14 =	vadd.s32 v29, v14;
	v29 =	vld [tilespmem:$0x430]  }
0xce: {  	v12 =	vshll.u32 v12, $0x6;
	v11 =	vadd.s32 v0, v11;
	v20 =	vadd.s32 v21, v20;
	v21 =	vld [tilespmem:$0x420]  }
0xcf: {  	v10 =	vshll.u32 v10, $0x6;
	v19 =	vadd.s32 v27, v19;
	v27 =	vld [tilespmem:$0x1A0];
	v11 =	vadd.s32 v12, v11  }
0xd0: {  	v12 =	vadd.s32 v16, v15;
	v15 =	vld [tilespmem:$0x5B0];
	v26 =	vshll.u32 v26, $0x6;
	v20 =	vmin.u32 v20, $0x4E200  }
0xd1: {  	v28 =	vadd.s32 v0, v28;
	v19 =	vmin.u32 v19, $0x4E200;
	v18 =	vadd.s32 v26, v18;
	v26 =	vld [tilespmem:$0x400];
	[tilespmem:$0x910] =	vst v20  }
0xd2: {  	v14 =	vmin.u32 v14, $0x4E200;
	v20 =	vmin.u32 v23, $0x4E200;
	v23 =	vld [tilespmem:$0x1B0];
	[tilespmem:$0x920] =	vst v19;
	v24 =	vshll.u32 v24, $0x6  }
0xd3: {  	v9 =	vshll.u32 v9, $0x6;
	v11 =	vmin.u32 v11, $0x4E200;
	[tilespmem:$0x900] =	vst v14;
	v24 =	vadd.s32 v24, v28;
	v28 =	vld [tilespmem:$0x5A0]  }
0xd4: {  	v8 =	vadd.s32 v0, v8;
	v10 =	vadd.s32 v10, v17;
	v17 =	vld [tilespmem:$0x1C0];
	v12 =	vmin.u32 v12, $0x4E200;
	[tilespmem:$0x940] =	vst v11  }
0xd5: {  	v6 =	vadd.s32 v0, v6;
	v4 =	vmin.u32 v4, $0x4E200;
	v8 =	vadd.s32 v9, v8;
	[tilespmem:$0x930] =	vst v12;
	v12 =	vld [tilespmem:$0x600]  }
0xd6: {  	v18 =	vmin.u32 v18, $0x4E200;
	[tilespmem:$0x8B0] =	vst v20;
	v20 =	vld [tilespmem:$0x5C0];
	v19 =	vshll.u32 v25, $0x6;
	v24 =	vmin.u32 v24, $0x4E200  }
0xd7: {  	[tilespmem:$0xA40] =	vst v18;
	v18 =	vld [tilespmem:$0x20];
	v14 =	vshll.u32 v27, $0x6;
	v15 =	vadd.s32 v0, v15;
	v16 =	vadd.s32 v0, v26  }
0xd8: {  	[tilespmem:$0x890] =	vst v24;
	v11 =	vshll.u32 v23, $0x6;
	v16 =	vadd.s32 v19, v16;
	v19 =	vld [tilespmem:$0x30];
	v24 =	vadd.s32 v0, v28  }
0xd9: {  	v10 =	vmin.u32 v10, $0x4E200;
	v11 =	vadd.s32 v11, v15;
	v9 =	vadd.s32 v14, v24;
	v14 =	vld [tilespmem:$0x200]  }
0xda: {  	[tilespmem:$0x980] =	vst v10;
	v15 =	vmin.u32 v16, $0x4E200;
	v16 =	vshll.u32 v17, $0x6;
	v17 =	vld [tilespmem:$0x220];
	v9 =	vmin.u32 v9, $0x4E200  }
0xdb: {  	v8 =	vmin.u32 v8, $0x4E200;
	v10 =	vadd.s32 v0, v20;
	v11 =	vmin.u32 v11, $0x4E200;
	[tilespmem:$0x9A0] =	vst v9;
	v9 =	vld [tilespmem:$0x210]  }
0xdc: {  	v20 =	vadd.s32 v0, v21;
	v18 =	vshll.u32 v18, $0x6;
	[tilespmem:$0x9B0] =	vst v11;
	v10 =	vadd.s32 v16, v10;
	v11 =	vld [tilespmem:$0x620]  }
0xdd: {  	[tilespmem:$0x990] =	vst v8;
	v7 =	vshll.u32 v7, $0x6;
	v16 =	vadd.s32 v18, v20;
	v18 =	vld [tilespmem:$0x440];
	v8 =	vmin.u32 v10, $0x4E200  }
0xde: {  	v12 =	vadd.s32 v0, v12;
	v10 =	vld [tilespmem:$0x230];
	v16 =	vmin.u32 v16, $0x4E200;
	[tilespmem:$0x9C0] =	vst v8;
	v8 =	vshll.u32 v14, $0x6  }
0xdf: {  	[tilespmem:$0x8C0] =	vst v4;
	v20 =	vld [tilespmem:$0x410];
	v19 =	vshll.u32 v19, $0x6;
	v14 =	vadd.s32 v0, v29;
	v8 =	vadd.s32 v8, v12  }
0xe0: {  	[tilespmem:$0x800] =	vst v15;
	v12 =	vadd.s32 v19, v14;
	v14 =	vld [tilespmem:$0x10];
	v9 =	vshll.u32 v9, $0x6;
	v8 =	vmin.u32 v8, $0x4E200  }
0xe1: {  	v11 =	vadd.s32 v0, v11;
	v6 =	vadd.s32 v9, v6;
	v9 =	vmin.u32 v12, $0x4E200;
	[tilespmem:$0xA00] =	vst v8  }
0xe2: {  	v8 =	vshll.u32 v17, $0x6;
	v12 =	vld [tilespmem:$0xA0];
	v6 =	vmin.u32 v6, $0x4E200;
	[tilespmem:$0x830] =	vst v9;
	v9 =	vadd.s32 v0, v18  }
0xe3: {  	v8 =	vadd.s32 v8, v11;
	[tilespmem:$0xA10] =	vst v6;
	v6 =	vshll.u32 v10, $0x6;
	v7 =	vadd.s32 v7, v9  }
0xe4: {  	[tilespmem:$0x820] =	vst v16;
	v9 =	vshll.u32 v22, $0x6;
	v5 =	vadd.s32 v6, v5;
	v6 =	vmin.u32 v8, $0x4E200  }
0xe5: {  	v8 =	vadd.s32 v0, v20;
	v5 =	vmin.u32 v5, $0x4E200;
	[tilespmem:$0xA20] =	vst v6;
	v6 =	vshll.u32 v14, $0x6  }
0xe6: {  	v7 =	vmin.u32 v7, $0x4E200;
	[tilespmem:$0xA30] =	vst v5;
	v5 =	vadd.s32 v6, v8;
	v6 =	vadd.s32 v9, v13  }
0xe7: {  	v3 =	vadd.s32 v0, v3;
	[tilespmem:$0x840] =	vst v7;
	v7 =	vshll.u32 v12, $0x6;
	v6 =	vmin.u32 v6, $0x4E200  }
0xe8: {  	v4 =	vmin.u32 v5, $0x4E200;
	v3 =	vadd.s32 v7, v3;
	[tilespmem:$0x880] =	vst v6  }
0xe9: {  	v3 =	vmin.u32 v3, $0x4E200;
	[tilespmem:$0x810] =	vst v4  }
0xea: {  	[tilespmem:$0x8A0] =	vst v3  }
0xeb: {  	[spmem:s1] =	stream.indirect.scatter.add.f32 [tilespmem:s28], [sflag:$0x1], $0x1, s26, s25, $0xb8;
	[tilespmem:$0x62A8] =	vst v63  }
0xec: {  	_ =	swait.ge [sflag:s23], $0x50  }
0xed: {  	[sflag:s23] =	ssyncset.done $0x0  }
0xee: {  	[sflag:s23] =	ssyncadd.s32 $0xFFFFFFB0  }
0xef: {  	[spmem:s1] =	stream.indirect.scatter.add.f32 [tilespmem:s28], [sflag:$0x1], $0x1, s29, s25, $0xb8;
	[tilespmem:$0x62A8] =	vst v63  }
0xf0: {  	_ =	swait.ge [sflag:s23], $0x50  }
0xf1: {  	[sflag:s23] =	ssyncset.done $0x0  }
0xf2: {  	[sflag:s23] =	ssyncadd.s32 $0xFFFFFFB0  }
0xf3: {  	[spmem:s1] =	stream.indirect.scatter.add.f32 [tilespmem:s28], [sflag:$0x1], $0x1, s30, s25, $0xb8;
	[tilespmem:$0x62A8] =	vst v63  }
0xf4: {  	_ =	swait.ge [sflag:s23], $0x50  }
0xf5: {  	[sflag:s23] =	ssyncset.done $0x0  }
0xf6: {  	[sflag:s23] =	ssyncadd.s32 $0xFFFFFFB0  }
0xf7: {  	[spmem:s1] =	stream.indirect.scatter.add.f32 [tilespmem:s28], [sflag:$0x1], $0x1, s31, s25, $0xb8;
	[tilespmem:$0x62A8] =	vst v63  }
0xf8: {  	_ =	swait.ge [sflag:s23], $0x50  }
0xf9: {  	[sflag:s23] =	ssyncset.done $0x0  }
0xfa: {  	[sflag:s23] =	ssyncadd.s32 $0xFFFFFFB0  }
0xfb: {  	[spmem:s1] =	stream.indirect.scatter.add.f32 [tilespmem:s28], [sflag:$0x1], $0x1, s0, s25, $0xb8;
	[tilespmem:$0x62A8] =	vst v63  }
0xfc: {  	_ =	swait.ge [sflag:s23], $0x50  }
0xfd: {  	[sflag:s23] =	ssyncset.done $0x0  }
0xfe: {  	s4 =	sadd.s32 $0x0, s21;
	[sflag:s23] =	ssyncadd.s32 $0xFFFFFFB0  }
0xff: {  	[tilespmem:s2], [sflag:$0x1] =	stream.linear.gather [hbm4b:s4+s2], $0x280, $0x38;
	[tilespmem:$0x62A8] =	vst v63  }
0x100: {  	_ =	swait.ge [sflag:s23], $0x280  }
0x101: {  	[sflag:s23] =	ssyncset.done $0x0  }
0x102: {  	s8 =	sadd.s32 $0x0, s20;
	[sflag:s23] =	ssyncadd.s32 $0xFFFFFD80  }
0x103: {  	[tilespmem:s24], [sflag:$0x1] =	stream.linear.gather [hbm4b:s8+s2], $0x280, $0x38;
	[tilespmem:$0x62A8] =	vst v63  }
0x104: {  	_ =	swait.ge [sflag:s23], $0x280  }
0x105: {  	[sflag:s23] =	ssyncset.done $0x0  }
0x106: {  	[sflag:s23] =	ssyncadd.s32 $0xFFFFFD80  }
0x107: {  	v18 =	vld [tilespmem:$0x640]  }
0x108: {  	v8 =	vld [tilespmem:$0x590]  }
0x109: {  	v9 =	vld [tilespmem:$0x190]  }
0x10a: {  	v4 =	vld [tilespmem:$0x630]  }
0x10b: {  	v10 =	vld [tilespmem:$0x180]  }
0x10c: {  	v11 =	vld [tilespmem:$0x540]  }
0x10d: {  	v12 =	vld [tilespmem:$0x140]  }
0x10e: {  	v15 =	vld [tilespmem:$0x530]  }
0x10f: {  	v6 =	vld [tilespmem:$0x610]  }
0x110: {  	v19 =	vld [tilespmem:$0x520]  }
0x111: {  	v16 =	vld [tilespmem:$0x130]  }
0x112: {  	v20 =	vld [tilespmem:$0x510]  }
0x113: {  	v17 =	vld [tilespmem:$0x580]  }
0x114: {  	v22 =	vld [tilespmem:$0x500]  }
0x115: {  	v21 =	vld [tilespmem:$0x110]  }
0x116: {  	v14 =	vld [tilespmem:$0x4C0]  }
0x117: {  	v27 =	vld [tilespmem:$0x100]  }
0x118: {  	v3 =	vld [tilespmem:$0x4A0]  }
0x119: {  	v7 =	vld [tilespmem:$0x4B0]  }
0x11a: {  	v24 =	vld [tilespmem:$0xC0]  }
0x11b: {  	v25 =	vld [tilespmem:$0xB0]  }
0x11c: {  	v30 =	vld [tilespmem:$0x120]  }
0x11d: {  	v13 =	vld [tilespmem:$0x480]  }
0x11e: {  	v28 =	vld [tilespmem:$0x490]  }
0x11f: {  	v26 =	vld [tilespmem:$0x240];
	v5 =	vadd.s32 v0, v4;
	v23 =	vadd.s32 v0, v7  }
0x120: {  	v4 =	vshll.u32 v24, $0x6;
	v7 =	vld [tilespmem:$0x40];
	v25 =	vshll.u32 v25, $0x6;
	v14 =	vadd.s32 v0, v14  }
0x121: {  	s4 =	simm.s32 $0x80;
	v24 =	vld [tilespmem:$0x90];
	v29 =	vshll.u32 v27, $0x6;
	v27 =	vshll.u32 v30, $0x6;
	v4 =	vadd.s32 v4, v14  }
.LBB2_6:
0x122: {  	p3 =	sne.s32 s4, $0xC00;
	v14 =	vld [tilespmem:$0x80];
	v13 =	vadd.s32 v0, v13;
	v22 =	vadd.s32 v0, v22;
	v18 =	vadd.s32 v0, v18;
	s6 =	smov.u32 s4;
	s4 =	sadd.s32 $0x80, s4  }
0x123: {  	v21 =	vshll.u32 v21, $0x6;
	v30 =	vld [tilespmem:$0x430];
	v28 =	vadd.s32 v0, v28;
	v22 =	vadd.s32 v29, v22  }
0x124: {  	v20 =	vadd.s32 v0, v20;
	v29 =	vld [tilespmem:$0x30];
	v22 =	vmin.u32 v22, $0x4E200;
	v26 =	vshll.u32 v26, $0x6  }
0x125: {  	v23 =	vadd.s32 v25, v23;
	v19 =	vadd.s32 v0, v19;
	v20 =	vadd.s32 v21, v20;
	v31 =	vld [tilespmem:$0x410]  }
0x126: {  	v19 =	vadd.s32 v27, v19;
	v20 =	vmin.u32 v20, $0x4E200;
	v21 =	vld [tilespmem:$0x420]  }
0x127: {  	v19 =	vmin.u32 v19, $0x4E200;
	v18 =	vadd.s32 v26, v18;
	v24 =	vshll.u32 v24, $0x6;
	v25 =	vld [tilespmem:$0x0];
	[tilespmem:$0x910] =	vst v20  }
0x128: {  	v17 =	vadd.s32 v0, v17;
	v18 =	vmin.u32 v18, $0x4E200;
	v24 =	vadd.s32 v24, v28;
	v20 =	vld [tilespmem:$0x400];
	[tilespmem:$0x920] =	vst v19  }
0x129: {  	v16 =	vshll.u32 v16, $0x6;
	v15 =	vadd.s32 v0, v15;
	v19 =	vmin.u32 v24, $0x4E200;
	v24 =	vld [tilespmem:$0x1A0]  }
0x12a: {  	v12 =	vshll.u32 v12, $0x6;
	v11 =	vadd.s32 v0, v11;
	[tilespmem:$0x890] =	vst v19;
	v19 =	vmin.u32 v23, $0x4E200;
	v23 =	vld [tilespmem:$0x5A0]  }
0x12b: {  	v10 =	vshll.u32 v10, $0x6;
	v11 =	vadd.s32 v12, v11;
	v26 =	vadd.s32 v0, v31;
	[tilespmem:$0x8B0] =	vst v19;
	v12 =	vld [tilespmem:$0x1B0]  }
0x12c: {  	v15 =	vadd.s32 v16, v15;
	v10 =	vadd.s32 v10, v17;
	v11 =	vmin.u32 v11, $0x4E200;
	v16 =	vld [tilespmem:$0x5B0];
	[tilespmem:$0xA40] =	vst v18  }
0x12d: {  	v15 =	vmin.u32 v15, $0x4E200;
	v10 =	vmin.u32 v10, $0x4E200;
	v17 =	vadd.s32 v0, v20;
	[tilespmem:$0x900] =	vst v22;
	v18 =	vld [tilespmem:$0x1C0]  }
0x12e: {  	v9 =	vshll.u32 v9, $0x6;
	v8 =	vadd.s32 v0, v8;
	v19 =	vshll.u32 v25, $0x6;
	v20 =	vld [tilespmem:$0x5C0]  }
0x12f: {  	v17 =	vadd.s32 v19, v17;
	v22 =	vshll.u32 v24, $0x6;
	v19 =	vld [tilespmem:$0x20];
	v23 =	vadd.s32 v0, v23  }
0x130: {  	v8 =	vadd.s32 v9, v8;
	[tilespmem:$0x940] =	vst v11;
	v9 =	vadd.s32 v22, v23;
	v11 =	vshll.u32 v12, $0x6;
	v12 =	vld [tilespmem:$0x200]  }
0x131: {  	v8 =	vmin.u32 v8, $0x4E200;
	[tilespmem:$0x930] =	vst v15;
	v9 =	vmin.u32 v9, $0x4E200;
	v15 =	vadd.s32 v0, v16;
	v16 =	vld [tilespmem:$0x600]  }
0x132: {  	v17 =	vmin.u32 v17, $0x4E200;
	v22 =	vshll.u32 v29, $0x6;
	[tilespmem:$0x9A0] =	vst v9;
	v9 =	vadd.s32 v11, v15;
	v11 =	vld [tilespmem:$0x210]  }
0x133: {  	[tilespmem:$0x980] =	vst v10;
	v9 =	vmin.u32 v9, $0x4E200;
	v10 =	vshll.u32 v18, $0x6;
	v15 =	vadd.s32 v0, v20;
	v18 =	vld [tilespmem:$0x220]  }
0x134: {  	v20 =	vadd.s32 v0, v21;
	v19 =	vshll.u32 v19, $0x6;
	[tilespmem:$0x9B0] =	vst v9;
	v9 =	vadd.s32 v10, v15;
	v10 =	vld [tilespmem:$0x620]  }
0x135: {  	v6 =	vadd.s32 v0, v6;
	v15 =	vadd.s32 v19, v20;
	[tilespmem:$0x990] =	vst v8;
	v8 =	vmin.u32 v9, $0x4E200;
	v9 =	vld [tilespmem:$0x230]  }
0x136: {  	v15 =	vmin.u32 v15, $0x4E200;
	v19 =	vld [tilespmem:$0x440];
	[tilespmem:$0x9C0] =	vst v8;
	v8 =	vshll.u32 v12, $0x6;
	v12 =	vadd.s32 v0, v16  }
0x137: {  	[tilespmem:$0x820] =	vst v15;
	v15 =	vadd.s32 v0, v30;
	v8 =	vadd.s32 v8, v12;
	v11 =	vshll.u32 v11, $0x6  }
0x138: {  	[tilespmem:$0x800] =	vst v17;
	v12 =	vld [tilespmem:$0x10];
	v15 =	vadd.s32 v22, v15;
	v8 =	vmin.u32 v8, $0x4E200;
	v6 =	vadd.s32 v11, v6  }
0x139: {  	v11 =	vmin.u32 v15, $0x4E200;
	[tilespmem:$0xA00] =	vst v8;
	v6 =	vmin.u32 v6, $0x4E200;
	v8 =	vshll.u32 v18, $0x6  }
0x13a: {  	v7 =	vshll.u32 v7, $0x6;
	v15 =	vld [tilespmem:$0xA0];
	[tilespmem:$0xA10] =	vst v6;
	v6 =	vadd.s32 v0, v10;
	v9 =	vshll.u32 v9, $0x6  }
0x13b: {  	[tilespmem:$0x830] =	vst v11;
	v10 =	vadd.s32 v0, v19;
	v6 =	vadd.s32 v8, v6;
	v5 =	vadd.s32 v9, v5  }
0x13c: {  	v7 =	vadd.s32 v7, v10;
	v6 =	vmin.u32 v6, $0x4E200;
	v5 =	vmin.u32 v5, $0x4E200  }
0x13d: {  	v9 =	vshll.u32 v14, $0x6;
	v8 =	vshll.u32 v12, $0x6;
	v7 =	vmin.u32 v7, $0x4E200;
	[tilespmem:$0xA20] =	vst v6  }
0x13e: {  	v3 =	vadd.s32 v0, v3;
	v6 =	vadd.s32 v8, v26;
	v8 =	vadd.s32 v9, v13;
	[tilespmem:$0xA30] =	vst v5  }
0x13f: {  	v4 =	vmin.u32 v4, $0x4E200;
	v5 =	vmin.u32 v6, $0x4E200;
	[tilespmem:$0x840] =	vst v7;
	v6 =	vshll.u32 v15, $0x6  }
0x140: {  	v7 =	vmin.u32 v8, $0x4E200;
	v3 =	vadd.s32 v6, v3;
	[tilespmem:$0x8C0] =	vst v4  }
0x141: {  	[tilespmem:$0x880] =	vst v7;
	v3 =	vmin.u32 v3, $0x4E200  }
0x142: {  	[tilespmem:$0x810] =	vst v5  }
0x143: {  	[tilespmem:$0x8A0] =	vst v3  }
0x144: {  	[spmem:s1] =	stream.indirect.scatter.add.f32 [tilespmem:s28], [sflag:$0x1], $0x1, s26, s25, $0xb8;
	[tilespmem:$0x62A8] =	vst v63  }
0x145: {  	_ =	swait.ge [sflag:s23], $0x50  }
0x146: {  	[sflag:s23] =	ssyncset.done $0x0  }
0x147: {  	[sflag:s23] =	ssyncadd.s32 $0xFFFFFFB0  }
0x148: {  	[spmem:s1] =	stream.indirect.scatter.add.f32 [tilespmem:s28], [sflag:$0x1], $0x1, s29, s25, $0xb8;
	[tilespmem:$0x62A8] =	vst v63  }
0x149: {  	_ =	swait.ge [sflag:s23], $0x50  }
0x14a: {  	[sflag:s23] =	ssyncset.done $0x0  }
0x14b: {  	[sflag:s23] =	ssyncadd.s32 $0xFFFFFFB0  }
0x14c: {  	[spmem:s1] =	stream.indirect.scatter.add.f32 [tilespmem:s28], [sflag:$0x1], $0x1, s30, s25, $0xb8;
	[tilespmem:$0x62A8] =	vst v63  }
0x14d: {  	_ =	swait.ge [sflag:s23], $0x50  }
0x14e: {  	[sflag:s23] =	ssyncset.done $0x0  }
0x14f: {  	[sflag:s23] =	ssyncadd.s32 $0xFFFFFFB0  }
0x150: {  	[spmem:s1] =	stream.indirect.scatter.add.f32 [tilespmem:s28], [sflag:$0x1], $0x1, s31, s25, $0xb8;
	[tilespmem:$0x62A8] =	vst v63  }
0x151: {  	_ =	swait.ge [sflag:s23], $0x50  }
0x152: {  	[sflag:s23] =	ssyncset.done $0x0  }
0x153: {  	[sflag:s23] =	ssyncadd.s32 $0xFFFFFFB0  }
0x154: {  	[spmem:s1] =	stream.indirect.scatter.add.f32 [tilespmem:s28], [sflag:$0x1], $0x1, s0, s25, $0xb8;
	[tilespmem:$0x62A8] =	vst v63  }
0x155: {  	_ =	swait.ge [sflag:s23], $0x50  }
0x156: {  	[sflag:s23] =	ssyncset.done $0x0  }
0x157: {  	s7 =	sadd.s32 s6, s21;
	[sflag:s23] =	ssyncadd.s32 $0xFFFFFFB0;
	_ =	sdelay $0x1  }
0x158: {  	[tilespmem:s2], [sflag:$0x1] =	stream.linear.gather [hbm4b:s7+s2], $0x280, $0x38;
	[tilespmem:$0x62A8] =	vst v63  }
0x159: {  	_ =	swait.ge [sflag:s23], $0x280  }
0x15a: {  	[sflag:s23] =	ssyncset.done $0x0  }
0x15b: {  	s6 =	sadd.s32 s6, s20;
	[sflag:s23] =	ssyncadd.s32 $0xFFFFFD80  }
0x15c: {  	[tilespmem:s24], [sflag:$0x1] =	stream.linear.gather [hbm4b:s6+s2], $0x280, $0x38;
	[tilespmem:$0x62A8] =	vst v63  }
0x15d: {  	_ =	swait.ge [sflag:s23], $0x280  }
0x15e: {  	[sflag:s23] =	ssyncset.done $0x0  }
0x15f: {  	[sflag:s23] =	ssyncadd.s32 $0xFFFFFD80  }
0x160: {  	v18 =	vld [tilespmem:$0x640]  }
0x161: {  	v8 =	vld [tilespmem:$0x590]  }
0x162: {  	v9 =	vld [tilespmem:$0x190]  }
0x163: {  	v4 =	vld [tilespmem:$0x630]  }
0x164: {  	v10 =	vld [tilespmem:$0x180]  }
0x165: {  	v11 =	vld [tilespmem:$0x540]  }
0x166: {  	v12 =	vld [tilespmem:$0x140]  }
0x167: {  	v15 =	vld [tilespmem:$0x530]  }
0x168: {  	v6 =	vld [tilespmem:$0x610]  }
0x169: {  	v19 =	vld [tilespmem:$0x520]  }
0x16a: {  	v16 =	vld [tilespmem:$0x130]  }
0x16b: {  	v20 =	vld [tilespmem:$0x510]  }
0x16c: {  	v17 =	vld [tilespmem:$0x580]  }
0x16d: {  	v22 =	vld [tilespmem:$0x500]  }
0x16e: {  	v21 =	vld [tilespmem:$0x110]  }
0x16f: {  	v14 =	vld [tilespmem:$0x4C0]  }
0x170: {  	v27 =	vld [tilespmem:$0x100]  }
0x171: {  	v3 =	vld [tilespmem:$0x4A0]  }
0x172: {  	v7 =	vld [tilespmem:$0x4B0]  }
0x173: {  	v24 =	vld [tilespmem:$0xC0]  }
0x174: {  	v25 =	vld [tilespmem:$0xB0]  }
0x175: {  	v30 =	vld [tilespmem:$0x120]  }
.Ltmp2:
0x176: {  	v5 =	vadd.s32 v0, v4;
	v13 =	vld [tilespmem:$0x480];
	(pc) =	sbr.rel @p3 .LBB2_6-.Ltmp2, $4  }
0x177: {  	v28 =	vld [tilespmem:$0x490];
	v23 =	vadd.s32 v0, v7  }
0x178: {  	v4 =	vshll.u32 v24, $0x6;
	v26 =	vld [tilespmem:$0x240]  }
0x179: {  	v14 =	vadd.s32 v0, v14;
	v7 =	vld [tilespmem:$0x40];
	v25 =	vshll.u32 v25, $0x6  }
0x17a: {  	v29 =	vshll.u32 v27, $0x6;
	v4 =	vadd.s32 v4, v14;
	v24 =	vld [tilespmem:$0x90];
	v27 =	vshll.u32 v30, $0x6  }
0x17b: {  	v13 =	vadd.s32 v0, v13;
	v14 =	vadd.s32 v0, v22  }
0x17c: {  	v18 =	vadd.s32 v0, v18;
	v21 =	vshll.u32 v21, $0x6;
	v20 =	vadd.s32 v0, v20  }
0x17d: {  	v19 =	vadd.s32 v0, v19;
	v48 =	vld [tilespmem:$0x420];
	v23 =	vadd.s32 v25, v23;
	v17 =	vadd.s32 v0, v17  }
0x17e: {  	v49 =	vld [tilespmem:$0x0];
	v16 =	vshll.u32 v16, $0x6;
	v15 =	vadd.s32 v0, v15;
	v12 =	vshll.u32 v12, $0x6  }
0x17f: {  	v50 =	vld [tilespmem:$0x400];
	v11 =	vadd.s32 v0, v11;
	v10 =	vshll.u32 v10, $0x6;
	v9 =	vshll.u32 v9, $0x6  }
0x180: {  	v51 =	vld [tilespmem:$0x1A0];
	v8 =	vadd.s32 v0, v8;
	v6 =	vadd.s32 v0, v6;
	v4 =	vmin.u32 v4, $0x4E200  }
0x181: {  	v52 =	vld [tilespmem:$0x5A0];
	v3 =	vadd.s32 v0, v3;
	v28 =	vadd.s32 v0, v28;
	v14 =	vadd.s32 v29, v14  }
0x182: {  	v54 =	vld [tilespmem:$0x1B0];
	v20 =	vadd.s32 v21, v20;
	v19 =	vadd.s32 v27, v19;
	v53 =	vmin.u32 v23, $0x4E200  }
0x183: {  	v56 =	vld [tilespmem:$0x5B0];
	v11 =	vadd.s32 v12, v11;
	v55 =	vadd.s32 v16, v15;
	v10 =	vadd.s32 v10, v17;
	[tilespmem:$0x8C0] =	vst v4  }
0x184: {  	v58 =	vld [tilespmem:$0x1C0];
	v8 =	vadd.s32 v9, v8;
	v14 =	vmin.u32 v14, $0x4E200;
	v20 =	vmin.u32 v20, $0x4E200;
	[tilespmem:$0x8B0] =	vst v53  }
0x185: {  	v60 =	vld [tilespmem:$0x5C0];
	v26 =	vshll.u32 v26, $0x6;
	v19 =	vmin.u32 v19, $0x4E200;
	v11 =	vmin.u32 v11, $0x4E200;
	[tilespmem:$0x910] =	vst v20  }
0x186: {  	v61 =	vld [tilespmem:$0x20];
	v12 =	vmin.u32 v55, $0x4E200;
	v10 =	vmin.u32 v10, $0x4E200;
	v8 =	vmin.u32 v8, $0x4E200;
	[tilespmem:$0x920] =	vst v19  }
0x187: {  	v62 =	vld [tilespmem:$0x30];
	v18 =	vadd.s32 v26, v18;
	[tilespmem:$0x900] =	vst v14;
	v7 =	vshll.u32 v7, $0x6;
	v24 =	vshll.u32 v24, $0x6  }
0x188: {  	v33 =	vld [tilespmem:$0x200];
	[tilespmem:$0x940] =	vst v11;
	v18 =	vmin.u32 v18, $0x4E200;
	v24 =	vadd.s32 v24, v28;
	v57 =	vadd.s32 v0, v50  }
0x189: {  	v34 =	vld [tilespmem:$0x600];
	[tilespmem:$0x930] =	vst v12;
	v59 =	vshll.u32 v49, $0x6;
	v63 =	vshll.u32 v51, $0x6;
	v30 =	vadd.s32 v0, v52  }
0x18a: {  	v47 =	vld [tilespmem:$0x430];
	[tilespmem:$0x980] =	vst v10;
	v32 =	vshll.u32 v54, $0x6;
	v15 =	vadd.s32 v0, v56;
	v37 =	vshll.u32 v58, $0x6  }
0x18b: {  	v39 =	vld [tilespmem:$0x220];
	[tilespmem:$0xA40] =	vst v18;
	v38 =	vadd.s32 v0, v60;
	v18 =	vshll.u32 v61, $0x6;
	v40 =	vadd.s32 v0, v48  }
0x18c: {  	v44 =	vld [tilespmem:$0x230];
	[tilespmem:$0x990] =	vst v8;
	v19 =	vshll.u32 v62, $0x6;
	v24 =	vmin.u32 v24, $0x4E200;
	v31 =	vadd.s32 v63, v30  }
0x18d: {  	v45 =	vld [tilespmem:$0x440];
	v46 =	vshll.u32 v33, $0x6;
	v11 =	vadd.s32 v32, v15;
	[tilespmem:$0x890] =	vst v24;
	v9 =	vmin.u32 v31, $0x4E200  }
0x18e: {  	v22 =	vld [tilespmem:$0x80];
	v12 =	vadd.s32 v0, v34;
	v10 =	vadd.s32 v37, v38;
	v11 =	vmin.u32 v11, $0x4E200;
	[tilespmem:$0x9A0] =	vst v9  }
0x18f: {  	v53 =	vld [tilespmem:$0xA0];
	v16 =	vadd.s32 v59, v57;
	v42 =	vadd.s32 v18, v40;
	v43 =	vmin.u32 v10, $0x4E200;
	[tilespmem:$0x9B0] =	vst v11  }
0x190: {  	v36 =	vld [tilespmem:$0x210];
	v47 =	vadd.s32 v0, v47;
	v35 =	vmin.u32 v16, $0x4E200;
	v16 =	vmin.u32 v42, $0x4E200;
	[tilespmem:$0x9C0] =	vst v43  }
0x191: {  	v41 =	vld [tilespmem:$0x620];
	v52 =	vshll.u32 v39, $0x6;
	v54 =	vshll.u32 v44, $0x6;
	v8 =	vadd.s32 v46, v12;
	[tilespmem:$0x820] =	vst v16  }
0x192: {  	v48 =	vld [tilespmem:$0x410];
	v55 =	vadd.s32 v0, v45;
	v49 =	vadd.s32 v19, v47;
	v8 =	vmin.u32 v8, $0x4E200;
	[tilespmem:$0x800] =	vst v35  }
0x193: {  	v50 =	vld [tilespmem:$0x10];
	v5 =	vadd.s32 v54, v5;
	v7 =	vadd.s32 v7, v55;
	v51 =	vmin.u32 v49, $0x4E200;
	[tilespmem:$0xA00] =	vst v8  }
0x194: {  	v59 =	vshll.u32 v22, $0x6;
	v5 =	vmin.u32 v5, $0x4E200;
	v62 =	vshll.u32 v53, $0x6;
	[tilespmem:$0x830] =	vst v51  }
0x195: {  	v7 =	vmin.u32 v7, $0x4E200;
	v9 =	vshll.u32 v36, $0x6;
	[tilespmem:$0xA30] =	vst v5;
	v3 =	vadd.s32 v62, v3  }
0x196: {  	v11 =	vadd.s32 v0, v41;
	[tilespmem:$0x840] =	vst v7;
	v6 =	vadd.s32 v9, v6;
	v3 =	vmin.u32 v3, $0x4E200  }
0x197: {  	v61 =	vadd.s32 v59, v13;
	v8 =	vadd.s32 v52, v11;
	v6 =	vmin.u32 v6, $0x4E200;
	[tilespmem:$0x8A0] =	vst v3  }
0x198: {  	v56 =	vmin.u32 v8, $0x4E200;
	v57 =	vadd.s32 v0, v48;
	v58 =	vshll.u32 v50, $0x6;
	[tilespmem:$0xA10] =	vst v6  }
0x199: {  	[tilespmem:$0xA20] =	vst v56;
	v60 =	vadd.s32 v58, v57;
	v6 =	vmin.u32 v61, $0x4E200  }
0x19a: {  	v63 =	vmin.u32 v60, $0x4E200;
	[tilespmem:$0x880] =	vst v6  }
0x19b: {  	[tilespmem:$0x810] =	vst v63  }
0x19c: {  	[spmem:s1] =	stream.indirect.scatter.add.f32 [tilespmem:s28], [sflag:$0x1], $0x1, s26, s25, $0xb8;
	[tilespmem:$0x62A8] =	vst v63  }
0x19d: {  	_ =	swait.ge [sflag:s23], $0x50  }
0x19e: {  	[sflag:s23] =	ssyncset.done $0x0  }
0x19f: {  	[sflag:s23] =	ssyncadd.s32 $0xFFFFFFB0  }
0x1a0: {  	[spmem:s1] =	stream.indirect.scatter.add.f32 [tilespmem:s28], [sflag:$0x1], $0x1, s29, s25, $0xb8;
	[tilespmem:$0x62A8] =	vst v63  }
0x1a1: {  	_ =	swait.ge [sflag:s23], $0x50  }
0x1a2: {  	[sflag:s23] =	ssyncset.done $0x0  }
0x1a3: {  	[sflag:s23] =	ssyncadd.s32 $0xFFFFFFB0  }
0x1a4: {  	[spmem:s1] =	stream.indirect.scatter.add.f32 [tilespmem:s28], [sflag:$0x1], $0x1, s30, s25, $0xb8;
	[tilespmem:$0x62A8] =	vst v63  }
0x1a5: {  	_ =	swait.ge [sflag:s23], $0x50  }
0x1a6: {  	[sflag:s23] =	ssyncset.done $0x0  }
0x1a7: {  	[sflag:s23] =	ssyncadd.s32 $0xFFFFFFB0  }
0x1a8: {  	[spmem:s1] =	stream.indirect.scatter.add.f32 [tilespmem:s28], [sflag:$0x1], $0x1, s31, s25, $0xb8;
	[tilespmem:$0x62A8] =	vst v63  }
0x1a9: {  	_ =	swait.ge [sflag:s23], $0x50  }
0x1aa: {  	[sflag:s23] =	ssyncset.done $0x0  }
0x1ab: {  	[sflag:s23] =	ssyncadd.s32 $0xFFFFFFB0  }
0x1ac: {  	[spmem:s1] =	stream.indirect.scatter.add.f32 [tilespmem:s28], [sflag:$0x1], $0x1, s0, s25, $0xb8;
	[tilespmem:$0x62A8] =	vst v63  }
0x1ad: {  	_ =	swait.ge [sflag:s23], $0x50  }
0x1ae: {  	[sflag:s23] =	ssyncset.done $0x0  }
0x1af: {  	s4 =	stileid.u32;
	[sflag:s23] =	ssyncadd.s32 $0xFFFFFFB0  }
0x1b0: {  	s4 =	sshll.u32 @!p2 s4, $0x6;
	[bflag:$0x0] =	sbarrier.arrive $0xFFFF  }
0x1b1: {  	s6 =	sshrl.u32 @!p2 s1, $0x3;
	s4 =	sor.u32 @!p2 $0x1C01, s4;
	s7 =	rddreg [dreg:$0x3]  }
0x1b2: {  	[hbm:s7], [sflag:s4] =	dma.local @!p2 [spmem:s6], $0x9C50  }
0x1b3: {  	s4 =	simm.s32 @!p2 $0x1  }
0x1b4: {  	s3 =	sadd.s32 $0x1, s3;
	_ =	swait.ge @!p2 [sflag:s4], $0x9C50  }
0x1b5: {  	p3 =	sne.s32 s3, s17;
	s6 =	simm.s32 @p1 $0x1C01;
	[sflag:s4] =	ssyncset.done @!p2 $0x0  }
0x1b6: {  	s7 =	rddreg [dreg:$0x4];
	[sflag:s4] =	ssyncadd.s32 @!p2 $0xFFFF63B0;
	s4 =	sshrl.u32 @p1 s1, $0x3  }
0x1b7: {  	[hbm:s7], [sflag:s6] =	dma.local @p1 [spmem:s4], $0x9C50  }
.Ltmp3:
0x1b8: {  	_ = 	snop;
	(pc) =	sbr.rel @p3 .LBB2_1-.Ltmp3, $4  }
0x1b9: {  	s4 =	simm.s32 @p1 $0x1  }
0x1ba: {  	_ =	swait.ge @p1 [sflag:s4], $0x9C50  }
0x1bb: {  	[sflag:s4] =	ssyncset.done @p1 $0x0  }
0x1bc: {  	[sflag:s4] =	ssyncadd.s32 @p1 $0xFFFF63B0  }
0x1bd: {  	_ =	sfence.sel $0x180000  }
0x1be: {  	[bflag:$0x0] =	sbarrier.arrive $0xFFFF  }
0x1bf: {  	_ =	strace $0x90000047  }
0x1c0: {  	[bflag:$0x2] =	sbarrier.arrive $0xFFFF  }
0x1c1: {  	s0 =	rddreg [dreg:$0x2]  }
0x1c2: {  	s0 =	sadd.s32 @!p0 $0x100000, s0  }
0x1c3: {  	[sflag:s0] =	ssyncadd.tile.s32 @!p0 $0x1;
	_ =	shalt  }
.Lfunc_end2:
_tile_overlayer_lowered:
.L_overlay_start_2:
0x1c4: {  	(tag) =	ssettag $0x2  }
0x1c5: {  	s0 =	rddreg [dreg:$0x0];
	s2 =	stileid.u32  }
0x1c6: {  	s1 =	rddreg [dreg:$0x1];
	p0 =	sne.s32 s2, $0x0  }
0x1c7: {  	s3 =	rddreg [dreg:$0x2];
	[bflag:$0x3] =	sbarrier.arrive $0xFFFF;
	s2 =	simm.s32 @!p0 $0x1C01  }
0x1c8: {  	[timem:s3], [sflag:s2] =	dma.local @!p0 [hbm:s0], s1  }
0x1c9: {  	s0 =	simm.s32 @!p0 $0x1  }
0x1ca: {  	_ =	swait.ge @!p0 [sflag:s0], s1  }
0x1cb: {  	s1 =	ssub.s32 @!p0 $0x0, s1;
	[sflag:s0] =	ssyncset.done @!p0 $0x0  }
0x1cc: {  	[sflag:s0] =	ssyncadd.s32 @!p0 s1  }
0x1cd: {  	[bflag:$0x3] =	sbarrier.arrive $0xFFFF  }
0x1ce: {  	_ =	shalt  }

</sc_bundles>
